<compile_context>
chip_gen: v7x
topology: tpu7x:2x2x1
jax: 0.10.2.dev20260603
libtpu: 0.0.44.dev20260713+nightly
codegen_flags: <defaults>
</compile_context>

<pallas_src>
import jax
import jax.numpy as jnp
from jax import lax
from jax.experimental import pallas as pl
from jax.experimental.pallas import tpu as pltpu
from jax.experimental.pallas import tpu_sc as plsc

NC = 2
NS = 16
LANES = 16

B = 4
T = 2048
D = 128
NW = NC * NS
TPW = T // NW
NQ = 4
Q = TPW // NQ
DEPTH = 3


def _body(tok_hbm, x_hbm, pos_hbm, out_hbm,
          idx_v, tok_v, pos_v, pos_sem, idx_sem, g_sems, st_sem):
    wid = lax.axis_index("s") * NC + lax.axis_index("c")
    p0 = wid * TPW

    with jax.named_scope("pos_idx"):
        pos_cp = pltpu.async_copy(pos_hbm.at[pl.ds(p0, TPW)], pos_v, pos_sem)
        icps = [
            pltpu.async_copy(x_hbm.at[b, pl.ds(p0, TPW)], idx_v.at[b], idx_sem)
            for b in range(B)
        ]
        for cp in icps:
            cp.wait()

    def fire_q(q):
        return [
            pltpu.async_copy(
                tok_hbm.at[idx_v.at[b, pl.ds(q * Q, Q)]],
                tok_v.at[b, pl.ds(q * Q, Q)],
                g_sems[b * NQ + q],
            )
            for b in range(B)
        ]

    gcps = {}
    with jax.named_scope("gather_fire"):
        for q in range(DEPTH):
            gcps[q] = fire_q(q)
    with jax.named_scope("pos_wait"):
        pos_cp.wait()

    st_cps = []
    for q in range(NQ):
        with jax.named_scope("gather_wait"):
            for cp in gcps[q]:
                cp.wait()
        if q + DEPTH < NQ:
            with jax.named_scope("gather_fire_next"):
                gcps[q + DEPTH] = fire_q(q + DEPTH)

        def add_row(t, carry, q=q):
            t0 = q * Q + t
            for j in range(D // LANES):
                sl = pl.ds(j * LANES, LANES)
                p = pos_v[t0, sl]
                for b in range(B):
                    tok_v[b, t0, sl] = tok_v[b, t0, sl] + p
            return carry

        with jax.named_scope("add_loop"):
            lax.fori_loop(0, Q, add_row, 0)
        with jax.named_scope("store_fire"):
            for b in range(B):
                st_cps.append(
                    pltpu.async_copy(
                        tok_v.at[b, pl.ds(q * Q, Q)],
                        out_hbm.at[b, pl.ds(p0 + q * Q, Q)],
                        st_sem,
                    )
                )

    with jax.named_scope("store_drain"):
        for cp in st_cps:
            cp.wait()


@jax.jit
def kernel(x, tok_table, pos_table):
    mesh = plsc.VectorSubcoreMesh(
        core_axis_name="c", subcore_axis_name="s",
        num_cores=NC, num_subcores=NS,
    )
    run = pl.kernel(
        _body,
        out_type=jax.ShapeDtypeStruct((B, T, D), jnp.float32),
        mesh=mesh,
        scratch_types=[
            pltpu.VMEM((B, TPW), jnp.int32),
            pltpu.VMEM((B, TPW, D), jnp.float32),
            pltpu.VMEM((TPW, D), jnp.float32),
            pltpu.SemaphoreType.DMA,
            pltpu.SemaphoreType.DMA,
            [pltpu.SemaphoreType.DMA] * (B * NQ),
            pltpu.SemaphoreType.DMA,
        ],
    )
    return run(tok_table, x, pos_table)

# --- scband reference (transcript-rebuilt; emitter-appended) ---
"""Pipeline reference for scband-embedding-18184891531438 (READ-ONLY COPY).

The authoritative reference and input builder live on the scoring server;
editing this copy changes nothing except your own understanding.
"""

import jax, jax.numpy as jnp
import numpy as np

VOCAB = 1000000
D_MODEL = 128
CTX = 2048
B = 4
T = 2048

def setup_inputs(seed: int = 0) -> dict:
    key = jax.random.key(seed)
    k1, k2, k3 = jax.random.split(key, 3)
    x = jax.random.randint(k1, (B, T), 0, VOCAB, dtype=jnp.int64 if jax.config.jax_enable_x64 else jnp.int32).astype(jnp.int32)
    tok_table = jax.random.normal(k2, (VOCAB, D_MODEL), dtype=jnp.float32)
    pos_table = jax.random.normal(k3, (CTX, D_MODEL), dtype=jnp.float32)
    return {"x": x, "tok_table": tok_table, "pos_table": pos_table}

def reference(x, tok_table, pos_table):
    Bx, Tx = x.shape
    position = jnp.arange(Tx, dtype=jnp.int32)[None, :]  # [1, T]
    tok_emb = jnp.take(tok_table, x, axis=0)             # [B, T, D]
    pos_emb = jnp.take(pos_table, position, axis=0)      # [1, T, D]
    # dropout p=0.0 -> identity
    return tok_emb + pos_emb

if __name__ == "__main__":
    import jax
    _d = setup_inputs()
    print(jax.jit(kernel)(*tuple(_d.values())))

</pallas_src>

<mosaic_0001>
#map = affine_map<(d0, d1) -> (0, 0)>
#map1 = affine_map<(d0, d1) -> (0, 0, 0)>
module attributes {stable_mosaic.version = 14 : i64} {
  func.func @_body(%arg0: i32, %arg1: i32, %arg2: memref<1000000x128xf32, #tpu.memory_space<hbm>>, %arg3: memref<4x2048xi32, #tpu.memory_space<hbm>>, %arg4: memref<2048x128xf32, #tpu.memory_space<hbm>>, %arg5: memref<4x2048x128xf32, #tpu.memory_space<hbm>>, %arg6: memref<4x64xi32, #tpu.memory_space<vmem>>, %arg7: memref<4x64x128xf32, #tpu.memory_space<vmem>>, %arg8: memref<64x128xf32, #tpu.memory_space<vmem>>, %arg9: memref<!tpu.dma_semaphore, #tpu.memory_space<semaphore_mem>>, %arg10: memref<!tpu.dma_semaphore, #tpu.memory_space<semaphore_mem>>, %arg11: memref<!tpu.dma_semaphore, #tpu.memory_space<semaphore_mem>>, %arg12: memref<!tpu.dma_semaphore, #tpu.memory_space<semaphore_mem>>, %arg13: memref<!tpu.dma_semaphore, #tpu.memory_space<semaphore_mem>>, %arg14: memref<!tpu.dma_semaphore, #tpu.memory_space<semaphore_mem>>, %arg15: memref<!tpu.dma_semaphore, #tpu.memory_space<semaphore_mem>>, %arg16: memref<!tpu.dma_semaphore, #tpu.memory_space<semaphore_mem>>, %arg17: memref<!tpu.dma_semaphore, #tpu.memory_space<semaphore_mem>>, %arg18: memref<!tpu.dma_semaphore, #tpu.memory_space<semaphore_mem>>, %arg19: memref<!tpu.dma_semaphore, #tpu.memory_space<semaphore_mem>>, %arg20: memref<!tpu.dma_semaphore, #tpu.memory_space<semaphore_mem>>, %arg21: memref<!tpu.dma_semaphore, #tpu.memory_space<semaphore_mem>>, %arg22: memref<!tpu.dma_semaphore, #tpu.memory_space<semaphore_mem>>, %arg23: memref<!tpu.dma_semaphore, #tpu.memory_space<semaphore_mem>>, %arg24: memref<!tpu.dma_semaphore, #tpu.memory_space<semaphore_mem>>, %arg25: memref<!tpu.dma_semaphore, #tpu.memory_space<semaphore_mem>>, %arg26: memref<!tpu.dma_semaphore, #tpu.memory_space<semaphore_mem>>, %arg27: memref<!tpu.dma_semaphore, #tpu.memory_space<semaphore_mem>>) attributes {dimension_semantics = [#tpu.dimension_semantics<core_parallel>, #tpu.dimension_semantics<subcore_parallel>], iteration_bounds = array<i64: 2, 16>, scalar_prefetch = 0 : i64, scratch_operands = 22 : i64, tpu.core_type = #tpu.core_type<sc_vector_subcore>, window_params = [{transform_indices = #map}, {transform_indices = #map}, {transform_indices = #map}, {transform_indices = #map1}]} {
    %mul3A = arith.constant 2 : i32
    %mul3A_0 = arith.muli %arg1, %mul3A : i32
    %add3A = arith.addi %mul3A_0, %arg0 : i32
    %mul3A_1 = arith.constant 64 : i32
    %mul3A_2 = arith.muli %add3A, %mul3A_1 : i32
    "tpu.trace_start"() <{level = 10 : i32, message = "pos_idx"}> : () -> ()
    %dma_start3A = arith.constant 0 : i32
    %dma_start3A_3 = tpu.memref_slice %arg4[%mul3A_2, %dma_start3A] : memref<2048x128xf32, #tpu.memory_space<hbm>> -> memref<64x128xf32, #tpu.memory_space<hbm>>
    %dma_start3A_4 = arith.constant 0 : i32
    %dma_start3A_5 = tpu.memref_slice %arg4[%mul3A_2, %dma_start3A_4] : memref<2048x128xf32, #tpu.memory_space<hbm>> -> memref<64x128xf32, #tpu.memory_space<hbm>>
    tpu.enqueue_dma source(%dma_start3A_5 : memref<64x128xf32, #tpu.memory_space<hbm>>) target(%arg8 : memref<64x128xf32, #tpu.memory_space<vmem>>) target_semaphore(%arg9 : memref<!tpu.dma_semaphore, #tpu.memory_space<semaphore_mem>>)
    %dma_start3A_6 = arith.constant 0 : i32
    %dma_start3A_7 = arith.constant 0 : i32
    %dma_start3A_8 = arith.constant 0 : i32
    %dma_start3A_9 = tpu.memref_slice %arg6[%dma_start3A_7, %dma_start3A_8] : memref<4x64xi32, #tpu.memory_space<vmem>> -> memref<1x64xi32, #tpu.memory_space<vmem>>
    %dma_start3A_10 = tpu.memref_squeeze %dma_start3A_9 : memref<1x64xi32, #tpu.memory_space<vmem>> -> memref<64xi32, #tpu.memory_space<vmem>>
    %dma_start3A_11 = tpu.memref_slice %arg3[%dma_start3A_6, %mul3A_2] : memref<4x2048xi32, #tpu.memory_space<hbm>> -> memref<1x64xi32, #tpu.memory_space<hbm>>
    %dma_start3A_12 = tpu.memref_squeeze %dma_start3A_11 : memref<1x64xi32, #tpu.memory_space<hbm>> -> memref<64xi32, #tpu.memory_space<hbm>>
    %dma_start3A_13 = arith.constant 0 : i32
    %dma_start3A_14 = tpu.memref_slice %arg6[%dma_start3A_7, %dma_start3A_13] : memref<4x64xi32, #tpu.memory_space<vmem>> -> memref<1x64xi32, #tpu.memory_space<vmem>>
    %dma_start3A_15 = tpu.memref_squeeze %dma_start3A_14 : memref<1x64xi32, #tpu.memory_space<vmem>> -> memref<64xi32, #tpu.memory_space<vmem>>
    %dma_start3A_16 = tpu.memref_slice %arg3[%dma_start3A_6, %mul3A_2] : memref<4x2048xi32, #tpu.memory_space<hbm>> -> memref<1x64xi32, #tpu.memory_space<hbm>>
    %dma_start3A_17 = tpu.memref_squeeze %dma_start3A_16 : memref<1x64xi32, #tpu.memory_space<hbm>> -> memref<64xi32, #tpu.memory_space<hbm>>
    tpu.enqueue_dma source(%dma_start3A_17 : memref<64xi32, #tpu.memory_space<hbm>>) target(%dma_start3A_15 : memref<64xi32, #tpu.memory_space<vmem>>) target_semaphore(%arg10 : memref<!tpu.dma_semaphore, #tpu.memory_space<semaphore_mem>>)
    %dma_start3A_18 = arith.constant 1 : i32
    %dma_start3A_19 = arith.constant 1 : i32
    %dma_start3A_20 = arith.constant 0 : i32
    %dma_start3A_21 = tpu.memref_slice %arg6[%dma_start3A_19, %dma_start3A_20] : memref<4x64xi32, #tpu.memory_space<vmem>> -> memref<1x64xi32, #tpu.memory_space<vmem>>
    %dma_start3A_22 = tpu.memref_squeeze %dma_start3A_21 : memref<1x64xi32, #tpu.memory_space<vmem>> -> memref<64xi32, #tpu.memory_space<vmem>>
    %dma_start3A_23 = tpu.memref_slice %arg3[%dma_start3A_18, %mul3A_2] : memref<4x2048xi32, #tpu.memory_space<hbm>> -> memref<1x64xi32, #tpu.memory_space<hbm>>
    %dma_start3A_24 = tpu.memref_squeeze %dma_start3A_23 : memref<1x64xi32, #tpu.memory_space<hbm>> -> memref<64xi32, #tpu.memory_space<hbm>>
    %dma_start3A_25 = arith.constant 0 : i32
    %dma_start3A_26 = tpu.memref_slice %arg6[%dma_start3A_19, %dma_start3A_25] : memref<4x64xi32, #tpu.memory_space<vmem>> -> memref<1x64xi32, #tpu.memory_space<vmem>>
    %dma_start3A_27 = tpu.memref_squeeze %dma_start3A_26 : memref<1x64xi32, #tpu.memory_space<vmem>> -> memref<64xi32, #tpu.memory_space<vmem>>
    %dma_start3A_28 = tpu.memref_slice %arg3[%dma_start3A_18, %mul3A_2] : memref<4x2048xi32, #tpu.memory_space<hbm>> -> memref<1x64xi32, #tpu.memory_space<hbm>>
    %dma_start3A_29 = tpu.memref_squeeze %dma_start3A_28 : memref<1x64xi32, #tpu.memory_space<hbm>> -> memref<64xi32, #tpu.memory_space<hbm>>
    tpu.enqueue_dma source(%dma_start3A_29 : memref<64xi32, #tpu.memory_space<hbm>>) target(%dma_start3A_27 : memref<64xi32, #tpu.memory_space<vmem>>) target_semaphore(%arg10 : memref<!tpu.dma_semaphore, #tpu.memory_space<semaphore_mem>>)
    %dma_start3A_30 = arith.constant 2 : i32
    %dma_start3A_31 = arith.constant 2 : i32
    %dma_start3A_32 = arith.constant 0 : i32
    %dma_start3A_33 = tpu.memref_slice %arg6[%dma_start3A_31, %dma_start3A_32] : memref<4x64xi32, #tpu.memory_space<vmem>> -> memref<1x64xi32, #tpu.memory_space<vmem>>
    %dma_start3A_34 = tpu.memref_squeeze %dma_start3A_33 : memref<1x64xi32, #tpu.memory_space<vmem>> -> memref<64xi32, #tpu.memory_space<vmem>>
    %dma_start3A_35 = tpu.memref_slice %arg3[%dma_start3A_30, %mul3A_2] : memref<4x2048xi32, #tpu.memory_space<hbm>> -> memref<1x64xi32, #tpu.memory_space<hbm>>
    %dma_start3A_36 = tpu.memref_squeeze %dma_start3A_35 : memref<1x64xi32, #tpu.memory_space<hbm>> -> memref<64xi32, #tpu.memory_space<hbm>>
    %dma_start3A_37 = arith.constant 0 : i32
    %dma_start3A_38 = tpu.memref_slice %arg6[%dma_start3A_31, %dma_start3A_37] : memref<4x64xi32, #tpu.memory_space<vmem>> -> memref<1x64xi32, #tpu.memory_space<vmem>>
    %dma_start3A_39 = tpu.memref_squeeze %dma_start3A_38 : memref<1x64xi32, #tpu.memory_space<vmem>> -> memref<64xi32, #tpu.memory_space<vmem>>
    %dma_start3A_40 = tpu.memref_slice %arg3[%dma_start3A_30, %mul3A_2] : memref<4x2048xi32, #tpu.memory_space<hbm>> -> memref<1x64xi32, #tpu.memory_space<hbm>>
    %dma_start3A_41 = tpu.memref_squeeze %dma_start3A_40 : memref<1x64xi32, #tpu.memory_space<hbm>> -> memref<64xi32, #tpu.memory_space<hbm>>
    tpu.enqueue_dma source(%dma_start3A_41 : memref<64xi32, #tpu.memory_space<hbm>>) target(%dma_start3A_39 : memref<64xi32, #tpu.memory_space<vmem>>) target_semaphore(%arg10 : memref<!tpu.dma_semaphore, #tpu.memory_space<semaphore_mem>>)
    %dma_start3A_42 = arith.constant 3 : i32
    %dma_start3A_43 = arith.constant 3 : i32
    %dma_start3A_44 = arith.constant 0 : i32
    %dma_start3A_45 = tpu.memref_slice %arg6[%dma_start3A_43, %dma_start3A_44] : memref<4x64xi32, #tpu.memory_space<vmem>> -> memref<1x64xi32, #tpu.memory_space<vmem>>
    %dma_start3A_46 = tpu.memref_squeeze %dma_start3A_45 : memref<1x64xi32, #tpu.memory_space<vmem>> -> memref<64xi32, #tpu.memory_space<vmem>>
    %dma_start3A_47 = tpu.memref_slice %arg3[%dma_start3A_42, %mul3A_2] : memref<4x2048xi32, #tpu.memory_space<hbm>> -> memref<1x64xi32, #tpu.memory_space<hbm>>
    %dma_start3A_48 = tpu.memref_squeeze %dma_start3A_47 : memref<1x64xi32, #tpu.memory_space<hbm>> -> memref<64xi32, #tpu.memory_space<hbm>>
    %dma_start3A_49 = arith.constant 0 : i32
    %dma_start3A_50 = tpu.memref_slice %arg6[%dma_start3A_43, %dma_start3A_49] : memref<4x64xi32, #tpu.memory_space<vmem>> -> memref<1x64xi32, #tpu.memory_space<vmem>>
    %dma_start3A_51 = tpu.memref_squeeze %dma_start3A_50 : memref<1x64xi32, #tpu.memory_space<vmem>> -> memref<64xi32, #tpu.memory_space<vmem>>
    %dma_start3A_52 = tpu.memref_slice %arg3[%dma_start3A_42, %mul3A_2] : memref<4x2048xi32, #tpu.memory_space<hbm>> -> memref<1x64xi32, #tpu.memory_space<hbm>>
    %dma_start3A_53 = tpu.memref_squeeze %dma_start3A_52 : memref<1x64xi32, #tpu.memory_space<hbm>> -> memref<64xi32, #tpu.memory_space<hbm>>
    tpu.enqueue_dma source(%dma_start3A_53 : memref<64xi32, #tpu.memory_space<hbm>>) target(%dma_start3A_51 : memref<64xi32, #tpu.memory_space<vmem>>) target_semaphore(%arg10 : memref<!tpu.dma_semaphore, #tpu.memory_space<semaphore_mem>>)
    %dma_wait3A = arith.constant 0 : i32
    %dma_wait3A_54 = arith.constant 0 : i32
    %dma_wait3A_55 = arith.constant 0 : i32
    %dma_wait3A_56 = tpu.memref_slice %arg6[%dma_wait3A_54, %dma_wait3A_55] : memref<4x64xi32, #tpu.memory_space<vmem>> -> memref<1x64xi32, #tpu.memory_space<vmem>>
    %dma_wait3A_57 = tpu.memref_squeeze %dma_wait3A_56 : memref<1x64xi32, #tpu.memory_space<vmem>> -> memref<64xi32, #tpu.memory_space<vmem>>
    %dma_wait3A_58 = tpu.memref_slice %arg3[%dma_wait3A, %mul3A_2] : memref<4x2048xi32, #tpu.memory_space<hbm>> -> memref<1x64xi32, #tpu.memory_space<hbm>>
    %dma_wait3A_59 = tpu.memref_squeeze %dma_wait3A_58 : memref<1x64xi32, #tpu.memory_space<hbm>> -> memref<64xi32, #tpu.memory_space<hbm>>
    %dma_wait3A_60 = arith.constant 0 : i32
    %dma_wait3A_61 = tpu.memref_slice %arg6[%dma_wait3A_54, %dma_wait3A_60] : memref<4x64xi32, #tpu.memory_space<vmem>> -> memref<1x64xi32, #tpu.memory_space<vmem>>
    %dma_wait3A_62 = tpu.memref_squeeze %dma_wait3A_61 : memref<1x64xi32, #tpu.memory_space<vmem>> -> memref<64xi32, #tpu.memory_space<vmem>>
    %dma_wait3A_63 = tpu.memref_slice %arg3[%dma_wait3A, %mul3A_2] : memref<4x2048xi32, #tpu.memory_space<hbm>> -> memref<1x64xi32, #tpu.memory_space<hbm>>
    %dma_wait3A_64 = tpu.memref_squeeze %dma_wait3A_63 : memref<1x64xi32, #tpu.memory_space<hbm>> -> memref<64xi32, #tpu.memory_space<hbm>>
    tpu.wait_dma2 semaphore(%arg10 : memref<!tpu.dma_semaphore, #tpu.memory_space<semaphore_mem>>) src(%dma_wait3A_64 : memref<64xi32, #tpu.memory_space<hbm>>) dst(%dma_wait3A_62 : memref<64xi32, #tpu.memory_space<vmem>>)
    %dma_wait3A_65 = arith.constant 1 : i32
    %dma_wait3A_66 = arith.constant 1 : i32
    %dma_wait3A_67 = arith.constant 0 : i32
    %dma_wait3A_68 = tpu.memref_slice %arg6[%dma_wait3A_66, %dma_wait3A_67] : memref<4x64xi32, #tpu.memory_space<vmem>> -> memref<1x64xi32, #tpu.memory_space<vmem>>
    %dma_wait3A_69 = tpu.memref_squeeze %dma_wait3A_68 : memref<1x64xi32, #tpu.memory_space<vmem>> -> memref<64xi32, #tpu.memory_space<vmem>>
    %dma_wait3A_70 = tpu.memref_slice %arg3[%dma_wait3A_65, %mul3A_2] : memref<4x2048xi32, #tpu.memory_space<hbm>> -> memref<1x64xi32, #tpu.memory_space<hbm>>
    %dma_wait3A_71 = tpu.memref_squeeze %dma_wait3A_70 : memref<1x64xi32, #tpu.memory_space<hbm>> -> memref<64xi32, #tpu.memory_space<hbm>>
    %dma_wait3A_72 = arith.constant 0 : i32
    %dma_wait3A_73 = tpu.memref_slice %arg6[%dma_wait3A_66, %dma_wait3A_72] : memref<4x64xi32, #tpu.memory_space<vmem>> -> memref<1x64xi32, #tpu.memory_space<vmem>>
    %dma_wait3A_74 = tpu.memref_squeeze %dma_wait3A_73 : memref<1x64xi32, #tpu.memory_space<vmem>> -> memref<64xi32, #tpu.memory_space<vmem>>
    %dma_wait3A_75 = tpu.memref_slice %arg3[%dma_wait3A_65, %mul3A_2] : memref<4x2048xi32, #tpu.memory_space<hbm>> -> memref<1x64xi32, #tpu.memory_space<hbm>>
    %dma_wait3A_76 = tpu.memref_squeeze %dma_wait3A_75 : memref<1x64xi32, #tpu.memory_space<hbm>> -> memref<64xi32, #tpu.memory_space<hbm>>
    tpu.wait_dma2 semaphore(%arg10 : memref<!tpu.dma_semaphore, #tpu.memory_space<semaphore_mem>>) src(%dma_wait3A_76 : memref<64xi32, #tpu.memory_space<hbm>>) dst(%dma_wait3A_74 : memref<64xi32, #tpu.memory_space<vmem>>)
    %dma_wait3A_77 = arith.constant 2 : i32
    %dma_wait3A_78 = arith.constant 2 : i32
    %dma_wait3A_79 = arith.constant 0 : i32
    %dma_wait3A_80 = tpu.memref_slice %arg6[%dma_wait3A_78, %dma_wait3A_79] : memref<4x64xi32, #tpu.memory_space<vmem>> -> memref<1x64xi32, #tpu.memory_space<vmem>>
    %dma_wait3A_81 = tpu.memref_squeeze %dma_wait3A_80 : memref<1x64xi32, #tpu.memory_space<vmem>> -> memref<64xi32, #tpu.memory_space<vmem>>
    %dma_wait3A_82 = tpu.memref_slice %arg3[%dma_wait3A_77, %mul3A_2] : memref<4x2048xi32, #tpu.memory_space<hbm>> -> memref<1x64xi32, #tpu.memory_space<hbm>>
    %dma_wait3A_83 = tpu.memref_squeeze %dma_wait3A_82 : memref<1x64xi32, #tpu.memory_space<hbm>> -> memref<64xi32, #tpu.memory_space<hbm>>
    %dma_wait3A_84 = arith.constant 0 : i32
    %dma_wait3A_85 = tpu.memref_slice %arg6[%dma_wait3A_78, %dma_wait3A_84] : memref<4x64xi32, #tpu.memory_space<vmem>> -> memref<1x64xi32, #tpu.memory_space<vmem>>
    %dma_wait3A_86 = tpu.memref_squeeze %dma_wait3A_85 : memref<1x64xi32, #tpu.memory_space<vmem>> -> memref<64xi32, #tpu.memory_space<vmem>>
    %dma_wait3A_87 = tpu.memref_slice %arg3[%dma_wait3A_77, %mul3A_2] : memref<4x2048xi32, #tpu.memory_space<hbm>> -> memref<1x64xi32, #tpu.memory_space<hbm>>
    %dma_wait3A_88 = tpu.memref_squeeze %dma_wait3A_87 : memref<1x64xi32, #tpu.memory_space<hbm>> -> memref<64xi32, #tpu.memory_space<hbm>>
    tpu.wait_dma2 semaphore(%arg10 : memref<!tpu.dma_semaphore, #tpu.memory_space<semaphore_mem>>) src(%dma_wait3A_88 : memref<64xi32, #tpu.memory_space<hbm>>) dst(%dma_wait3A_86 : memref<64xi32, #tpu.memory_space<vmem>>)
    %dma_wait3A_89 = arith.constant 3 : i32
    %dma_wait3A_90 = arith.constant 3 : i32
    %dma_wait3A_91 = arith.constant 0 : i32
    %dma_wait3A_92 = tpu.memref_slice %arg6[%dma_wait3A_90, %dma_wait3A_91] : memref<4x64xi32, #tpu.memory_space<vmem>> -> memref<1x64xi32, #tpu.memory_space<vmem>>
    %dma_wait3A_93 = tpu.memref_squeeze %dma_wait3A_92 : memref<1x64xi32, #tpu.memory_space<vmem>> -> memref<64xi32, #tpu.memory_space<vmem>>
    %dma_wait3A_94 = tpu.memref_slice %arg3[%dma_wait3A_89, %mul3A_2] : memref<4x2048xi32, #tpu.memory_space<hbm>> -> memref<1x64xi32, #tpu.memory_space<hbm>>
    %dma_wait3A_95 = tpu.memref_squeeze %dma_wait3A_94 : memref<1x64xi32, #tpu.memory_space<hbm>> -> memref<64xi32, #tpu.memory_space<hbm>>
    %dma_wait3A_96 = arith.constant 0 : i32
    %dma_wait3A_97 = tpu.memref_slice %arg6[%dma_wait3A_90, %dma_wait3A_96] : memref<4x64xi32, #tpu.memory_space<vmem>> -> memref<1x64xi32, #tpu.memory_space<vmem>>
    %dma_wait3A_98 = tpu.memref_squeeze %dma_wait3A_97 : memref<1x64xi32, #tpu.memory_space<vmem>> -> memref<64xi32, #tpu.memory_space<vmem>>
    %dma_wait3A_99 = tpu.memref_slice %arg3[%dma_wait3A_89, %mul3A_2] : memref<4x2048xi32, #tpu.memory_space<hbm>> -> memref<1x64xi32, #tpu.memory_space<hbm>>
    %dma_wait3A_100 = tpu.memref_squeeze %dma_wait3A_99 : memref<1x64xi32, #tpu.memory_space<hbm>> -> memref<64xi32, #tpu.memory_space<hbm>>
    tpu.wait_dma2 semaphore(%arg10 : memref<!tpu.dma_semaphore, #tpu.memory_space<semaphore_mem>>) src(%dma_wait3A_100 : memref<64xi32, #tpu.memory_space<hbm>>) dst(%dma_wait3A_98 : memref<64xi32, #tpu.memory_space<vmem>>)
    %dma_start3A_101 = arith.constant 0 : i32
    %dma_start3A_102 = arith.constant 0 : i32
    "tpu.trace_stop"() : () -> ()
    "tpu.trace_start"() <{level = 10 : i32, message = "gather_fire"}> : () -> ()
    %dma_start3A_103 = arith.constant 0 : i32
    %dma_start3A_104 = arith.constant 0 : i32
    %dma_start3A_105 = tpu.memref_slice %arg7[%dma_start3A_102, %dma_start3A_103, %dma_start3A_104] : memref<4x64x128xf32, #tpu.memory_space<vmem>> -> memref<1x16x128xf32, #tpu.memory_space<vmem>>
    %dma_start3A_106 = tpu.memref_squeeze %dma_start3A_105 : memref<1x16x128xf32, #tpu.memory_space<vmem>> -> memref<16x128xf32, #tpu.memory_space<vmem>>
    %dma_start3A_107 = arith.constant 0 : i32
    %dma_start3A_108 = tpu.memref_slice %arg6[%dma_start3A_101, %dma_start3A_107] : memref<4x64xi32, #tpu.memory_space<vmem>> -> memref<1x16xi32, #tpu.memory_space<vmem>>
    %dma_start3A_109 = tpu.memref_squeeze %dma_start3A_108 : memref<1x16xi32, #tpu.memory_space<vmem>> -> memref<16xi32, #tpu.memory_space<vmem>>
    %dma_start3A_110 = arith.constant 0 : i32
    %dma_start3A_111 = arith.constant 0 : i32
    %dma_start3A_112 = tpu.memref_slice %arg2[%dma_start3A_110, %dma_start3A_111] : memref<1000000x128xf32, #tpu.memory_space<hbm>> -> memref<1000000x128xf32, #tpu.memory_space<hbm>>
    tpu.enqueue_indirect_dma source(%dma_start3A_112 : memref<1000000x128xf32, #tpu.memory_space<hbm>>) target(%dma_start3A_106 : memref<16x128xf32, #tpu.memory_space<vmem>>) offsets(%dma_start3A_109 : memref<16xi32, #tpu.memory_space<vmem>>) semaphore(%arg11 : memref<!tpu.dma_semaphore, #tpu.memory_space<semaphore_mem>>)
    %dma_start3A_113 = arith.constant 1 : i32
    %dma_start3A_114 = arith.constant 1 : i32
    %dma_start3A_115 = arith.constant 0 : i32
    %dma_start3A_116 = arith.constant 0 : i32
    %dma_start3A_117 = tpu.memref_slice %arg7[%dma_start3A_114, %dma_start3A_115, %dma_start3A_116] : memref<4x64x128xf32, #tpu.memory_space<vmem>> -> memref<1x16x128xf32, #tpu.memory_space<vmem>>
    %dma_start3A_118 = tpu.memref_squeeze %dma_start3A_117 : memref<1x16x128xf32, #tpu.memory_space<vmem>> -> memref<16x128xf32, #tpu.memory_space<vmem>>
    %dma_start3A_119 = arith.constant 0 : i32
    %dma_start3A_120 = tpu.memref_slice %arg6[%dma_start3A_113, %dma_start3A_119] : memref<4x64xi32, #tpu.memory_space<vmem>> -> memref<1x16xi32, #tpu.memory_space<vmem>>
    %dma_start3A_121 = tpu.memref_squeeze %dma_start3A_120 : memref<1x16xi32, #tpu.memory_space<vmem>> -> memref<16xi32, #tpu.memory_space<vmem>>
    %dma_start3A_122 = arith.constant 0 : i32
    %dma_start3A_123 = arith.constant 0 : i32
    %dma_start3A_124 = tpu.memref_slice %arg2[%dma_start3A_122, %dma_start3A_123] : memref<1000000x128xf32, #tpu.memory_space<hbm>> -> memref<1000000x128xf32, #tpu.memory_space<hbm>>
    tpu.enqueue_indirect_dma source(%dma_start3A_124 : memref<1000000x128xf32, #tpu.memory_space<hbm>>) target(%dma_start3A_118 : memref<16x128xf32, #tpu.memory_space<vmem>>) offsets(%dma_start3A_121 : memref<16xi32, #tpu.memory_space<vmem>>) semaphore(%arg15 : memref<!tpu.dma_semaphore, #tpu.memory_space<semaphore_mem>>)
    %dma_start3A_125 = arith.constant 2 : i32
    %dma_start3A_126 = arith.constant 2 : i32
    %dma_start3A_127 = arith.constant 0 : i32
    %dma_start3A_128 = arith.constant 0 : i32
    %dma_start3A_129 = tpu.memref_slice %arg7[%dma_start3A_126, %dma_start3A_127, %dma_start3A_128] : memref<4x64x128xf32, #tpu.memory_space<vmem>> -> memref<1x16x128xf32, #tpu.memory_space<vmem>>
    %dma_start3A_130 = tpu.memref_squeeze %dma_start3A_129 : memref<1x16x128xf32, #tpu.memory_space<vmem>> -> memref<16x128xf32, #tpu.memory_space<vmem>>
    %dma_start3A_131 = arith.constant 0 : i32
    %dma_start3A_132 = tpu.memref_slice %arg6[%dma_start3A_125, %dma_start3A_131] : memref<4x64xi32, #tpu.memory_space<vmem>> -> memref<1x16xi32, #tpu.memory_space<vmem>>
    %dma_start3A_133 = tpu.memref_squeeze %dma_start3A_132 : memref<1x16xi32, #tpu.memory_space<vmem>> -> memref<16xi32, #tpu.memory_space<vmem>>
    %dma_start3A_134 = arith.constant 0 : i32
    %dma_start3A_135 = arith.constant 0 : i32
    %dma_start3A_136 = tpu.memref_slice %arg2[%dma_start3A_134, %dma_start3A_135] : memref<1000000x128xf32, #tpu.memory_space<hbm>> -> memref<1000000x128xf32, #tpu.memory_space<hbm>>
    tpu.enqueue_indirect_dma source(%dma_start3A_136 : memref<1000000x128xf32, #tpu.memory_space<hbm>>) target(%dma_start3A_130 : memref<16x128xf32, #tpu.memory_space<vmem>>) offsets(%dma_start3A_133 : memref<16xi32, #tpu.memory_space<vmem>>) semaphore(%arg19 : memref<!tpu.dma_semaphore, #tpu.memory_space<semaphore_mem>>)
    %dma_start3A_137 = arith.constant 3 : i32
    %dma_start3A_138 = arith.constant 3 : i32
    %dma_start3A_139 = arith.constant 0 : i32
    %dma_start3A_140 = arith.constant 0 : i32
    %dma_start3A_141 = tpu.memref_slice %arg7[%dma_start3A_138, %dma_start3A_139, %dma_start3A_140] : memref<4x64x128xf32, #tpu.memory_space<vmem>> -> memref<1x16x128xf32, #tpu.memory_space<vmem>>
    %dma_start3A_142 = tpu.memref_squeeze %dma_start3A_141 : memref<1x16x128xf32, #tpu.memory_space<vmem>> -> memref<16x128xf32, #tpu.memory_space<vmem>>
    %dma_start3A_143 = arith.constant 0 : i32
    %dma_start3A_144 = tpu.memref_slice %arg6[%dma_start3A_137, %dma_start3A_143] : memref<4x64xi32, #tpu.memory_space<vmem>> -> memref<1x16xi32, #tpu.memory_space<vmem>>
    %dma_start3A_145 = tpu.memref_squeeze %dma_start3A_144 : memref<1x16xi32, #tpu.memory_space<vmem>> -> memref<16xi32, #tpu.memory_space<vmem>>
    %dma_start3A_146 = arith.constant 0 : i32
    %dma_start3A_147 = arith.constant 0 : i32
    %dma_start3A_148 = tpu.memref_slice %arg2[%dma_start3A_146, %dma_start3A_147] : memref<1000000x128xf32, #tpu.memory_space<hbm>> -> memref<1000000x128xf32, #tpu.memory_space<hbm>>
    tpu.enqueue_indirect_dma source(%dma_start3A_148 : memref<1000000x128xf32, #tpu.memory_space<hbm>>) target(%dma_start3A_142 : memref<16x128xf32, #tpu.memory_space<vmem>>) offsets(%dma_start3A_145 : memref<16xi32, #tpu.memory_space<vmem>>) semaphore(%arg23 : memref<!tpu.dma_semaphore, #tpu.memory_space<semaphore_mem>>)
    %dma_start3A_149 = arith.constant 0 : i32
    %dma_start3A_150 = arith.constant 0 : i32
    %dma_start3A_151 = arith.constant 16 : i32
    %dma_start3A_152 = arith.constant 0 : i32
    %dma_start3A_153 = tpu.memref_slice %arg7[%dma_start3A_150, %dma_start3A_151, %dma_start3A_152] : memref<4x64x128xf32, #tpu.memory_space<vmem>> -> memref<1x16x128xf32, #tpu.memory_space<vmem>>
    %dma_start3A_154 = tpu.memref_squeeze %dma_start3A_153 : memref<1x16x128xf32, #tpu.memory_space<vmem>> -> memref<16x128xf32, #tpu.memory_space<vmem>>
    %dma_start3A_155 = arith.constant 16 : i32
    %dma_start3A_156 = tpu.memref_slice %arg6[%dma_start3A_149, %dma_start3A_155] : memref<4x64xi32, #tpu.memory_space<vmem>> -> memref<1x16xi32, #tpu.memory_space<vmem>>
    %dma_start3A_157 = tpu.memref_squeeze %dma_start3A_156 : memref<1x16xi32, #tpu.memory_space<vmem>> -> memref<16xi32, #tpu.memory_space<vmem>>
    %dma_start3A_158 = arith.constant 0 : i32
    %dma_start3A_159 = arith.constant 0 : i32
    %dma_start3A_160 = tpu.memref_slice %arg2[%dma_start3A_158, %dma_start3A_159] : memref<1000000x128xf32, #tpu.memory_space<hbm>> -> memref<1000000x128xf32, #tpu.memory_space<hbm>>
    tpu.enqueue_indirect_dma source(%dma_start3A_160 : memref<1000000x128xf32, #tpu.memory_space<hbm>>) target(%dma_start3A_154 : memref<16x128xf32, #tpu.memory_space<vmem>>) offsets(%dma_start3A_157 : memref<16xi32, #tpu.memory_space<vmem>>) semaphore(%arg12 : memref<!tpu.dma_semaphore, #tpu.memory_space<semaphore_mem>>)
    %dma_start3A_161 = arith.constant 1 : i32
    %dma_start3A_162 = arith.constant 1 : i32
    %dma_start3A_163 = arith.constant 16 : i32
    %dma_start3A_164 = arith.constant 0 : i32
    %dma_start3A_165 = tpu.memref_slice %arg7[%dma_start3A_162, %dma_start3A_163, %dma_start3A_164] : memref<4x64x128xf32, #tpu.memory_space<vmem>> -> memref<1x16x128xf32, #tpu.memory_space<vmem>>
    %dma_start3A_166 = tpu.memref_squeeze %dma_start3A_165 : memref<1x16x128xf32, #tpu.memory_space<vmem>> -> memref<16x128xf32, #tpu.memory_space<vmem>>
    %dma_start3A_167 = arith.constant 16 : i32
    %dma_start3A_168 = tpu.memref_slice %arg6[%dma_start3A_161, %dma_start3A_167] : memref<4x64xi32, #tpu.memory_space<vmem>> -> memref<1x16xi32, #tpu.memory_space<vmem>>
    %dma_start3A_169 = tpu.memref_squeeze %dma_start3A_168 : memref<1x16xi32, #tpu.memory_space<vmem>> -> memref<16xi32, #tpu.memory_space<vmem>>
    %dma_start3A_170 = arith.constant 0 : i32
    %dma_start3A_171 = arith.constant 0 : i32
    %dma_start3A_172 = tpu.memref_slice %arg2[%dma_start3A_170, %dma_start3A_171] : memref<1000000x128xf32, #tpu.memory_space<hbm>> -> memref<1000000x128xf32, #tpu.memory_space<hbm>>
    tpu.enqueue_indirect_dma source(%dma_start3A_172 : memref<1000000x128xf32, #tpu.memory_space<hbm>>) target(%dma_start3A_166 : memref<16x128xf32, #tpu.memory_space<vmem>>) offsets(%dma_start3A_169 : memref<16xi32, #tpu.memory_space<vmem>>) semaphore(%arg16 : memref<!tpu.dma_semaphore, #tpu.memory_space<semaphore_mem>>)
    %dma_start3A_173 = arith.constant 2 : i32
    %dma_start3A_174 = arith.constant 2 : i32
    %dma_start3A_175 = arith.constant 16 : i32
    %dma_start3A_176 = arith.constant 0 : i32
    %dma_start3A_177 = tpu.memref_slice %arg7[%dma_start3A_174, %dma_start3A_175, %dma_start3A_176] : memref<4x64x128xf32, #tpu.memory_space<vmem>> -> memref<1x16x128xf32, #tpu.memory_space<vmem>>
    %dma_start3A_178 = tpu.memref_squeeze %dma_start3A_177 : memref<1x16x128xf32, #tpu.memory_space<vmem>> -> memref<16x128xf32, #tpu.memory_space<vmem>>
    %dma_start3A_179 = arith.constant 16 : i32
    %dma_start3A_180 = tpu.memref_slice %arg6[%dma_start3A_173, %dma_start3A_179] : memref<4x64xi32, #tpu.memory_space<vmem>> -> memref<1x16xi32, #tpu.memory_space<vmem>>
    %dma_start3A_181 = tpu.memref_squeeze %dma_start3A_180 : memref<1x16xi32, #tpu.memory_space<vmem>> -> memref<16xi32, #tpu.memory_space<vmem>>
    %dma_start3A_182 = arith.constant 0 : i32
    %dma_start3A_183 = arith.constant 0 : i32
    %dma_start3A_184 = tpu.memref_slice %arg2[%dma_start3A_182, %dma_start3A_183] : memref<1000000x128xf32, #tpu.memory_space<hbm>> -> memref<1000000x128xf32, #tpu.memory_space<hbm>>
    tpu.enqueue_indirect_dma source(%dma_start3A_184 : memref<1000000x128xf32, #tpu.memory_space<hbm>>) target(%dma_start3A_178 : memref<16x128xf32, #tpu.memory_space<vmem>>) offsets(%dma_start3A_181 : memref<16xi32, #tpu.memory_space<vmem>>) semaphore(%arg20 : memref<!tpu.dma_semaphore, #tpu.memory_space<semaphore_mem>>)
    %dma_start3A_185 = arith.constant 3 : i32
    %dma_start3A_186 = arith.constant 3 : i32
    %dma_start3A_187 = arith.constant 16 : i32
    %dma_start3A_188 = arith.constant 0 : i32
    %dma_start3A_189 = tpu.memref_slice %arg7[%dma_start3A_186, %dma_start3A_187, %dma_start3A_188] : memref<4x64x128xf32, #tpu.memory_space<vmem>> -> memref<1x16x128xf32, #tpu.memory_space<vmem>>
    %dma_start3A_190 = tpu.memref_squeeze %dma_start3A_189 : memref<1x16x128xf32, #tpu.memory_space<vmem>> -> memref<16x128xf32, #tpu.memory_space<vmem>>
    %dma_start3A_191 = arith.constant 16 : i32
    %dma_start3A_192 = tpu.memref_slice %arg6[%dma_start3A_185, %dma_start3A_191] : memref<4x64xi32, #tpu.memory_space<vmem>> -> memref<1x16xi32, #tpu.memory_space<vmem>>
    %dma_start3A_193 = tpu.memref_squeeze %dma_start3A_192 : memref<1x16xi32, #tpu.memory_space<vmem>> -> memref<16xi32, #tpu.memory_space<vmem>>
    %dma_start3A_194 = arith.constant 0 : i32
    %dma_start3A_195 = arith.constant 0 : i32
    %dma_start3A_196 = tpu.memref_slice %arg2[%dma_start3A_194, %dma_start3A_195] : memref<1000000x128xf32, #tpu.memory_space<hbm>> -> memref<1000000x128xf32, #tpu.memory_space<hbm>>
    tpu.enqueue_indirect_dma source(%dma_start3A_196 : memref<1000000x128xf32, #tpu.memory_space<hbm>>) target(%dma_start3A_190 : memref<16x128xf32, #tpu.memory_space<vmem>>) offsets(%dma_start3A_193 : memref<16xi32, #tpu.memory_space<vmem>>) semaphore(%arg24 : memref<!tpu.dma_semaphore, #tpu.memory_space<semaphore_mem>>)
    %dma_start3A_197 = arith.constant 0 : i32
    %dma_start3A_198 = arith.constant 0 : i32
    %dma_start3A_199 = arith.constant 32 : i32
    %dma_start3A_200 = arith.constant 0 : i32
    %dma_start3A_201 = tpu.memref_slice %arg7[%dma_start3A_198, %dma_start3A_199, %dma_start3A_200] : memref<4x64x128xf32, #tpu.memory_space<vmem>> -> memref<1x16x128xf32, #tpu.memory_space<vmem>>
    %dma_start3A_202 = tpu.memref_squeeze %dma_start3A_201 : memref<1x16x128xf32, #tpu.memory_space<vmem>> -> memref<16x128xf32, #tpu.memory_space<vmem>>
    %dma_start3A_203 = arith.constant 32 : i32
    %dma_start3A_204 = tpu.memref_slice %arg6[%dma_start3A_197, %dma_start3A_203] : memref<4x64xi32, #tpu.memory_space<vmem>> -> memref<1x16xi32, #tpu.memory_space<vmem>>
    %dma_start3A_205 = tpu.memref_squeeze %dma_start3A_204 : memref<1x16xi32, #tpu.memory_space<vmem>> -> memref<16xi32, #tpu.memory_space<vmem>>
    %dma_start3A_206 = arith.constant 0 : i32
    %dma_start3A_207 = arith.constant 0 : i32
    %dma_start3A_208 = tpu.memref_slice %arg2[%dma_start3A_206, %dma_start3A_207] : memref<1000000x128xf32, #tpu.memory_space<hbm>> -> memref<1000000x128xf32, #tpu.memory_space<hbm>>
    tpu.enqueue_indirect_dma source(%dma_start3A_208 : memref<1000000x128xf32, #tpu.memory_space<hbm>>) target(%dma_start3A_202 : memref<16x128xf32, #tpu.memory_space<vmem>>) offsets(%dma_start3A_205 : memref<16xi32, #tpu.memory_space<vmem>>) semaphore(%arg13 : memref<!tpu.dma_semaphore, #tpu.memory_space<semaphore_mem>>)
    %dma_start3A_209 = arith.constant 1 : i32
    %dma_start3A_210 = arith.constant 1 : i32
    %dma_start3A_211 = arith.constant 32 : i32
    %dma_start3A_212 = arith.constant 0 : i32
    %dma_start3A_213 = tpu.memref_slice %arg7[%dma_start3A_210, %dma_start3A_211, %dma_start3A_212] : memref<4x64x128xf32, #tpu.memory_space<vmem>> -> memref<1x16x128xf32, #tpu.memory_space<vmem>>
    %dma_start3A_214 = tpu.memref_squeeze %dma_start3A_213 : memref<1x16x128xf32, #tpu.memory_space<vmem>> -> memref<16x128xf32, #tpu.memory_space<vmem>>
    %dma_start3A_215 = arith.constant 32 : i32
    %dma_start3A_216 = tpu.memref_slice %arg6[%dma_start3A_209, %dma_start3A_215] : memref<4x64xi32, #tpu.memory_space<vmem>> -> memref<1x16xi32, #tpu.memory_space<vmem>>
    %dma_start3A_217 = tpu.memref_squeeze %dma_start3A_216 : memref<1x16xi32, #tpu.memory_space<vmem>> -> memref<16xi32, #tpu.memory_space<vmem>>
    %dma_start3A_218 = arith.constant 0 : i32
    %dma_start3A_219 = arith.constant 0 : i32
    %dma_start3A_220 = tpu.memref_slice %arg2[%dma_start3A_218, %dma_start3A_219] : memref<1000000x128xf32, #tpu.memory_space<hbm>> -> memref<1000000x128xf32, #tpu.memory_space<hbm>>
    tpu.enqueue_indirect_dma source(%dma_start3A_220 : memref<1000000x128xf32, #tpu.memory_space<hbm>>) target(%dma_start3A_214 : memref<16x128xf32, #tpu.memory_space<vmem>>) offsets(%dma_start3A_217 : memref<16xi32, #tpu.memory_space<vmem>>) semaphore(%arg17 : memref<!tpu.dma_semaphore, #tpu.memory_space<semaphore_mem>>)
    %dma_start3A_221 = arith.constant 2 : i32
    %dma_start3A_222 = arith.constant 2 : i32
    %dma_start3A_223 = arith.constant 32 : i32
    %dma_start3A_224 = arith.constant 0 : i32
    %dma_start3A_225 = tpu.memref_slice %arg7[%dma_start3A_222, %dma_start3A_223, %dma_start3A_224] : memref<4x64x128xf32, #tpu.memory_space<vmem>> -> memref<1x16x128xf32, #tpu.memory_space<vmem>>
    %dma_start3A_226 = tpu.memref_squeeze %dma_start3A_225 : memref<1x16x128xf32, #tpu.memory_space<vmem>> -> memref<16x128xf32, #tpu.memory_space<vmem>>
    %dma_start3A_227 = arith.constant 32 : i32
    %dma_start3A_228 = tpu.memref_slice %arg6[%dma_start3A_221, %dma_start3A_227] : memref<4x64xi32, #tpu.memory_space<vmem>> -> memref<1x16xi32, #tpu.memory_space<vmem>>
    %dma_start3A_229 = tpu.memref_squeeze %dma_start3A_228 : memref<1x16xi32, #tpu.memory_space<vmem>> -> memref<16xi32, #tpu.memory_space<vmem>>
    %dma_start3A_230 = arith.constant 0 : i32
    %dma_start3A_231 = arith.constant 0 : i32
    %dma_start3A_232 = tpu.memref_slice %arg2[%dma_start3A_230, %dma_start3A_231] : memref<1000000x128xf32, #tpu.memory_space<hbm>> -> memref<1000000x128xf32, #tpu.memory_space<hbm>>
    tpu.enqueue_indirect_dma source(%dma_start3A_232 : memref<1000000x128xf32, #tpu.memory_space<hbm>>) target(%dma_start3A_226 : memref<16x128xf32, #tpu.memory_space<vmem>>) offsets(%dma_start3A_229 : memref<16xi32, #tpu.memory_space<vmem>>) semaphore(%arg21 : memref<!tpu.dma_semaphore, #tpu.memory_space<semaphore_mem>>)
    %dma_start3A_233 = arith.constant 3 : i32
    %dma_start3A_234 = arith.constant 3 : i32
    %dma_start3A_235 = arith.constant 32 : i32
    %dma_start3A_236 = arith.constant 0 : i32
    %dma_start3A_237 = tpu.memref_slice %arg7[%dma_start3A_234, %dma_start3A_235, %dma_start3A_236] : memref<4x64x128xf32, #tpu.memory_space<vmem>> -> memref<1x16x128xf32, #tpu.memory_space<vmem>>
    %dma_start3A_238 = tpu.memref_squeeze %dma_start3A_237 : memref<1x16x128xf32, #tpu.memory_space<vmem>> -> memref<16x128xf32, #tpu.memory_space<vmem>>
    %dma_start3A_239 = arith.constant 32 : i32
    %dma_start3A_240 = tpu.memref_slice %arg6[%dma_start3A_233, %dma_start3A_239] : memref<4x64xi32, #tpu.memory_space<vmem>> -> memref<1x16xi32, #tpu.memory_space<vmem>>
    %dma_start3A_241 = tpu.memref_squeeze %dma_start3A_240 : memref<1x16xi32, #tpu.memory_space<vmem>> -> memref<16xi32, #tpu.memory_space<vmem>>
    %dma_start3A_242 = arith.constant 0 : i32
    %dma_start3A_243 = arith.constant 0 : i32
    %dma_start3A_244 = tpu.memref_slice %arg2[%dma_start3A_242, %dma_start3A_243] : memref<1000000x128xf32, #tpu.memory_space<hbm>> -> memref<1000000x128xf32, #tpu.memory_space<hbm>>
    tpu.enqueue_indirect_dma source(%dma_start3A_244 : memref<1000000x128xf32, #tpu.memory_space<hbm>>) target(%dma_start3A_238 : memref<16x128xf32, #tpu.memory_space<vmem>>) offsets(%dma_start3A_241 : memref<16xi32, #tpu.memory_space<vmem>>) semaphore(%arg25 : memref<!tpu.dma_semaphore, #tpu.memory_space<semaphore_mem>>)
    "tpu.trace_stop"() : () -> ()
    "tpu.trace_start"() <{level = 10 : i32, message = "pos_wait"}> : () -> ()
    %dma_wait3A_245 = arith.constant 0 : i32
    %dma_wait3A_246 = tpu.memref_slice %arg4[%mul3A_2, %dma_wait3A_245] : memref<2048x128xf32, #tpu.memory_space<hbm>> -> memref<64x128xf32, #tpu.memory_space<hbm>>
    %dma_wait3A_247 = arith.constant 0 : i32
    %dma_wait3A_248 = tpu.memref_slice %arg4[%mul3A_2, %dma_wait3A_247] : memref<2048x128xf32, #tpu.memory_space<hbm>> -> memref<64x128xf32, #tpu.memory_space<hbm>>
    tpu.wait_dma2 semaphore(%arg9 : memref<!tpu.dma_semaphore, #tpu.memory_space<semaphore_mem>>) src(%dma_wait3A_248 : memref<64x128xf32, #tpu.memory_space<hbm>>) dst(%arg8 : memref<64x128xf32, #tpu.memory_space<vmem>>)
    %dma_wait3A_249 = arith.constant 0 : i32
    %dma_wait3A_250 = arith.constant 0 : i32
    "tpu.trace_stop"() : () -> ()
    "tpu.trace_start"() <{level = 10 : i32, message = "gather_wait"}> : () -> ()
    %dma_wait3A_251 = arith.constant 0 : i32
    %dma_wait3A_252 = arith.constant 0 : i32
    %dma_wait3A_253 = tpu.memref_slice %arg7[%dma_wait3A_250, %dma_wait3A_251, %dma_wait3A_252] : memref<4x64x128xf32, #tpu.memory_space<vmem>> -> memref<1x16x128xf32, #tpu.memory_space<vmem>>
    %dma_wait3A_254 = tpu.memref_squeeze %dma_wait3A_253 : memref<1x16x128xf32, #tpu.memory_space<vmem>> -> memref<16x128xf32, #tpu.memory_space<vmem>>
    %dma_wait3A_255 = arith.constant 0 : i32
    %dma_wait3A_256 = tpu.memref_slice %arg6[%dma_wait3A_249, %dma_wait3A_255] : memref<4x64xi32, #tpu.memory_space<vmem>> -> memref<1x16xi32, #tpu.memory_space<vmem>>
    %dma_wait3A_257 = tpu.memref_squeeze %dma_wait3A_256 : memref<1x16xi32, #tpu.memory_space<vmem>> -> memref<16xi32, #tpu.memory_space<vmem>>
    %dma_wait3A_258 = arith.constant 0 : i32
    %dma_wait3A_259 = arith.constant 0 : i32
    %dma_wait3A_260 = tpu.memref_slice %arg2[%dma_wait3A_258, %dma_wait3A_259] : memref<1000000x128xf32, #tpu.memory_space<hbm>> -> memref<1000000x128xf32, #tpu.memory_space<hbm>>
    tpu.wait_indirect_dma semaphore(%arg11 : memref<!tpu.dma_semaphore, #tpu.memory_space<semaphore_mem>>) src(%dma_wait3A_260 : memref<1000000x128xf32, #tpu.memory_space<hbm>>) dst(%dma_wait3A_254 : memref<16x128xf32, #tpu.memory_space<vmem>>)
    %dma_wait3A_261 = arith.constant 1 : i32
    %dma_wait3A_262 = arith.constant 1 : i32
    %dma_wait3A_263 = arith.constant 0 : i32
    %dma_wait3A_264 = arith.constant 0 : i32
    %dma_wait3A_265 = tpu.memref_slice %arg7[%dma_wait3A_262, %dma_wait3A_263, %dma_wait3A_264] : memref<4x64x128xf32, #tpu.memory_space<vmem>> -> memref<1x16x128xf32, #tpu.memory_space<vmem>>
    %dma_wait3A_266 = tpu.memref_squeeze %dma_wait3A_265 : memref<1x16x128xf32, #tpu.memory_space<vmem>> -> memref<16x128xf32, #tpu.memory_space<vmem>>
    %dma_wait3A_267 = arith.constant 0 : i32
    %dma_wait3A_268 = tpu.memref_slice %arg6[%dma_wait3A_261, %dma_wait3A_267] : memref<4x64xi32, #tpu.memory_space<vmem>> -> memref<1x16xi32, #tpu.memory_space<vmem>>
    %dma_wait3A_269 = tpu.memref_squeeze %dma_wait3A_268 : memref<1x16xi32, #tpu.memory_space<vmem>> -> memref<16xi32, #tpu.memory_space<vmem>>
    %dma_wait3A_270 = arith.constant 0 : i32
    %dma_wait3A_271 = arith.constant 0 : i32
    %dma_wait3A_272 = tpu.memref_slice %arg2[%dma_wait3A_270, %dma_wait3A_271] : memref<1000000x128xf32, #tpu.memory_space<hbm>> -> memref<1000000x128xf32, #tpu.memory_space<hbm>>
    tpu.wait_indirect_dma semaphore(%arg15 : memref<!tpu.dma_semaphore, #tpu.memory_space<semaphore_mem>>) src(%dma_wait3A_272 : memref<1000000x128xf32, #tpu.memory_space<hbm>>) dst(%dma_wait3A_266 : memref<16x128xf32, #tpu.memory_space<vmem>>)
    %dma_wait3A_273 = arith.constant 2 : i32
    %dma_wait3A_274 = arith.constant 2 : i32
    %dma_wait3A_275 = arith.constant 0 : i32
    %dma_wait3A_276 = arith.constant 0 : i32
    %dma_wait3A_277 = tpu.memref_slice %arg7[%dma_wait3A_274, %dma_wait3A_275, %dma_wait3A_276] : memref<4x64x128xf32, #tpu.memory_space<vmem>> -> memref<1x16x128xf32, #tpu.memory_space<vmem>>
    %dma_wait3A_278 = tpu.memref_squeeze %dma_wait3A_277 : memref<1x16x128xf32, #tpu.memory_space<vmem>> -> memref<16x128xf32, #tpu.memory_space<vmem>>
    %dma_wait3A_279 = arith.constant 0 : i32
    %dma_wait3A_280 = tpu.memref_slice %arg6[%dma_wait3A_273, %dma_wait3A_279] : memref<4x64xi32, #tpu.memory_space<vmem>> -> memref<1x16xi32, #tpu.memory_space<vmem>>
    %dma_wait3A_281 = tpu.memref_squeeze %dma_wait3A_280 : memref<1x16xi32, #tpu.memory_space<vmem>> -> memref<16xi32, #tpu.memory_space<vmem>>
    %dma_wait3A_282 = arith.constant 0 : i32
    %dma_wait3A_283 = arith.constant 0 : i32
    %dma_wait3A_284 = tpu.memref_slice %arg2[%dma_wait3A_282, %dma_wait3A_283] : memref<1000000x128xf32, #tpu.memory_space<hbm>> -> memref<1000000x128xf32, #tpu.memory_space<hbm>>
    tpu.wait_indirect_dma semaphore(%arg19 : memref<!tpu.dma_semaphore, #tpu.memory_space<semaphore_mem>>) src(%dma_wait3A_284 : memref<1000000x128xf32, #tpu.memory_space<hbm>>) dst(%dma_wait3A_278 : memref<16x128xf32, #tpu.memory_space<vmem>>)
    %dma_wait3A_285 = arith.constant 3 : i32
    %dma_wait3A_286 = arith.constant 3 : i32
    %dma_wait3A_287 = arith.constant 0 : i32
    %dma_wait3A_288 = arith.constant 0 : i32
    %dma_wait3A_289 = tpu.memref_slice %arg7[%dma_wait3A_286, %dma_wait3A_287, %dma_wait3A_288] : memref<4x64x128xf32, #tpu.memory_space<vmem>> -> memref<1x16x128xf32, #tpu.memory_space<vmem>>
    %dma_wait3A_290 = tpu.memref_squeeze %dma_wait3A_289 : memref<1x16x128xf32, #tpu.memory_space<vmem>> -> memref<16x128xf32, #tpu.memory_space<vmem>>
    %dma_wait3A_291 = arith.constant 0 : i32
    %dma_wait3A_292 = tpu.memref_slice %arg6[%dma_wait3A_285, %dma_wait3A_291] : memref<4x64xi32, #tpu.memory_space<vmem>> -> memref<1x16xi32, #tpu.memory_space<vmem>>
    %dma_wait3A_293 = tpu.memref_squeeze %dma_wait3A_292 : memref<1x16xi32, #tpu.memory_space<vmem>> -> memref<16xi32, #tpu.memory_space<vmem>>
    %dma_wait3A_294 = arith.constant 0 : i32
    %dma_wait3A_295 = arith.constant 0 : i32
    %dma_wait3A_296 = tpu.memref_slice %arg2[%dma_wait3A_294, %dma_wait3A_295] : memref<1000000x128xf32, #tpu.memory_space<hbm>> -> memref<1000000x128xf32, #tpu.memory_space<hbm>>
    tpu.wait_indirect_dma semaphore(%arg23 : memref<!tpu.dma_semaphore, #tpu.memory_space<semaphore_mem>>) src(%dma_wait3A_296 : memref<1000000x128xf32, #tpu.memory_space<hbm>>) dst(%dma_wait3A_290 : memref<16x128xf32, #tpu.memory_space<vmem>>)
    %dma_start3A_297 = arith.constant 0 : i32
    %dma_start3A_298 = arith.constant 0 : i32
    "tpu.trace_stop"() : () -> ()
    "tpu.trace_start"() <{level = 10 : i32, message = "gather_fire_next"}> : () -> ()
    %dma_start3A_299 = arith.constant 48 : i32
    %dma_start3A_300 = arith.constant 0 : i32
    %dma_start3A_301 = tpu.memref_slice %arg7[%dma_start3A_298, %dma_start3A_299, %dma_start3A_300] : memref<4x64x128xf32, #tpu.memory_space<vmem>> -> memref<1x16x128xf32, #tpu.memory_space<vmem>>
    %dma_start3A_302 = tpu.memref_squeeze %dma_start3A_301 : memref<1x16x128xf32, #tpu.memory_space<vmem>> -> memref<16x128xf32, #tpu.memory_space<vmem>>
    %dma_start3A_303 = arith.constant 48 : i32
    %dma_start3A_304 = tpu.memref_slice %arg6[%dma_start3A_297, %dma_start3A_303] : memref<4x64xi32, #tpu.memory_space<vmem>> -> memref<1x16xi32, #tpu.memory_space<vmem>>
    %dma_start3A_305 = tpu.memref_squeeze %dma_start3A_304 : memref<1x16xi32, #tpu.memory_space<vmem>> -> memref<16xi32, #tpu.memory_space<vmem>>
    %dma_start3A_306 = arith.constant 0 : i32
    %dma_start3A_307 = arith.constant 0 : i32
    %dma_start3A_308 = tpu.memref_slice %arg2[%dma_start3A_306, %dma_start3A_307] : memref<1000000x128xf32, #tpu.memory_space<hbm>> -> memref<1000000x128xf32, #tpu.memory_space<hbm>>
    tpu.enqueue_indirect_dma source(%dma_start3A_308 : memref<1000000x128xf32, #tpu.memory_space<hbm>>) target(%dma_start3A_302 : memref<16x128xf32, #tpu.memory_space<vmem>>) offsets(%dma_start3A_305 : memref<16xi32, #tpu.memory_space<vmem>>) semaphore(%arg14 : memref<!tpu.dma_semaphore, #tpu.memory_space<semaphore_mem>>)
    %dma_start3A_309 = arith.constant 1 : i32
    %dma_start3A_310 = arith.constant 1 : i32
    %dma_start3A_311 = arith.constant 48 : i32
    %dma_start3A_312 = arith.constant 0 : i32
    %dma_start3A_313 = tpu.memref_slice %arg7[%dma_start3A_310, %dma_start3A_311, %dma_start3A_312] : memref<4x64x128xf32, #tpu.memory_space<vmem>> -> memref<1x16x128xf32, #tpu.memory_space<vmem>>
    %dma_start3A_314 = tpu.memref_squeeze %dma_start3A_313 : memref<1x16x128xf32, #tpu.memory_space<vmem>> -> memref<16x128xf32, #tpu.memory_space<vmem>>
    %dma_start3A_315 = arith.constant 48 : i32
    %dma_start3A_316 = tpu.memref_slice %arg6[%dma_start3A_309, %dma_start3A_315] : memref<4x64xi32, #tpu.memory_space<vmem>> -> memref<1x16xi32, #tpu.memory_space<vmem>>
    %dma_start3A_317 = tpu.memref_squeeze %dma_start3A_316 : memref<1x16xi32, #tpu.memory_space<vmem>> -> memref<16xi32, #tpu.memory_space<vmem>>
    %dma_start3A_318 = arith.constant 0 : i32
    %dma_start3A_319 = arith.constant 0 : i32
    %dma_start3A_320 = tpu.memref_slice %arg2[%dma_start3A_318, %dma_start3A_319] : memref<1000000x128xf32, #tpu.memory_space<hbm>> -> memref<1000000x128xf32, #tpu.memory_space<hbm>>
    tpu.enqueue_indirect_dma source(%dma_start3A_320 : memref<1000000x128xf32, #tpu.memory_space<hbm>>) target(%dma_start3A_314 : memref<16x128xf32, #tpu.memory_space<vmem>>) offsets(%dma_start3A_317 : memref<16xi32, #tpu.memory_space<vmem>>) semaphore(%arg18 : memref<!tpu.dma_semaphore, #tpu.memory_space<semaphore_mem>>)
    %dma_start3A_321 = arith.constant 2 : i32
    %dma_start3A_322 = arith.constant 2 : i32
    %dma_start3A_323 = arith.constant 48 : i32
    %dma_start3A_324 = arith.constant 0 : i32
    %dma_start3A_325 = tpu.memref_slice %arg7[%dma_start3A_322, %dma_start3A_323, %dma_start3A_324] : memref<4x64x128xf32, #tpu.memory_space<vmem>> -> memref<1x16x128xf32, #tpu.memory_space<vmem>>
    %dma_start3A_326 = tpu.memref_squeeze %dma_start3A_325 : memref<1x16x128xf32, #tpu.memory_space<vmem>> -> memref<16x128xf32, #tpu.memory_space<vmem>>
    %dma_start3A_327 = arith.constant 48 : i32
    %dma_start3A_328 = tpu.memref_slice %arg6[%dma_start3A_321, %dma_start3A_327] : memref<4x64xi32, #tpu.memory_space<vmem>> -> memref<1x16xi32, #tpu.memory_space<vmem>>
    %dma_start3A_329 = tpu.memref_squeeze %dma_start3A_328 : memref<1x16xi32, #tpu.memory_space<vmem>> -> memref<16xi32, #tpu.memory_space<vmem>>
    %dma_start3A_330 = arith.constant 0 : i32
    %dma_start3A_331 = arith.constant 0 : i32
    %dma_start3A_332 = tpu.memref_slice %arg2[%dma_start3A_330, %dma_start3A_331] : memref<1000000x128xf32, #tpu.memory_space<hbm>> -> memref<1000000x128xf32, #tpu.memory_space<hbm>>
    tpu.enqueue_indirect_dma source(%dma_start3A_332 : memref<1000000x128xf32, #tpu.memory_space<hbm>>) target(%dma_start3A_326 : memref<16x128xf32, #tpu.memory_space<vmem>>) offsets(%dma_start3A_329 : memref<16xi32, #tpu.memory_space<vmem>>) semaphore(%arg22 : memref<!tpu.dma_semaphore, #tpu.memory_space<semaphore_mem>>)
    %dma_start3A_333 = arith.constant 3 : i32
    %dma_start3A_334 = arith.constant 3 : i32
    %dma_start3A_335 = arith.constant 48 : i32
    %dma_start3A_336 = arith.constant 0 : i32
    %dma_start3A_337 = tpu.memref_slice %arg7[%dma_start3A_334, %dma_start3A_335, %dma_start3A_336] : memref<4x64x128xf32, #tpu.memory_space<vmem>> -> memref<1x16x128xf32, #tpu.memory_space<vmem>>
    %dma_start3A_338 = tpu.memref_squeeze %dma_start3A_337 : memref<1x16x128xf32, #tpu.memory_space<vmem>> -> memref<16x128xf32, #tpu.memory_space<vmem>>
    %dma_start3A_339 = arith.constant 48 : i32
    %dma_start3A_340 = tpu.memref_slice %arg6[%dma_start3A_333, %dma_start3A_339] : memref<4x64xi32, #tpu.memory_space<vmem>> -> memref<1x16xi32, #tpu.memory_space<vmem>>
    %dma_start3A_341 = tpu.memref_squeeze %dma_start3A_340 : memref<1x16xi32, #tpu.memory_space<vmem>> -> memref<16xi32, #tpu.memory_space<vmem>>
    %dma_start3A_342 = arith.constant 0 : i32
    %dma_start3A_343 = arith.constant 0 : i32
    %dma_start3A_344 = tpu.memref_slice %arg2[%dma_start3A_342, %dma_start3A_343] : memref<1000000x128xf32, #tpu.memory_space<hbm>> -> memref<1000000x128xf32, #tpu.memory_space<hbm>>
    tpu.enqueue_indirect_dma source(%dma_start3A_344 : memref<1000000x128xf32, #tpu.memory_space<hbm>>) target(%dma_start3A_338 : memref<16x128xf32, #tpu.memory_space<vmem>>) offsets(%dma_start3A_341 : memref<16xi32, #tpu.memory_space<vmem>>) semaphore(%arg26 : memref<!tpu.dma_semaphore, #tpu.memory_space<semaphore_mem>>)
    "tpu.trace_stop"() : () -> ()
    "tpu.trace_start"() <{level = 10 : i32, message = "add_loop"}> : () -> ()
    %scan3A = arith.constant 0 : i32
    %scan3A_345 = arith.constant 0 : i32
    %scan3A_346 = arith.constant 16 : i32
    %scan3A_347 = arith.addi %scan3A_345, %scan3A_346 : i32
    %scan3A_348 = arith.constant 1 : i32
    scf.for %scan3A_1056 = %scan3A_345 to %scan3A_347 step %scan3A_348  : i32 {
      %add3A_1057 = arith.constant 0 : i32
      %add3A_1058 = arith.addi %add3A_1057, %scan3A_1056 : i32
      %get3A = arith.index_cast %add3A_1058 : i32 to index
      %get3A_1059 = arith.constant 0 : index
      %get3A_1060 = tpu.vector_load %arg8[%get3A, %get3A_1059] {strides = array<i32>} : memref<64x128xf32, #tpu.memory_space<vmem>>, vector<1x16xf32>,
      %get3A_1061 = vector.shape_cast %get3A_1060 : vector<1x16xf32> to vector<16xf32>
      %get3A_1062 = arith.constant 0 : i32
      %get3A_1063 = arith.index_cast %get3A_1062 : i32 to index
      %get3A_1064 = arith.index_cast %add3A_1058 : i32 to index
      %get3A_1065 = arith.constant 0 : index
      %get3A_1066 = tpu.vector_load %arg7[%get3A_1063, %get3A_1064, %get3A_1065] {strides = array<i32>} : memref<4x64x128xf32, #tpu.memory_space<vmem>>, vector<1x1x16xf32>,
      %get3A_1067 = vector.shape_cast %get3A_1066 : vector<1x1x16xf32> to vector<16xf32>
      %add3A_1068 = arith.addf %get3A_1067, %get3A_1061 : vector<16xf32>
      %swap3A = arith.constant 0 : i32
      %swap3A_1069 = arith.index_cast %swap3A : i32 to index
      %swap3A_1070 = arith.index_cast %add3A_1058 : i32 to index
      %swap3A_1071 = arith.constant 0 : index
      %swap3A_1072 = tpu.vector_load %arg7[%swap3A_1069, %swap3A_1070, %swap3A_1071] {strides = array<i32>} : memref<4x64x128xf32, #tpu.memory_space<vmem>>, vector<1x1x16xf32>,
      %swap3A_1073 = vector.shape_cast %swap3A_1072 : vector<1x1x16xf32> to vector<16xf32>
      %swap3A_1074 = vector.shape_cast %add3A_1068 : vector<16xf32> to vector<1x1x16xf32>
      tpu.vector_store %arg7[%swap3A_1069, %swap3A_1070, %swap3A_1071], %swap3A_1074 {strides = array<i32>} : memref<4x64x128xf32, #tpu.memory_space<vmem>>, vector<1x1x16xf32>,
      %get3A_1075 = arith.constant 1 : i32
      %get3A_1076 = arith.index_cast %get3A_1075 : i32 to index
      %get3A_1077 = arith.index_cast %add3A_1058 : i32 to index
      %get3A_1078 = arith.constant 0 : index
      %get3A_1079 = tpu.vector_load %arg7[%get3A_1076, %get3A_1077, %get3A_1078] {strides = array<i32>} : memref<4x64x128xf32, #tpu.memory_space<vmem>>, vector<1x1x16xf32>,
      %get3A_1080 = vector.shape_cast %get3A_1079 : vector<1x1x16xf32> to vector<16xf32>
      %add3A_1081 = arith.addf %get3A_1080, %get3A_1061 : vector<16xf32>
      %swap3A_1082 = arith.constant 1 : i32
      %swap3A_1083 = arith.index_cast %swap3A_1082 : i32 to index
      %swap3A_1084 = arith.index_cast %add3A_1058 : i32 to index
      %swap3A_1085 = arith.constant 0 : index
      %swap3A_1086 = tpu.vector_load %arg7[%swap3A_1083, %swap3A_1084, %swap3A_1085] {strides = array<i32>} : memref<4x64x128xf32, #tpu.memory_space<vmem>>, vector<1x1x16xf32>,
      %swap3A_1087 = vector.shape_cast %swap3A_1086 : vector<1x1x16xf32> to vector<16xf32>
      %swap3A_1088 = vector.shape_cast %add3A_1081 : vector<16xf32> to vector<1x1x16xf32>
      tpu.vector_store %arg7[%swap3A_1083, %swap3A_1084, %swap3A_1085], %swap3A_1088 {strides = array<i32>} : memref<4x64x128xf32, #tpu.memory_space<vmem>>, vector<1x1x16xf32>,
      %get3A_1089 = arith.constant 2 : i32
      %get3A_1090 = arith.index_cast %get3A_1089 : i32 to index
      %get3A_1091 = arith.index_cast %add3A_1058 : i32 to index
      %get3A_1092 = arith.constant 0 : index
      %get3A_1093 = tpu.vector_load %arg7[%get3A_1090, %get3A_1091, %get3A_1092] {strides = array<i32>} : memref<4x64x128xf32, #tpu.memory_space<vmem>>, vector<1x1x16xf32>,
      %get3A_1094 = vector.shape_cast %get3A_1093 : vector<1x1x16xf32> to vector<16xf32>
      %add3A_1095 = arith.addf %get3A_1094, %get3A_1061 : vector<16xf32>
      %swap3A_1096 = arith.constant 2 : i32
      %swap3A_1097 = arith.index_cast %swap3A_1096 : i32 to index
      %swap3A_1098 = arith.index_cast %add3A_1058 : i32 to index
      %swap3A_1099 = arith.constant 0 : index
      %swap3A_1100 = tpu.vector_load %arg7[%swap3A_1097, %swap3A_1098, %swap3A_1099] {strides = array<i32>} : memref<4x64x128xf32, #tpu.memory_space<vmem>>, vector<1x1x16xf32>,
      %swap3A_1101 = vector.shape_cast %swap3A_1100 : vector<1x1x16xf32> to vector<16xf32>
      %swap3A_1102 = vector.shape_cast %add3A_1095 : vector<16xf32> to vector<1x1x16xf32>
      tpu.vector_store %arg7[%swap3A_1097, %swap3A_1098, %swap3A_1099], %swap3A_1102 {strides = array<i32>} : memref<4x64x128xf32, #tpu.memory_space<vmem>>, vector<1x1x16xf32>,
      %get3A_1103 = arith.constant 3 : i32
      %get3A_1104 = arith.index_cast %get3A_1103 : i32 to index
      %get3A_1105 = arith.index_cast %add3A_1058 : i32 to index
      %get3A_1106 = arith.constant 0 : index
      %get3A_1107 = tpu.vector_load %arg7[%get3A_1104, %get3A_1105, %get3A_1106] {strides = array<i32>} : memref<4x64x128xf32, #tpu.memory_space<vmem>>, vector<1x1x16xf32>,
      %get3A_1108 = vector.shape_cast %get3A_1107 : vector<1x1x16xf32> to vector<16xf32>
      %add3A_1109 = arith.addf %get3A_1108, %get3A_1061 : vector<16xf32>
      %swap3A_1110 = arith.constant 3 : i32
      %swap3A_1111 = arith.index_cast %swap3A_1110 : i32 to index
      %swap3A_1112 = arith.index_cast %add3A_1058 : i32 to index
      %swap3A_1113 = arith.constant 0 : index
      %swap3A_1114 = tpu.vector_load %arg7[%swap3A_1111, %swap3A_1112, %swap3A_1113] {strides = array<i32>} : memref<4x64x128xf32, #tpu.memory_space<vmem>>, vector<1x1x16xf32>,
      %swap3A_1115 = vector.shape_cast %swap3A_1114 : vector<1x1x16xf32> to vector<16xf32>
      %swap3A_1116 = vector.shape_cast %add3A_1109 : vector<16xf32> to vector<1x1x16xf32>
      tpu.vector_store %arg7[%swap3A_1111, %swap3A_1112, %swap3A_1113], %swap3A_1116 {strides = array<i32>} : memref<4x64x128xf32, #tpu.memory_space<vmem>>, vector<1x1x16xf32>,
      %get3A_1117 = arith.index_cast %add3A_1058 : i32 to index
      %get3A_1118 = arith.constant 16 : index
      %get3A_1119 = tpu.vector_load %arg8[%get3A_1117, %get3A_1118] {strides = array<i32>} : memref<64x128xf32, #tpu.memory_space<vmem>>, vector<1x16xf32>,
      %get3A_1120 = vector.shape_cast %get3A_1119 : vector<1x16xf32> to vector<16xf32>
      %get3A_1121 = arith.constant 0 : i32
      %get3A_1122 = arith.index_cast %get3A_1121 : i32 to index
      %get3A_1123 = arith.index_cast %add3A_1058 : i32 to index
      %get3A_1124 = arith.constant 16 : index
      %get3A_1125 = tpu.vector_load %arg7[%get3A_1122, %get3A_1123, %get3A_1124] {strides = array<i32>} : memref<4x64x128xf32, #tpu.memory_space<vmem>>, vector<1x1x16xf32>,
      %get3A_1126 = vector.shape_cast %get3A_1125 : vector<1x1x16xf32> to vector<16xf32>
      %add3A_1127 = arith.addf %get3A_1126, %get3A_1120 : vector<16xf32>
      %swap3A_1128 = arith.constant 0 : i32
      %swap3A_1129 = arith.index_cast %swap3A_1128 : i32 to index
      %swap3A_1130 = arith.index_cast %add3A_1058 : i32 to index
      %swap3A_1131 = arith.constant 16 : index
      %swap3A_1132 = tpu.vector_load %arg7[%swap3A_1129, %swap3A_1130, %swap3A_1131] {strides = array<i32>} : memref<4x64x128xf32, #tpu.memory_space<vmem>>, vector<1x1x16xf32>,
      %swap3A_1133 = vector.shape_cast %swap3A_1132 : vector<1x1x16xf32> to vector<16xf32>
      %swap3A_1134 = vector.shape_cast %add3A_1127 : vector<16xf32> to vector<1x1x16xf32>
      tpu.vector_store %arg7[%swap3A_1129, %swap3A_1130, %swap3A_1131], %swap3A_1134 {strides = array<i32>} : memref<4x64x128xf32, #tpu.memory_space<vmem>>, vector<1x1x16xf32>,
      %get3A_1135 = arith.constant 1 : i32
      %get3A_1136 = arith.index_cast %get3A_1135 : i32 to index
      %get3A_1137 = arith.index_cast %add3A_1058 : i32 to index
      %get3A_1138 = arith.constant 16 : index
      %get3A_1139 = tpu.vector_load %arg7[%get3A_1136, %get3A_1137, %get3A_1138] {strides = array<i32>} : memref<4x64x128xf32, #tpu.memory_space<vmem>>, vector<1x1x16xf32>,
      %get3A_1140 = vector.shape_cast %get3A_1139 : vector<1x1x16xf32> to vector<16xf32>
      %add3A_1141 = arith.addf %get3A_1140, %get3A_1120 : vector<16xf32>
      %swap3A_1142 = arith.constant 1 : i32
      %swap3A_1143 = arith.index_cast %swap3A_1142 : i32 to index
      %swap3A_1144 = arith.index_cast %add3A_1058 : i32 to index
      %swap3A_1145 = arith.constant 16 : index
      %swap3A_1146 = tpu.vector_load %arg7[%swap3A_1143, %swap3A_1144, %swap3A_1145] {strides = array<i32>} : memref<4x64x128xf32, #tpu.memory_space<vmem>>, vector<1x1x16xf32>,
      %swap3A_1147 = vector.shape_cast %swap3A_1146 : vector<1x1x16xf32> to vector<16xf32>
      %swap3A_1148 = vector.shape_cast %add3A_1141 : vector<16xf32> to vector<1x1x16xf32>
      tpu.vector_store %arg7[%swap3A_1143, %swap3A_1144, %swap3A_1145], %swap3A_1148 {strides = array<i32>} : memref<4x64x128xf32, #tpu.memory_space<vmem>>, vector<1x1x16xf32>,
      %get3A_1149 = arith.constant 2 : i32
      %get3A_1150 = arith.index_cast %get3A_1149 : i32 to index
      %get3A_1151 = arith.index_cast %add3A_1058 : i32 to index
      %get3A_1152 = arith.constant 16 : index
      %get3A_1153 = tpu.vector_load %arg7[%get3A_1150, %get3A_1151, %get3A_1152] {strides = array<i32>} : memref<4x64x128xf32, #tpu.memory_space<vmem>>, vector<1x1x16xf32>,
      %get3A_1154 = vector.shape_cast %get3A_1153 : vector<1x1x16xf32> to vector<16xf32>
      %add3A_1155 = arith.addf %get3A_1154, %get3A_1120 : vector<16xf32>
      %swap3A_1156 = arith.constant 2 : i32
      %swap3A_1157 = arith.index_cast %swap3A_1156 : i32 to index
      %swap3A_1158 = arith.index_cast %add3A_1058 : i32 to index
      %swap3A_1159 = arith.constant 16 : index
      %swap3A_1160 = tpu.vector_load %arg7[%swap3A_1157, %swap3A_1158, %swap3A_1159] {strides = array<i32>} : memref<4x64x128xf32, #tpu.memory_space<vmem>>, vector<1x1x16xf32>,
      %swap3A_1161 = vector.shape_cast %swap3A_1160 : vector<1x1x16xf32> to vector<16xf32>
      %swap3A_1162 = vector.shape_cast %add3A_1155 : vector<16xf32> to vector<1x1x16xf32>
      tpu.vector_store %arg7[%swap3A_1157, %swap3A_1158, %swap3A_1159], %swap3A_1162 {strides = array<i32>} : memref<4x64x128xf32, #tpu.memory_space<vmem>>, vector<1x1x16xf32>,
      %get3A_1163 = arith.constant 3 : i32
      %get3A_1164 = arith.index_cast %get3A_1163 : i32 to index
      %get3A_1165 = arith.index_cast %add3A_1058 : i32 to index
      %get3A_1166 = arith.constant 16 : index
      %get3A_1167 = tpu.vector_load %arg7[%get3A_1164, %get3A_1165, %get3A_1166] {strides = array<i32>} : memref<4x64x128xf32, #tpu.memory_space<vmem>>, vector<1x1x16xf32>,
      %get3A_1168 = vector.shape_cast %get3A_1167 : vector<1x1x16xf32> to vector<16xf32>
      %add3A_1169 = arith.addf %get3A_1168, %get3A_1120 : vector<16xf32>
      %swap3A_1170 = arith.constant 3 : i32
      %swap3A_1171 = arith.index_cast %swap3A_1170 : i32 to index
      %swap3A_1172 = arith.index_cast %add3A_1058 : i32 to index
      %swap3A_1173 = arith.constant 16 : index
      %swap3A_1174 = tpu.vector_load %arg7[%swap3A_1171, %swap3A_1172, %swap3A_1173] {strides = array<i32>} : memref<4x64x128xf32, #tpu.memory_space<vmem>>, vector<1x1x16xf32>,
      %swap3A_1175 = vector.shape_cast %swap3A_1174 : vector<1x1x16xf32> to vector<16xf32>
      %swap3A_1176 = vector.shape_cast %add3A_1169 : vector<16xf32> to vector<1x1x16xf32>
      tpu.vector_store %arg7[%swap3A_1171, %swap3A_1172, %swap3A_1173], %swap3A_1176 {strides = array<i32>} : memref<4x64x128xf32, #tpu.memory_space<vmem>>, vector<1x1x16xf32>,
      %get3A_1177 = arith.index_cast %add3A_1058 : i32 to index
      %get3A_1178 = arith.constant 32 : index
      %get3A_1179 = tpu.vector_load %arg8[%get3A_1177, %get3A_1178] {strides = array<i32>} : memref<64x128xf32, #tpu.memory_space<vmem>>, vector<1x16xf32>,
      %get3A_1180 = vector.shape_cast %get3A_1179 : vector<1x16xf32> to vector<16xf32>
      %get3A_1181 = arith.constant 0 : i32
      %get3A_1182 = arith.index_cast %get3A_1181 : i32 to index
      %get3A_1183 = arith.index_cast %add3A_1058 : i32 to index
      %get3A_1184 = arith.constant 32 : index
      %get3A_1185 = tpu.vector_load %arg7[%get3A_1182, %get3A_1183, %get3A_1184] {strides = array<i32>} : memref<4x64x128xf32, #tpu.memory_space<vmem>>, vector<1x1x16xf32>,
      %get3A_1186 = vector.shape_cast %get3A_1185 : vector<1x1x16xf32> to vector<16xf32>
      %add3A_1187 = arith.addf %get3A_1186, %get3A_1180 : vector<16xf32>
      %swap3A_1188 = arith.constant 0 : i32
      %swap3A_1189 = arith.index_cast %swap3A_1188 : i32 to index
      %swap3A_1190 = arith.index_cast %add3A_1058 : i32 to index
      %swap3A_1191 = arith.constant 32 : index
      %swap3A_1192 = tpu.vector_load %arg7[%swap3A_1189, %swap3A_1190, %swap3A_1191] {strides = array<i32>} : memref<4x64x128xf32, #tpu.memory_space<vmem>>, vector<1x1x16xf32>,
      %swap3A_1193 = vector.shape_cast %swap3A_1192 : vector<1x1x16xf32> to vector<16xf32>
      %swap3A_1194 = vector.shape_cast %add3A_1187 : vector<16xf32> to vector<1x1x16xf32>
      tpu.vector_store %arg7[%swap3A_1189, %swap3A_1190, %swap3A_1191], %swap3A_1194 {strides = array<i32>} : memref<4x64x128xf32, #tpu.memory_space<vmem>>, vector<1x1x16xf32>,
      %get3A_1195 = arith.constant 1 : i32
      %get3A_1196 = arith.index_cast %get3A_1195 : i32 to index
      %get3A_1197 = arith.index_cast %add3A_1058 : i32 to index
      %get3A_1198 = arith.constant 32 : index
      %get3A_1199 = tpu.vector_load %arg7[%get3A_1196, %get3A_1197, %get3A_1198] {strides = array<i32>} : memref<4x64x128xf32, #tpu.memory_space<vmem>>, vector<1x1x16xf32>,
      %get3A_1200 = vector.shape_cast %get3A_1199 : vector<1x1x16xf32> to vector<16xf32>
      %add3A_1201 = arith.addf %get3A_1200, %get3A_1180 : vector<16xf32>
      %swap3A_1202 = arith.constant 1 : i32
      %swap3A_1203 = arith.index_cast %swap3A_1202 : i32 to index
      %swap3A_1204 = arith.index_cast %add3A_1058 : i32 to index
      %swap3A_1205 = arith.constant 32 : index
      %swap3A_1206 = tpu.vector_load %arg7[%swap3A_1203, %swap3A_1204, %swap3A_1205] {strides = array<i32>} : memref<4x64x128xf32, #tpu.memory_space<vmem>>, vector<1x1x16xf32>,
      %swap3A_1207 = vector.shape_cast %swap3A_1206 : vector<1x1x16xf32> to vector<16xf32>
      %swap3A_1208 = vector.shape_cast %add3A_1201 : vector<16xf32> to vector<1x1x16xf32>
      tpu.vector_store %arg7[%swap3A_1203, %swap3A_1204, %swap3A_1205], %swap3A_1208 {strides = array<i32>} : memref<4x64x128xf32, #tpu.memory_space<vmem>>, vector<1x1x16xf32>,
      %get3A_1209 = arith.constant 2 : i32
      %get3A_1210 = arith.index_cast %get3A_1209 : i32 to index
      %get3A_1211 = arith.index_cast %add3A_1058 : i32 to index
      %get3A_1212 = arith.constant 32 : index
      %get3A_1213 = tpu.vector_load %arg7[%get3A_1210, %get3A_1211, %get3A_1212] {strides = array<i32>} : memref<4x64x128xf32, #tpu.memory_space<vmem>>, vector<1x1x16xf32>,
      %get3A_1214 = vector.shape_cast %get3A_1213 : vector<1x1x16xf32> to vector<16xf32>
      %add3A_1215 = arith.addf %get3A_1214, %get3A_1180 : vector<16xf32>
      %swap3A_1216 = arith.constant 2 : i32
      %swap3A_1217 = arith.index_cast %swap3A_1216 : i32 to index
      %swap3A_1218 = arith.index_cast %add3A_1058 : i32 to index
      %swap3A_1219 = arith.constant 32 : index
      %swap3A_1220 = tpu.vector_load %arg7[%swap3A_1217, %swap3A_1218, %swap3A_1219] {strides = array<i32>} : memref<4x64x128xf32, #tpu.memory_space<vmem>>, vector<1x1x16xf32>,
      %swap3A_1221 = vector.shape_cast %swap3A_1220 : vector<1x1x16xf32> to vector<16xf32>
      %swap3A_1222 = vector.shape_cast %add3A_1215 : vector<16xf32> to vector<1x1x16xf32>
      tpu.vector_store %arg7[%swap3A_1217, %swap3A_1218, %swap3A_1219], %swap3A_1222 {strides = array<i32>} : memref<4x64x128xf32, #tpu.memory_space<vmem>>, vector<1x1x16xf32>,
      %get3A_1223 = arith.constant 3 : i32
      %get3A_1224 = arith.index_cast %get3A_1223 : i32 to index
      %get3A_1225 = arith.index_cast %add3A_1058 : i32 to index
      %get3A_1226 = arith.constant 32 : index
      %get3A_1227 = tpu.vector_load %arg7[%get3A_1224, %get3A_1225, %get3A_1226] {strides = array<i32>} : memref<4x64x128xf32, #tpu.memory_space<vmem>>, vector<1x1x16xf32>,
      %get3A_1228 = vector.shape_cast %get3A_1227 : vector<1x1x16xf32> to vector<16xf32>
      %add3A_1229 = arith.addf %get3A_1228, %get3A_1180 : vector<16xf32>
      %swap3A_1230 = arith.constant 3 : i32
      %swap3A_1231 = arith.index_cast %swap3A_1230 : i32 to index
      %swap3A_1232 = arith.index_cast %add3A_1058 : i32 to index
      %swap3A_1233 = arith.constant 32 : index
      %swap3A_1234 = tpu.vector_load %arg7[%swap3A_1231, %swap3A_1232, %swap3A_1233] {strides = array<i32>} : memref<4x64x128xf32, #tpu.memory_space<vmem>>, vector<1x1x16xf32>,
      %swap3A_1235 = vector.shape_cast %swap3A_1234 : vector<1x1x16xf32> to vector<16xf32>
      %swap3A_1236 = vector.shape_cast %add3A_1229 : vector<16xf32> to vector<1x1x16xf32>
      tpu.vector_store %arg7[%swap3A_1231, %swap3A_1232, %swap3A_1233], %swap3A_1236 {strides = array<i32>} : memref<4x64x128xf32, #tpu.memory_space<vmem>>, vector<1x1x16xf32>,
      %get3A_1237 = arith.index_cast %add3A_1058 : i32 to index
      %get3A_1238 = arith.constant 48 : index
      %get3A_1239 = tpu.vector_load %arg8[%get3A_1237, %get3A_1238] {strides = array<i32>} : memref<64x128xf32, #tpu.memory_space<vmem>>, vector<1x16xf32>,
      %get3A_1240 = vector.shape_cast %get3A_1239 : vector<1x16xf32> to vector<16xf32>
      %get3A_1241 = arith.constant 0 : i32
      %get3A_1242 = arith.index_cast %get3A_1241 : i32 to index
      %get3A_1243 = arith.index_cast %add3A_1058 : i32 to index
      %get3A_1244 = arith.constant 48 : index
      %get3A_1245 = tpu.vector_load %arg7[%get3A_1242, %get3A_1243, %get3A_1244] {strides = array<i32>} : memref<4x64x128xf32, #tpu.memory_space<vmem>>, vector<1x1x16xf32>,
      %get3A_1246 = vector.shape_cast %get3A_1245 : vector<1x1x16xf32> to vector<16xf32>
      %add3A_1247 = arith.addf %get3A_1246, %get3A_1240 : vector<16xf32>
      %swap3A_1248 = arith.constant 0 : i32
      %swap3A_1249 = arith.index_cast %swap3A_1248 : i32 to index
      %swap3A_1250 = arith.index_cast %add3A_1058 : i32 to index
      %swap3A_1251 = arith.constant 48 : index
      %swap3A_1252 = tpu.vector_load %arg7[%swap3A_1249, %swap3A_1250, %swap3A_1251] {strides = array<i32>} : memref<4x64x128xf32, #tpu.memory_space<vmem>>, vector<1x1x16xf32>,
      %swap3A_1253 = vector.shape_cast %swap3A_1252 : vector<1x1x16xf32> to vector<16xf32>
      %swap3A_1254 = vector.shape_cast %add3A_1247 : vector<16xf32> to vector<1x1x16xf32>
      tpu.vector_store %arg7[%swap3A_1249, %swap3A_1250, %swap3A_1251], %swap3A_1254 {strides = array<i32>} : memref<4x64x128xf32, #tpu.memory_space<vmem>>, vector<1x1x16xf32>,
      %get3A_1255 = arith.constant 1 : i32
      %get3A_1256 = arith.index_cast %get3A_1255 : i32 to index
      %get3A_1257 = arith.index_cast %add3A_1058 : i32 to index
      %get3A_1258 = arith.constant 48 : index
      %get3A_1259 = tpu.vector_load %arg7[%get3A_1256, %get3A_1257, %get3A_1258] {strides = array<i32>} : memref<4x64x128xf32, #tpu.memory_space<vmem>>, vector<1x1x16xf32>,
      %get3A_1260 = vector.shape_cast %get3A_1259 : vector<1x1x16xf32> to vector<16xf32>
      %add3A_1261 = arith.addf %get3A_1260, %get3A_1240 : vector<16xf32>
      %swap3A_1262 = arith.constant 1 : i32
      %swap3A_1263 = arith.index_cast %swap3A_1262 : i32 to index
      %swap3A_1264 = arith.index_cast %add3A_1058 : i32 to index
      %swap3A_1265 = arith.constant 48 : index
      %swap3A_1266 = tpu.vector_load %arg7[%swap3A_1263, %swap3A_1264, %swap3A_1265] {strides = array<i32>} : memref<4x64x128xf32, #tpu.memory_space<vmem>>, vector<1x1x16xf32>,
      %swap3A_1267 = vector.shape_cast %swap3A_1266 : vector<1x1x16xf32> to vector<16xf32>
      %swap3A_1268 = vector.shape_cast %add3A_1261 : vector<16xf32> to vector<1x1x16xf32>
      tpu.vector_store %arg7[%swap3A_1263, %swap3A_1264, %swap3A_1265], %swap3A_1268 {strides = array<i32>} : memref<4x64x128xf32, #tpu.memory_space<vmem>>, vector<1x1x16xf32>,
      %get3A_1269 = arith.constant 2 : i32
      %get3A_1270 = arith.index_cast %get3A_1269 : i32 to index
      %get3A_1271 = arith.index_cast %add3A_1058 : i32 to index
      %get3A_1272 = arith.constant 48 : index
      %get3A_1273 = tpu.vector_load %arg7[%get3A_1270, %get3A_1271, %get3A_1272] {strides = array<i32>} : memref<4x64x128xf32, #tpu.memory_space<vmem>>, vector<1x1x16xf32>,
      %get3A_1274 = vector.shape_cast %get3A_1273 : vector<1x1x16xf32> to vector<16xf32>
      %add3A_1275 = arith.addf %get3A_1274, %get3A_1240 : vector<16xf32>
      %swap3A_1276 = arith.constant 2 : i32
      %swap3A_1277 = arith.index_cast %swap3A_1276 : i32 to index
      %swap3A_1278 = arith.index_cast %add3A_1058 : i32 to index
      %swap3A_1279 = arith.constant 48 : index
      %swap3A_1280 = tpu.vector_load %arg7[%swap3A_1277, %swap3A_1278, %swap3A_1279] {strides = array<i32>} : memref<4x64x128xf32, #tpu.memory_space<vmem>>, vector<1x1x16xf32>,
      %swap3A_1281 = vector.shape_cast %swap3A_1280 : vector<1x1x16xf32> to vector<16xf32>
      %swap3A_1282 = vector.shape_cast %add3A_1275 : vector<16xf32> to vector<1x1x16xf32>
      tpu.vector_store %arg7[%swap3A_1277, %swap3A_1278, %swap3A_1279], %swap3A_1282 {strides = array<i32>} : memref<4x64x128xf32, #tpu.memory_space<vmem>>, vector<1x1x16xf32>,
      %get3A_1283 = arith.constant 3 : i32
      %get3A_1284 = arith.index_cast %get3A_1283 : i32 to index
      %get3A_1285 = arith.index_cast %add3A_1058 : i32 to index
      %get3A_1286 = arith.constant 48 : index
      %get3A_1287 = tpu.vector_load %arg7[%get3A_1284, %get3A_1285, %get3A_1286] {strides = array<i32>} : memref<4x64x128xf32, #tpu.memory_space<vmem>>, vector<1x1x16xf32>,
      %get3A_1288 = vector.shape_cast %get3A_1287 : vector<1x1x16xf32> to vector<16xf32>
      %add3A_1289 = arith.addf %get3A_1288, %get3A_1240 : vector<16xf32>
      %swap3A_1290 = arith.constant 3 : i32
      %swap3A_1291 = arith.index_cast %swap3A_1290 : i32 to index
      %swap3A_1292 = arith.index_cast %add3A_1058 : i32 to index
      %swap3A_1293 = arith.constant 48 : index
      %swap3A_1294 = tpu.vector_load %arg7[%swap3A_1291, %swap3A_1292, %swap3A_1293] {strides = array<i32>} : memref<4x64x128xf32, #tpu.memory_space<vmem>>, vector<1x1x16xf32>,
      %swap3A_1295 = vector.shape_cast %swap3A_1294 : vector<1x1x16xf32> to vector<16xf32>
      %swap3A_1296 = vector.shape_cast %add3A_1289 : vector<16xf32> to vector<1x1x16xf32>
      tpu.vector_store %arg7[%swap3A_1291, %swap3A_1292, %swap3A_1293], %swap3A_1296 {strides = array<i32>} : memref<4x64x128xf32, #tpu.memory_space<vmem>>, vector<1x1x16xf32>,
      %get3A_1297 = arith.index_cast %add3A_1058 : i32 to index
      %get3A_1298 = arith.constant 64 : index
      %get3A_1299 = tpu.vector_load %arg8[%get3A_1297, %get3A_1298] {strides = array<i32>} : memref<64x128xf32, #tpu.memory_space<vmem>>, vector<1x16xf32>,
      %get3A_1300 = vector.shape_cast %get3A_1299 : vector<1x16xf32> to vector<16xf32>
      %get3A_1301 = arith.constant 0 : i32
      %get3A_1302 = arith.index_cast %get3A_1301 : i32 to index
      %get3A_1303 = arith.index_cast %add3A_1058 : i32 to index
      %get3A_1304 = arith.constant 64 : index
      %get3A_1305 = tpu.vector_load %arg7[%get3A_1302, %get3A_1303, %get3A_1304] {strides = array<i32>} : memref<4x64x128xf32, #tpu.memory_space<vmem>>, vector<1x1x16xf32>,
      %get3A_1306 = vector.shape_cast %get3A_1305 : vector<1x1x16xf32> to vector<16xf32>
      %add3A_1307 = arith.addf %get3A_1306, %get3A_1300 : vector<16xf32>
      %swap3A_1308 = arith.constant 0 : i32
      %swap3A_1309 = arith.index_cast %swap3A_1308 : i32 to index
      %swap3A_1310 = arith.index_cast %add3A_1058 : i32 to index
      %swap3A_1311 = arith.constant 64 : index
      %swap3A_1312 = tpu.vector_load %arg7[%swap3A_1309, %swap3A_1310, %swap3A_1311] {strides = array<i32>} : memref<4x64x128xf32, #tpu.memory_space<vmem>>, vector<1x1x16xf32>,
      %swap3A_1313 = vector.shape_cast %swap3A_1312 : vector<1x1x16xf32> to vector<16xf32>
      %swap3A_1314 = vector.shape_cast %add3A_1307 : vector<16xf32> to vector<1x1x16xf32>
      tpu.vector_store %arg7[%swap3A_1309, %swap3A_1310, %swap3A_1311], %swap3A_1314 {strides = array<i32>} : memref<4x64x128xf32, #tpu.memory_space<vmem>>, vector<1x1x16xf32>,
      %get3A_1315 = arith.constant 1 : i32
      %get3A_1316 = arith.index_cast %get3A_1315 : i32 to index
      %get3A_1317 = arith.index_cast %add3A_1058 : i32 to index
      %get3A_1318 = arith.constant 64 : index
      %get3A_1319 = tpu.vector_load %arg7[%get3A_1316, %get3A_1317, %get3A_1318] {strides = array<i32>} : memref<4x64x128xf32, #tpu.memory_space<vmem>>, vector<1x1x16xf32>,
      %get3A_1320 = vector.shape_cast %get3A_1319 : vector<1x1x16xf32> to vector<16xf32>
      %add3A_1321 = arith.addf %get3A_1320, %get3A_1300 : vector<16xf32>
      %swap3A_1322 = arith.constant 1 : i32
      %swap3A_1323 = arith.index_cast %swap3A_1322 : i32 to index
      %swap3A_1324 = arith.index_cast %add3A_1058 : i32 to index
      %swap3A_1325 = arith.constant 64 : index
      %swap3A_1326 = tpu.vector_load %arg7[%swap3A_1323, %swap3A_1324, %swap3A_1325] {strides = array<i32>} : memref<4x64x128xf32, #tpu.memory_space<vmem>>, vector<1x1x16xf32>,
      %swap3A_1327 = vector.shape_cast %swap3A_1326 : vector<1x1x16xf32> to vector<16xf32>
      %swap3A_1328 = vector.shape_cast %add3A_1321 : vector<16xf32> to vector<1x1x16xf32>
      tpu.vector_store %arg7[%swap3A_1323, %swap3A_1324, %swap3A_1325], %swap3A_1328 {strides = array<i32>} : memref<4x64x128xf32, #tpu.memory_space<vmem>>, vector<1x1x16xf32>,
      %get3A_1329 = arith.constant 2 : i32
      %get3A_1330 = arith.index_cast %get3A_1329 : i32 to index
      %get3A_1331 = arith.index_cast %add3A_1058 : i32 to index
      %get3A_1332 = arith.constant 64 : index
      %get3A_1333 = tpu.vector_load %arg7[%get3A_1330, %get3A_1331, %get3A_1332] {strides = array<i32>} : memref<4x64x128xf32, #tpu.memory_space<vmem>>, vector<1x1x16xf32>,
      %get3A_1334 = vector.shape_cast %get3A_1333 : vector<1x1x16xf32> to vector<16xf32>
      %add3A_1335 = arith.addf %get3A_1334, %get3A_1300 : vector<16xf32>
      %swap3A_1336 = arith.constant 2 : i32
      %swap3A_1337 = arith.index_cast %swap3A_1336 : i32 to index
      %swap3A_1338 = arith.index_cast %add3A_1058 : i32 to index
      %swap3A_1339 = arith.constant 64 : index
      %swap3A_1340 = tpu.vector_load %arg7[%swap3A_1337, %swap3A_1338, %swap3A_1339] {strides = array<i32>} : memref<4x64x128xf32, #tpu.memory_space<vmem>>, vector<1x1x16xf32>,
      %swap3A_1341 = vector.shape_cast %swap3A_1340 : vector<1x1x16xf32> to vector<16xf32>
      %swap3A_1342 = vector.shape_cast %add3A_1335 : vector<16xf32> to vector<1x1x16xf32>
      tpu.vector_store %arg7[%swap3A_1337, %swap3A_1338, %swap3A_1339], %swap3A_1342 {strides = array<i32>} : memref<4x64x128xf32, #tpu.memory_space<vmem>>, vector<1x1x16xf32>,
      %get3A_1343 = arith.constant 3 : i32
      %get3A_1344 = arith.index_cast %get3A_1343 : i32 to index
      %get3A_1345 = arith.index_cast %add3A_1058 : i32 to index
      %get3A_1346 = arith.constant 64 : index
      %get3A_1347 = tpu.vector_load %arg7[%get3A_1344, %get3A_1345, %get3A_1346] {strides = array<i32>} : memref<4x64x128xf32, #tpu.memory_space<vmem>>, vector<1x1x16xf32>,
      %get3A_1348 = vector.shape_cast %get3A_1347 : vector<1x1x16xf32> to vector<16xf32>
      %add3A_1349 = arith.addf %get3A_1348, %get3A_1300 : vector<16xf32>
      %swap3A_1350 = arith.constant 3 : i32
      %swap3A_1351 = arith.index_cast %swap3A_1350 : i32 to index
      %swap3A_1352 = arith.index_cast %add3A_1058 : i32 to index
      %swap3A_1353 = arith.constant 64 : index
      %swap3A_1354 = tpu.vector_load %arg7[%swap3A_1351, %swap3A_1352, %swap3A_1353] {strides = array<i32>} : memref<4x64x128xf32, #tpu.memory_space<vmem>>, vector<1x1x16xf32>,
      %swap3A_1355 = vector.shape_cast %swap3A_1354 : vector<1x1x16xf32> to vector<16xf32>
      %swap3A_1356 = vector.shape_cast %add3A_1349 : vector<16xf32> to vector<1x1x16xf32>
      tpu.vector_store %arg7[%swap3A_1351, %swap3A_1352, %swap3A_1353], %swap3A_1356 {strides = array<i32>} : memref<4x64x128xf32, #tpu.memory_space<vmem>>, vector<1x1x16xf32>,
      %get3A_1357 = arith.index_cast %add3A_1058 : i32 to index
      %get3A_1358 = arith.constant 80 : index
      %get3A_1359 = tpu.vector_load %arg8[%get3A_1357, %get3A_1358] {strides = array<i32>} : memref<64x128xf32, #tpu.memory_space<vmem>>, vector<1x16xf32>,
      %get3A_1360 = vector.shape_cast %get3A_1359 : vector<1x16xf32> to vector<16xf32>
      %get3A_1361 = arith.constant 0 : i32
      %get3A_1362 = arith.index_cast %get3A_1361 : i32 to index
      %get3A_1363 = arith.index_cast %add3A_1058 : i32 to index
      %get3A_1364 = arith.constant 80 : index
      %get3A_1365 = tpu.vector_load %arg7[%get3A_1362, %get3A_1363, %get3A_1364] {strides = array<i32>} : memref<4x64x128xf32, #tpu.memory_space<vmem>>, vector<1x1x16xf32>,
      %get3A_1366 = vector.shape_cast %get3A_1365 : vector<1x1x16xf32> to vector<16xf32>
      %add3A_1367 = arith.addf %get3A_1366, %get3A_1360 : vector<16xf32>
      %swap3A_1368 = arith.constant 0 : i32
      %swap3A_1369 = arith.index_cast %swap3A_1368 : i32 to index
      %swap3A_1370 = arith.index_cast %add3A_1058 : i32 to index
      %swap3A_1371 = arith.constant 80 : index
      %swap3A_1372 = tpu.vector_load %arg7[%swap3A_1369, %swap3A_1370, %swap3A_1371] {strides = array<i32>} : memref<4x64x128xf32, #tpu.memory_space<vmem>>, vector<1x1x16xf32>,
      %swap3A_1373 = vector.shape_cast %swap3A_1372 : vector<1x1x16xf32> to vector<16xf32>
      %swap3A_1374 = vector.shape_cast %add3A_1367 : vector<16xf32> to vector<1x1x16xf32>
      tpu.vector_store %arg7[%swap3A_1369, %swap3A_1370, %swap3A_1371], %swap3A_1374 {strides = array<i32>} : memref<4x64x128xf32, #tpu.memory_space<vmem>>, vector<1x1x16xf32>,
      %get3A_1375 = arith.constant 1 : i32
      %get3A_1376 = arith.index_cast %get3A_1375 : i32 to index
      %get3A_1377 = arith.index_cast %add3A_1058 : i32 to index
      %get3A_1378 = arith.constant 80 : index
      %get3A_1379 = tpu.vector_load %arg7[%get3A_1376, %get3A_1377, %get3A_1378] {strides = array<i32>} : memref<4x64x128xf32, #tpu.memory_space<vmem>>, vector<1x1x16xf32>,
      %get3A_1380 = vector.shape_cast %get3A_1379 : vector<1x1x16xf32> to vector<16xf32>
      %add3A_1381 = arith.addf %get3A_1380, %get3A_1360 : vector<16xf32>
      %swap3A_1382 = arith.constant 1 : i32
      %swap3A_1383 = arith.index_cast %swap3A_1382 : i32 to index
      %swap3A_1384 = arith.index_cast %add3A_1058 : i32 to index
      %swap3A_1385 = arith.constant 80 : index
      %swap3A_1386 = tpu.vector_load %arg7[%swap3A_1383, %swap3A_1384, %swap3A_1385] {strides = array<i32>} : memref<4x64x128xf32, #tpu.memory_space<vmem>>, vector<1x1x16xf32>,
      %swap3A_1387 = vector.shape_cast %swap3A_1386 : vector<1x1x16xf32> to vector<16xf32>
      %swap3A_1388 = vector.shape_cast %add3A_1381 : vector<16xf32> to vector<1x1x16xf32>
      tpu.vector_store %arg7[%swap3A_1383, %swap3A_1384, %swap3A_1385], %swap3A_1388 {strides = array<i32>} : memref<4x64x128xf32, #tpu.memory_space<vmem>>, vector<1x1x16xf32>,
      %get3A_1389 = arith.constant 2 : i32
      %get3A_1390 = arith.index_cast %get3A_1389 : i32 to index
      %get3A_1391 = arith.index_cast %add3A_1058 : i32 to index
      %get3A_1392 = arith.constant 80 : index
      %get3A_1393 = tpu.vector_load %arg7[%get3A_1390, %get3A_1391, %get3A_1392] {strides = array<i32>} : memref<4x64x128xf32, #tpu.memory_space<vmem>>, vector<1x1x16xf32>,
      %get3A_1394 = vector.shape_cast %get3A_1393 : vector<1x1x16xf32> to vector<16xf32>
      %add3A_1395 = arith.addf %get3A_1394, %get3A_1360 : vector<16xf32>
      %swap3A_1396 = arith.constant 2 : i32
      %swap3A_1397 = arith.index_cast %swap3A_1396 : i32 to index
      %swap3A_1398 = arith.index_cast %add3A_1058 : i32 to index
      %swap3A_1399 = arith.constant 80 : index
      %swap3A_1400 = tpu.vector_load %arg7[%swap3A_1397, %swap3A_1398, %swap3A_1399] {strides = array<i32>} : memref<4x64x128xf32, #tpu.memory_space<vmem>>, vector<1x1x16xf32>,
      %swap3A_1401 = vector.shape_cast %swap3A_1400 : vector<1x1x16xf32> to vector<16xf32>
      %swap3A_1402 = vector.shape_cast %add3A_1395 : vector<16xf32> to vector<1x1x16xf32>
      tpu.vector_store %arg7[%swap3A_1397, %swap3A_1398, %swap3A_1399], %swap3A_1402 {strides = array<i32>} : memref<4x64x128xf32, #tpu.memory_space<vmem>>, vector<1x1x16xf32>,
      %get3A_1403 = arith.constant 3 : i32
      %get3A_1404 = arith.index_cast %get3A_1403 : i32 to index
      %get3A_1405 = arith.index_cast %add3A_1058 : i32 to index
      %get3A_1406 = arith.constant 80 : index
      %get3A_1407 = tpu.vector_load %arg7[%get3A_1404, %get3A_1405, %get3A_1406] {strides = array<i32>} : memref<4x64x128xf32, #tpu.memory_space<vmem>>, vector<1x1x16xf32>,
      %get3A_1408 = vector.shape_cast %get3A_1407 : vector<1x1x16xf32> to vector<16xf32>
      %add3A_1409 = arith.addf %get3A_1408, %get3A_1360 : vector<16xf32>
      %swap3A_1410 = arith.constant 3 : i32
      %swap3A_1411 = arith.index_cast %swap3A_1410 : i32 to index
      %swap3A_1412 = arith.index_cast %add3A_1058 : i32 to index
      %swap3A_1413 = arith.constant 80 : index
      %swap3A_1414 = tpu.vector_load %arg7[%swap3A_1411, %swap3A_1412, %swap3A_1413] {strides = array<i32>} : memref<4x64x128xf32, #tpu.memory_space<vmem>>, vector<1x1x16xf32>,
      %swap3A_1415 = vector.shape_cast %swap3A_1414 : vector<1x1x16xf32> to vector<16xf32>
      %swap3A_1416 = vector.shape_cast %add3A_1409 : vector<16xf32> to vector<1x1x16xf32>
      tpu.vector_store %arg7[%swap3A_1411, %swap3A_1412, %swap3A_1413], %swap3A_1416 {strides = array<i32>} : memref<4x64x128xf32, #tpu.memory_space<vmem>>, vector<1x1x16xf32>,
      %get3A_1417 = arith.index_cast %add3A_1058 : i32 to index
      %get3A_1418 = arith.constant 96 : index
      %get3A_1419 = tpu.vector_load %arg8[%get3A_1417, %get3A_1418] {strides = array<i32>} : memref<64x128xf32, #tpu.memory_space<vmem>>, vector<1x16xf32>,
      %get3A_1420 = vector.shape_cast %get3A_1419 : vector<1x16xf32> to vector<16xf32>
      %get3A_1421 = arith.constant 0 : i32
      %get3A_1422 = arith.index_cast %get3A_1421 : i32 to index
      %get3A_1423 = arith.index_cast %add3A_1058 : i32 to index
      %get3A_1424 = arith.constant 96 : index
      %get3A_1425 = tpu.vector_load %arg7[%get3A_1422, %get3A_1423, %get3A_1424] {strides = array<i32>} : memref<4x64x128xf32, #tpu.memory_space<vmem>>, vector<1x1x16xf32>,
      %get3A_1426 = vector.shape_cast %get3A_1425 : vector<1x1x16xf32> to vector<16xf32>
      %add3A_1427 = arith.addf %get3A_1426, %get3A_1420 : vector<16xf32>
      %swap3A_1428 = arith.constant 0 : i32
      %swap3A_1429 = arith.index_cast %swap3A_1428 : i32 to index
      %swap3A_1430 = arith.index_cast %add3A_1058 : i32 to index
      %swap3A_1431 = arith.constant 96 : index
      %swap3A_1432 = tpu.vector_load %arg7[%swap3A_1429, %swap3A_1430, %swap3A_1431] {strides = array<i32>} : memref<4x64x128xf32, #tpu.memory_space<vmem>>, vector<1x1x16xf32>,
      %swap3A_1433 = vector.shape_cast %swap3A_1432 : vector<1x1x16xf32> to vector<16xf32>
      %swap3A_1434 = vector.shape_cast %add3A_1427 : vector<16xf32> to vector<1x1x16xf32>
      tpu.vector_store %arg7[%swap3A_1429, %swap3A_1430, %swap3A_1431], %swap3A_1434 {strides = array<i32>} : memref<4x64x128xf32, #tpu.memory_space<vmem>>, vector<1x1x16xf32>,
      %get3A_1435 = arith.constant 1 : i32
      %get3A_1436 = arith.index_cast %get3A_1435 : i32 to index
      %get3A_1437 = arith.index_cast %add3A_1058 : i32 to index
      %get3A_1438 = arith.constant 96 : index
      %get3A_1439 = tpu.vector_load %arg7[%get3A_1436, %get3A_1437, %get3A_1438] {strides = array<i32>} : memref<4x64x128xf32, #tpu.memory_space<vmem>>, vector<1x1x16xf32>,
      %get3A_1440 = vector.shape_cast %get3A_1439 : vector<1x1x16xf32> to vector<16xf32>
      %add3A_1441 = arith.addf %get3A_1440, %get3A_1420 : vector<16xf32>
      %swap3A_1442 = arith.constant 1 : i32
      %swap3A_1443 = arith.index_cast %swap3A_1442 : i32 to index
      %swap3A_1444 = arith.index_cast %add3A_1058 : i32 to index
      %swap3A_1445 = arith.constant 96 : index
      %swap3A_1446 = tpu.vector_load %arg7[%swap3A_1443, %swap3A_1444, %swap3A_1445] {strides = array<i32>} : memref<4x64x128xf32, #tpu.memory_space<vmem>>, vector<1x1x16xf32>,
      %swap3A_1447 = vector.shape_cast %swap3A_1446 : vector<1x1x16xf32> to vector<16xf32>
      %swap3A_1448 = vector.shape_cast %add3A_1441 : vector<16xf32> to vector<1x1x16xf32>
      tpu.vector_store %arg7[%swap3A_1443, %swap3A_1444, %swap3A_1445], %swap3A_1448 {strides = array<i32>} : memref<4x64x128xf32, #tpu.memory_space<vmem>>, vector<1x1x16xf32>,
      %get3A_1449 = arith.constant 2 : i32
      %get3A_1450 = arith.index_cast %get3A_1449 : i32 to index
      %get3A_1451 = arith.index_cast %add3A_1058 : i32 to index
      %get3A_1452 = arith.constant 96 : index
      %get3A_1453 = tpu.vector_load %arg7[%get3A_1450, %get3A_1451, %get3A_1452] {strides = array<i32>} : memref<4x64x128xf32, #tpu.memory_space<vmem>>, vector<1x1x16xf32>,
      %get3A_1454 = vector.shape_cast %get3A_1453 : vector<1x1x16xf32> to vector<16xf32>
      %add3A_1455 = arith.addf %get3A_1454, %get3A_1420 : vector<16xf32>
      %swap3A_1456 = arith.constant 2 : i32
      %swap3A_1457 = arith.index_cast %swap3A_1456 : i32 to index
      %swap3A_1458 = arith.index_cast %add3A_1058 : i32 to index
      %swap3A_1459 = arith.constant 96 : index
      %swap3A_1460 = tpu.vector_load %arg7[%swap3A_1457, %swap3A_1458, %swap3A_1459] {strides = array<i32>} : memref<4x64x128xf32, #tpu.memory_space<vmem>>, vector<1x1x16xf32>,
      %swap3A_1461 = vector.shape_cast %swap3A_1460 : vector<1x1x16xf32> to vector<16xf32>
      %swap3A_1462 = vector.shape_cast %add3A_1455 : vector<16xf32> to vector<1x1x16xf32>
      tpu.vector_store %arg7[%swap3A_1457, %swap3A_1458, %swap3A_1459], %swap3A_1462 {strides = array<i32>} : memref<4x64x128xf32, #tpu.memory_space<vmem>>, vector<1x1x16xf32>,
      %get3A_1463 = arith.constant 3 : i32
      %get3A_1464 = arith.index_cast %get3A_1463 : i32 to index
      %get3A_1465 = arith.index_cast %add3A_1058 : i32 to index
      %get3A_1466 = arith.constant 96 : index
      %get3A_1467 = tpu.vector_load %arg7[%get3A_1464, %get3A_1465, %get3A_1466] {strides = array<i32>} : memref<4x64x128xf32, #tpu.memory_space<vmem>>, vector<1x1x16xf32>,
      %get3A_1468 = vector.shape_cast %get3A_1467 : vector<1x1x16xf32> to vector<16xf32>
      %add3A_1469 = arith.addf %get3A_1468, %get3A_1420 : vector<16xf32>
      %swap3A_1470 = arith.constant 3 : i32
      %swap3A_1471 = arith.index_cast %swap3A_1470 : i32 to index
      %swap3A_1472 = arith.index_cast %add3A_1058 : i32 to index
      %swap3A_1473 = arith.constant 96 : index
      %swap3A_1474 = tpu.vector_load %arg7[%swap3A_1471, %swap3A_1472, %swap3A_1473] {strides = array<i32>} : memref<4x64x128xf32, #tpu.memory_space<vmem>>, vector<1x1x16xf32>,
      %swap3A_1475 = vector.shape_cast %swap3A_1474 : vector<1x1x16xf32> to vector<16xf32>
      %swap3A_1476 = vector.shape_cast %add3A_1469 : vector<16xf32> to vector<1x1x16xf32>
      tpu.vector_store %arg7[%swap3A_1471, %swap3A_1472, %swap3A_1473], %swap3A_1476 {strides = array<i32>} : memref<4x64x128xf32, #tpu.memory_space<vmem>>, vector<1x1x16xf32>,
      %get3A_1477 = arith.index_cast %add3A_1058 : i32 to index
      %get3A_1478 = arith.constant 112 : index
      %get3A_1479 = tpu.vector_load %arg8[%get3A_1477, %get3A_1478] {strides = array<i32>} : memref<64x128xf32, #tpu.memory_space<vmem>>, vector<1x16xf32>,
      %get3A_1480 = vector.shape_cast %get3A_1479 : vector<1x16xf32> to vector<16xf32>
      %get3A_1481 = arith.constant 0 : i32
      %get3A_1482 = arith.index_cast %get3A_1481 : i32 to index
      %get3A_1483 = arith.index_cast %add3A_1058 : i32 to index
      %get3A_1484 = arith.constant 112 : index
      %get3A_1485 = tpu.vector_load %arg7[%get3A_1482, %get3A_1483, %get3A_1484] {strides = array<i32>} : memref<4x64x128xf32, #tpu.memory_space<vmem>>, vector<1x1x16xf32>,
      %get3A_1486 = vector.shape_cast %get3A_1485 : vector<1x1x16xf32> to vector<16xf32>
      %add3A_1487 = arith.addf %get3A_1486, %get3A_1480 : vector<16xf32>
      %swap3A_1488 = arith.constant 0 : i32
      %swap3A_1489 = arith.index_cast %swap3A_1488 : i32 to index
      %swap3A_1490 = arith.index_cast %add3A_1058 : i32 to index
      %swap3A_1491 = arith.constant 112 : index
      %swap3A_1492 = tpu.vector_load %arg7[%swap3A_1489, %swap3A_1490, %swap3A_1491] {strides = array<i32>} : memref<4x64x128xf32, #tpu.memory_space<vmem>>, vector<1x1x16xf32>,
      %swap3A_1493 = vector.shape_cast %swap3A_1492 : vector<1x1x16xf32> to vector<16xf32>
      %swap3A_1494 = vector.shape_cast %add3A_1487 : vector<16xf32> to vector<1x1x16xf32>
      tpu.vector_store %arg7[%swap3A_1489, %swap3A_1490, %swap3A_1491], %swap3A_1494 {strides = array<i32>} : memref<4x64x128xf32, #tpu.memory_space<vmem>>, vector<1x1x16xf32>,
      %get3A_1495 = arith.constant 1 : i32
      %get3A_1496 = arith.index_cast %get3A_1495 : i32 to index
      %get3A_1497 = arith.index_cast %add3A_1058 : i32 to index
      %get3A_1498 = arith.constant 112 : index
      %get3A_1499 = tpu.vector_load %arg7[%get3A_1496, %get3A_1497, %get3A_1498] {strides = array<i32>} : memref<4x64x128xf32, #tpu.memory_space<vmem>>, vector<1x1x16xf32>,
      %get3A_1500 = vector.shape_cast %get3A_1499 : vector<1x1x16xf32> to vector<16xf32>
      %add3A_1501 = arith.addf %get3A_1500, %get3A_1480 : vector<16xf32>
      %swap3A_1502 = arith.constant 1 : i32
      %swap3A_1503 = arith.index_cast %swap3A_1502 : i32 to index
      %swap3A_1504 = arith.index_cast %add3A_1058 : i32 to index
      %swap3A_1505 = arith.constant 112 : index
      %swap3A_1506 = tpu.vector_load %arg7[%swap3A_1503, %swap3A_1504, %swap3A_1505] {strides = array<i32>} : memref<4x64x128xf32, #tpu.memory_space<vmem>>, vector<1x1x16xf32>,
      %swap3A_1507 = vector.shape_cast %swap3A_1506 : vector<1x1x16xf32> to vector<16xf32>
      %swap3A_1508 = vector.shape_cast %add3A_1501 : vector<16xf32> to vector<1x1x16xf32>
      tpu.vector_store %arg7[%swap3A_1503, %swap3A_1504, %swap3A_1505], %swap3A_1508 {strides = array<i32>} : memref<4x64x128xf32, #tpu.memory_space<vmem>>, vector<1x1x16xf32>,
      %get3A_1509 = arith.constant 2 : i32
      %get3A_1510 = arith.index_cast %get3A_1509 : i32 to index
      %get3A_1511 = arith.index_cast %add3A_1058 : i32 to index
      %get3A_1512 = arith.constant 112 : index
      %get3A_1513 = tpu.vector_load %arg7[%get3A_1510, %get3A_1511, %get3A_1512] {strides = array<i32>} : memref<4x64x128xf32, #tpu.memory_space<vmem>>, vector<1x1x16xf32>,
      %get3A_1514 = vector.shape_cast %get3A_1513 : vector<1x1x16xf32> to vector<16xf32>
      %add3A_1515 = arith.addf %get3A_1514, %get3A_1480 : vector<16xf32>
      %swap3A_1516 = arith.constant 2 : i32
      %swap3A_1517 = arith.index_cast %swap3A_1516 : i32 to index
      %swap3A_1518 = arith.index_cast %add3A_1058 : i32 to index
      %swap3A_1519 = arith.constant 112 : index
      %swap3A_1520 = tpu.vector_load %arg7[%swap3A_1517, %swap3A_1518, %swap3A_1519] {strides = array<i32>} : memref<4x64x128xf32, #tpu.memory_space<vmem>>, vector<1x1x16xf32>,
      %swap3A_1521 = vector.shape_cast %swap3A_1520 : vector<1x1x16xf32> to vector<16xf32>
      %swap3A_1522 = vector.shape_cast %add3A_1515 : vector<16xf32> to vector<1x1x16xf32>
      tpu.vector_store %arg7[%swap3A_1517, %swap3A_1518, %swap3A_1519], %swap3A_1522 {strides = array<i32>} : memref<4x64x128xf32, #tpu.memory_space<vmem>>, vector<1x1x16xf32>,
      %get3A_1523 = arith.constant 3 : i32
      %get3A_1524 = arith.index_cast %get3A_1523 : i32 to index
      %get3A_1525 = arith.index_cast %add3A_1058 : i32 to index
      %get3A_1526 = arith.constant 112 : index
      %get3A_1527 = tpu.vector_load %arg7[%get3A_1524, %get3A_1525, %get3A_1526] {strides = array<i32>} : memref<4x64x128xf32, #tpu.memory_space<vmem>>, vector<1x1x16xf32>,
      %get3A_1528 = vector.shape_cast %get3A_1527 : vector<1x1x16xf32> to vector<16xf32>
      %add3A_1529 = arith.addf %get3A_1528, %get3A_1480 : vector<16xf32>
      %swap3A_1530 = arith.constant 3 : i32
      %swap3A_1531 = arith.index_cast %swap3A_1530 : i32 to index
      %swap3A_1532 = arith.index_cast %add3A_1058 : i32 to index
      %swap3A_1533 = arith.constant 112 : index
      %swap3A_1534 = tpu.vector_load %arg7[%swap3A_1531, %swap3A_1532, %swap3A_1533] {strides = array<i32>} : memref<4x64x128xf32, #tpu.memory_space<vmem>>, vector<1x1x16xf32>,
      %swap3A_1535 = vector.shape_cast %swap3A_1534 : vector<1x1x16xf32> to vector<16xf32>
      %swap3A_1536 = vector.shape_cast %add3A_1529 : vector<16xf32> to vector<1x1x16xf32>
      tpu.vector_store %arg7[%swap3A_1531, %swap3A_1532, %swap3A_1533], %swap3A_1536 {strides = array<i32>} : memref<4x64x128xf32, #tpu.memory_space<vmem>>, vector<1x1x16xf32>,
    }
    %scan3A_349 = arith.constant 16 : i32
    "tpu.trace_stop"() : () -> ()
    "tpu.trace_start"() <{level = 10 : i32, message = "store_fire"}> : () -> ()
    %add3A_350 = arith.constant 0 : i32
    %add3A_351 = arith.addi %mul3A_2, %add3A_350 : i32
    %dma_start3A_352 = arith.constant 0 : i32
    %dma_start3A_353 = arith.constant 0 : i32
    %dma_start3A_354 = arith.constant 0 : i32
    %dma_start3A_355 = arith.constant 0 : i32
    %dma_start3A_356 = tpu.memref_slice %arg7[%dma_start3A_352, %dma_start3A_354, %dma_start3A_355] : memref<4x64x128xf32, #tpu.memory_space<vmem>> -> memref<1x16x128xf32, #tpu.memory_space<vmem>>
    %dma_start3A_357 = tpu.memref_squeeze %dma_start3A_356 : memref<1x16x128xf32, #tpu.memory_space<vmem>> -> memref<16x128xf32, #tpu.memory_space<vmem>>
    %dma_start3A_358 = arith.constant 0 : i32
    %dma_start3A_359 = tpu.memref_slice %arg5[%dma_start3A_353, %add3A_351, %dma_start3A_358] : memref<4x2048x128xf32, #tpu.memory_space<hbm>> -> memref<1x16x128xf32, #tpu.memory_space<hbm>>
    %dma_start3A_360 = tpu.memref_squeeze %dma_start3A_359 : memref<1x16x128xf32, #tpu.memory_space<hbm>> -> memref<16x128xf32, #tpu.memory_space<hbm>>
    %dma_start3A_361 = arith.constant 0 : i32
    %dma_start3A_362 = tpu.memref_slice %arg5[%dma_start3A_353, %add3A_351, %dma_start3A_361] : memref<4x2048x128xf32, #tpu.memory_space<hbm>> -> memref<1x16x128xf32, #tpu.memory_space<hbm>>
    %dma_start3A_363 = tpu.memref_squeeze %dma_start3A_362 : memref<1x16x128xf32, #tpu.memory_space<hbm>> -> memref<16x128xf32, #tpu.memory_space<hbm>>
    %dma_start3A_364 = arith.constant 0 : i32
    %dma_start3A_365 = arith.constant 0 : i32
    %dma_start3A_366 = tpu.memref_slice %arg7[%dma_start3A_352, %dma_start3A_364, %dma_start3A_365] : memref<4x64x128xf32, #tpu.memory_space<vmem>> -> memref<1x16x128xf32, #tpu.memory_space<vmem>>
    %dma_start3A_367 = tpu.memref_squeeze %dma_start3A_366 : memref<1x16x128xf32, #tpu.memory_space<vmem>> -> memref<16x128xf32, #tpu.memory_space<vmem>>
    tpu.enqueue_dma source(%dma_start3A_367 : memref<16x128xf32, #tpu.memory_space<vmem>>) target(%dma_start3A_363 : memref<16x128xf32, #tpu.memory_space<hbm>>) target_semaphore(%arg27 : memref<!tpu.dma_semaphore, #tpu.memory_space<semaphore_mem>>)
    %add3A_368 = arith.constant 0 : i32
    %add3A_369 = arith.addi %mul3A_2, %add3A_368 : i32
    %dma_start3A_370 = arith.constant 1 : i32
    %dma_start3A_371 = arith.constant 1 : i32
    %dma_start3A_372 = arith.constant 0 : i32
    %dma_start3A_373 = arith.constant 0 : i32
    %dma_start3A_374 = tpu.memref_slice %arg7[%dma_start3A_370, %dma_start3A_372, %dma_start3A_373] : memref<4x64x128xf32, #tpu.memory_space<vmem>> -> memref<1x16x128xf32, #tpu.memory_space<vmem>>
    %dma_start3A_375 = tpu.memref_squeeze %dma_start3A_374 : memref<1x16x128xf32, #tpu.memory_space<vmem>> -> memref<16x128xf32, #tpu.memory_space<vmem>>
    %dma_start3A_376 = arith.constant 0 : i32
    %dma_start3A_377 = tpu.memref_slice %arg5[%dma_start3A_371, %add3A_369, %dma_start3A_376] : memref<4x2048x128xf32, #tpu.memory_space<hbm>> -> memref<1x16x128xf32, #tpu.memory_space<hbm>>
    %dma_start3A_378 = tpu.memref_squeeze %dma_start3A_377 : memref<1x16x128xf32, #tpu.memory_space<hbm>> -> memref<16x128xf32, #tpu.memory_space<hbm>>
    %dma_start3A_379 = arith.constant 0 : i32
    %dma_start3A_380 = tpu.memref_slice %arg5[%dma_start3A_371, %add3A_369, %dma_start3A_379] : memref<4x2048x128xf32, #tpu.memory_space<hbm>> -> memref<1x16x128xf32, #tpu.memory_space<hbm>>
    %dma_start3A_381 = tpu.memref_squeeze %dma_start3A_380 : memref<1x16x128xf32, #tpu.memory_space<hbm>> -> memref<16x128xf32, #tpu.memory_space<hbm>>
    %dma_start3A_382 = arith.constant 0 : i32
    %dma_start3A_383 = arith.constant 0 : i32
    %dma_start3A_384 = tpu.memref_slice %arg7[%dma_start3A_370, %dma_start3A_382, %dma_start3A_383] : memref<4x64x128xf32, #tpu.memory_space<vmem>> -> memref<1x16x128xf32, #tpu.memory_space<vmem>>
    %dma_start3A_385 = tpu.memref_squeeze %dma_start3A_384 : memref<1x16x128xf32, #tpu.memory_space<vmem>> -> memref<16x128xf32, #tpu.memory_space<vmem>>
    tpu.enqueue_dma source(%dma_start3A_385 : memref<16x128xf32, #tpu.memory_space<vmem>>) target(%dma_start3A_381 : memref<16x128xf32, #tpu.memory_space<hbm>>) target_semaphore(%arg27 : memref<!tpu.dma_semaphore, #tpu.memory_space<semaphore_mem>>)
    %add3A_386 = arith.constant 0 : i32
    %add3A_387 = arith.addi %mul3A_2, %add3A_386 : i32
    %dma_start3A_388 = arith.constant 2 : i32
    %dma_start3A_389 = arith.constant 2 : i32
    %dma_start3A_390 = arith.constant 0 : i32
    %dma_start3A_391 = arith.constant 0 : i32
    %dma_start3A_392 = tpu.memref_slice %arg7[%dma_start3A_388, %dma_start3A_390, %dma_start3A_391] : memref<4x64x128xf32, #tpu.memory_space<vmem>> -> memref<1x16x128xf32, #tpu.memory_space<vmem>>
    %dma_start3A_393 = tpu.memref_squeeze %dma_start3A_392 : memref<1x16x128xf32, #tpu.memory_space<vmem>> -> memref<16x128xf32, #tpu.memory_space<vmem>>
    %dma_start3A_394 = arith.constant 0 : i32
    %dma_start3A_395 = tpu.memref_slice %arg5[%dma_start3A_389, %add3A_387, %dma_start3A_394] : memref<4x2048x128xf32, #tpu.memory_space<hbm>> -> memref<1x16x128xf32, #tpu.memory_space<hbm>>
    %dma_start3A_396 = tpu.memref_squeeze %dma_start3A_395 : memref<1x16x128xf32, #tpu.memory_space<hbm>> -> memref<16x128xf32, #tpu.memory_space<hbm>>
    %dma_start3A_397 = arith.constant 0 : i32
    %dma_start3A_398 = tpu.memref_slice %arg5[%dma_start3A_389, %add3A_387, %dma_start3A_397] : memref<4x2048x128xf32, #tpu.memory_space<hbm>> -> memref<1x16x128xf32, #tpu.memory_space<hbm>>
    %dma_start3A_399 = tpu.memref_squeeze %dma_start3A_398 : memref<1x16x128xf32, #tpu.memory_space<hbm>> -> memref<16x128xf32, #tpu.memory_space<hbm>>
    %dma_start3A_400 = arith.constant 0 : i32
    %dma_start3A_401 = arith.constant 0 : i32
    %dma_start3A_402 = tpu.memref_slice %arg7[%dma_start3A_388, %dma_start3A_400, %dma_start3A_401] : memref<4x64x128xf32, #tpu.memory_space<vmem>> -> memref<1x16x128xf32, #tpu.memory_space<vmem>>
    %dma_start3A_403 = tpu.memref_squeeze %dma_start3A_402 : memref<1x16x128xf32, #tpu.memory_space<vmem>> -> memref<16x128xf32, #tpu.memory_space<vmem>>
    tpu.enqueue_dma source(%dma_start3A_403 : memref<16x128xf32, #tpu.memory_space<vmem>>) target(%dma_start3A_399 : memref<16x128xf32, #tpu.memory_space<hbm>>) target_semaphore(%arg27 : memref<!tpu.dma_semaphore, #tpu.memory_space<semaphore_mem>>)
    %add3A_404 = arith.constant 0 : i32
    %add3A_405 = arith.addi %mul3A_2, %add3A_404 : i32
    %dma_start3A_406 = arith.constant 3 : i32
    %dma_start3A_407 = arith.constant 3 : i32
    %dma_start3A_408 = arith.constant 0 : i32
    %dma_start3A_409 = arith.constant 0 : i32
    %dma_start3A_410 = tpu.memref_slice %arg7[%dma_start3A_406, %dma_start3A_408, %dma_start3A_409] : memref<4x64x128xf32, #tpu.memory_space<vmem>> -> memref<1x16x128xf32, #tpu.memory_space<vmem>>
    %dma_start3A_411 = tpu.memref_squeeze %dma_start3A_410 : memref<1x16x128xf32, #tpu.memory_space<vmem>> -> memref<16x128xf32, #tpu.memory_space<vmem>>
    %dma_start3A_412 = arith.constant 0 : i32
    %dma_start3A_413 = tpu.memref_slice %arg5[%dma_start3A_407, %add3A_405, %dma_start3A_412] : memref<4x2048x128xf32, #tpu.memory_space<hbm>> -> memref<1x16x128xf32, #tpu.memory_space<hbm>>
    %dma_start3A_414 = tpu.memref_squeeze %dma_start3A_413 : memref<1x16x128xf32, #tpu.memory_space<hbm>> -> memref<16x128xf32, #tpu.memory_space<hbm>>
    %dma_start3A_415 = arith.constant 0 : i32
    %dma_start3A_416 = tpu.memref_slice %arg5[%dma_start3A_407, %add3A_405, %dma_start3A_415] : memref<4x2048x128xf32, #tpu.memory_space<hbm>> -> memref<1x16x128xf32, #tpu.memory_space<hbm>>
    %dma_start3A_417 = tpu.memref_squeeze %dma_start3A_416 : memref<1x16x128xf32, #tpu.memory_space<hbm>> -> memref<16x128xf32, #tpu.memory_space<hbm>>
    %dma_start3A_418 = arith.constant 0 : i32
    %dma_start3A_419 = arith.constant 0 : i32
    %dma_start3A_420 = tpu.memref_slice %arg7[%dma_start3A_406, %dma_start3A_418, %dma_start3A_419] : memref<4x64x128xf32, #tpu.memory_space<vmem>> -> memref<1x16x128xf32, #tpu.memory_space<vmem>>
    %dma_start3A_421 = tpu.memref_squeeze %dma_start3A_420 : memref<1x16x128xf32, #tpu.memory_space<vmem>> -> memref<16x128xf32, #tpu.memory_space<vmem>>
    tpu.enqueue_dma source(%dma_start3A_421 : memref<16x128xf32, #tpu.memory_space<vmem>>) target(%dma_start3A_417 : memref<16x128xf32, #tpu.memory_space<hbm>>) target_semaphore(%arg27 : memref<!tpu.dma_semaphore, #tpu.memory_space<semaphore_mem>>)
    %dma_wait3A_422 = arith.constant 0 : i32
    %dma_wait3A_423 = arith.constant 0 : i32
    "tpu.trace_stop"() : () -> ()
    "tpu.trace_start"() <{level = 10 : i32, message = "gather_wait"}> : () -> ()
    %dma_wait3A_424 = arith.constant 16 : i32
    %dma_wait3A_425 = arith.constant 0 : i32
    %dma_wait3A_426 = tpu.memref_slice %arg7[%dma_wait3A_423, %dma_wait3A_424, %dma_wait3A_425] : memref<4x64x128xf32, #tpu.memory_space<vmem>> -> memref<1x16x128xf32, #tpu.memory_space<vmem>>
    %dma_wait3A_427 = tpu.memref_squeeze %dma_wait3A_426 : memref<1x16x128xf32, #tpu.memory_space<vmem>> -> memref<16x128xf32, #tpu.memory_space<vmem>>
    %dma_wait3A_428 = arith.constant 16 : i32
    %dma_wait3A_429 = tpu.memref_slice %arg6[%dma_wait3A_422, %dma_wait3A_428] : memref<4x64xi32, #tpu.memory_space<vmem>> -> memref<1x16xi32, #tpu.memory_space<vmem>>
    %dma_wait3A_430 = tpu.memref_squeeze %dma_wait3A_429 : memref<1x16xi32, #tpu.memory_space<vmem>> -> memref<16xi32, #tpu.memory_space<vmem>>
    %dma_wait3A_431 = arith.constant 0 : i32
    %dma_wait3A_432 = arith.constant 0 : i32
    %dma_wait3A_433 = tpu.memref_slice %arg2[%dma_wait3A_431, %dma_wait3A_432] : memref<1000000x128xf32, #tpu.memory_space<hbm>> -> memref<1000000x128xf32, #tpu.memory_space<hbm>>
    tpu.wait_indirect_dma semaphore(%arg12 : memref<!tpu.dma_semaphore, #tpu.memory_space<semaphore_mem>>) src(%dma_wait3A_433 : memref<1000000x128xf32, #tpu.memory_space<hbm>>) dst(%dma_wait3A_427 : memref<16x128xf32, #tpu.memory_space<vmem>>)
    %dma_wait3A_434 = arith.constant 1 : i32
    %dma_wait3A_435 = arith.constant 1 : i32
    %dma_wait3A_436 = arith.constant 16 : i32
    %dma_wait3A_437 = arith.constant 0 : i32
    %dma_wait3A_438 = tpu.memref_slice %arg7[%dma_wait3A_435, %dma_wait3A_436, %dma_wait3A_437] : memref<4x64x128xf32, #tpu.memory_space<vmem>> -> memref<1x16x128xf32, #tpu.memory_space<vmem>>
    %dma_wait3A_439 = tpu.memref_squeeze %dma_wait3A_438 : memref<1x16x128xf32, #tpu.memory_space<vmem>> -> memref<16x128xf32, #tpu.memory_space<vmem>>
    %dma_wait3A_440 = arith.constant 16 : i32
    %dma_wait3A_441 = tpu.memref_slice %arg6[%dma_wait3A_434, %dma_wait3A_440] : memref<4x64xi32, #tpu.memory_space<vmem>> -> memref<1x16xi32, #tpu.memory_space<vmem>>
    %dma_wait3A_442 = tpu.memref_squeeze %dma_wait3A_441 : memref<1x16xi32, #tpu.memory_space<vmem>> -> memref<16xi32, #tpu.memory_space<vmem>>
    %dma_wait3A_443 = arith.constant 0 : i32
    %dma_wait3A_444 = arith.constant 0 : i32
    %dma_wait3A_445 = tpu.memref_slice %arg2[%dma_wait3A_443, %dma_wait3A_444] : memref<1000000x128xf32, #tpu.memory_space<hbm>> -> memref<1000000x128xf32, #tpu.memory_space<hbm>>
    tpu.wait_indirect_dma semaphore(%arg16 : memref<!tpu.dma_semaphore, #tpu.memory_space<semaphore_mem>>) src(%dma_wait3A_445 : memref<1000000x128xf32, #tpu.memory_space<hbm>>) dst(%dma_wait3A_439 : memref<16x128xf32, #tpu.memory_space<vmem>>)
    %dma_wait3A_446 = arith.constant 2 : i32
    %dma_wait3A_447 = arith.constant 2 : i32
    %dma_wait3A_448 = arith.constant 16 : i32
    %dma_wait3A_449 = arith.constant 0 : i32
    %dma_wait3A_450 = tpu.memref_slice %arg7[%dma_wait3A_447, %dma_wait3A_448, %dma_wait3A_449] : memref<4x64x128xf32, #tpu.memory_space<vmem>> -> memref<1x16x128xf32, #tpu.memory_space<vmem>>
    %dma_wait3A_451 = tpu.memref_squeeze %dma_wait3A_450 : memref<1x16x128xf32, #tpu.memory_space<vmem>> -> memref<16x128xf32, #tpu.memory_space<vmem>>
    %dma_wait3A_452 = arith.constant 16 : i32
    %dma_wait3A_453 = tpu.memref_slice %arg6[%dma_wait3A_446, %dma_wait3A_452] : memref<4x64xi32, #tpu.memory_space<vmem>> -> memref<1x16xi32, #tpu.memory_space<vmem>>
    %dma_wait3A_454 = tpu.memref_squeeze %dma_wait3A_453 : memref<1x16xi32, #tpu.memory_space<vmem>> -> memref<16xi32, #tpu.memory_space<vmem>>
    %dma_wait3A_455 = arith.constant 0 : i32
    %dma_wait3A_456 = arith.constant 0 : i32
    %dma_wait3A_457 = tpu.memref_slice %arg2[%dma_wait3A_455, %dma_wait3A_456] : memref<1000000x128xf32, #tpu.memory_space<hbm>> -> memref<1000000x128xf32, #tpu.memory_space<hbm>>
    tpu.wait_indirect_dma semaphore(%arg20 : memref<!tpu.dma_semaphore, #tpu.memory_space<semaphore_mem>>) src(%dma_wait3A_457 : memref<1000000x128xf32, #tpu.memory_space<hbm>>) dst(%dma_wait3A_451 : memref<16x128xf32, #tpu.memory_space<vmem>>)
    %dma_wait3A_458 = arith.constant 3 : i32
    %dma_wait3A_459 = arith.constant 3 : i32
    %dma_wait3A_460 = arith.constant 16 : i32
    %dma_wait3A_461 = arith.constant 0 : i32
    %dma_wait3A_462 = tpu.memref_slice %arg7[%dma_wait3A_459, %dma_wait3A_460, %dma_wait3A_461] : memref<4x64x128xf32, #tpu.memory_space<vmem>> -> memref<1x16x128xf32, #tpu.memory_space<vmem>>
    %dma_wait3A_463 = tpu.memref_squeeze %dma_wait3A_462 : memref<1x16x128xf32, #tpu.memory_space<vmem>> -> memref<16x128xf32, #tpu.memory_space<vmem>>
    %dma_wait3A_464 = arith.constant 16 : i32
    %dma_wait3A_465 = tpu.memref_slice %arg6[%dma_wait3A_458, %dma_wait3A_464] : memref<4x64xi32, #tpu.memory_space<vmem>> -> memref<1x16xi32, #tpu.memory_space<vmem>>
    %dma_wait3A_466 = tpu.memref_squeeze %dma_wait3A_465 : memref<1x16xi32, #tpu.memory_space<vmem>> -> memref<16xi32, #tpu.memory_space<vmem>>
    %dma_wait3A_467 = arith.constant 0 : i32
    %dma_wait3A_468 = arith.constant 0 : i32
    %dma_wait3A_469 = tpu.memref_slice %arg2[%dma_wait3A_467, %dma_wait3A_468] : memref<1000000x128xf32, #tpu.memory_space<hbm>> -> memref<1000000x128xf32, #tpu.memory_space<hbm>>
    tpu.wait_indirect_dma semaphore(%arg24 : memref<!tpu.dma_semaphore, #tpu.memory_space<semaphore_mem>>) src(%dma_wait3A_469 : memref<1000000x128xf32, #tpu.memory_space<hbm>>) dst(%dma_wait3A_463 : memref<16x128xf32, #tpu.memory_space<vmem>>)
    "tpu.trace_stop"() : () -> ()
    "tpu.trace_start"() <{level = 10 : i32, message = "add_loop"}> : () -> ()
    %scan3A_470 = arith.constant 0 : i32
    %scan3A_471 = arith.constant 0 : i32
    %scan3A_472 = arith.constant 16 : i32
    %scan3A_473 = arith.addi %scan3A_471, %scan3A_472 : i32
    %scan3A_474 = arith.constant 1 : i32
    scf.for %scan3A_1056 = %scan3A_471 to %scan3A_473 step %scan3A_474  : i32 {
      %add3A_1057 = arith.constant 16 : i32
      %add3A_1058 = arith.addi %add3A_1057, %scan3A_1056 : i32
      %get3A = arith.index_cast %add3A_1058 : i32 to index
      %get3A_1059 = arith.constant 0 : index
      %get3A_1060 = tpu.vector_load %arg8[%get3A, %get3A_1059] {strides = array<i32>} : memref<64x128xf32, #tpu.memory_space<vmem>>, vector<1x16xf32>,
      %get3A_1061 = vector.shape_cast %get3A_1060 : vector<1x16xf32> to vector<16xf32>
      %get3A_1062 = arith.constant 0 : i32
      %get3A_1063 = arith.index_cast %get3A_1062 : i32 to index
      %get3A_1064 = arith.index_cast %add3A_1058 : i32 to index
      %get3A_1065 = arith.constant 0 : index
      %get3A_1066 = tpu.vector_load %arg7[%get3A_1063, %get3A_1064, %get3A_1065] {strides = array<i32>} : memref<4x64x128xf32, #tpu.memory_space<vmem>>, vector<1x1x16xf32>,
      %get3A_1067 = vector.shape_cast %get3A_1066 : vector<1x1x16xf32> to vector<16xf32>
      %add3A_1068 = arith.addf %get3A_1067, %get3A_1061 : vector<16xf32>
      %swap3A = arith.constant 0 : i32
      %swap3A_1069 = arith.index_cast %swap3A : i32 to index
      %swap3A_1070 = arith.index_cast %add3A_1058 : i32 to index
      %swap3A_1071 = arith.constant 0 : index
      %swap3A_1072 = tpu.vector_load %arg7[%swap3A_1069, %swap3A_1070, %swap3A_1071] {strides = array<i32>} : memref<4x64x128xf32, #tpu.memory_space<vmem>>, vector<1x1x16xf32>,
      %swap3A_1073 = vector.shape_cast %swap3A_1072 : vector<1x1x16xf32> to vector<16xf32>
      %swap3A_1074 = vector.shape_cast %add3A_1068 : vector<16xf32> to vector<1x1x16xf32>
      tpu.vector_store %arg7[%swap3A_1069, %swap3A_1070, %swap3A_1071], %swap3A_1074 {strides = array<i32>} : memref<4x64x128xf32, #tpu.memory_space<vmem>>, vector<1x1x16xf32>,
      %get3A_1075 = arith.constant 1 : i32
      %get3A_1076 = arith.index_cast %get3A_1075 : i32 to index
      %get3A_1077 = arith.index_cast %add3A_1058 : i32 to index
      %get3A_1078 = arith.constant 0 : index
      %get3A_1079 = tpu.vector_load %arg7[%get3A_1076, %get3A_1077, %get3A_1078] {strides = array<i32>} : memref<4x64x128xf32, #tpu.memory_space<vmem>>, vector<1x1x16xf32>,
      %get3A_1080 = vector.shape_cast %get3A_1079 : vector<1x1x16xf32> to vector<16xf32>
      %add3A_1081 = arith.addf %get3A_1080, %get3A_1061 : vector<16xf32>
      %swap3A_1082 = arith.constant 1 : i32
      %swap3A_1083 = arith.index_cast %swap3A_1082 : i32 to index
      %swap3A_1084 = arith.index_cast %add3A_1058 : i32 to index
      %swap3A_1085 = arith.constant 0 : index
      %swap3A_1086 = tpu.vector_load %arg7[%swap3A_1083, %swap3A_1084, %swap3A_1085] {strides = array<i32>} : memref<4x64x128xf32, #tpu.memory_space<vmem>>, vector<1x1x16xf32>,
      %swap3A_1087 = vector.shape_cast %swap3A_1086 : vector<1x1x16xf32> to vector<16xf32>
      %swap3A_1088 = vector.shape_cast %add3A_1081 : vector<16xf32> to vector<1x1x16xf32>
      tpu.vector_store %arg7[%swap3A_1083, %swap3A_1084, %swap3A_1085], %swap3A_1088 {strides = array<i32>} : memref<4x64x128xf32, #tpu.memory_space<vmem>>, vector<1x1x16xf32>,
      %get3A_1089 = arith.constant 2 : i32
      %get3A_1090 = arith.index_cast %get3A_1089 : i32 to index
      %get3A_1091 = arith.index_cast %add3A_1058 : i32 to index
      %get3A_1092 = arith.constant 0 : index
      %get3A_1093 = tpu.vector_load %arg7[%get3A_1090, %get3A_1091, %get3A_1092] {strides = array<i32>} : memref<4x64x128xf32, #tpu.memory_space<vmem>>, vector<1x1x16xf32>,
      %get3A_1094 = vector.shape_cast %get3A_1093 : vector<1x1x16xf32> to vector<16xf32>
      %add3A_1095 = arith.addf %get3A_1094, %get3A_1061 : vector<16xf32>
      %swap3A_1096 = arith.constant 2 : i32
      %swap3A_1097 = arith.index_cast %swap3A_1096 : i32 to index
      %swap3A_1098 = arith.index_cast %add3A_1058 : i32 to index
      %swap3A_1099 = arith.constant 0 : index
      %swap3A_1100 = tpu.vector_load %arg7[%swap3A_1097, %swap3A_1098, %swap3A_1099] {strides = array<i32>} : memref<4x64x128xf32, #tpu.memory_space<vmem>>, vector<1x1x16xf32>,
      %swap3A_1101 = vector.shape_cast %swap3A_1100 : vector<1x1x16xf32> to vector<16xf32>
      %swap3A_1102 = vector.shape_cast %add3A_1095 : vector<16xf32> to vector<1x1x16xf32>
      tpu.vector_store %arg7[%swap3A_1097, %swap3A_1098, %swap3A_1099], %swap3A_1102 {strides = array<i32>} : memref<4x64x128xf32, #tpu.memory_space<vmem>>, vector<1x1x16xf32>,
      %get3A_1103 = arith.constant 3 : i32
      %get3A_1104 = arith.index_cast %get3A_1103 : i32 to index
      %get3A_1105 = arith.index_cast %add3A_1058 : i32 to index
      %get3A_1106 = arith.constant 0 : index
      %get3A_1107 = tpu.vector_load %arg7[%get3A_1104, %get3A_1105, %get3A_1106] {strides = array<i32>} : memref<4x64x128xf32, #tpu.memory_space<vmem>>, vector<1x1x16xf32>,
      %get3A_1108 = vector.shape_cast %get3A_1107 : vector<1x1x16xf32> to vector<16xf32>
      %add3A_1109 = arith.addf %get3A_1108, %get3A_1061 : vector<16xf32>
      %swap3A_1110 = arith.constant 3 : i32
      %swap3A_1111 = arith.index_cast %swap3A_1110 : i32 to index
      %swap3A_1112 = arith.index_cast %add3A_1058 : i32 to index
      %swap3A_1113 = arith.constant 0 : index
      %swap3A_1114 = tpu.vector_load %arg7[%swap3A_1111, %swap3A_1112, %swap3A_1113] {strides = array<i32>} : memref<4x64x128xf32, #tpu.memory_space<vmem>>, vector<1x1x16xf32>,
      %swap3A_1115 = vector.shape_cast %swap3A_1114 : vector<1x1x16xf32> to vector<16xf32>
      %swap3A_1116 = vector.shape_cast %add3A_1109 : vector<16xf32> to vector<1x1x16xf32>
      tpu.vector_store %arg7[%swap3A_1111, %swap3A_1112, %swap3A_1113], %swap3A_1116 {strides = array<i32>} : memref<4x64x128xf32, #tpu.memory_space<vmem>>, vector<1x1x16xf32>,
      %get3A_1117 = arith.index_cast %add3A_1058 : i32 to index
      %get3A_1118 = arith.constant 16 : index
      %get3A_1119 = tpu.vector_load %arg8[%get3A_1117, %get3A_1118] {strides = array<i32>} : memref<64x128xf32, #tpu.memory_space<vmem>>, vector<1x16xf32>,
      %get3A_1120 = vector.shape_cast %get3A_1119 : vector<1x16xf32> to vector<16xf32>
      %get3A_1121 = arith.constant 0 : i32
      %get3A_1122 = arith.index_cast %get3A_1121 : i32 to index
      %get3A_1123 = arith.index_cast %add3A_1058 : i32 to index
      %get3A_1124 = arith.constant 16 : index
      %get3A_1125 = tpu.vector_load %arg7[%get3A_1122, %get3A_1123, %get3A_1124] {strides = array<i32>} : memref<4x64x128xf32, #tpu.memory_space<vmem>>, vector<1x1x16xf32>,
      %get3A_1126 = vector.shape_cast %get3A_1125 : vector<1x1x16xf32> to vector<16xf32>
      %add3A_1127 = arith.addf %get3A_1126, %get3A_1120 : vector<16xf32>
      %swap3A_1128 = arith.constant 0 : i32
      %swap3A_1129 = arith.index_cast %swap3A_1128 : i32 to index
      %swap3A_1130 = arith.index_cast %add3A_1058 : i32 to index
      %swap3A_1131 = arith.constant 16 : index
      %swap3A_1132 = tpu.vector_load %arg7[%swap3A_1129, %swap3A_1130, %swap3A_1131] {strides = array<i32>} : memref<4x64x128xf32, #tpu.memory_space<vmem>>, vector<1x1x16xf32>,
      %swap3A_1133 = vector.shape_cast %swap3A_1132 : vector<1x1x16xf32> to vector<16xf32>
      %swap3A_1134 = vector.shape_cast %add3A_1127 : vector<16xf32> to vector<1x1x16xf32>
      tpu.vector_store %arg7[%swap3A_1129, %swap3A_1130, %swap3A_1131], %swap3A_1134 {strides = array<i32>} : memref<4x64x128xf32, #tpu.memory_space<vmem>>, vector<1x1x16xf32>,
      %get3A_1135 = arith.constant 1 : i32
      %get3A_1136 = arith.index_cast %get3A_1135 : i32 to index
      %get3A_1137 = arith.index_cast %add3A_1058 : i32 to index
      %get3A_1138 = arith.constant 16 : index
      %get3A_1139 = tpu.vector_load %arg7[%get3A_1136, %get3A_1137, %get3A_1138] {strides = array<i32>} : memref<4x64x128xf32, #tpu.memory_space<vmem>>, vector<1x1x16xf32>,
      %get3A_1140 = vector.shape_cast %get3A_1139 : vector<1x1x16xf32> to vector<16xf32>
      %add3A_1141 = arith.addf %get3A_1140, %get3A_1120 : vector<16xf32>
      %swap3A_1142 = arith.constant 1 : i32
      %swap3A_1143 = arith.index_cast %swap3A_1142 : i32 to index
      %swap3A_1144 = arith.index_cast %add3A_1058 : i32 to index
      %swap3A_1145 = arith.constant 16 : index
      %swap3A_1146 = tpu.vector_load %arg7[%swap3A_1143, %swap3A_1144, %swap3A_1145] {strides = array<i32>} : memref<4x64x128xf32, #tpu.memory_space<vmem>>, vector<1x1x16xf32>,
      %swap3A_1147 = vector.shape_cast %swap3A_1146 : vector<1x1x16xf32> to vector<16xf32>
      %swap3A_1148 = vector.shape_cast %add3A_1141 : vector<16xf32> to vector<1x1x16xf32>
      tpu.vector_store %arg7[%swap3A_1143, %swap3A_1144, %swap3A_1145], %swap3A_1148 {strides = array<i32>} : memref<4x64x128xf32, #tpu.memory_space<vmem>>, vector<1x1x16xf32>,
      %get3A_1149 = arith.constant 2 : i32
      %get3A_1150 = arith.index_cast %get3A_1149 : i32 to index
      %get3A_1151 = arith.index_cast %add3A_1058 : i32 to index
      %get3A_1152 = arith.constant 16 : index
      %get3A_1153 = tpu.vector_load %arg7[%get3A_1150, %get3A_1151, %get3A_1152] {strides = array<i32>} : memref<4x64x128xf32, #tpu.memory_space<vmem>>, vector<1x1x16xf32>,
      %get3A_1154 = vector.shape_cast %get3A_1153 : vector<1x1x16xf32> to vector<16xf32>
      %add3A_1155 = arith.addf %get3A_1154, %get3A_1120 : vector<16xf32>
      %swap3A_1156 = arith.constant 2 : i32
      %swap3A_1157 = arith.index_cast %swap3A_1156 : i32 to index
      %swap3A_1158 = arith.index_cast %add3A_1058 : i32 to index
      %swap3A_1159 = arith.constant 16 : index
      %swap3A_1160 = tpu.vector_load %arg7[%swap3A_1157, %swap3A_1158, %swap3A_1159] {strides = array<i32>} : memref<4x64x128xf32, #tpu.memory_space<vmem>>, vector<1x1x16xf32>,
      %swap3A_1161 = vector.shape_cast %swap3A_1160 : vector<1x1x16xf32> to vector<16xf32>
      %swap3A_1162 = vector.shape_cast %add3A_1155 : vector<16xf32> to vector<1x1x16xf32>
      tpu.vector_store %arg7[%swap3A_1157, %swap3A_1158, %swap3A_1159], %swap3A_1162 {strides = array<i32>} : memref<4x64x128xf32, #tpu.memory_space<vmem>>, vector<1x1x16xf32>,
      %get3A_1163 = arith.constant 3 : i32
      %get3A_1164 = arith.index_cast %get3A_1163 : i32 to index
      %get3A_1165 = arith.index_cast %add3A_1058 : i32 to index
      %get3A_1166 = arith.constant 16 : index
      %get3A_1167 = tpu.vector_load %arg7[%get3A_1164, %get3A_1165, %get3A_1166] {strides = array<i32>} : memref<4x64x128xf32, #tpu.memory_space<vmem>>, vector<1x1x16xf32>,
      %get3A_1168 = vector.shape_cast %get3A_1167 : vector<1x1x16xf32> to vector<16xf32>
      %add3A_1169 = arith.addf %get3A_1168, %get3A_1120 : vector<16xf32>
      %swap3A_1170 = arith.constant 3 : i32
      %swap3A_1171 = arith.index_cast %swap3A_1170 : i32 to index
      %swap3A_1172 = arith.index_cast %add3A_1058 : i32 to index
      %swap3A_1173 = arith.constant 16 : index
      %swap3A_1174 = tpu.vector_load %arg7[%swap3A_1171, %swap3A_1172, %swap3A_1173] {strides = array<i32>} : memref<4x64x128xf32, #tpu.memory_space<vmem>>, vector<1x1x16xf32>,
      %swap3A_1175 = vector.shape_cast %swap3A_1174 : vector<1x1x16xf32> to vector<16xf32>
      %swap3A_1176 = vector.shape_cast %add3A_1169 : vector<16xf32> to vector<1x1x16xf32>
      tpu.vector_store %arg7[%swap3A_1171, %swap3A_1172, %swap3A_1173], %swap3A_1176 {strides = array<i32>} : memref<4x64x128xf32, #tpu.memory_space<vmem>>, vector<1x1x16xf32>,
      %get3A_1177 = arith.index_cast %add3A_1058 : i32 to index
      %get3A_1178 = arith.constant 32 : index
      %get3A_1179 = tpu.vector_load %arg8[%get3A_1177, %get3A_1178] {strides = array<i32>} : memref<64x128xf32, #tpu.memory_space<vmem>>, vector<1x16xf32>,
      %get3A_1180 = vector.shape_cast %get3A_1179 : vector<1x16xf32> to vector<16xf32>
      %get3A_1181 = arith.constant 0 : i32
      %get3A_1182 = arith.index_cast %get3A_1181 : i32 to index
      %get3A_1183 = arith.index_cast %add3A_1058 : i32 to index
      %get3A_1184 = arith.constant 32 : index
      %get3A_1185 = tpu.vector_load %arg7[%get3A_1182, %get3A_1183, %get3A_1184] {strides = array<i32>} : memref<4x64x128xf32, #tpu.memory_space<vmem>>, vector<1x1x16xf32>,
      %get3A_1186 = vector.shape_cast %get3A_1185 : vector<1x1x16xf32> to vector<16xf32>
      %add3A_1187 = arith.addf %get3A_1186, %get3A_1180 : vector<16xf32>
      %swap3A_1188 = arith.constant 0 : i32
      %swap3A_1189 = arith.index_cast %swap3A_1188 : i32 to index
      %swap3A_1190 = arith.index_cast %add3A_1058 : i32 to index
      %swap3A_1191 = arith.constant 32 : index
      %swap3A_1192 = tpu.vector_load %arg7[%swap3A_1189, %swap3A_1190, %swap3A_1191] {strides = array<i32>} : memref<4x64x128xf32, #tpu.memory_space<vmem>>, vector<1x1x16xf32>,
      %swap3A_1193 = vector.shape_cast %swap3A_1192 : vector<1x1x16xf32> to vector<16xf32>
      %swap3A_1194 = vector.shape_cast %add3A_1187 : vector<16xf32> to vector<1x1x16xf32>
      tpu.vector_store %arg7[%swap3A_1189, %swap3A_1190, %swap3A_1191], %swap3A_1194 {strides = array<i32>} : memref<4x64x128xf32, #tpu.memory_space<vmem>>, vector<1x1x16xf32>,
      %get3A_1195 = arith.constant 1 : i32
      %get3A_1196 = arith.index_cast %get3A_1195 : i32 to index
      %get3A_1197 = arith.index_cast %add3A_1058 : i32 to index
      %get3A_1198 = arith.constant 32 : index
      %get3A_1199 = tpu.vector_load %arg7[%get3A_1196, %get3A_1197, %get3A_1198] {strides = array<i32>} : memref<4x64x128xf32, #tpu.memory_space<vmem>>, vector<1x1x16xf32>,
      %get3A_1200 = vector.shape_cast %get3A_1199 : vector<1x1x16xf32> to vector<16xf32>
      %add3A_1201 = arith.addf %get3A_1200, %get3A_1180 : vector<16xf32>
      %swap3A_1202 = arith.constant 1 : i32
      %swap3A_1203 = arith.index_cast %swap3A_1202 : i32 to index
      %swap3A_1204 = arith.index_cast %add3A_1058 : i32 to index
      %swap3A_1205 = arith.constant 32 : index
      %swap3A_1206 = tpu.vector_load %arg7[%swap3A_1203, %swap3A_1204, %swap3A_1205] {strides = array<i32>} : memref<4x64x128xf32, #tpu.memory_space<vmem>>, vector<1x1x16xf32>,
      %swap3A_1207 = vector.shape_cast %swap3A_1206 : vector<1x1x16xf32> to vector<16xf32>
      %swap3A_1208 = vector.shape_cast %add3A_1201 : vector<16xf32> to vector<1x1x16xf32>
      tpu.vector_store %arg7[%swap3A_1203, %swap3A_1204, %swap3A_1205], %swap3A_1208 {strides = array<i32>} : memref<4x64x128xf32, #tpu.memory_space<vmem>>, vector<1x1x16xf32>,
      %get3A_1209 = arith.constant 2 : i32
      %get3A_1210 = arith.index_cast %get3A_1209 : i32 to index
      %get3A_1211 = arith.index_cast %add3A_1058 : i32 to index
      %get3A_1212 = arith.constant 32 : index
      %get3A_1213 = tpu.vector_load %arg7[%get3A_1210, %get3A_1211, %get3A_1212] {strides = array<i32>} : memref<4x64x128xf32, #tpu.memory_space<vmem>>, vector<1x1x16xf32>,
      %get3A_1214 = vector.shape_cast %get3A_1213 : vector<1x1x16xf32> to vector<16xf32>
      %add3A_1215 = arith.addf %get3A_1214, %get3A_1180 : vector<16xf32>
      %swap3A_1216 = arith.constant 2 : i32
      %swap3A_1217 = arith.index_cast %swap3A_1216 : i32 to index
      %swap3A_1218 = arith.index_cast %add3A_1058 : i32 to index
      %swap3A_1219 = arith.constant 32 : index
      %swap3A_1220 = tpu.vector_load %arg7[%swap3A_1217, %swap3A_1218, %swap3A_1219] {strides = array<i32>} : memref<4x64x128xf32, #tpu.memory_space<vmem>>, vector<1x1x16xf32>,
      %swap3A_1221 = vector.shape_cast %swap3A_1220 : vector<1x1x16xf32> to vector<16xf32>
      %swap3A_1222 = vector.shape_cast %add3A_1215 : vector<16xf32> to vector<1x1x16xf32>
      tpu.vector_store %arg7[%swap3A_1217, %swap3A_1218, %swap3A_1219], %swap3A_1222 {strides = array<i32>} : memref<4x64x128xf32, #tpu.memory_space<vmem>>, vector<1x1x16xf32>,
      %get3A_1223 = arith.constant 3 : i32
      %get3A_1224 = arith.index_cast %get3A_1223 : i32 to index
      %get3A_1225 = arith.index_cast %add3A_1058 : i32 to index
      %get3A_1226 = arith.constant 32 : index
      %get3A_1227 = tpu.vector_load %arg7[%get3A_1224, %get3A_1225, %get3A_1226] {strides = array<i32>} : memref<4x64x128xf32, #tpu.memory_space<vmem>>, vector<1x1x16xf32>,
      %get3A_1228 = vector.shape_cast %get3A_1227 : vector<1x1x16xf32> to vector<16xf32>
      %add3A_1229 = arith.addf %get3A_1228, %get3A_1180 : vector<16xf32>
      %swap3A_1230 = arith.constant 3 : i32
      %swap3A_1231 = arith.index_cast %swap3A_1230 : i32 to index
      %swap3A_1232 = arith.index_cast %add3A_1058 : i32 to index
      %swap3A_1233 = arith.constant 32 : index
      %swap3A_1234 = tpu.vector_load %arg7[%swap3A_1231, %swap3A_1232, %swap3A_1233] {strides = array<i32>} : memref<4x64x128xf32, #tpu.memory_space<vmem>>, vector<1x1x16xf32>,
      %swap3A_1235 = vector.shape_cast %swap3A_1234 : vector<1x1x16xf32> to vector<16xf32>
      %swap3A_1236 = vector.shape_cast %add3A_1229 : vector<16xf32> to vector<1x1x16xf32>
      tpu.vector_store %arg7[%swap3A_1231, %swap3A_1232, %swap3A_1233], %swap3A_1236 {strides = array<i32>} : memref<4x64x128xf32, #tpu.memory_space<vmem>>, vector<1x1x16xf32>,
      %get3A_1237 = arith.index_cast %add3A_1058 : i32 to index
      %get3A_1238 = arith.constant 48 : index
      %get3A_1239 = tpu.vector_load %arg8[%get3A_1237, %get3A_1238] {strides = array<i32>} : memref<64x128xf32, #tpu.memory_space<vmem>>, vector<1x16xf32>,
      %get3A_1240 = vector.shape_cast %get3A_1239 : vector<1x16xf32> to vector<16xf32>
      %get3A_1241 = arith.constant 0 : i32
      %get3A_1242 = arith.index_cast %get3A_1241 : i32 to index
      %get3A_1243 = arith.index_cast %add3A_1058 : i32 to index
      %get3A_1244 = arith.constant 48 : index
      %get3A_1245 = tpu.vector_load %arg7[%get3A_1242, %get3A_1243, %get3A_1244] {strides = array<i32>} : memref<4x64x128xf32, #tpu.memory_space<vmem>>, vector<1x1x16xf32>,
      %get3A_1246 = vector.shape_cast %get3A_1245 : vector<1x1x16xf32> to vector<16xf32>
      %add3A_1247 = arith.addf %get3A_1246, %get3A_1240 : vector<16xf32>
      %swap3A_1248 = arith.constant 0 : i32
      %swap3A_1249 = arith.index_cast %swap3A_1248 : i32 to index
      %swap3A_1250 = arith.index_cast %add3A_1058 : i32 to index
      %swap3A_1251 = arith.constant 48 : index
      %swap3A_1252 = tpu.vector_load %arg7[%swap3A_1249, %swap3A_1250, %swap3A_1251] {strides = array<i32>} : memref<4x64x128xf32, #tpu.memory_space<vmem>>, vector<1x1x16xf32>,
      %swap3A_1253 = vector.shape_cast %swap3A_1252 : vector<1x1x16xf32> to vector<16xf32>
      %swap3A_1254 = vector.shape_cast %add3A_1247 : vector<16xf32> to vector<1x1x16xf32>
      tpu.vector_store %arg7[%swap3A_1249, %swap3A_1250, %swap3A_1251], %swap3A_1254 {strides = array<i32>} : memref<4x64x128xf32, #tpu.memory_space<vmem>>, vector<1x1x16xf32>,
      %get3A_1255 = arith.constant 1 : i32
      %get3A_1256 = arith.index_cast %get3A_1255 : i32 to index
      %get3A_1257 = arith.index_cast %add3A_1058 : i32 to index
      %get3A_1258 = arith.constant 48 : index
      %get3A_1259 = tpu.vector_load %arg7[%get3A_1256, %get3A_1257, %get3A_1258] {strides = array<i32>} : memref<4x64x128xf32, #tpu.memory_space<vmem>>, vector<1x1x16xf32>,
      %get3A_1260 = vector.shape_cast %get3A_1259 : vector<1x1x16xf32> to vector<16xf32>
      %add3A_1261 = arith.addf %get3A_1260, %get3A_1240 : vector<16xf32>
      %swap3A_1262 = arith.constant 1 : i32
      %swap3A_1263 = arith.index_cast %swap3A_1262 : i32 to index
      %swap3A_1264 = arith.index_cast %add3A_1058 : i32 to index
      %swap3A_1265 = arith.constant 48 : index
      %swap3A_1266 = tpu.vector_load %arg7[%swap3A_1263, %swap3A_1264, %swap3A_1265] {strides = array<i32>} : memref<4x64x128xf32, #tpu.memory_space<vmem>>, vector<1x1x16xf32>,
      %swap3A_1267 = vector.shape_cast %swap3A_1266 : vector<1x1x16xf32> to vector<16xf32>
      %swap3A_1268 = vector.shape_cast %add3A_1261 : vector<16xf32> to vector<1x1x16xf32>
      tpu.vector_store %arg7[%swap3A_1263, %swap3A_1264, %swap3A_1265], %swap3A_1268 {strides = array<i32>} : memref<4x64x128xf32, #tpu.memory_space<vmem>>, vector<1x1x16xf32>,
      %get3A_1269 = arith.constant 2 : i32
      %get3A_1270 = arith.index_cast %get3A_1269 : i32 to index
      %get3A_1271 = arith.index_cast %add3A_1058 : i32 to index
      %get3A_1272 = arith.constant 48 : index
      %get3A_1273 = tpu.vector_load %arg7[%get3A_1270, %get3A_1271, %get3A_1272] {strides = array<i32>} : memref<4x64x128xf32, #tpu.memory_space<vmem>>, vector<1x1x16xf32>,
      %get3A_1274 = vector.shape_cast %get3A_1273 : vector<1x1x16xf32> to vector<16xf32>
      %add3A_1275 = arith.addf %get3A_1274, %get3A_1240 : vector<16xf32>
      %swap3A_1276 = arith.constant 2 : i32
      %swap3A_1277 = arith.index_cast %swap3A_1276 : i32 to index
      %swap3A_1278 = arith.index_cast %add3A_1058 : i32 to index
      %swap3A_1279 = arith.constant 48 : index
      %swap3A_1280 = tpu.vector_load %arg7[%swap3A_1277, %swap3A_1278, %swap3A_1279] {strides = array<i32>} : memref<4x64x128xf32, #tpu.memory_space<vmem>>, vector<1x1x16xf32>,
      %swap3A_1281 = vector.shape_cast %swap3A_1280 : vector<1x1x16xf32> to vector<16xf32>
      %swap3A_1282 = vector.shape_cast %add3A_1275 : vector<16xf32> to vector<1x1x16xf32>
      tpu.vector_store %arg7[%swap3A_1277, %swap3A_1278, %swap3A_1279], %swap3A_1282 {strides = array<i32>} : memref<4x64x128xf32, #tpu.memory_space<vmem>>, vector<1x1x16xf32>,
      %get3A_1283 = arith.constant 3 : i32
      %get3A_1284 = arith.index_cast %get3A_1283 : i32 to index
      %get3A_1285 = arith.index_cast %add3A_1058 : i32 to index
      %get3A_1286 = arith.constant 48 : index
      %get3A_1287 = tpu.vector_load %arg7[%get3A_1284, %get3A_1285, %get3A_1286] {strides = array<i32>} : memref<4x64x128xf32, #tpu.memory_space<vmem>>, vector<1x1x16xf32>,
      %get3A_1288 = vector.shape_cast %get3A_1287 : vector<1x1x16xf32> to vector<16xf32>
      %add3A_1289 = arith.addf %get3A_1288, %get3A_1240 : vector<16xf32>
      %swap3A_1290 = arith.constant 3 : i32
      %swap3A_1291 = arith.index_cast %swap3A_1290 : i32 to index
      %swap3A_1292 = arith.index_cast %add3A_1058 : i32 to index
      %swap3A_1293 = arith.constant 48 : index
      %swap3A_1294 = tpu.vector_load %arg7[%swap3A_1291, %swap3A_1292, %swap3A_1293] {strides = array<i32>} : memref<4x64x128xf32, #tpu.memory_space<vmem>>, vector<1x1x16xf32>,
      %swap3A_1295 = vector.shape_cast %swap3A_1294 : vector<1x1x16xf32> to vector<16xf32>
      %swap3A_1296 = vector.shape_cast %add3A_1289 : vector<16xf32> to vector<1x1x16xf32>
      tpu.vector_store %arg7[%swap3A_1291, %swap3A_1292, %swap3A_1293], %swap3A_1296 {strides = array<i32>} : memref<4x64x128xf32, #tpu.memory_space<vmem>>, vector<1x1x16xf32>,
      %get3A_1297 = arith.index_cast %add3A_1058 : i32 to index
      %get3A_1298 = arith.constant 64 : index
      %get3A_1299 = tpu.vector_load %arg8[%get3A_1297, %get3A_1298] {strides = array<i32>} : memref<64x128xf32, #tpu.memory_space<vmem>>, vector<1x16xf32>,
      %get3A_1300 = vector.shape_cast %get3A_1299 : vector<1x16xf32> to vector<16xf32>
      %get3A_1301 = arith.constant 0 : i32
      %get3A_1302 = arith.index_cast %get3A_1301 : i32 to index
      %get3A_1303 = arith.index_cast %add3A_1058 : i32 to index
      %get3A_1304 = arith.constant 64 : index
      %get3A_1305 = tpu.vector_load %arg7[%get3A_1302, %get3A_1303, %get3A_1304] {strides = array<i32>} : memref<4x64x128xf32, #tpu.memory_space<vmem>>, vector<1x1x16xf32>,
      %get3A_1306 = vector.shape_cast %get3A_1305 : vector<1x1x16xf32> to vector<16xf32>
      %add3A_1307 = arith.addf %get3A_1306, %get3A_1300 : vector<16xf32>
      %swap3A_1308 = arith.constant 0 : i32
      %swap3A_1309 = arith.index_cast %swap3A_1308 : i32 to index
      %swap3A_1310 = arith.index_cast %add3A_1058 : i32 to index
      %swap3A_1311 = arith.constant 64 : index
      %swap3A_1312 = tpu.vector_load %arg7[%swap3A_1309, %swap3A_1310, %swap3A_1311] {strides = array<i32>} : memref<4x64x128xf32, #tpu.memory_space<vmem>>, vector<1x1x16xf32>,
      %swap3A_1313 = vector.shape_cast %swap3A_1312 : vector<1x1x16xf32> to vector<16xf32>
      %swap3A_1314 = vector.shape_cast %add3A_1307 : vector<16xf32> to vector<1x1x16xf32>
      tpu.vector_store %arg7[%swap3A_1309, %swap3A_1310, %swap3A_1311], %swap3A_1314 {strides = array<i32>} : memref<4x64x128xf32, #tpu.memory_space<vmem>>, vector<1x1x16xf32>,
      %get3A_1315 = arith.constant 1 : i32
      %get3A_1316 = arith.index_cast %get3A_1315 : i32 to index
      %get3A_1317 = arith.index_cast %add3A_1058 : i32 to index
      %get3A_1318 = arith.constant 64 : index
      %get3A_1319 = tpu.vector_load %arg7[%get3A_1316, %get3A_1317, %get3A_1318] {strides = array<i32>} : memref<4x64x128xf32, #tpu.memory_space<vmem>>, vector<1x1x16xf32>,
      %get3A_1320 = vector.shape_cast %get3A_1319 : vector<1x1x16xf32> to vector<16xf32>
      %add3A_1321 = arith.addf %get3A_1320, %get3A_1300 : vector<16xf32>
      %swap3A_1322 = arith.constant 1 : i32
      %swap3A_1323 = arith.index_cast %swap3A_1322 : i32 to index
      %swap3A_1324 = arith.index_cast %add3A_1058 : i32 to index
      %swap3A_1325 = arith.constant 64 : index
      %swap3A_1326 = tpu.vector_load %arg7[%swap3A_1323, %swap3A_1324, %swap3A_1325] {strides = array<i32>} : memref<4x64x128xf32, #tpu.memory_space<vmem>>, vector<1x1x16xf32>,
      %swap3A_1327 = vector.shape_cast %swap3A_1326 : vector<1x1x16xf32> to vector<16xf32>
      %swap3A_1328 = vector.shape_cast %add3A_1321 : vector<16xf32> to vector<1x1x16xf32>
      tpu.vector_store %arg7[%swap3A_1323, %swap3A_1324, %swap3A_1325], %swap3A_1328 {strides = array<i32>} : memref<4x64x128xf32, #tpu.memory_space<vmem>>, vector<1x1x16xf32>,
      %get3A_1329 = arith.constant 2 : i32
      %get3A_1330 = arith.index_cast %get3A_1329 : i32 to index
      %get3A_1331 = arith.index_cast %add3A_1058 : i32 to index
      %get3A_1332 = arith.constant 64 : index
      %get3A_1333 = tpu.vector_load %arg7[%get3A_1330, %get3A_1331, %get3A_1332] {strides = array<i32>} : memref<4x64x128xf32, #tpu.memory_space<vmem>>, vector<1x1x16xf32>,
      %get3A_1334 = vector.shape_cast %get3A_1333 : vector<1x1x16xf32> to vector<16xf32>
      %add3A_1335 = arith.addf %get3A_1334, %get3A_1300 : vector<16xf32>
      %swap3A_1336 = arith.constant 2 : i32
      %swap3A_1337 = arith.index_cast %swap3A_1336 : i32 to index
      %swap3A_1338 = arith.index_cast %add3A_1058 : i32 to index
      %swap3A_1339 = arith.constant 64 : index
      %swap3A_1340 = tpu.vector_load %arg7[%swap3A_1337, %swap3A_1338, %swap3A_1339] {strides = array<i32>} : memref<4x64x128xf32, #tpu.memory_space<vmem>>, vector<1x1x16xf32>,
      %swap3A_1341 = vector.shape_cast %swap3A_1340 : vector<1x1x16xf32> to vector<16xf32>
      %swap3A_1342 = vector.shape_cast %add3A_1335 : vector<16xf32> to vector<1x1x16xf32>
      tpu.vector_store %arg7[%swap3A_1337, %swap3A_1338, %swap3A_1339], %swap3A_1342 {strides = array<i32>} : memref<4x64x128xf32, #tpu.memory_space<vmem>>, vector<1x1x16xf32>,
      %get3A_1343 = arith.constant 3 : i32
      %get3A_1344 = arith.index_cast %get3A_1343 : i32 to index
      %get3A_1345 = arith.index_cast %add3A_1058 : i32 to index
      %get3A_1346 = arith.constant 64 : index
      %get3A_1347 = tpu.vector_load %arg7[%get3A_1344, %get3A_1345, %get3A_1346] {strides = array<i32>} : memref<4x64x128xf32, #tpu.memory_space<vmem>>, vector<1x1x16xf32>,
      %get3A_1348 = vector.shape_cast %get3A_1347 : vector<1x1x16xf32> to vector<16xf32>
      %add3A_1349 = arith.addf %get3A_1348, %get3A_1300 : vector<16xf32>
      %swap3A_1350 = arith.constant 3 : i32
      %swap3A_1351 = arith.index_cast %swap3A_1350 : i32 to index
      %swap3A_1352 = arith.index_cast %add3A_1058 : i32 to index
      %swap3A_1353 = arith.constant 64 : index
      %swap3A_1354 = tpu.vector_load %arg7[%swap3A_1351, %swap3A_1352, %swap3A_1353] {strides = array<i32>} : memref<4x64x128xf32, #tpu.memory_space<vmem>>, vector<1x1x16xf32>,
      %swap3A_1355 = vector.shape_cast %swap3A_1354 : vector<1x1x16xf32> to vector<16xf32>
      %swap3A_1356 = vector.shape_cast %add3A_1349 : vector<16xf32> to vector<1x1x16xf32>
      tpu.vector_store %arg7[%swap3A_1351, %swap3A_1352, %swap3A_1353], %swap3A_1356 {strides = array<i32>} : memref<4x64x128xf32, #tpu.memory_space<vmem>>, vector<1x1x16xf32>,
      %get3A_1357 = arith.index_cast %add3A_1058 : i32 to index
      %get3A_1358 = arith.constant 80 : index
      %get3A_1359 = tpu.vector_load %arg8[%get3A_1357, %get3A_1358] {strides = array<i32>} : memref<64x128xf32, #tpu.memory_space<vmem>>, vector<1x16xf32>,
      %get3A_1360 = vector.shape_cast %get3A_1359 : vector<1x16xf32> to vector<16xf32>
      %get3A_1361 = arith.constant 0 : i32
      %get3A_1362 = arith.index_cast %get3A_1361 : i32 to index
      %get3A_1363 = arith.index_cast %add3A_1058 : i32 to index
      %get3A_1364 = arith.constant 80 : index
      %get3A_1365 = tpu.vector_load %arg7[%get3A_1362, %get3A_1363, %get3A_1364] {strides = array<i32>} : memref<4x64x128xf32, #tpu.memory_space<vmem>>, vector<1x1x16xf32>,
      %get3A_1366 = vector.shape_cast %get3A_1365 : vector<1x1x16xf32> to vector<16xf32>
      %add3A_1367 = arith.addf %get3A_1366, %get3A_1360 : vector<16xf32>
      %swap3A_1368 = arith.constant 0 : i32
      %swap3A_1369 = arith.index_cast %swap3A_1368 : i32 to index
      %swap3A_1370 = arith.index_cast %add3A_1058 : i32 to index
      %swap3A_1371 = arith.constant 80 : index
      %swap3A_1372 = tpu.vector_load %arg7[%swap3A_1369, %swap3A_1370, %swap3A_1371] {strides = array<i32>} : memref<4x64x128xf32, #tpu.memory_space<vmem>>, vector<1x1x16xf32>,
      %swap3A_1373 = vector.shape_cast %swap3A_1372 : vector<1x1x16xf32> to vector<16xf32>
      %swap3A_1374 = vector.shape_cast %add3A_1367 : vector<16xf32> to vector<1x1x16xf32>
      tpu.vector_store %arg7[%swap3A_1369, %swap3A_1370, %swap3A_1371], %swap3A_1374 {strides = array<i32>} : memref<4x64x128xf32, #tpu.memory_space<vmem>>, vector<1x1x16xf32>,
      %get3A_1375 = arith.constant 1 : i32
      %get3A_1376 = arith.index_cast %get3A_1375 : i32 to index
      %get3A_1377 = arith.index_cast %add3A_1058 : i32 to index
      %get3A_1378 = arith.constant 80 : index
      %get3A_1379 = tpu.vector_load %arg7[%get3A_1376, %get3A_1377, %get3A_1378] {strides = array<i32>} : memref<4x64x128xf32, #tpu.memory_space<vmem>>, vector<1x1x16xf32>,
      %get3A_1380 = vector.shape_cast %get3A_1379 : vector<1x1x16xf32> to vector<16xf32>
      %add3A_1381 = arith.addf %get3A_1380, %get3A_1360 : vector<16xf32>
      %swap3A_1382 = arith.constant 1 : i32
      %swap3A_1383 = arith.index_cast %swap3A_1382 : i32 to index
      %swap3A_1384 = arith.index_cast %add3A_1058 : i32 to index
      %swap3A_1385 = arith.constant 80 : index
      %swap3A_1386 = tpu.vector_load %arg7[%swap3A_1383, %swap3A_1384, %swap3A_1385] {strides = array<i32>} : memref<4x64x128xf32, #tpu.memory_space<vmem>>, vector<1x1x16xf32>,
      %swap3A_1387 = vector.shape_cast %swap3A_1386 : vector<1x1x16xf32> to vector<16xf32>
      %swap3A_1388 = vector.shape_cast %add3A_1381 : vector<16xf32> to vector<1x1x16xf32>
      tpu.vector_store %arg7[%swap3A_1383, %swap3A_1384, %swap3A_1385], %swap3A_1388 {strides = array<i32>} : memref<4x64x128xf32, #tpu.memory_space<vmem>>, vector<1x1x16xf32>,
      %get3A_1389 = arith.constant 2 : i32
      %get3A_1390 = arith.index_cast %get3A_1389 : i32 to index
      %get3A_1391 = arith.index_cast %add3A_1058 : i32 to index
      %get3A_1392 = arith.constant 80 : index
      %get3A_1393 = tpu.vector_load %arg7[%get3A_1390, %get3A_1391, %get3A_1392] {strides = array<i32>} : memref<4x64x128xf32, #tpu.memory_space<vmem>>, vector<1x1x16xf32>,
      %get3A_1394 = vector.shape_cast %get3A_1393 : vector<1x1x16xf32> to vector<16xf32>
      %add3A_1395 = arith.addf %get3A_1394, %get3A_1360 : vector<16xf32>
      %swap3A_1396 = arith.constant 2 : i32
      %swap3A_1397 = arith.index_cast %swap3A_1396 : i32 to index
      %swap3A_1398 = arith.index_cast %add3A_1058 : i32 to index
      %swap3A_1399 = arith.constant 80 : index
      %swap3A_1400 = tpu.vector_load %arg7[%swap3A_1397, %swap3A_1398, %swap3A_1399] {strides = array<i32>} : memref<4x64x128xf32, #tpu.memory_space<vmem>>, vector<1x1x16xf32>,
      %swap3A_1401 = vector.shape_cast %swap3A_1400 : vector<1x1x16xf32> to vector<16xf32>
      %swap3A_1402 = vector.shape_cast %add3A_1395 : vector<16xf32> to vector<1x1x16xf32>
      tpu.vector_store %arg7[%swap3A_1397, %swap3A_1398, %swap3A_1399], %swap3A_1402 {strides = array<i32>} : memref<4x64x128xf32, #tpu.memory_space<vmem>>, vector<1x1x16xf32>,
      %get3A_1403 = arith.constant 3 : i32
      %get3A_1404 = arith.index_cast %get3A_1403 : i32 to index
      %get3A_1405 = arith.index_cast %add3A_1058 : i32 to index
      %get3A_1406 = arith.constant 80 : index
      %get3A_1407 = tpu.vector_load %arg7[%get3A_1404, %get3A_1405, %get3A_1406] {strides = array<i32>} : memref<4x64x128xf32, #tpu.memory_space<vmem>>, vector<1x1x16xf32>,
      %get3A_1408 = vector.shape_cast %get3A_1407 : vector<1x1x16xf32> to vector<16xf32>
      %add3A_1409 = arith.addf %get3A_1408, %get3A_1360 : vector<16xf32>
      %swap3A_1410 = arith.constant 3 : i32
      %swap3A_1411 = arith.index_cast %swap3A_1410 : i32 to index
      %swap3A_1412 = arith.index_cast %add3A_1058 : i32 to index
      %swap3A_1413 = arith.constant 80 : index
      %swap3A_1414 = tpu.vector_load %arg7[%swap3A_1411, %swap3A_1412, %swap3A_1413] {strides = array<i32>} : memref<4x64x128xf32, #tpu.memory_space<vmem>>, vector<1x1x16xf32>,
      %swap3A_1415 = vector.shape_cast %swap3A_1414 : vector<1x1x16xf32> to vector<16xf32>
      %swap3A_1416 = vector.shape_cast %add3A_1409 : vector<16xf32> to vector<1x1x16xf32>
      tpu.vector_store %arg7[%swap3A_1411, %swap3A_1412, %swap3A_1413], %swap3A_1416 {strides = array<i32>} : memref<4x64x128xf32, #tpu.memory_space<vmem>>, vector<1x1x16xf32>,
      %get3A_1417 = arith.index_cast %add3A_1058 : i32 to index
      %get3A_1418 = arith.constant 96 : index
      %get3A_1419 = tpu.vector_load %arg8[%get3A_1417, %get3A_1418] {strides = array<i32>} : memref<64x128xf32, #tpu.memory_space<vmem>>, vector<1x16xf32>,
      %get3A_1420 = vector.shape_cast %get3A_1419 : vector<1x16xf32> to vector<16xf32>
      %get3A_1421 = arith.constant 0 : i32
      %get3A_1422 = arith.index_cast %get3A_1421 : i32 to index
      %get3A_1423 = arith.index_cast %add3A_1058 : i32 to index
      %get3A_1424 = arith.constant 96 : index
      %get3A_1425 = tpu.vector_load %arg7[%get3A_1422, %get3A_1423, %get3A_1424] {strides = array<i32>} : memref<4x64x128xf32, #tpu.memory_space<vmem>>, vector<1x1x16xf32>,
      %get3A_1426 = vector.shape_cast %get3A_1425 : vector<1x1x16xf32> to vector<16xf32>
      %add3A_1427 = arith.addf %get3A_1426, %get3A_1420 : vector<16xf32>
      %swap3A_1428 = arith.constant 0 : i32
      %swap3A_1429 = arith.index_cast %swap3A_1428 : i32 to index
      %swap3A_1430 = arith.index_cast %add3A_1058 : i32 to index
      %swap3A_1431 = arith.constant 96 : index
      %swap3A_1432 = tpu.vector_load %arg7[%swap3A_1429, %swap3A_1430, %swap3A_1431] {strides = array<i32>} : memref<4x64x128xf32, #tpu.memory_space<vmem>>, vector<1x1x16xf32>,
      %swap3A_1433 = vector.shape_cast %swap3A_1432 : vector<1x1x16xf32> to vector<16xf32>
      %swap3A_1434 = vector.shape_cast %add3A_1427 : vector<16xf32> to vector<1x1x16xf32>
      tpu.vector_store %arg7[%swap3A_1429, %swap3A_1430, %swap3A_1431], %swap3A_1434 {strides = array<i32>} : memref<4x64x128xf32, #tpu.memory_space<vmem>>, vector<1x1x16xf32>,
      %get3A_1435 = arith.constant 1 : i32
      %get3A_1436 = arith.index_cast %get3A_1435 : i32 to index
      %get3A_1437 = arith.index_cast %add3A_1058 : i32 to index
      %get3A_1438 = arith.constant 96 : index
      %get3A_1439 = tpu.vector_load %arg7[%get3A_1436, %get3A_1437, %get3A_1438] {strides = array<i32>} : memref<4x64x128xf32, #tpu.memory_space<vmem>>, vector<1x1x16xf32>,
      %get3A_1440 = vector.shape_cast %get3A_1439 : vector<1x1x16xf32> to vector<16xf32>
      %add3A_1441 = arith.addf %get3A_1440, %get3A_1420 : vector<16xf32>
      %swap3A_1442 = arith.constant 1 : i32
      %swap3A_1443 = arith.index_cast %swap3A_1442 : i32 to index
      %swap3A_1444 = arith.index_cast %add3A_1058 : i32 to index
      %swap3A_1445 = arith.constant 96 : index
      %swap3A_1446 = tpu.vector_load %arg7[%swap3A_1443, %swap3A_1444, %swap3A_1445] {strides = array<i32>} : memref<4x64x128xf32, #tpu.memory_space<vmem>>, vector<1x1x16xf32>,
      %swap3A_1447 = vector.shape_cast %swap3A_1446 : vector<1x1x16xf32> to vector<16xf32>
      %swap3A_1448 = vector.shape_cast %add3A_1441 : vector<16xf32> to vector<1x1x16xf32>
      tpu.vector_store %arg7[%swap3A_1443, %swap3A_1444, %swap3A_1445], %swap3A_1448 {strides = array<i32>} : memref<4x64x128xf32, #tpu.memory_space<vmem>>, vector<1x1x16xf32>,
      %get3A_1449 = arith.constant 2 : i32
      %get3A_1450 = arith.index_cast %get3A_1449 : i32 to index
      %get3A_1451 = arith.index_cast %add3A_1058 : i32 to index
      %get3A_1452 = arith.constant 96 : index
      %get3A_1453 = tpu.vector_load %arg7[%get3A_1450, %get3A_1451, %get3A_1452] {strides = array<i32>} : memref<4x64x128xf32, #tpu.memory_space<vmem>>, vector<1x1x16xf32>,
      %get3A_1454 = vector.shape_cast %get3A_1453 : vector<1x1x16xf32> to vector<16xf32>
      %add3A_1455 = arith.addf %get3A_1454, %get3A_1420 : vector<16xf32>
      %swap3A_1456 = arith.constant 2 : i32
      %swap3A_1457 = arith.index_cast %swap3A_1456 : i32 to index
      %swap3A_1458 = arith.index_cast %add3A_1058 : i32 to index
      %swap3A_1459 = arith.constant 96 : index
      %swap3A_1460 = tpu.vector_load %arg7[%swap3A_1457, %swap3A_1458, %swap3A_1459] {strides = array<i32>} : memref<4x64x128xf32, #tpu.memory_space<vmem>>, vector<1x1x16xf32>,
      %swap3A_1461 = vector.shape_cast %swap3A_1460 : vector<1x1x16xf32> to vector<16xf32>
      %swap3A_1462 = vector.shape_cast %add3A_1455 : vector<16xf32> to vector<1x1x16xf32>
      tpu.vector_store %arg7[%swap3A_1457, %swap3A_1458, %swap3A_1459], %swap3A_1462 {strides = array<i32>} : memref<4x64x128xf32, #tpu.memory_space<vmem>>, vector<1x1x16xf32>,
      %get3A_1463 = arith.constant 3 : i32
      %get3A_1464 = arith.index_cast %get3A_1463 : i32 to index
      %get3A_1465 = arith.index_cast %add3A_1058 : i32 to index
      %get3A_1466 = arith.constant 96 : index
      %get3A_1467 = tpu.vector_load %arg7[%get3A_1464, %get3A_1465, %get3A_1466] {strides = array<i32>} : memref<4x64x128xf32, #tpu.memory_space<vmem>>, vector<1x1x16xf32>,
      %get3A_1468 = vector.shape_cast %get3A_1467 : vector<1x1x16xf32> to vector<16xf32>
      %add3A_1469 = arith.addf %get3A_1468, %get3A_1420 : vector<16xf32>
      %swap3A_1470 = arith.constant 3 : i32
      %swap3A_1471 = arith.index_cast %swap3A_1470 : i32 to index
      %swap3A_1472 = arith.index_cast %add3A_1058 : i32 to index
      %swap3A_1473 = arith.constant 96 : index
      %swap3A_1474 = tpu.vector_load %arg7[%swap3A_1471, %swap3A_1472, %swap3A_1473] {strides = array<i32>} : memref<4x64x128xf32, #tpu.memory_space<vmem>>, vector<1x1x16xf32>,
      %swap3A_1475 = vector.shape_cast %swap3A_1474 : vector<1x1x16xf32> to vector<16xf32>
      %swap3A_1476 = vector.shape_cast %add3A_1469 : vector<16xf32> to vector<1x1x16xf32>
      tpu.vector_store %arg7[%swap3A_1471, %swap3A_1472, %swap3A_1473], %swap3A_1476 {strides = array<i32>} : memref<4x64x128xf32, #tpu.memory_space<vmem>>, vector<1x1x16xf32>,
      %get3A_1477 = arith.index_cast %add3A_1058 : i32 to index
      %get3A_1478 = arith.constant 112 : index
      %get3A_1479 = tpu.vector_load %arg8[%get3A_1477, %get3A_1478] {strides = array<i32>} : memref<64x128xf32, #tpu.memory_space<vmem>>, vector<1x16xf32>,
      %get3A_1480 = vector.shape_cast %get3A_1479 : vector<1x16xf32> to vector<16xf32>
      %get3A_1481 = arith.constant 0 : i32
      %get3A_1482 = arith.index_cast %get3A_1481 : i32 to index
      %get3A_1483 = arith.index_cast %add3A_1058 : i32 to index
      %get3A_1484 = arith.constant 112 : index
      %get3A_1485 = tpu.vector_load %arg7[%get3A_1482, %get3A_1483, %get3A_1484] {strides = array<i32>} : memref<4x64x128xf32, #tpu.memory_space<vmem>>, vector<1x1x16xf32>,
      %get3A_1486 = vector.shape_cast %get3A_1485 : vector<1x1x16xf32> to vector<16xf32>
      %add3A_1487 = arith.addf %get3A_1486, %get3A_1480 : vector<16xf32>
      %swap3A_1488 = arith.constant 0 : i32
      %swap3A_1489 = arith.index_cast %swap3A_1488 : i32 to index
      %swap3A_1490 = arith.index_cast %add3A_1058 : i32 to index
      %swap3A_1491 = arith.constant 112 : index
      %swap3A_1492 = tpu.vector_load %arg7[%swap3A_1489, %swap3A_1490, %swap3A_1491] {strides = array<i32>} : memref<4x64x128xf32, #tpu.memory_space<vmem>>, vector<1x1x16xf32>,
      %swap3A_1493 = vector.shape_cast %swap3A_1492 : vector<1x1x16xf32> to vector<16xf32>
      %swap3A_1494 = vector.shape_cast %add3A_1487 : vector<16xf32> to vector<1x1x16xf32>
      tpu.vector_store %arg7[%swap3A_1489, %swap3A_1490, %swap3A_1491], %swap3A_1494 {strides = array<i32>} : memref<4x64x128xf32, #tpu.memory_space<vmem>>, vector<1x1x16xf32>,
      %get3A_1495 = arith.constant 1 : i32
      %get3A_1496 = arith.index_cast %get3A_1495 : i32 to index
      %get3A_1497 = arith.index_cast %add3A_1058 : i32 to index
      %get3A_1498 = arith.constant 112 : index
      %get3A_1499 = tpu.vector_load %arg7[%get3A_1496, %get3A_1497, %get3A_1498] {strides = array<i32>} : memref<4x64x128xf32, #tpu.memory_space<vmem>>, vector<1x1x16xf32>,
      %get3A_1500 = vector.shape_cast %get3A_1499 : vector<1x1x16xf32> to vector<16xf32>
      %add3A_1501 = arith.addf %get3A_1500, %get3A_1480 : vector<16xf32>
      %swap3A_1502 = arith.constant 1 : i32
      %swap3A_1503 = arith.index_cast %swap3A_1502 : i32 to index
      %swap3A_1504 = arith.index_cast %add3A_1058 : i32 to index
      %swap3A_1505 = arith.constant 112 : index
      %swap3A_1506 = tpu.vector_load %arg7[%swap3A_1503, %swap3A_1504, %swap3A_1505] {strides = array<i32>} : memref<4x64x128xf32, #tpu.memory_space<vmem>>, vector<1x1x16xf32>,
      %swap3A_1507 = vector.shape_cast %swap3A_1506 : vector<1x1x16xf32> to vector<16xf32>
      %swap3A_1508 = vector.shape_cast %add3A_1501 : vector<16xf32> to vector<1x1x16xf32>
      tpu.vector_store %arg7[%swap3A_1503, %swap3A_1504, %swap3A_1505], %swap3A_1508 {strides = array<i32>} : memref<4x64x128xf32, #tpu.memory_space<vmem>>, vector<1x1x16xf32>,
      %get3A_1509 = arith.constant 2 : i32
      %get3A_1510 = arith.index_cast %get3A_1509 : i32 to index
      %get3A_1511 = arith.index_cast %add3A_1058 : i32 to index
      %get3A_1512 = arith.constant 112 : index
      %get3A_1513 = tpu.vector_load %arg7[%get3A_1510, %get3A_1511, %get3A_1512] {strides = array<i32>} : memref<4x64x128xf32, #tpu.memory_space<vmem>>, vector<1x1x16xf32>,
      %get3A_1514 = vector.shape_cast %get3A_1513 : vector<1x1x16xf32> to vector<16xf32>
      %add3A_1515 = arith.addf %get3A_1514, %get3A_1480 : vector<16xf32>
      %swap3A_1516 = arith.constant 2 : i32
      %swap3A_1517 = arith.index_cast %swap3A_1516 : i32 to index
      %swap3A_1518 = arith.index_cast %add3A_1058 : i32 to index
      %swap3A_1519 = arith.constant 112 : index
      %swap3A_1520 = tpu.vector_load %arg7[%swap3A_1517, %swap3A_1518, %swap3A_1519] {strides = array<i32>} : memref<4x64x128xf32, #tpu.memory_space<vmem>>, vector<1x1x16xf32>,
      %swap3A_1521 = vector.shape_cast %swap3A_1520 : vector<1x1x16xf32> to vector<16xf32>
      %swap3A_1522 = vector.shape_cast %add3A_1515 : vector<16xf32> to vector<1x1x16xf32>
      tpu.vector_store %arg7[%swap3A_1517, %swap3A_1518, %swap3A_1519], %swap3A_1522 {strides = array<i32>} : memref<4x64x128xf32, #tpu.memory_space<vmem>>, vector<1x1x16xf32>,
      %get3A_1523 = arith.constant 3 : i32
      %get3A_1524 = arith.index_cast %get3A_1523 : i32 to index
      %get3A_1525 = arith.index_cast %add3A_1058 : i32 to index
      %get3A_1526 = arith.constant 112 : index
      %get3A_1527 = tpu.vector_load %arg7[%get3A_1524, %get3A_1525, %get3A_1526] {strides = array<i32>} : memref<4x64x128xf32, #tpu.memory_space<vmem>>, vector<1x1x16xf32>,
      %get3A_1528 = vector.shape_cast %get3A_1527 : vector<1x1x16xf32> to vector<16xf32>
      %add3A_1529 = arith.addf %get3A_1528, %get3A_1480 : vector<16xf32>
      %swap3A_1530 = arith.constant 3 : i32
      %swap3A_1531 = arith.index_cast %swap3A_1530 : i32 to index
      %swap3A_1532 = arith.index_cast %add3A_1058 : i32 to index
      %swap3A_1533 = arith.constant 112 : index
      %swap3A_1534 = tpu.vector_load %arg7[%swap3A_1531, %swap3A_1532, %swap3A_1533] {strides = array<i32>} : memref<4x64x128xf32, #tpu.memory_space<vmem>>, vector<1x1x16xf32>,
      %swap3A_1535 = vector.shape_cast %swap3A_1534 : vector<1x1x16xf32> to vector<16xf32>
      %swap3A_1536 = vector.shape_cast %add3A_1529 : vector<16xf32> to vector<1x1x16xf32>
      tpu.vector_store %arg7[%swap3A_1531, %swap3A_1532, %swap3A_1533], %swap3A_1536 {strides = array<i32>} : memref<4x64x128xf32, #tpu.memory_space<vmem>>, vector<1x1x16xf32>,
    }
    %scan3A_475 = arith.constant 16 : i32
    "tpu.trace_stop"() : () -> ()
    "tpu.trace_start"() <{level = 10 : i32, message = "store_fire"}> : () -> ()
    %add3A_476 = arith.constant 16 : i32
    %add3A_477 = arith.addi %mul3A_2, %add3A_476 : i32
    %dma_start3A_478 = arith.constant 0 : i32
    %dma_start3A_479 = arith.constant 0 : i32
    %dma_start3A_480 = arith.constant 16 : i32
    %dma_start3A_481 = arith.constant 0 : i32
    %dma_start3A_482 = tpu.memref_slice %arg7[%dma_start3A_478, %dma_start3A_480, %dma_start3A_481] : memref<4x64x128xf32, #tpu.memory_space<vmem>> -> memref<1x16x128xf32, #tpu.memory_space<vmem>>
    %dma_start3A_483 = tpu.memref_squeeze %dma_start3A_482 : memref<1x16x128xf32, #tpu.memory_space<vmem>> -> memref<16x128xf32, #tpu.memory_space<vmem>>
    %dma_start3A_484 = arith.constant 0 : i32
    %dma_start3A_485 = tpu.memref_slice %arg5[%dma_start3A_479, %add3A_477, %dma_start3A_484] : memref<4x2048x128xf32, #tpu.memory_space<hbm>> -> memref<1x16x128xf32, #tpu.memory_space<hbm>>
    %dma_start3A_486 = tpu.memref_squeeze %dma_start3A_485 : memref<1x16x128xf32, #tpu.memory_space<hbm>> -> memref<16x128xf32, #tpu.memory_space<hbm>>
    %dma_start3A_487 = arith.constant 0 : i32
    %dma_start3A_488 = tpu.memref_slice %arg5[%dma_start3A_479, %add3A_477, %dma_start3A_487] : memref<4x2048x128xf32, #tpu.memory_space<hbm>> -> memref<1x16x128xf32, #tpu.memory_space<hbm>>
    %dma_start3A_489 = tpu.memref_squeeze %dma_start3A_488 : memref<1x16x128xf32, #tpu.memory_space<hbm>> -> memref<16x128xf32, #tpu.memory_space<hbm>>
    %dma_start3A_490 = arith.constant 16 : i32
    %dma_start3A_491 = arith.constant 0 : i32
    %dma_start3A_492 = tpu.memref_slice %arg7[%dma_start3A_478, %dma_start3A_490, %dma_start3A_491] : memref<4x64x128xf32, #tpu.memory_space<vmem>> -> memref<1x16x128xf32, #tpu.memory_space<vmem>>
    %dma_start3A_493 = tpu.memref_squeeze %dma_start3A_492 : memref<1x16x128xf32, #tpu.memory_space<vmem>> -> memref<16x128xf32, #tpu.memory_space<vmem>>
    tpu.enqueue_dma source(%dma_start3A_493 : memref<16x128xf32, #tpu.memory_space<vmem>>) target(%dma_start3A_489 : memref<16x128xf32, #tpu.memory_space<hbm>>) target_semaphore(%arg27 : memref<!tpu.dma_semaphore, #tpu.memory_space<semaphore_mem>>)
    %add3A_494 = arith.constant 16 : i32
    %add3A_495 = arith.addi %mul3A_2, %add3A_494 : i32
    %dma_start3A_496 = arith.constant 1 : i32
    %dma_start3A_497 = arith.constant 1 : i32
    %dma_start3A_498 = arith.constant 16 : i32
    %dma_start3A_499 = arith.constant 0 : i32
    %dma_start3A_500 = tpu.memref_slice %arg7[%dma_start3A_496, %dma_start3A_498, %dma_start3A_499] : memref<4x64x128xf32, #tpu.memory_space<vmem>> -> memref<1x16x128xf32, #tpu.memory_space<vmem>>
    %dma_start3A_501 = tpu.memref_squeeze %dma_start3A_500 : memref<1x16x128xf32, #tpu.memory_space<vmem>> -> memref<16x128xf32, #tpu.memory_space<vmem>>
    %dma_start3A_502 = arith.constant 0 : i32
    %dma_start3A_503 = tpu.memref_slice %arg5[%dma_start3A_497, %add3A_495, %dma_start3A_502] : memref<4x2048x128xf32, #tpu.memory_space<hbm>> -> memref<1x16x128xf32, #tpu.memory_space<hbm>>
    %dma_start3A_504 = tpu.memref_squeeze %dma_start3A_503 : memref<1x16x128xf32, #tpu.memory_space<hbm>> -> memref<16x128xf32, #tpu.memory_space<hbm>>
    %dma_start3A_505 = arith.constant 0 : i32
    %dma_start3A_506 = tpu.memref_slice %arg5[%dma_start3A_497, %add3A_495, %dma_start3A_505] : memref<4x2048x128xf32, #tpu.memory_space<hbm>> -> memref<1x16x128xf32, #tpu.memory_space<hbm>>
    %dma_start3A_507 = tpu.memref_squeeze %dma_start3A_506 : memref<1x16x128xf32, #tpu.memory_space<hbm>> -> memref<16x128xf32, #tpu.memory_space<hbm>>
    %dma_start3A_508 = arith.constant 16 : i32
    %dma_start3A_509 = arith.constant 0 : i32
    %dma_start3A_510 = tpu.memref_slice %arg7[%dma_start3A_496, %dma_start3A_508, %dma_start3A_509] : memref<4x64x128xf32, #tpu.memory_space<vmem>> -> memref<1x16x128xf32, #tpu.memory_space<vmem>>
    %dma_start3A_511 = tpu.memref_squeeze %dma_start3A_510 : memref<1x16x128xf32, #tpu.memory_space<vmem>> -> memref<16x128xf32, #tpu.memory_space<vmem>>
    tpu.enqueue_dma source(%dma_start3A_511 : memref<16x128xf32, #tpu.memory_space<vmem>>) target(%dma_start3A_507 : memref<16x128xf32, #tpu.memory_space<hbm>>) target_semaphore(%arg27 : memref<!tpu.dma_semaphore, #tpu.memory_space<semaphore_mem>>)
    %add3A_512 = arith.constant 16 : i32
    %add3A_513 = arith.addi %mul3A_2, %add3A_512 : i32
    %dma_start3A_514 = arith.constant 2 : i32
    %dma_start3A_515 = arith.constant 2 : i32
    %dma_start3A_516 = arith.constant 16 : i32
    %dma_start3A_517 = arith.constant 0 : i32
    %dma_start3A_518 = tpu.memref_slice %arg7[%dma_start3A_514, %dma_start3A_516, %dma_start3A_517] : memref<4x64x128xf32, #tpu.memory_space<vmem>> -> memref<1x16x128xf32, #tpu.memory_space<vmem>>
    %dma_start3A_519 = tpu.memref_squeeze %dma_start3A_518 : memref<1x16x128xf32, #tpu.memory_space<vmem>> -> memref<16x128xf32, #tpu.memory_space<vmem>>
    %dma_start3A_520 = arith.constant 0 : i32
    %dma_start3A_521 = tpu.memref_slice %arg5[%dma_start3A_515, %add3A_513, %dma_start3A_520] : memref<4x2048x128xf32, #tpu.memory_space<hbm>> -> memref<1x16x128xf32, #tpu.memory_space<hbm>>
    %dma_start3A_522 = tpu.memref_squeeze %dma_start3A_521 : memref<1x16x128xf32, #tpu.memory_space<hbm>> -> memref<16x128xf32, #tpu.memory_space<hbm>>
    %dma_start3A_523 = arith.constant 0 : i32
    %dma_start3A_524 = tpu.memref_slice %arg5[%dma_start3A_515, %add3A_513, %dma_start3A_523] : memref<4x2048x128xf32, #tpu.memory_space<hbm>> -> memref<1x16x128xf32, #tpu.memory_space<hbm>>
    %dma_start3A_525 = tpu.memref_squeeze %dma_start3A_524 : memref<1x16x128xf32, #tpu.memory_space<hbm>> -> memref<16x128xf32, #tpu.memory_space<hbm>>
    %dma_start3A_526 = arith.constant 16 : i32
    %dma_start3A_527 = arith.constant 0 : i32
    %dma_start3A_528 = tpu.memref_slice %arg7[%dma_start3A_514, %dma_start3A_526, %dma_start3A_527] : memref<4x64x128xf32, #tpu.memory_space<vmem>> -> memref<1x16x128xf32, #tpu.memory_space<vmem>>
    %dma_start3A_529 = tpu.memref_squeeze %dma_start3A_528 : memref<1x16x128xf32, #tpu.memory_space<vmem>> -> memref<16x128xf32, #tpu.memory_space<vmem>>
    tpu.enqueue_dma source(%dma_start3A_529 : memref<16x128xf32, #tpu.memory_space<vmem>>) target(%dma_start3A_525 : memref<16x128xf32, #tpu.memory_space<hbm>>) target_semaphore(%arg27 : memref<!tpu.dma_semaphore, #tpu.memory_space<semaphore_mem>>)
    %add3A_530 = arith.constant 16 : i32
    %add3A_531 = arith.addi %mul3A_2, %add3A_530 : i32
    %dma_start3A_532 = arith.constant 3 : i32
    %dma_start3A_533 = arith.constant 3 : i32
    %dma_start3A_534 = arith.constant 16 : i32
    %dma_start3A_535 = arith.constant 0 : i32
    %dma_start3A_536 = tpu.memref_slice %arg7[%dma_start3A_532, %dma_start3A_534, %dma_start3A_535] : memref<4x64x128xf32, #tpu.memory_space<vmem>> -> memref<1x16x128xf32, #tpu.memory_space<vmem>>
    %dma_start3A_537 = tpu.memref_squeeze %dma_start3A_536 : memref<1x16x128xf32, #tpu.memory_space<vmem>> -> memref<16x128xf32, #tpu.memory_space<vmem>>
    %dma_start3A_538 = arith.constant 0 : i32
    %dma_start3A_539 = tpu.memref_slice %arg5[%dma_start3A_533, %add3A_531, %dma_start3A_538] : memref<4x2048x128xf32, #tpu.memory_space<hbm>> -> memref<1x16x128xf32, #tpu.memory_space<hbm>>
    %dma_start3A_540 = tpu.memref_squeeze %dma_start3A_539 : memref<1x16x128xf32, #tpu.memory_space<hbm>> -> memref<16x128xf32, #tpu.memory_space<hbm>>
    %dma_start3A_541 = arith.constant 0 : i32
    %dma_start3A_542 = tpu.memref_slice %arg5[%dma_start3A_533, %add3A_531, %dma_start3A_541] : memref<4x2048x128xf32, #tpu.memory_space<hbm>> -> memref<1x16x128xf32, #tpu.memory_space<hbm>>
    %dma_start3A_543 = tpu.memref_squeeze %dma_start3A_542 : memref<1x16x128xf32, #tpu.memory_space<hbm>> -> memref<16x128xf32, #tpu.memory_space<hbm>>
    %dma_start3A_544 = arith.constant 16 : i32
    %dma_start3A_545 = arith.constant 0 : i32
    %dma_start3A_546 = tpu.memref_slice %arg7[%dma_start3A_532, %dma_start3A_544, %dma_start3A_545] : memref<4x64x128xf32, #tpu.memory_space<vmem>> -> memref<1x16x128xf32, #tpu.memory_space<vmem>>
    %dma_start3A_547 = tpu.memref_squeeze %dma_start3A_546 : memref<1x16x128xf32, #tpu.memory_space<vmem>> -> memref<16x128xf32, #tpu.memory_space<vmem>>
    tpu.enqueue_dma source(%dma_start3A_547 : memref<16x128xf32, #tpu.memory_space<vmem>>) target(%dma_start3A_543 : memref<16x128xf32, #tpu.memory_space<hbm>>) target_semaphore(%arg27 : memref<!tpu.dma_semaphore, #tpu.memory_space<semaphore_mem>>)
    %dma_wait3A_548 = arith.constant 0 : i32
    %dma_wait3A_549 = arith.constant 0 : i32
    "tpu.trace_stop"() : () -> ()
    "tpu.trace_start"() <{level = 10 : i32, message = "gather_wait"}> : () -> ()
    %dma_wait3A_550 = arith.constant 32 : i32
    %dma_wait3A_551 = arith.constant 0 : i32
    %dma_wait3A_552 = tpu.memref_slice %arg7[%dma_wait3A_549, %dma_wait3A_550, %dma_wait3A_551] : memref<4x64x128xf32, #tpu.memory_space<vmem>> -> memref<1x16x128xf32, #tpu.memory_space<vmem>>
    %dma_wait3A_553 = tpu.memref_squeeze %dma_wait3A_552 : memref<1x16x128xf32, #tpu.memory_space<vmem>> -> memref<16x128xf32, #tpu.memory_space<vmem>>
    %dma_wait3A_554 = arith.constant 32 : i32
    %dma_wait3A_555 = tpu.memref_slice %arg6[%dma_wait3A_548, %dma_wait3A_554] : memref<4x64xi32, #tpu.memory_space<vmem>> -> memref<1x16xi32, #tpu.memory_space<vmem>>
    %dma_wait3A_556 = tpu.memref_squeeze %dma_wait3A_555 : memref<1x16xi32, #tpu.memory_space<vmem>> -> memref<16xi32, #tpu.memory_space<vmem>>
    %dma_wait3A_557 = arith.constant 0 : i32
    %dma_wait3A_558 = arith.constant 0 : i32
    %dma_wait3A_559 = tpu.memref_slice %arg2[%dma_wait3A_557, %dma_wait3A_558] : memref<1000000x128xf32, #tpu.memory_space<hbm>> -> memref<1000000x128xf32, #tpu.memory_space<hbm>>
    tpu.wait_indirect_dma semaphore(%arg13 : memref<!tpu.dma_semaphore, #tpu.memory_space<semaphore_mem>>) src(%dma_wait3A_559 : memref<1000000x128xf32, #tpu.memory_space<hbm>>) dst(%dma_wait3A_553 : memref<16x128xf32, #tpu.memory_space<vmem>>)
    %dma_wait3A_560 = arith.constant 1 : i32
    %dma_wait3A_561 = arith.constant 1 : i32
    %dma_wait3A_562 = arith.constant 32 : i32
    %dma_wait3A_563 = arith.constant 0 : i32
    %dma_wait3A_564 = tpu.memref_slice %arg7[%dma_wait3A_561, %dma_wait3A_562, %dma_wait3A_563] : memref<4x64x128xf32, #tpu.memory_space<vmem>> -> memref<1x16x128xf32, #tpu.memory_space<vmem>>
    %dma_wait3A_565 = tpu.memref_squeeze %dma_wait3A_564 : memref<1x16x128xf32, #tpu.memory_space<vmem>> -> memref<16x128xf32, #tpu.memory_space<vmem>>
    %dma_wait3A_566 = arith.constant 32 : i32
    %dma_wait3A_567 = tpu.memref_slice %arg6[%dma_wait3A_560, %dma_wait3A_566] : memref<4x64xi32, #tpu.memory_space<vmem>> -> memref<1x16xi32, #tpu.memory_space<vmem>>
    %dma_wait3A_568 = tpu.memref_squeeze %dma_wait3A_567 : memref<1x16xi32, #tpu.memory_space<vmem>> -> memref<16xi32, #tpu.memory_space<vmem>>
    %dma_wait3A_569 = arith.constant 0 : i32
    %dma_wait3A_570 = arith.constant 0 : i32
    %dma_wait3A_571 = tpu.memref_slice %arg2[%dma_wait3A_569, %dma_wait3A_570] : memref<1000000x128xf32, #tpu.memory_space<hbm>> -> memref<1000000x128xf32, #tpu.memory_space<hbm>>
    tpu.wait_indirect_dma semaphore(%arg17 : memref<!tpu.dma_semaphore, #tpu.memory_space<semaphore_mem>>) src(%dma_wait3A_571 : memref<1000000x128xf32, #tpu.memory_space<hbm>>) dst(%dma_wait3A_565 : memref<16x128xf32, #tpu.memory_space<vmem>>)
    %dma_wait3A_572 = arith.constant 2 : i32
    %dma_wait3A_573 = arith.constant 2 : i32
    %dma_wait3A_574 = arith.constant 32 : i32
    %dma_wait3A_575 = arith.constant 0 : i32
    %dma_wait3A_576 = tpu.memref_slice %arg7[%dma_wait3A_573, %dma_wait3A_574, %dma_wait3A_575] : memref<4x64x128xf32, #tpu.memory_space<vmem>> -> memref<1x16x128xf32, #tpu.memory_space<vmem>>
    %dma_wait3A_577 = tpu.memref_squeeze %dma_wait3A_576 : memref<1x16x128xf32, #tpu.memory_space<vmem>> -> memref<16x128xf32, #tpu.memory_space<vmem>>
    %dma_wait3A_578 = arith.constant 32 : i32
    %dma_wait3A_579 = tpu.memref_slice %arg6[%dma_wait3A_572, %dma_wait3A_578] : memref<4x64xi32, #tpu.memory_space<vmem>> -> memref<1x16xi32, #tpu.memory_space<vmem>>
    %dma_wait3A_580 = tpu.memref_squeeze %dma_wait3A_579 : memref<1x16xi32, #tpu.memory_space<vmem>> -> memref<16xi32, #tpu.memory_space<vmem>>
    %dma_wait3A_581 = arith.constant 0 : i32
    %dma_wait3A_582 = arith.constant 0 : i32
    %dma_wait3A_583 = tpu.memref_slice %arg2[%dma_wait3A_581, %dma_wait3A_582] : memref<1000000x128xf32, #tpu.memory_space<hbm>> -> memref<1000000x128xf32, #tpu.memory_space<hbm>>
    tpu.wait_indirect_dma semaphore(%arg21 : memref<!tpu.dma_semaphore, #tpu.memory_space<semaphore_mem>>) src(%dma_wait3A_583 : memref<1000000x128xf32, #tpu.memory_space<hbm>>) dst(%dma_wait3A_577 : memref<16x128xf32, #tpu.memory_space<vmem>>)
    %dma_wait3A_584 = arith.constant 3 : i32
    %dma_wait3A_585 = arith.constant 3 : i32
    %dma_wait3A_586 = arith.constant 32 : i32
    %dma_wait3A_587 = arith.constant 0 : i32
    %dma_wait3A_588 = tpu.memref_slice %arg7[%dma_wait3A_585, %dma_wait3A_586, %dma_wait3A_587] : memref<4x64x128xf32, #tpu.memory_space<vmem>> -> memref<1x16x128xf32, #tpu.memory_space<vmem>>
    %dma_wait3A_589 = tpu.memref_squeeze %dma_wait3A_588 : memref<1x16x128xf32, #tpu.memory_space<vmem>> -> memref<16x128xf32, #tpu.memory_space<vmem>>
    %dma_wait3A_590 = arith.constant 32 : i32
    %dma_wait3A_591 = tpu.memref_slice %arg6[%dma_wait3A_584, %dma_wait3A_590] : memref<4x64xi32, #tpu.memory_space<vmem>> -> memref<1x16xi32, #tpu.memory_space<vmem>>
    %dma_wait3A_592 = tpu.memref_squeeze %dma_wait3A_591 : memref<1x16xi32, #tpu.memory_space<vmem>> -> memref<16xi32, #tpu.memory_space<vmem>>
    %dma_wait3A_593 = arith.constant 0 : i32
    %dma_wait3A_594 = arith.constant 0 : i32
    %dma_wait3A_595 = tpu.memref_slice %arg2[%dma_wait3A_593, %dma_wait3A_594] : memref<1000000x128xf32, #tpu.memory_space<hbm>> -> memref<1000000x128xf32, #tpu.memory_space<hbm>>
    tpu.wait_indirect_dma semaphore(%arg25 : memref<!tpu.dma_semaphore, #tpu.memory_space<semaphore_mem>>) src(%dma_wait3A_595 : memref<1000000x128xf32, #tpu.memory_space<hbm>>) dst(%dma_wait3A_589 : memref<16x128xf32, #tpu.memory_space<vmem>>)
    "tpu.trace_stop"() : () -> ()
    "tpu.trace_start"() <{level = 10 : i32, message = "add_loop"}> : () -> ()
    %scan3A_596 = arith.constant 0 : i32
    %scan3A_597 = arith.constant 0 : i32
    %scan3A_598 = arith.constant 16 : i32
    %scan3A_599 = arith.addi %scan3A_597, %scan3A_598 : i32
    %scan3A_600 = arith.constant 1 : i32
    scf.for %scan3A_1056 = %scan3A_597 to %scan3A_599 step %scan3A_600  : i32 {
      %add3A_1057 = arith.constant 32 : i32
      %add3A_1058 = arith.addi %add3A_1057, %scan3A_1056 : i32
      %get3A = arith.index_cast %add3A_1058 : i32 to index
      %get3A_1059 = arith.constant 0 : index
      %get3A_1060 = tpu.vector_load %arg8[%get3A, %get3A_1059] {strides = array<i32>} : memref<64x128xf32, #tpu.memory_space<vmem>>, vector<1x16xf32>,
      %get3A_1061 = vector.shape_cast %get3A_1060 : vector<1x16xf32> to vector<16xf32>
      %get3A_1062 = arith.constant 0 : i32
      %get3A_1063 = arith.index_cast %get3A_1062 : i32 to index
      %get3A_1064 = arith.index_cast %add3A_1058 : i32 to index
      %get3A_1065 = arith.constant 0 : index
      %get3A_1066 = tpu.vector_load %arg7[%get3A_1063, %get3A_1064, %get3A_1065] {strides = array<i32>} : memref<4x64x128xf32, #tpu.memory_space<vmem>>, vector<1x1x16xf32>,
      %get3A_1067 = vector.shape_cast %get3A_1066 : vector<1x1x16xf32> to vector<16xf32>
      %add3A_1068 = arith.addf %get3A_1067, %get3A_1061 : vector<16xf32>
      %swap3A = arith.constant 0 : i32
      %swap3A_1069 = arith.index_cast %swap3A : i32 to index
      %swap3A_1070 = arith.index_cast %add3A_1058 : i32 to index
      %swap3A_1071 = arith.constant 0 : index
      %swap3A_1072 = tpu.vector_load %arg7[%swap3A_1069, %swap3A_1070, %swap3A_1071] {strides = array<i32>} : memref<4x64x128xf32, #tpu.memory_space<vmem>>, vector<1x1x16xf32>,
      %swap3A_1073 = vector.shape_cast %swap3A_1072 : vector<1x1x16xf32> to vector<16xf32>
      %swap3A_1074 = vector.shape_cast %add3A_1068 : vector<16xf32> to vector<1x1x16xf32>
      tpu.vector_store %arg7[%swap3A_1069, %swap3A_1070, %swap3A_1071], %swap3A_1074 {strides = array<i32>} : memref<4x64x128xf32, #tpu.memory_space<vmem>>, vector<1x1x16xf32>,
      %get3A_1075 = arith.constant 1 : i32
      %get3A_1076 = arith.index_cast %get3A_1075 : i32 to index
      %get3A_1077 = arith.index_cast %add3A_1058 : i32 to index
      %get3A_1078 = arith.constant 0 : index
      %get3A_1079 = tpu.vector_load %arg7[%get3A_1076, %get3A_1077, %get3A_1078] {strides = array<i32>} : memref<4x64x128xf32, #tpu.memory_space<vmem>>, vector<1x1x16xf32>,
      %get3A_1080 = vector.shape_cast %get3A_1079 : vector<1x1x16xf32> to vector<16xf32>
      %add3A_1081 = arith.addf %get3A_1080, %get3A_1061 : vector<16xf32>
      %swap3A_1082 = arith.constant 1 : i32
      %swap3A_1083 = arith.index_cast %swap3A_1082 : i32 to index
      %swap3A_1084 = arith.index_cast %add3A_1058 : i32 to index
      %swap3A_1085 = arith.constant 0 : index
      %swap3A_1086 = tpu.vector_load %arg7[%swap3A_1083, %swap3A_1084, %swap3A_1085] {strides = array<i32>} : memref<4x64x128xf32, #tpu.memory_space<vmem>>, vector<1x1x16xf32>,
      %swap3A_1087 = vector.shape_cast %swap3A_1086 : vector<1x1x16xf32> to vector<16xf32>
      %swap3A_1088 = vector.shape_cast %add3A_1081 : vector<16xf32> to vector<1x1x16xf32>
      tpu.vector_store %arg7[%swap3A_1083, %swap3A_1084, %swap3A_1085], %swap3A_1088 {strides = array<i32>} : memref<4x64x128xf32, #tpu.memory_space<vmem>>, vector<1x1x16xf32>,
      %get3A_1089 = arith.constant 2 : i32
      %get3A_1090 = arith.index_cast %get3A_1089 : i32 to index
      %get3A_1091 = arith.index_cast %add3A_1058 : i32 to index
      %get3A_1092 = arith.constant 0 : index
      %get3A_1093 = tpu.vector_load %arg7[%get3A_1090, %get3A_1091, %get3A_1092] {strides = array<i32>} : memref<4x64x128xf32, #tpu.memory_space<vmem>>, vector<1x1x16xf32>,
      %get3A_1094 = vector.shape_cast %get3A_1093 : vector<1x1x16xf32> to vector<16xf32>
      %add3A_1095 = arith.addf %get3A_1094, %get3A_1061 : vector<16xf32>
      %swap3A_1096 = arith.constant 2 : i32
      %swap3A_1097 = arith.index_cast %swap3A_1096 : i32 to index
      %swap3A_1098 = arith.index_cast %add3A_1058 : i32 to index
      %swap3A_1099 = arith.constant 0 : index
      %swap3A_1100 = tpu.vector_load %arg7[%swap3A_1097, %swap3A_1098, %swap3A_1099] {strides = array<i32>} : memref<4x64x128xf32, #tpu.memory_space<vmem>>, vector<1x1x16xf32>,
      %swap3A_1101 = vector.shape_cast %swap3A_1100 : vector<1x1x16xf32> to vector<16xf32>
      %swap3A_1102 = vector.shape_cast %add3A_1095 : vector<16xf32> to vector<1x1x16xf32>
      tpu.vector_store %arg7[%swap3A_1097, %swap3A_1098, %swap3A_1099], %swap3A_1102 {strides = array<i32>} : memref<4x64x128xf32, #tpu.memory_space<vmem>>, vector<1x1x16xf32>,
      %get3A_1103 = arith.constant 3 : i32
      %get3A_1104 = arith.index_cast %get3A_1103 : i32 to index
      %get3A_1105 = arith.index_cast %add3A_1058 : i32 to index
      %get3A_1106 = arith.constant 0 : index
      %get3A_1107 = tpu.vector_load %arg7[%get3A_1104, %get3A_1105, %get3A_1106] {strides = array<i32>} : memref<4x64x128xf32, #tpu.memory_space<vmem>>, vector<1x1x16xf32>,
      %get3A_1108 = vector.shape_cast %get3A_1107 : vector<1x1x16xf32> to vector<16xf32>
      %add3A_1109 = arith.addf %get3A_1108, %get3A_1061 : vector<16xf32>
      %swap3A_1110 = arith.constant 3 : i32
      %swap3A_1111 = arith.index_cast %swap3A_1110 : i32 to index
      %swap3A_1112 = arith.index_cast %add3A_1058 : i32 to index
      %swap3A_1113 = arith.constant 0 : index
      %swap3A_1114 = tpu.vector_load %arg7[%swap3A_1111, %swap3A_1112, %swap3A_1113] {strides = array<i32>} : memref<4x64x128xf32, #tpu.memory_space<vmem>>, vector<1x1x16xf32>,
      %swap3A_1115 = vector.shape_cast %swap3A_1114 : vector<1x1x16xf32> to vector<16xf32>
      %swap3A_1116 = vector.shape_cast %add3A_1109 : vector<16xf32> to vector<1x1x16xf32>
      tpu.vector_store %arg7[%swap3A_1111, %swap3A_1112, %swap3A_1113], %swap3A_1116 {strides = array<i32>} : memref<4x64x128xf32, #tpu.memory_space<vmem>>, vector<1x1x16xf32>,
      %get3A_1117 = arith.index_cast %add3A_1058 : i32 to index
      %get3A_1118 = arith.constant 16 : index
      %get3A_1119 = tpu.vector_load %arg8[%get3A_1117, %get3A_1118] {strides = array<i32>} : memref<64x128xf32, #tpu.memory_space<vmem>>, vector<1x16xf32>,
      %get3A_1120 = vector.shape_cast %get3A_1119 : vector<1x16xf32> to vector<16xf32>
      %get3A_1121 = arith.constant 0 : i32
      %get3A_1122 = arith.index_cast %get3A_1121 : i32 to index
      %get3A_1123 = arith.index_cast %add3A_1058 : i32 to index
      %get3A_1124 = arith.constant 16 : index
      %get3A_1125 = tpu.vector_load %arg7[%get3A_1122, %get3A_1123, %get3A_1124] {strides = array<i32>} : memref<4x64x128xf32, #tpu.memory_space<vmem>>, vector<1x1x16xf32>,
      %get3A_1126 = vector.shape_cast %get3A_1125 : vector<1x1x16xf32> to vector<16xf32>
      %add3A_1127 = arith.addf %get3A_1126, %get3A_1120 : vector<16xf32>
      %swap3A_1128 = arith.constant 0 : i32
      %swap3A_1129 = arith.index_cast %swap3A_1128 : i32 to index
      %swap3A_1130 = arith.index_cast %add3A_1058 : i32 to index
      %swap3A_1131 = arith.constant 16 : index
      %swap3A_1132 = tpu.vector_load %arg7[%swap3A_1129, %swap3A_1130, %swap3A_1131] {strides = array<i32>} : memref<4x64x128xf32, #tpu.memory_space<vmem>>, vector<1x1x16xf32>,
      %swap3A_1133 = vector.shape_cast %swap3A_1132 : vector<1x1x16xf32> to vector<16xf32>
      %swap3A_1134 = vector.shape_cast %add3A_1127 : vector<16xf32> to vector<1x1x16xf32>
      tpu.vector_store %arg7[%swap3A_1129, %swap3A_1130, %swap3A_1131], %swap3A_1134 {strides = array<i32>} : memref<4x64x128xf32, #tpu.memory_space<vmem>>, vector<1x1x16xf32>,
      %get3A_1135 = arith.constant 1 : i32
      %get3A_1136 = arith.index_cast %get3A_1135 : i32 to index
      %get3A_1137 = arith.index_cast %add3A_1058 : i32 to index
      %get3A_1138 = arith.constant 16 : index
      %get3A_1139 = tpu.vector_load %arg7[%get3A_1136, %get3A_1137, %get3A_1138] {strides = array<i32>} : memref<4x64x128xf32, #tpu.memory_space<vmem>>, vector<1x1x16xf32>,
      %get3A_1140 = vector.shape_cast %get3A_1139 : vector<1x1x16xf32> to vector<16xf32>
      %add3A_1141 = arith.addf %get3A_1140, %get3A_1120 : vector<16xf32>
      %swap3A_1142 = arith.constant 1 : i32
      %swap3A_1143 = arith.index_cast %swap3A_1142 : i32 to index
      %swap3A_1144 = arith.index_cast %add3A_1058 : i32 to index
      %swap3A_1145 = arith.constant 16 : index
      %swap3A_1146 = tpu.vector_load %arg7[%swap3A_1143, %swap3A_1144, %swap3A_1145] {strides = array<i32>} : memref<4x64x128xf32, #tpu.memory_space<vmem>>, vector<1x1x16xf32>,
      %swap3A_1147 = vector.shape_cast %swap3A_1146 : vector<1x1x16xf32> to vector<16xf32>
      %swap3A_1148 = vector.shape_cast %add3A_1141 : vector<16xf32> to vector<1x1x16xf32>
      tpu.vector_store %arg7[%swap3A_1143, %swap3A_1144, %swap3A_1145], %swap3A_1148 {strides = array<i32>} : memref<4x64x128xf32, #tpu.memory_space<vmem>>, vector<1x1x16xf32>,
      %get3A_1149 = arith.constant 2 : i32
      %get3A_1150 = arith.index_cast %get3A_1149 : i32 to index
      %get3A_1151 = arith.index_cast %add3A_1058 : i32 to index
      %get3A_1152 = arith.constant 16 : index
      %get3A_1153 = tpu.vector_load %arg7[%get3A_1150, %get3A_1151, %get3A_1152] {strides = array<i32>} : memref<4x64x128xf32, #tpu.memory_space<vmem>>, vector<1x1x16xf32>,
      %get3A_1154 = vector.shape_cast %get3A_1153 : vector<1x1x16xf32> to vector<16xf32>
      %add3A_1155 = arith.addf %get3A_1154, %get3A_1120 : vector<16xf32>
      %swap3A_1156 = arith.constant 2 : i32
      %swap3A_1157 = arith.index_cast %swap3A_1156 : i32 to index
      %swap3A_1158 = arith.index_cast %add3A_1058 : i32 to index
      %swap3A_1159 = arith.constant 16 : index
      %swap3A_1160 = tpu.vector_load %arg7[%swap3A_1157, %swap3A_1158, %swap3A_1159] {strides = array<i32>} : memref<4x64x128xf32, #tpu.memory_space<vmem>>, vector<1x1x16xf32>,
      %swap3A_1161 = vector.shape_cast %swap3A_1160 : vector<1x1x16xf32> to vector<16xf32>
      %swap3A_1162 = vector.shape_cast %add3A_1155 : vector<16xf32> to vector<1x1x16xf32>
      tpu.vector_store %arg7[%swap3A_1157, %swap3A_1158, %swap3A_1159], %swap3A_1162 {strides = array<i32>} : memref<4x64x128xf32, #tpu.memory_space<vmem>>, vector<1x1x16xf32>,
      %get3A_1163 = arith.constant 3 : i32
      %get3A_1164 = arith.index_cast %get3A_1163 : i32 to index
      %get3A_1165 = arith.index_cast %add3A_1058 : i32 to index
      %get3A_1166 = arith.constant 16 : index
      %get3A_1167 = tpu.vector_load %arg7[%get3A_1164, %get3A_1165, %get3A_1166] {strides = array<i32>} : memref<4x64x128xf32, #tpu.memory_space<vmem>>, vector<1x1x16xf32>,
      %get3A_1168 = vector.shape_cast %get3A_1167 : vector<1x1x16xf32> to vector<16xf32>
      %add3A_1169 = arith.addf %get3A_1168, %get3A_1120 : vector<16xf32>
      %swap3A_1170 = arith.constant 3 : i32
      %swap3A_1171 = arith.index_cast %swap3A_1170 : i32 to index
      %swap3A_1172 = arith.index_cast %add3A_1058 : i32 to index
      %swap3A_1173 = arith.constant 16 : index
      %swap3A_1174 = tpu.vector_load %arg7[%swap3A_1171, %swap3A_1172, %swap3A_1173] {strides = array<i32>} : memref<4x64x128xf32, #tpu.memory_space<vmem>>, vector<1x1x16xf32>,
      %swap3A_1175 = vector.shape_cast %swap3A_1174 : vector<1x1x16xf32> to vector<16xf32>
      %swap3A_1176 = vector.shape_cast %add3A_1169 : vector<16xf32> to vector<1x1x16xf32>
      tpu.vector_store %arg7[%swap3A_1171, %swap3A_1172, %swap3A_1173], %swap3A_1176 {strides = array<i32>} : memref<4x64x128xf32, #tpu.memory_space<vmem>>, vector<1x1x16xf32>,
      %get3A_1177 = arith.index_cast %add3A_1058 : i32 to index
      %get3A_1178 = arith.constant 32 : index
      %get3A_1179 = tpu.vector_load %arg8[%get3A_1177, %get3A_1178] {strides = array<i32>} : memref<64x128xf32, #tpu.memory_space<vmem>>, vector<1x16xf32>,
      %get3A_1180 = vector.shape_cast %get3A_1179 : vector<1x16xf32> to vector<16xf32>
      %get3A_1181 = arith.constant 0 : i32
      %get3A_1182 = arith.index_cast %get3A_1181 : i32 to index
      %get3A_1183 = arith.index_cast %add3A_1058 : i32 to index
      %get3A_1184 = arith.constant 32 : index
      %get3A_1185 = tpu.vector_load %arg7[%get3A_1182, %get3A_1183, %get3A_1184] {strides = array<i32>} : memref<4x64x128xf32, #tpu.memory_space<vmem>>, vector<1x1x16xf32>,
      %get3A_1186 = vector.shape_cast %get3A_1185 : vector<1x1x16xf32> to vector<16xf32>
      %add3A_1187 = arith.addf %get3A_1186, %get3A_1180 : vector<16xf32>
      %swap3A_1188 = arith.constant 0 : i32
      %swap3A_1189 = arith.index_cast %swap3A_1188 : i32 to index
      %swap3A_1190 = arith.index_cast %add3A_1058 : i32 to index
      %swap3A_1191 = arith.constant 32 : index
      %swap3A_1192 = tpu.vector_load %arg7[%swap3A_1189, %swap3A_1190, %swap3A_1191] {strides = array<i32>} : memref<4x64x128xf32, #tpu.memory_space<vmem>>, vector<1x1x16xf32>,
      %swap3A_1193 = vector.shape_cast %swap3A_1192 : vector<1x1x16xf32> to vector<16xf32>
      %swap3A_1194 = vector.shape_cast %add3A_1187 : vector<16xf32> to vector<1x1x16xf32>
      tpu.vector_store %arg7[%swap3A_1189, %swap3A_1190, %swap3A_1191], %swap3A_1194 {strides = array<i32>} : memref<4x64x128xf32, #tpu.memory_space<vmem>>, vector<1x1x16xf32>,
      %get3A_1195 = arith.constant 1 : i32
      %get3A_1196 = arith.index_cast %get3A_1195 : i32 to index
      %get3A_1197 = arith.index_cast %add3A_1058 : i32 to index
      %get3A_1198 = arith.constant 32 : index
      %get3A_1199 = tpu.vector_load %arg7[%get3A_1196, %get3A_1197, %get3A_1198] {strides = array<i32>} : memref<4x64x128xf32, #tpu.memory_space<vmem>>, vector<1x1x16xf32>,
      %get3A_1200 = vector.shape_cast %get3A_1199 : vector<1x1x16xf32> to vector<16xf32>
      %add3A_1201 = arith.addf %get3A_1200, %get3A_1180 : vector<16xf32>
      %swap3A_1202 = arith.constant 1 : i32
      %swap3A_1203 = arith.index_cast %swap3A_1202 : i32 to index
      %swap3A_1204 = arith.index_cast %add3A_1058 : i32 to index
      %swap3A_1205 = arith.constant 32 : index
      %swap3A_1206 = tpu.vector_load %arg7[%swap3A_1203, %swap3A_1204, %swap3A_1205] {strides = array<i32>} : memref<4x64x128xf32, #tpu.memory_space<vmem>>, vector<1x1x16xf32>,
      %swap3A_1207 = vector.shape_cast %swap3A_1206 : vector<1x1x16xf32> to vector<16xf32>
      %swap3A_1208 = vector.shape_cast %add3A_1201 : vector<16xf32> to vector<1x1x16xf32>
      tpu.vector_store %arg7[%swap3A_1203, %swap3A_1204, %swap3A_1205], %swap3A_1208 {strides = array<i32>} : memref<4x64x128xf32, #tpu.memory_space<vmem>>, vector<1x1x16xf32>,
      %get3A_1209 = arith.constant 2 : i32
      %get3A_1210 = arith.index_cast %get3A_1209 : i32 to index
      %get3A_1211 = arith.index_cast %add3A_1058 : i32 to index
      %get3A_1212 = arith.constant 32 : index
      %get3A_1213 = tpu.vector_load %arg7[%get3A_1210, %get3A_1211, %get3A_1212] {strides = array<i32>} : memref<4x64x128xf32, #tpu.memory_space<vmem>>, vector<1x1x16xf32>,
      %get3A_1214 = vector.shape_cast %get3A_1213 : vector<1x1x16xf32> to vector<16xf32>
      %add3A_1215 = arith.addf %get3A_1214, %get3A_1180 : vector<16xf32>
      %swap3A_1216 = arith.constant 2 : i32
      %swap3A_1217 = arith.index_cast %swap3A_1216 : i32 to index
      %swap3A_1218 = arith.index_cast %add3A_1058 : i32 to index
      %swap3A_1219 = arith.constant 32 : index
      %swap3A_1220 = tpu.vector_load %arg7[%swap3A_1217, %swap3A_1218, %swap3A_1219] {strides = array<i32>} : memref<4x64x128xf32, #tpu.memory_space<vmem>>, vector<1x1x16xf32>,
      %swap3A_1221 = vector.shape_cast %swap3A_1220 : vector<1x1x16xf32> to vector<16xf32>
      %swap3A_1222 = vector.shape_cast %add3A_1215 : vector<16xf32> to vector<1x1x16xf32>
      tpu.vector_store %arg7[%swap3A_1217, %swap3A_1218, %swap3A_1219], %swap3A_1222 {strides = array<i32>} : memref<4x64x128xf32, #tpu.memory_space<vmem>>, vector<1x1x16xf32>,
      %get3A_1223 = arith.constant 3 : i32
      %get3A_1224 = arith.index_cast %get3A_1223 : i32 to index
      %get3A_1225 = arith.index_cast %add3A_1058 : i32 to index
      %get3A_1226 = arith.constant 32 : index
      %get3A_1227 = tpu.vector_load %arg7[%get3A_1224, %get3A_1225, %get3A_1226] {strides = array<i32>} : memref<4x64x128xf32, #tpu.memory_space<vmem>>, vector<1x1x16xf32>,
      %get3A_1228 = vector.shape_cast %get3A_1227 : vector<1x1x16xf32> to vector<16xf32>
      %add3A_1229 = arith.addf %get3A_1228, %get3A_1180 : vector<16xf32>
      %swap3A_1230 = arith.constant 3 : i32
      %swap3A_1231 = arith.index_cast %swap3A_1230 : i32 to index
      %swap3A_1232 = arith.index_cast %add3A_1058 : i32 to index
      %swap3A_1233 = arith.constant 32 : index
      %swap3A_1234 = tpu.vector_load %arg7[%swap3A_1231, %swap3A_1232, %swap3A_1233] {strides = array<i32>} : memref<4x64x128xf32, #tpu.memory_space<vmem>>, vector<1x1x16xf32>,
      %swap3A_1235 = vector.shape_cast %swap3A_1234 : vector<1x1x16xf32> to vector<16xf32>
      %swap3A_1236 = vector.shape_cast %add3A_1229 : vector<16xf32> to vector<1x1x16xf32>
      tpu.vector_store %arg7[%swap3A_1231, %swap3A_1232, %swap3A_1233], %swap3A_1236 {strides = array<i32>} : memref<4x64x128xf32, #tpu.memory_space<vmem>>, vector<1x1x16xf32>,
      %get3A_1237 = arith.index_cast %add3A_1058 : i32 to index
      %get3A_1238 = arith.constant 48 : index
      %get3A_1239 = tpu.vector_load %arg8[%get3A_1237, %get3A_1238] {strides = array<i32>} : memref<64x128xf32, #tpu.memory_space<vmem>>, vector<1x16xf32>,
      %get3A_1240 = vector.shape_cast %get3A_1239 : vector<1x16xf32> to vector<16xf32>
      %get3A_1241 = arith.constant 0 : i32
      %get3A_1242 = arith.index_cast %get3A_1241 : i32 to index
      %get3A_1243 = arith.index_cast %add3A_1058 : i32 to index
      %get3A_1244 = arith.constant 48 : index
      %get3A_1245 = tpu.vector_load %arg7[%get3A_1242, %get3A_1243, %get3A_1244] {strides = array<i32>} : memref<4x64x128xf32, #tpu.memory_space<vmem>>, vector<1x1x16xf32>,
      %get3A_1246 = vector.shape_cast %get3A_1245 : vector<1x1x16xf32> to vector<16xf32>
      %add3A_1247 = arith.addf %get3A_1246, %get3A_1240 : vector<16xf32>
      %swap3A_1248 = arith.constant 0 : i32
      %swap3A_1249 = arith.index_cast %swap3A_1248 : i32 to index
      %swap3A_1250 = arith.index_cast %add3A_1058 : i32 to index
      %swap3A_1251 = arith.constant 48 : index
      %swap3A_1252 = tpu.vector_load %arg7[%swap3A_1249, %swap3A_1250, %swap3A_1251] {strides = array<i32>} : memref<4x64x128xf32, #tpu.memory_space<vmem>>, vector<1x1x16xf32>,
      %swap3A_1253 = vector.shape_cast %swap3A_1252 : vector<1x1x16xf32> to vector<16xf32>
      %swap3A_1254 = vector.shape_cast %add3A_1247 : vector<16xf32> to vector<1x1x16xf32>
      tpu.vector_store %arg7[%swap3A_1249, %swap3A_1250, %swap3A_1251], %swap3A_1254 {strides = array<i32>} : memref<4x64x128xf32, #tpu.memory_space<vmem>>, vector<1x1x16xf32>,
      %get3A_1255 = arith.constant 1 : i32
      %get3A_1256 = arith.index_cast %get3A_1255 : i32 to index
      %get3A_1257 = arith.index_cast %add3A_1058 : i32 to index
      %get3A_1258 = arith.constant 48 : index
      %get3A_1259 = tpu.vector_load %arg7[%get3A_1256, %get3A_1257, %get3A_1258] {strides = array<i32>} : memref<4x64x128xf32, #tpu.memory_space<vmem>>, vector<1x1x16xf32>,
      %get3A_1260 = vector.shape_cast %get3A_1259 : vector<1x1x16xf32> to vector<16xf32>
      %add3A_1261 = arith.addf %get3A_1260, %get3A_1240 : vector<16xf32>
      %swap3A_1262 = arith.constant 1 : i32
      %swap3A_1263 = arith.index_cast %swap3A_1262 : i32 to index
      %swap3A_1264 = arith.index_cast %add3A_1058 : i32 to index
      %swap3A_1265 = arith.constant 48 : index
      %swap3A_1266 = tpu.vector_load %arg7[%swap3A_1263, %swap3A_1264, %swap3A_1265] {strides = array<i32>} : memref<4x64x128xf32, #tpu.memory_space<vmem>>, vector<1x1x16xf32>,
      %swap3A_1267 = vector.shape_cast %swap3A_1266 : vector<1x1x16xf32> to vector<16xf32>
      %swap3A_1268 = vector.shape_cast %add3A_1261 : vector<16xf32> to vector<1x1x16xf32>
      tpu.vector_store %arg7[%swap3A_1263, %swap3A_1264, %swap3A_1265], %swap3A_1268 {strides = array<i32>} : memref<4x64x128xf32, #tpu.memory_space<vmem>>, vector<1x1x16xf32>,
      %get3A_1269 = arith.constant 2 : i32
      %get3A_1270 = arith.index_cast %get3A_1269 : i32 to index
      %get3A_1271 = arith.index_cast %add3A_1058 : i32 to index
      %get3A_1272 = arith.constant 48 : index
      %get3A_1273 = tpu.vector_load %arg7[%get3A_1270, %get3A_1271, %get3A_1272] {strides = array<i32>} : memref<4x64x128xf32, #tpu.memory_space<vmem>>, vector<1x1x16xf32>,
      %get3A_1274 = vector.shape_cast %get3A_1273 : vector<1x1x16xf32> to vector<16xf32>
      %add3A_1275 = arith.addf %get3A_1274, %get3A_1240 : vector<16xf32>
      %swap3A_1276 = arith.constant 2 : i32
      %swap3A_1277 = arith.index_cast %swap3A_1276 : i32 to index
      %swap3A_1278 = arith.index_cast %add3A_1058 : i32 to index
      %swap3A_1279 = arith.constant 48 : index
      %swap3A_1280 = tpu.vector_load %arg7[%swap3A_1277, %swap3A_1278, %swap3A_1279] {strides = array<i32>} : memref<4x64x128xf32, #tpu.memory_space<vmem>>, vector<1x1x16xf32>,
      %swap3A_1281 = vector.shape_cast %swap3A_1280 : vector<1x1x16xf32> to vector<16xf32>
      %swap3A_1282 = vector.shape_cast %add3A_1275 : vector<16xf32> to vector<1x1x16xf32>
      tpu.vector_store %arg7[%swap3A_1277, %swap3A_1278, %swap3A_1279], %swap3A_1282 {strides = array<i32>} : memref<4x64x128xf32, #tpu.memory_space<vmem>>, vector<1x1x16xf32>,
      %get3A_1283 = arith.constant 3 : i32
      %get3A_1284 = arith.index_cast %get3A_1283 : i32 to index
      %get3A_1285 = arith.index_cast %add3A_1058 : i32 to index
      %get3A_1286 = arith.constant 48 : index
      %get3A_1287 = tpu.vector_load %arg7[%get3A_1284, %get3A_1285, %get3A_1286] {strides = array<i32>} : memref<4x64x128xf32, #tpu.memory_space<vmem>>, vector<1x1x16xf32>,
      %get3A_1288 = vector.shape_cast %get3A_1287 : vector<1x1x16xf32> to vector<16xf32>
      %add3A_1289 = arith.addf %get3A_1288, %get3A_1240 : vector<16xf32>
      %swap3A_1290 = arith.constant 3 : i32
      %swap3A_1291 = arith.index_cast %swap3A_1290 : i32 to index
      %swap3A_1292 = arith.index_cast %add3A_1058 : i32 to index
      %swap3A_1293 = arith.constant 48 : index
      %swap3A_1294 = tpu.vector_load %arg7[%swap3A_1291, %swap3A_1292, %swap3A_1293] {strides = array<i32>} : memref<4x64x128xf32, #tpu.memory_space<vmem>>, vector<1x1x16xf32>,
      %swap3A_1295 = vector.shape_cast %swap3A_1294 : vector<1x1x16xf32> to vector<16xf32>
      %swap3A_1296 = vector.shape_cast %add3A_1289 : vector<16xf32> to vector<1x1x16xf32>
      tpu.vector_store %arg7[%swap3A_1291, %swap3A_1292, %swap3A_1293], %swap3A_1296 {strides = array<i32>} : memref<4x64x128xf32, #tpu.memory_space<vmem>>, vector<1x1x16xf32>,
      %get3A_1297 = arith.index_cast %add3A_1058 : i32 to index
      %get3A_1298 = arith.constant 64 : index
      %get3A_1299 = tpu.vector_load %arg8[%get3A_1297, %get3A_1298] {strides = array<i32>} : memref<64x128xf32, #tpu.memory_space<vmem>>, vector<1x16xf32>,
      %get3A_1300 = vector.shape_cast %get3A_1299 : vector<1x16xf32> to vector<16xf32>
      %get3A_1301 = arith.constant 0 : i32
      %get3A_1302 = arith.index_cast %get3A_1301 : i32 to index
      %get3A_1303 = arith.index_cast %add3A_1058 : i32 to index
      %get3A_1304 = arith.constant 64 : index
      %get3A_1305 = tpu.vector_load %arg7[%get3A_1302, %get3A_1303, %get3A_1304] {strides = array<i32>} : memref<4x64x128xf32, #tpu.memory_space<vmem>>, vector<1x1x16xf32>,
      %get3A_1306 = vector.shape_cast %get3A_1305 : vector<1x1x16xf32> to vector<16xf32>
      %add3A_1307 = arith.addf %get3A_1306, %get3A_1300 : vector<16xf32>
      %swap3A_1308 = arith.constant 0 : i32
      %swap3A_1309 = arith.index_cast %swap3A_1308 : i32 to index
      %swap3A_1310 = arith.index_cast %add3A_1058 : i32 to index
      %swap3A_1311 = arith.constant 64 : index
      %swap3A_1312 = tpu.vector_load %arg7[%swap3A_1309, %swap3A_1310, %swap3A_1311] {strides = array<i32>} : memref<4x64x128xf32, #tpu.memory_space<vmem>>, vector<1x1x16xf32>,
      %swap3A_1313 = vector.shape_cast %swap3A_1312 : vector<1x1x16xf32> to vector<16xf32>
      %swap3A_1314 = vector.shape_cast %add3A_1307 : vector<16xf32> to vector<1x1x16xf32>
      tpu.vector_store %arg7[%swap3A_1309, %swap3A_1310, %swap3A_1311], %swap3A_1314 {strides = array<i32>} : memref<4x64x128xf32, #tpu.memory_space<vmem>>, vector<1x1x16xf32>,
      %get3A_1315 = arith.constant 1 : i32
      %get3A_1316 = arith.index_cast %get3A_1315 : i32 to index
      %get3A_1317 = arith.index_cast %add3A_1058 : i32 to index
      %get3A_1318 = arith.constant 64 : index
      %get3A_1319 = tpu.vector_load %arg7[%get3A_1316, %get3A_1317, %get3A_1318] {strides = array<i32>} : memref<4x64x128xf32, #tpu.memory_space<vmem>>, vector<1x1x16xf32>,
      %get3A_1320 = vector.shape_cast %get3A_1319 : vector<1x1x16xf32> to vector<16xf32>
      %add3A_1321 = arith.addf %get3A_1320, %get3A_1300 : vector<16xf32>
      %swap3A_1322 = arith.constant 1 : i32
      %swap3A_1323 = arith.index_cast %swap3A_1322 : i32 to index
      %swap3A_1324 = arith.index_cast %add3A_1058 : i32 to index
      %swap3A_1325 = arith.constant 64 : index
      %swap3A_1326 = tpu.vector_load %arg7[%swap3A_1323, %swap3A_1324, %swap3A_1325] {strides = array<i32>} : memref<4x64x128xf32, #tpu.memory_space<vmem>>, vector<1x1x16xf32>,
      %swap3A_1327 = vector.shape_cast %swap3A_1326 : vector<1x1x16xf32> to vector<16xf32>
      %swap3A_1328 = vector.shape_cast %add3A_1321 : vector<16xf32> to vector<1x1x16xf32>
      tpu.vector_store %arg7[%swap3A_1323, %swap3A_1324, %swap3A_1325], %swap3A_1328 {strides = array<i32>} : memref<4x64x128xf32, #tpu.memory_space<vmem>>, vector<1x1x16xf32>,
      %get3A_1329 = arith.constant 2 : i32
      %get3A_1330 = arith.index_cast %get3A_1329 : i32 to index
      %get3A_1331 = arith.index_cast %add3A_1058 : i32 to index
      %get3A_1332 = arith.constant 64 : index
      %get3A_1333 = tpu.vector_load %arg7[%get3A_1330, %get3A_1331, %get3A_1332] {strides = array<i32>} : memref<4x64x128xf32, #tpu.memory_space<vmem>>, vector<1x1x16xf32>,
      %get3A_1334 = vector.shape_cast %get3A_1333 : vector<1x1x16xf32> to vector<16xf32>
      %add3A_1335 = arith.addf %get3A_1334, %get3A_1300 : vector<16xf32>
      %swap3A_1336 = arith.constant 2 : i32
      %swap3A_1337 = arith.index_cast %swap3A_1336 : i32 to index
      %swap3A_1338 = arith.index_cast %add3A_1058 : i32 to index
      %swap3A_1339 = arith.constant 64 : index
      %swap3A_1340 = tpu.vector_load %arg7[%swap3A_1337, %swap3A_1338, %swap3A_1339] {strides = array<i32>} : memref<4x64x128xf32, #tpu.memory_space<vmem>>, vector<1x1x16xf32>,
      %swap3A_1341 = vector.shape_cast %swap3A_1340 : vector<1x1x16xf32> to vector<16xf32>
      %swap3A_1342 = vector.shape_cast %add3A_1335 : vector<16xf32> to vector<1x1x16xf32>
      tpu.vector_store %arg7[%swap3A_1337, %swap3A_1338, %swap3A_1339], %swap3A_1342 {strides = array<i32>} : memref<4x64x128xf32, #tpu.memory_space<vmem>>, vector<1x1x16xf32>,
      %get3A_1343 = arith.constant 3 : i32
      %get3A_1344 = arith.index_cast %get3A_1343 : i32 to index
      %get3A_1345 = arith.index_cast %add3A_1058 : i32 to index
      %get3A_1346 = arith.constant 64 : index
      %get3A_1347 = tpu.vector_load %arg7[%get3A_1344, %get3A_1345, %get3A_1346] {strides = array<i32>} : memref<4x64x128xf32, #tpu.memory_space<vmem>>, vector<1x1x16xf32>,
      %get3A_1348 = vector.shape_cast %get3A_1347 : vector<1x1x16xf32> to vector<16xf32>
      %add3A_1349 = arith.addf %get3A_1348, %get3A_1300 : vector<16xf32>
      %swap3A_1350 = arith.constant 3 : i32
      %swap3A_1351 = arith.index_cast %swap3A_1350 : i32 to index
      %swap3A_1352 = arith.index_cast %add3A_1058 : i32 to index
      %swap3A_1353 = arith.constant 64 : index
      %swap3A_1354 = tpu.vector_load %arg7[%swap3A_1351, %swap3A_1352, %swap3A_1353] {strides = array<i32>} : memref<4x64x128xf32, #tpu.memory_space<vmem>>, vector<1x1x16xf32>,
      %swap3A_1355 = vector.shape_cast %swap3A_1354 : vector<1x1x16xf32> to vector<16xf32>
      %swap3A_1356 = vector.shape_cast %add3A_1349 : vector<16xf32> to vector<1x1x16xf32>
      tpu.vector_store %arg7[%swap3A_1351, %swap3A_1352, %swap3A_1353], %swap3A_1356 {strides = array<i32>} : memref<4x64x128xf32, #tpu.memory_space<vmem>>, vector<1x1x16xf32>,
      %get3A_1357 = arith.index_cast %add3A_1058 : i32 to index
      %get3A_1358 = arith.constant 80 : index
      %get3A_1359 = tpu.vector_load %arg8[%get3A_1357, %get3A_1358] {strides = array<i32>} : memref<64x128xf32, #tpu.memory_space<vmem>>, vector<1x16xf32>,
      %get3A_1360 = vector.shape_cast %get3A_1359 : vector<1x16xf32> to vector<16xf32>
      %get3A_1361 = arith.constant 0 : i32
      %get3A_1362 = arith.index_cast %get3A_1361 : i32 to index
      %get3A_1363 = arith.index_cast %add3A_1058 : i32 to index
      %get3A_1364 = arith.constant 80 : index
      %get3A_1365 = tpu.vector_load %arg7[%get3A_1362, %get3A_1363, %get3A_1364] {strides = array<i32>} : memref<4x64x128xf32, #tpu.memory_space<vmem>>, vector<1x1x16xf32>,
      %get3A_1366 = vector.shape_cast %get3A_1365 : vector<1x1x16xf32> to vector<16xf32>
      %add3A_1367 = arith.addf %get3A_1366, %get3A_1360 : vector<16xf32>
      %swap3A_1368 = arith.constant 0 : i32
      %swap3A_1369 = arith.index_cast %swap3A_1368 : i32 to index
      %swap3A_1370 = arith.index_cast %add3A_1058 : i32 to index
      %swap3A_1371 = arith.constant 80 : index
      %swap3A_1372 = tpu.vector_load %arg7[%swap3A_1369, %swap3A_1370, %swap3A_1371] {strides = array<i32>} : memref<4x64x128xf32, #tpu.memory_space<vmem>>, vector<1x1x16xf32>,
      %swap3A_1373 = vector.shape_cast %swap3A_1372 : vector<1x1x16xf32> to vector<16xf32>
      %swap3A_1374 = vector.shape_cast %add3A_1367 : vector<16xf32> to vector<1x1x16xf32>
      tpu.vector_store %arg7[%swap3A_1369, %swap3A_1370, %swap3A_1371], %swap3A_1374 {strides = array<i32>} : memref<4x64x128xf32, #tpu.memory_space<vmem>>, vector<1x1x16xf32>,
      %get3A_1375 = arith.constant 1 : i32
      %get3A_1376 = arith.index_cast %get3A_1375 : i32 to index
      %get3A_1377 = arith.index_cast %add3A_1058 : i32 to index
      %get3A_1378 = arith.constant 80 : index
      %get3A_1379 = tpu.vector_load %arg7[%get3A_1376, %get3A_1377, %get3A_1378] {strides = array<i32>} : memref<4x64x128xf32, #tpu.memory_space<vmem>>, vector<1x1x16xf32>,
      %get3A_1380 = vector.shape_cast %get3A_1379 : vector<1x1x16xf32> to vector<16xf32>
      %add3A_1381 = arith.addf %get3A_1380, %get3A_1360 : vector<16xf32>
      %swap3A_1382 = arith.constant 1 : i32
      %swap3A_1383 = arith.index_cast %swap3A_1382 : i32 to index
      %swap3A_1384 = arith.index_cast %add3A_1058 : i32 to index
      %swap3A_1385 = arith.constant 80 : index
      %swap3A_1386 = tpu.vector_load %arg7[%swap3A_1383, %swap3A_1384, %swap3A_1385] {strides = array<i32>} : memref<4x64x128xf32, #tpu.memory_space<vmem>>, vector<1x1x16xf32>,
      %swap3A_1387 = vector.shape_cast %swap3A_1386 : vector<1x1x16xf32> to vector<16xf32>
      %swap3A_1388 = vector.shape_cast %add3A_1381 : vector<16xf32> to vector<1x1x16xf32>
      tpu.vector_store %arg7[%swap3A_1383, %swap3A_1384, %swap3A_1385], %swap3A_1388 {strides = array<i32>} : memref<4x64x128xf32, #tpu.memory_space<vmem>>, vector<1x1x16xf32>,
      %get3A_1389 = arith.constant 2 : i32
      %get3A_1390 = arith.index_cast %get3A_1389 : i32 to index
      %get3A_1391 = arith.index_cast %add3A_1058 : i32 to index
      %get3A_1392 = arith.constant 80 : index
      %get3A_1393 = tpu.vector_load %arg7[%get3A_1390, %get3A_1391, %get3A_1392] {strides = array<i32>} : memref<4x64x128xf32, #tpu.memory_space<vmem>>, vector<1x1x16xf32>,
      %get3A_1394 = vector.shape_cast %get3A_1393 : vector<1x1x16xf32> to vector<16xf32>
      %add3A_1395 = arith.addf %get3A_1394, %get3A_1360 : vector<16xf32>
      %swap3A_1396 = arith.constant 2 : i32
      %swap3A_1397 = arith.index_cast %swap3A_1396 : i32 to index
      %swap3A_1398 = arith.index_cast %add3A_1058 : i32 to index
      %swap3A_1399 = arith.constant 80 : index
      %swap3A_1400 = tpu.vector_load %arg7[%swap3A_1397, %swap3A_1398, %swap3A_1399] {strides = array<i32>} : memref<4x64x128xf32, #tpu.memory_space<vmem>>, vector<1x1x16xf32>,
      %swap3A_1401 = vector.shape_cast %swap3A_1400 : vector<1x1x16xf32> to vector<16xf32>
      %swap3A_1402 = vector.shape_cast %add3A_1395 : vector<16xf32> to vector<1x1x16xf32>
      tpu.vector_store %arg7[%swap3A_1397, %swap3A_1398, %swap3A_1399], %swap3A_1402 {strides = array<i32>} : memref<4x64x128xf32, #tpu.memory_space<vmem>>, vector<1x1x16xf32>,
      %get3A_1403 = arith.constant 3 : i32
      %get3A_1404 = arith.index_cast %get3A_1403 : i32 to index
      %get3A_1405 = arith.index_cast %add3A_1058 : i32 to index
      %get3A_1406 = arith.constant 80 : index
      %get3A_1407 = tpu.vector_load %arg7[%get3A_1404, %get3A_1405, %get3A_1406] {strides = array<i32>} : memref<4x64x128xf32, #tpu.memory_space<vmem>>, vector<1x1x16xf32>,
      %get3A_1408 = vector.shape_cast %get3A_1407 : vector<1x1x16xf32> to vector<16xf32>
      %add3A_1409 = arith.addf %get3A_1408, %get3A_1360 : vector<16xf32>
      %swap3A_1410 = arith.constant 3 : i32
      %swap3A_1411 = arith.index_cast %swap3A_1410 : i32 to index
      %swap3A_1412 = arith.index_cast %add3A_1058 : i32 to index
      %swap3A_1413 = arith.constant 80 : index
      %swap3A_1414 = tpu.vector_load %arg7[%swap3A_1411, %swap3A_1412, %swap3A_1413] {strides = array<i32>} : memref<4x64x128xf32, #tpu.memory_space<vmem>>, vector<1x1x16xf32>,
      %swap3A_1415 = vector.shape_cast %swap3A_1414 : vector<1x1x16xf32> to vector<16xf32>
      %swap3A_1416 = vector.shape_cast %add3A_1409 : vector<16xf32> to vector<1x1x16xf32>
      tpu.vector_store %arg7[%swap3A_1411, %swap3A_1412, %swap3A_1413], %swap3A_1416 {strides = array<i32>} : memref<4x64x128xf32, #tpu.memory_space<vmem>>, vector<1x1x16xf32>,
      %get3A_1417 = arith.index_cast %add3A_1058 : i32 to index
      %get3A_1418 = arith.constant 96 : index
      %get3A_1419 = tpu.vector_load %arg8[%get3A_1417, %get3A_1418] {strides = array<i32>} : memref<64x128xf32, #tpu.memory_space<vmem>>, vector<1x16xf32>,
      %get3A_1420 = vector.shape_cast %get3A_1419 : vector<1x16xf32> to vector<16xf32>
      %get3A_1421 = arith.constant 0 : i32
      %get3A_1422 = arith.index_cast %get3A_1421 : i32 to index
      %get3A_1423 = arith.index_cast %add3A_1058 : i32 to index
      %get3A_1424 = arith.constant 96 : index
      %get3A_1425 = tpu.vector_load %arg7[%get3A_1422, %get3A_1423, %get3A_1424] {strides = array<i32>} : memref<4x64x128xf32, #tpu.memory_space<vmem>>, vector<1x1x16xf32>,
      %get3A_1426 = vector.shape_cast %get3A_1425 : vector<1x1x16xf32> to vector<16xf32>
      %add3A_1427 = arith.addf %get3A_1426, %get3A_1420 : vector<16xf32>
      %swap3A_1428 = arith.constant 0 : i32
      %swap3A_1429 = arith.index_cast %swap3A_1428 : i32 to index
      %swap3A_1430 = arith.index_cast %add3A_1058 : i32 to index
      %swap3A_1431 = arith.constant 96 : index
      %swap3A_1432 = tpu.vector_load %arg7[%swap3A_1429, %swap3A_1430, %swap3A_1431] {strides = array<i32>} : memref<4x64x128xf32, #tpu.memory_space<vmem>>, vector<1x1x16xf32>,
      %swap3A_1433 = vector.shape_cast %swap3A_1432 : vector<1x1x16xf32> to vector<16xf32>
      %swap3A_1434 = vector.shape_cast %add3A_1427 : vector<16xf32> to vector<1x1x16xf32>
      tpu.vector_store %arg7[%swap3A_1429, %swap3A_1430, %swap3A_1431], %swap3A_1434 {strides = array<i32>} : memref<4x64x128xf32, #tpu.memory_space<vmem>>, vector<1x1x16xf32>,
      %get3A_1435 = arith.constant 1 : i32
      %get3A_1436 = arith.index_cast %get3A_1435 : i32 to index
      %get3A_1437 = arith.index_cast %add3A_1058 : i32 to index
      %get3A_1438 = arith.constant 96 : index
      %get3A_1439 = tpu.vector_load %arg7[%get3A_1436, %get3A_1437, %get3A_1438] {strides = array<i32>} : memref<4x64x128xf32, #tpu.memory_space<vmem>>, vector<1x1x16xf32>,
      %get3A_1440 = vector.shape_cast %get3A_1439 : vector<1x1x16xf32> to vector<16xf32>
      %add3A_1441 = arith.addf %get3A_1440, %get3A_1420 : vector<16xf32>
      %swap3A_1442 = arith.constant 1 : i32
      %swap3A_1443 = arith.index_cast %swap3A_1442 : i32 to index
      %swap3A_1444 = arith.index_cast %add3A_1058 : i32 to index
      %swap3A_1445 = arith.constant 96 : index
      %swap3A_1446 = tpu.vector_load %arg7[%swap3A_1443, %swap3A_1444, %swap3A_1445] {strides = array<i32>} : memref<4x64x128xf32, #tpu.memory_space<vmem>>, vector<1x1x16xf32>,
      %swap3A_1447 = vector.shape_cast %swap3A_1446 : vector<1x1x16xf32> to vector<16xf32>
      %swap3A_1448 = vector.shape_cast %add3A_1441 : vector<16xf32> to vector<1x1x16xf32>
      tpu.vector_store %arg7[%swap3A_1443, %swap3A_1444, %swap3A_1445], %swap3A_1448 {strides = array<i32>} : memref<4x64x128xf32, #tpu.memory_space<vmem>>, vector<1x1x16xf32>,
      %get3A_1449 = arith.constant 2 : i32
      %get3A_1450 = arith.index_cast %get3A_1449 : i32 to index
      %get3A_1451 = arith.index_cast %add3A_1058 : i32 to index
      %get3A_1452 = arith.constant 96 : index
      %get3A_1453 = tpu.vector_load %arg7[%get3A_1450, %get3A_1451, %get3A_1452] {strides = array<i32>} : memref<4x64x128xf32, #tpu.memory_space<vmem>>, vector<1x1x16xf32>,
      %get3A_1454 = vector.shape_cast %get3A_1453 : vector<1x1x16xf32> to vector<16xf32>
      %add3A_1455 = arith.addf %get3A_1454, %get3A_1420 : vector<16xf32>
      %swap3A_1456 = arith.constant 2 : i32
      %swap3A_1457 = arith.index_cast %swap3A_1456 : i32 to index
      %swap3A_1458 = arith.index_cast %add3A_1058 : i32 to index
      %swap3A_1459 = arith.constant 96 : index
      %swap3A_1460 = tpu.vector_load %arg7[%swap3A_1457, %swap3A_1458, %swap3A_1459] {strides = array<i32>} : memref<4x64x128xf32, #tpu.memory_space<vmem>>, vector<1x1x16xf32>,
      %swap3A_1461 = vector.shape_cast %swap3A_1460 : vector<1x1x16xf32> to vector<16xf32>
      %swap3A_1462 = vector.shape_cast %add3A_1455 : vector<16xf32> to vector<1x1x16xf32>
      tpu.vector_store %arg7[%swap3A_1457, %swap3A_1458, %swap3A_1459], %swap3A_1462 {strides = array<i32>} : memref<4x64x128xf32, #tpu.memory_space<vmem>>, vector<1x1x16xf32>,
      %get3A_1463 = arith.constant 3 : i32
      %get3A_1464 = arith.index_cast %get3A_1463 : i32 to index
      %get3A_1465 = arith.index_cast %add3A_1058 : i32 to index
      %get3A_1466 = arith.constant 96 : index
      %get3A_1467 = tpu.vector_load %arg7[%get3A_1464, %get3A_1465, %get3A_1466] {strides = array<i32>} : memref<4x64x128xf32, #tpu.memory_space<vmem>>, vector<1x1x16xf32>,
      %get3A_1468 = vector.shape_cast %get3A_1467 : vector<1x1x16xf32> to vector<16xf32>
      %add3A_1469 = arith.addf %get3A_1468, %get3A_1420 : vector<16xf32>
      %swap3A_1470 = arith.constant 3 : i32
      %swap3A_1471 = arith.index_cast %swap3A_1470 : i32 to index
      %swap3A_1472 = arith.index_cast %add3A_1058 : i32 to index
      %swap3A_1473 = arith.constant 96 : index
      %swap3A_1474 = tpu.vector_load %arg7[%swap3A_1471, %swap3A_1472, %swap3A_1473] {strides = array<i32>} : memref<4x64x128xf32, #tpu.memory_space<vmem>>, vector<1x1x16xf32>,
      %swap3A_1475 = vector.shape_cast %swap3A_1474 : vector<1x1x16xf32> to vector<16xf32>
      %swap3A_1476 = vector.shape_cast %add3A_1469 : vector<16xf32> to vector<1x1x16xf32>
      tpu.vector_store %arg7[%swap3A_1471, %swap3A_1472, %swap3A_1473], %swap3A_1476 {strides = array<i32>} : memref<4x64x128xf32, #tpu.memory_space<vmem>>, vector<1x1x16xf32>,
      %get3A_1477 = arith.index_cast %add3A_1058 : i32 to index
      %get3A_1478 = arith.constant 112 : index
      %get3A_1479 = tpu.vector_load %arg8[%get3A_1477, %get3A_1478] {strides = array<i32>} : memref<64x128xf32, #tpu.memory_space<vmem>>, vector<1x16xf32>,
      %get3A_1480 = vector.shape_cast %get3A_1479 : vector<1x16xf32> to vector<16xf32>
      %get3A_1481 = arith.constant 0 : i32
      %get3A_1482 = arith.index_cast %get3A_1481 : i32 to index
      %get3A_1483 = arith.index_cast %add3A_1058 : i32 to index
      %get3A_1484 = arith.constant 112 : index
      %get3A_1485 = tpu.vector_load %arg7[%get3A_1482, %get3A_1483, %get3A_1484] {strides = array<i32>} : memref<4x64x128xf32, #tpu.memory_space<vmem>>, vector<1x1x16xf32>,
      %get3A_1486 = vector.shape_cast %get3A_1485 : vector<1x1x16xf32> to vector<16xf32>
      %add3A_1487 = arith.addf %get3A_1486, %get3A_1480 : vector<16xf32>
      %swap3A_1488 = arith.constant 0 : i32
      %swap3A_1489 = arith.index_cast %swap3A_1488 : i32 to index
      %swap3A_1490 = arith.index_cast %add3A_1058 : i32 to index
      %swap3A_1491 = arith.constant 112 : index
      %swap3A_1492 = tpu.vector_load %arg7[%swap3A_1489, %swap3A_1490, %swap3A_1491] {strides = array<i32>} : memref<4x64x128xf32, #tpu.memory_space<vmem>>, vector<1x1x16xf32>,
      %swap3A_1493 = vector.shape_cast %swap3A_1492 : vector<1x1x16xf32> to vector<16xf32>
      %swap3A_1494 = vector.shape_cast %add3A_1487 : vector<16xf32> to vector<1x1x16xf32>
      tpu.vector_store %arg7[%swap3A_1489, %swap3A_1490, %swap3A_1491], %swap3A_1494 {strides = array<i32>} : memref<4x64x128xf32, #tpu.memory_space<vmem>>, vector<1x1x16xf32>,
      %get3A_1495 = arith.constant 1 : i32
      %get3A_1496 = arith.index_cast %get3A_1495 : i32 to index
      %get3A_1497 = arith.index_cast %add3A_1058 : i32 to index
      %get3A_1498 = arith.constant 112 : index
      %get3A_1499 = tpu.vector_load %arg7[%get3A_1496, %get3A_1497, %get3A_1498] {strides = array<i32>} : memref<4x64x128xf32, #tpu.memory_space<vmem>>, vector<1x1x16xf32>,
      %get3A_1500 = vector.shape_cast %get3A_1499 : vector<1x1x16xf32> to vector<16xf32>
      %add3A_1501 = arith.addf %get3A_1500, %get3A_1480 : vector<16xf32>
      %swap3A_1502 = arith.constant 1 : i32
      %swap3A_1503 = arith.index_cast %swap3A_1502 : i32 to index
      %swap3A_1504 = arith.index_cast %add3A_1058 : i32 to index
      %swap3A_1505 = arith.constant 112 : index
      %swap3A_1506 = tpu.vector_load %arg7[%swap3A_1503, %swap3A_1504, %swap3A_1505] {strides = array<i32>} : memref<4x64x128xf32, #tpu.memory_space<vmem>>, vector<1x1x16xf32>,
      %swap3A_1507 = vector.shape_cast %swap3A_1506 : vector<1x1x16xf32> to vector<16xf32>
      %swap3A_1508 = vector.shape_cast %add3A_1501 : vector<16xf32> to vector<1x1x16xf32>
      tpu.vector_store %arg7[%swap3A_1503, %swap3A_1504, %swap3A_1505], %swap3A_1508 {strides = array<i32>} : memref<4x64x128xf32, #tpu.memory_space<vmem>>, vector<1x1x16xf32>,
      %get3A_1509 = arith.constant 2 : i32
      %get3A_1510 = arith.index_cast %get3A_1509 : i32 to index
      %get3A_1511 = arith.index_cast %add3A_1058 : i32 to index
      %get3A_1512 = arith.constant 112 : index
      %get3A_1513 = tpu.vector_load %arg7[%get3A_1510, %get3A_1511, %get3A_1512] {strides = array<i32>} : memref<4x64x128xf32, #tpu.memory_space<vmem>>, vector<1x1x16xf32>,
      %get3A_1514 = vector.shape_cast %get3A_1513 : vector<1x1x16xf32> to vector<16xf32>
      %add3A_1515 = arith.addf %get3A_1514, %get3A_1480 : vector<16xf32>
      %swap3A_1516 = arith.constant 2 : i32
      %swap3A_1517 = arith.index_cast %swap3A_1516 : i32 to index
      %swap3A_1518 = arith.index_cast %add3A_1058 : i32 to index
      %swap3A_1519 = arith.constant 112 : index
      %swap3A_1520 = tpu.vector_load %arg7[%swap3A_1517, %swap3A_1518, %swap3A_1519] {strides = array<i32>} : memref<4x64x128xf32, #tpu.memory_space<vmem>>, vector<1x1x16xf32>,
      %swap3A_1521 = vector.shape_cast %swap3A_1520 : vector<1x1x16xf32> to vector<16xf32>
      %swap3A_1522 = vector.shape_cast %add3A_1515 : vector<16xf32> to vector<1x1x16xf32>
      tpu.vector_store %arg7[%swap3A_1517, %swap3A_1518, %swap3A_1519], %swap3A_1522 {strides = array<i32>} : memref<4x64x128xf32, #tpu.memory_space<vmem>>, vector<1x1x16xf32>,
      %get3A_1523 = arith.constant 3 : i32
      %get3A_1524 = arith.index_cast %get3A_1523 : i32 to index
      %get3A_1525 = arith.index_cast %add3A_1058 : i32 to index
      %get3A_1526 = arith.constant 112 : index
      %get3A_1527 = tpu.vector_load %arg7[%get3A_1524, %get3A_1525, %get3A_1526] {strides = array<i32>} : memref<4x64x128xf32, #tpu.memory_space<vmem>>, vector<1x1x16xf32>,
      %get3A_1528 = vector.shape_cast %get3A_1527 : vector<1x1x16xf32> to vector<16xf32>
      %add3A_1529 = arith.addf %get3A_1528, %get3A_1480 : vector<16xf32>
      %swap3A_1530 = arith.constant 3 : i32
      %swap3A_1531 = arith.index_cast %swap3A_1530 : i32 to index
      %swap3A_1532 = arith.index_cast %add3A_1058 : i32 to index
      %swap3A_1533 = arith.constant 112 : index
      %swap3A_1534 = tpu.vector_load %arg7[%swap3A_1531, %swap3A_1532, %swap3A_1533] {strides = array<i32>} : memref<4x64x128xf32, #tpu.memory_space<vmem>>, vector<1x1x16xf32>,
      %swap3A_1535 = vector.shape_cast %swap3A_1534 : vector<1x1x16xf32> to vector<16xf32>
      %swap3A_1536 = vector.shape_cast %add3A_1529 : vector<16xf32> to vector<1x1x16xf32>
      tpu.vector_store %arg7[%swap3A_1531, %swap3A_1532, %swap3A_1533], %swap3A_1536 {strides = array<i32>} : memref<4x64x128xf32, #tpu.memory_space<vmem>>, vector<1x1x16xf32>,
    }
    %scan3A_601 = arith.constant 16 : i32
    "tpu.trace_stop"() : () -> ()
    "tpu.trace_start"() <{level = 10 : i32, message = "store_fire"}> : () -> ()
    %add3A_602 = arith.constant 32 : i32
    %add3A_603 = arith.addi %mul3A_2, %add3A_602 : i32
    %dma_start3A_604 = arith.constant 0 : i32
    %dma_start3A_605 = arith.constant 0 : i32
    %dma_start3A_606 = arith.constant 32 : i32
    %dma_start3A_607 = arith.constant 0 : i32
    %dma_start3A_608 = tpu.memref_slice %arg7[%dma_start3A_604, %dma_start3A_606, %dma_start3A_607] : memref<4x64x128xf32, #tpu.memory_space<vmem>> -> memref<1x16x128xf32, #tpu.memory_space<vmem>>
    %dma_start3A_609 = tpu.memref_squeeze %dma_start3A_608 : memref<1x16x128xf32, #tpu.memory_space<vmem>> -> memref<16x128xf32, #tpu.memory_space<vmem>>
    %dma_start3A_610 = arith.constant 0 : i32
    %dma_start3A_611 = tpu.memref_slice %arg5[%dma_start3A_605, %add3A_603, %dma_start3A_610] : memref<4x2048x128xf32, #tpu.memory_space<hbm>> -> memref<1x16x128xf32, #tpu.memory_space<hbm>>
    %dma_start3A_612 = tpu.memref_squeeze %dma_start3A_611 : memref<1x16x128xf32, #tpu.memory_space<hbm>> -> memref<16x128xf32, #tpu.memory_space<hbm>>
    %dma_start3A_613 = arith.constant 0 : i32
    %dma_start3A_614 = tpu.memref_slice %arg5[%dma_start3A_605, %add3A_603, %dma_start3A_613] : memref<4x2048x128xf32, #tpu.memory_space<hbm>> -> memref<1x16x128xf32, #tpu.memory_space<hbm>>
    %dma_start3A_615 = tpu.memref_squeeze %dma_start3A_614 : memref<1x16x128xf32, #tpu.memory_space<hbm>> -> memref<16x128xf32, #tpu.memory_space<hbm>>
    %dma_start3A_616 = arith.constant 32 : i32
    %dma_start3A_617 = arith.constant 0 : i32
    %dma_start3A_618 = tpu.memref_slice %arg7[%dma_start3A_604, %dma_start3A_616, %dma_start3A_617] : memref<4x64x128xf32, #tpu.memory_space<vmem>> -> memref<1x16x128xf32, #tpu.memory_space<vmem>>
    %dma_start3A_619 = tpu.memref_squeeze %dma_start3A_618 : memref<1x16x128xf32, #tpu.memory_space<vmem>> -> memref<16x128xf32, #tpu.memory_space<vmem>>
    tpu.enqueue_dma source(%dma_start3A_619 : memref<16x128xf32, #tpu.memory_space<vmem>>) target(%dma_start3A_615 : memref<16x128xf32, #tpu.memory_space<hbm>>) target_semaphore(%arg27 : memref<!tpu.dma_semaphore, #tpu.memory_space<semaphore_mem>>)
    %add3A_620 = arith.constant 32 : i32
    %add3A_621 = arith.addi %mul3A_2, %add3A_620 : i32
    %dma_start3A_622 = arith.constant 1 : i32
    %dma_start3A_623 = arith.constant 1 : i32
    %dma_start3A_624 = arith.constant 32 : i32
    %dma_start3A_625 = arith.constant 0 : i32
    %dma_start3A_626 = tpu.memref_slice %arg7[%dma_start3A_622, %dma_start3A_624, %dma_start3A_625] : memref<4x64x128xf32, #tpu.memory_space<vmem>> -> memref<1x16x128xf32, #tpu.memory_space<vmem>>
    %dma_start3A_627 = tpu.memref_squeeze %dma_start3A_626 : memref<1x16x128xf32, #tpu.memory_space<vmem>> -> memref<16x128xf32, #tpu.memory_space<vmem>>
    %dma_start3A_628 = arith.constant 0 : i32
    %dma_start3A_629 = tpu.memref_slice %arg5[%dma_start3A_623, %add3A_621, %dma_start3A_628] : memref<4x2048x128xf32, #tpu.memory_space<hbm>> -> memref<1x16x128xf32, #tpu.memory_space<hbm>>
    %dma_start3A_630 = tpu.memref_squeeze %dma_start3A_629 : memref<1x16x128xf32, #tpu.memory_space<hbm>> -> memref<16x128xf32, #tpu.memory_space<hbm>>
    %dma_start3A_631 = arith.constant 0 : i32
    %dma_start3A_632 = tpu.memref_slice %arg5[%dma_start3A_623, %add3A_621, %dma_start3A_631] : memref<4x2048x128xf32, #tpu.memory_space<hbm>> -> memref<1x16x128xf32, #tpu.memory_space<hbm>>
    %dma_start3A_633 = tpu.memref_squeeze %dma_start3A_632 : memref<1x16x128xf32, #tpu.memory_space<hbm>> -> memref<16x128xf32, #tpu.memory_space<hbm>>
    %dma_start3A_634 = arith.constant 32 : i32
    %dma_start3A_635 = arith.constant 0 : i32
    %dma_start3A_636 = tpu.memref_slice %arg7[%dma_start3A_622, %dma_start3A_634, %dma_start3A_635] : memref<4x64x128xf32, #tpu.memory_space<vmem>> -> memref<1x16x128xf32, #tpu.memory_space<vmem>>
    %dma_start3A_637 = tpu.memref_squeeze %dma_start3A_636 : memref<1x16x128xf32, #tpu.memory_space<vmem>> -> memref<16x128xf32, #tpu.memory_space<vmem>>
    tpu.enqueue_dma source(%dma_start3A_637 : memref<16x128xf32, #tpu.memory_space<vmem>>) target(%dma_start3A_633 : memref<16x128xf32, #tpu.memory_space<hbm>>) target_semaphore(%arg27 : memref<!tpu.dma_semaphore, #tpu.memory_space<semaphore_mem>>)
    %add3A_638 = arith.constant 32 : i32
    %add3A_639 = arith.addi %mul3A_2, %add3A_638 : i32
    %dma_start3A_640 = arith.constant 2 : i32
    %dma_start3A_641 = arith.constant 2 : i32
    %dma_start3A_642 = arith.constant 32 : i32
    %dma_start3A_643 = arith.constant 0 : i32
    %dma_start3A_644 = tpu.memref_slice %arg7[%dma_start3A_640, %dma_start3A_642, %dma_start3A_643] : memref<4x64x128xf32, #tpu.memory_space<vmem>> -> memref<1x16x128xf32, #tpu.memory_space<vmem>>
    %dma_start3A_645 = tpu.memref_squeeze %dma_start3A_644 : memref<1x16x128xf32, #tpu.memory_space<vmem>> -> memref<16x128xf32, #tpu.memory_space<vmem>>
    %dma_start3A_646 = arith.constant 0 : i32
    %dma_start3A_647 = tpu.memref_slice %arg5[%dma_start3A_641, %add3A_639, %dma_start3A_646] : memref<4x2048x128xf32, #tpu.memory_space<hbm>> -> memref<1x16x128xf32, #tpu.memory_space<hbm>>
    %dma_start3A_648 = tpu.memref_squeeze %dma_start3A_647 : memref<1x16x128xf32, #tpu.memory_space<hbm>> -> memref<16x128xf32, #tpu.memory_space<hbm>>
    %dma_start3A_649 = arith.constant 0 : i32
    %dma_start3A_650 = tpu.memref_slice %arg5[%dma_start3A_641, %add3A_639, %dma_start3A_649] : memref<4x2048x128xf32, #tpu.memory_space<hbm>> -> memref<1x16x128xf32, #tpu.memory_space<hbm>>
    %dma_start3A_651 = tpu.memref_squeeze %dma_start3A_650 : memref<1x16x128xf32, #tpu.memory_space<hbm>> -> memref<16x128xf32, #tpu.memory_space<hbm>>
    %dma_start3A_652 = arith.constant 32 : i32
    %dma_start3A_653 = arith.constant 0 : i32
    %dma_start3A_654 = tpu.memref_slice %arg7[%dma_start3A_640, %dma_start3A_652, %dma_start3A_653] : memref<4x64x128xf32, #tpu.memory_space<vmem>> -> memref<1x16x128xf32, #tpu.memory_space<vmem>>
    %dma_start3A_655 = tpu.memref_squeeze %dma_start3A_654 : memref<1x16x128xf32, #tpu.memory_space<vmem>> -> memref<16x128xf32, #tpu.memory_space<vmem>>
    tpu.enqueue_dma source(%dma_start3A_655 : memref<16x128xf32, #tpu.memory_space<vmem>>) target(%dma_start3A_651 : memref<16x128xf32, #tpu.memory_space<hbm>>) target_semaphore(%arg27 : memref<!tpu.dma_semaphore, #tpu.memory_space<semaphore_mem>>)
    %add3A_656 = arith.constant 32 : i32
    %add3A_657 = arith.addi %mul3A_2, %add3A_656 : i32
    %dma_start3A_658 = arith.constant 3 : i32
    %dma_start3A_659 = arith.constant 3 : i32
    %dma_start3A_660 = arith.constant 32 : i32
    %dma_start3A_661 = arith.constant 0 : i32
    %dma_start3A_662 = tpu.memref_slice %arg7[%dma_start3A_658, %dma_start3A_660, %dma_start3A_661] : memref<4x64x128xf32, #tpu.memory_space<vmem>> -> memref<1x16x128xf32, #tpu.memory_space<vmem>>
    %dma_start3A_663 = tpu.memref_squeeze %dma_start3A_662 : memref<1x16x128xf32, #tpu.memory_space<vmem>> -> memref<16x128xf32, #tpu.memory_space<vmem>>
    %dma_start3A_664 = arith.constant 0 : i32
    %dma_start3A_665 = tpu.memref_slice %arg5[%dma_start3A_659, %add3A_657, %dma_start3A_664] : memref<4x2048x128xf32, #tpu.memory_space<hbm>> -> memref<1x16x128xf32, #tpu.memory_space<hbm>>
    %dma_start3A_666 = tpu.memref_squeeze %dma_start3A_665 : memref<1x16x128xf32, #tpu.memory_space<hbm>> -> memref<16x128xf32, #tpu.memory_space<hbm>>
    %dma_start3A_667 = arith.constant 0 : i32
    %dma_start3A_668 = tpu.memref_slice %arg5[%dma_start3A_659, %add3A_657, %dma_start3A_667] : memref<4x2048x128xf32, #tpu.memory_space<hbm>> -> memref<1x16x128xf32, #tpu.memory_space<hbm>>
    %dma_start3A_669 = tpu.memref_squeeze %dma_start3A_668 : memref<1x16x128xf32, #tpu.memory_space<hbm>> -> memref<16x128xf32, #tpu.memory_space<hbm>>
    %dma_start3A_670 = arith.constant 32 : i32
    %dma_start3A_671 = arith.constant 0 : i32
    %dma_start3A_672 = tpu.memref_slice %arg7[%dma_start3A_658, %dma_start3A_670, %dma_start3A_671] : memref<4x64x128xf32, #tpu.memory_space<vmem>> -> memref<1x16x128xf32, #tpu.memory_space<vmem>>
    %dma_start3A_673 = tpu.memref_squeeze %dma_start3A_672 : memref<1x16x128xf32, #tpu.memory_space<vmem>> -> memref<16x128xf32, #tpu.memory_space<vmem>>
    tpu.enqueue_dma source(%dma_start3A_673 : memref<16x128xf32, #tpu.memory_space<vmem>>) target(%dma_start3A_669 : memref<16x128xf32, #tpu.memory_space<hbm>>) target_semaphore(%arg27 : memref<!tpu.dma_semaphore, #tpu.memory_space<semaphore_mem>>)
    %dma_wait3A_674 = arith.constant 0 : i32
    %dma_wait3A_675 = arith.constant 0 : i32
    "tpu.trace_stop"() : () -> ()
    "tpu.trace_start"() <{level = 10 : i32, message = "gather_wait"}> : () -> ()
    %dma_wait3A_676 = arith.constant 48 : i32
    %dma_wait3A_677 = arith.constant 0 : i32
    %dma_wait3A_678 = tpu.memref_slice %arg7[%dma_wait3A_675, %dma_wait3A_676, %dma_wait3A_677] : memref<4x64x128xf32, #tpu.memory_space<vmem>> -> memref<1x16x128xf32, #tpu.memory_space<vmem>>
    %dma_wait3A_679 = tpu.memref_squeeze %dma_wait3A_678 : memref<1x16x128xf32, #tpu.memory_space<vmem>> -> memref<16x128xf32, #tpu.memory_space<vmem>>
    %dma_wait3A_680 = arith.constant 48 : i32
    %dma_wait3A_681 = tpu.memref_slice %arg6[%dma_wait3A_674, %dma_wait3A_680] : memref<4x64xi32, #tpu.memory_space<vmem>> -> memref<1x16xi32, #tpu.memory_space<vmem>>
    %dma_wait3A_682 = tpu.memref_squeeze %dma_wait3A_681 : memref<1x16xi32, #tpu.memory_space<vmem>> -> memref<16xi32, #tpu.memory_space<vmem>>
    %dma_wait3A_683 = arith.constant 0 : i32
    %dma_wait3A_684 = arith.constant 0 : i32
    %dma_wait3A_685 = tpu.memref_slice %arg2[%dma_wait3A_683, %dma_wait3A_684] : memref<1000000x128xf32, #tpu.memory_space<hbm>> -> memref<1000000x128xf32, #tpu.memory_space<hbm>>
    tpu.wait_indirect_dma semaphore(%arg14 : memref<!tpu.dma_semaphore, #tpu.memory_space<semaphore_mem>>) src(%dma_wait3A_685 : memref<1000000x128xf32, #tpu.memory_space<hbm>>) dst(%dma_wait3A_679 : memref<16x128xf32, #tpu.memory_space<vmem>>)
    %dma_wait3A_686 = arith.constant 1 : i32
    %dma_wait3A_687 = arith.constant 1 : i32
    %dma_wait3A_688 = arith.constant 48 : i32
    %dma_wait3A_689 = arith.constant 0 : i32
    %dma_wait3A_690 = tpu.memref_slice %arg7[%dma_wait3A_687, %dma_wait3A_688, %dma_wait3A_689] : memref<4x64x128xf32, #tpu.memory_space<vmem>> -> memref<1x16x128xf32, #tpu.memory_space<vmem>>
    %dma_wait3A_691 = tpu.memref_squeeze %dma_wait3A_690 : memref<1x16x128xf32, #tpu.memory_space<vmem>> -> memref<16x128xf32, #tpu.memory_space<vmem>>
    %dma_wait3A_692 = arith.constant 48 : i32
    %dma_wait3A_693 = tpu.memref_slice %arg6[%dma_wait3A_686, %dma_wait3A_692] : memref<4x64xi32, #tpu.memory_space<vmem>> -> memref<1x16xi32, #tpu.memory_space<vmem>>
    %dma_wait3A_694 = tpu.memref_squeeze %dma_wait3A_693 : memref<1x16xi32, #tpu.memory_space<vmem>> -> memref<16xi32, #tpu.memory_space<vmem>>
    %dma_wait3A_695 = arith.constant 0 : i32
    %dma_wait3A_696 = arith.constant 0 : i32
    %dma_wait3A_697 = tpu.memref_slice %arg2[%dma_wait3A_695, %dma_wait3A_696] : memref<1000000x128xf32, #tpu.memory_space<hbm>> -> memref<1000000x128xf32, #tpu.memory_space<hbm>>
    tpu.wait_indirect_dma semaphore(%arg18 : memref<!tpu.dma_semaphore, #tpu.memory_space<semaphore_mem>>) src(%dma_wait3A_697 : memref<1000000x128xf32, #tpu.memory_space<hbm>>) dst(%dma_wait3A_691 : memref<16x128xf32, #tpu.memory_space<vmem>>)
    %dma_wait3A_698 = arith.constant 2 : i32
    %dma_wait3A_699 = arith.constant 2 : i32
    %dma_wait3A_700 = arith.constant 48 : i32
    %dma_wait3A_701 = arith.constant 0 : i32
    %dma_wait3A_702 = tpu.memref_slice %arg7[%dma_wait3A_699, %dma_wait3A_700, %dma_wait3A_701] : memref<4x64x128xf32, #tpu.memory_space<vmem>> -> memref<1x16x128xf32, #tpu.memory_space<vmem>>
    %dma_wait3A_703 = tpu.memref_squeeze %dma_wait3A_702 : memref<1x16x128xf32, #tpu.memory_space<vmem>> -> memref<16x128xf32, #tpu.memory_space<vmem>>
    %dma_wait3A_704 = arith.constant 48 : i32
    %dma_wait3A_705 = tpu.memref_slice %arg6[%dma_wait3A_698, %dma_wait3A_704] : memref<4x64xi32, #tpu.memory_space<vmem>> -> memref<1x16xi32, #tpu.memory_space<vmem>>
    %dma_wait3A_706 = tpu.memref_squeeze %dma_wait3A_705 : memref<1x16xi32, #tpu.memory_space<vmem>> -> memref<16xi32, #tpu.memory_space<vmem>>
    %dma_wait3A_707 = arith.constant 0 : i32
    %dma_wait3A_708 = arith.constant 0 : i32
    %dma_wait3A_709 = tpu.memref_slice %arg2[%dma_wait3A_707, %dma_wait3A_708] : memref<1000000x128xf32, #tpu.memory_space<hbm>> -> memref<1000000x128xf32, #tpu.memory_space<hbm>>
    tpu.wait_indirect_dma semaphore(%arg22 : memref<!tpu.dma_semaphore, #tpu.memory_space<semaphore_mem>>) src(%dma_wait3A_709 : memref<1000000x128xf32, #tpu.memory_space<hbm>>) dst(%dma_wait3A_703 : memref<16x128xf32, #tpu.memory_space<vmem>>)
    %dma_wait3A_710 = arith.constant 3 : i32
    %dma_wait3A_711 = arith.constant 3 : i32
    %dma_wait3A_712 = arith.constant 48 : i32
    %dma_wait3A_713 = arith.constant 0 : i32
    %dma_wait3A_714 = tpu.memref_slice %arg7[%dma_wait3A_711, %dma_wait3A_712, %dma_wait3A_713] : memref<4x64x128xf32, #tpu.memory_space<vmem>> -> memref<1x16x128xf32, #tpu.memory_space<vmem>>
    %dma_wait3A_715 = tpu.memref_squeeze %dma_wait3A_714 : memref<1x16x128xf32, #tpu.memory_space<vmem>> -> memref<16x128xf32, #tpu.memory_space<vmem>>
    %dma_wait3A_716 = arith.constant 48 : i32
    %dma_wait3A_717 = tpu.memref_slice %arg6[%dma_wait3A_710, %dma_wait3A_716] : memref<4x64xi32, #tpu.memory_space<vmem>> -> memref<1x16xi32, #tpu.memory_space<vmem>>
    %dma_wait3A_718 = tpu.memref_squeeze %dma_wait3A_717 : memref<1x16xi32, #tpu.memory_space<vmem>> -> memref<16xi32, #tpu.memory_space<vmem>>
    %dma_wait3A_719 = arith.constant 0 : i32
    %dma_wait3A_720 = arith.constant 0 : i32
    %dma_wait3A_721 = tpu.memref_slice %arg2[%dma_wait3A_719, %dma_wait3A_720] : memref<1000000x128xf32, #tpu.memory_space<hbm>> -> memref<1000000x128xf32, #tpu.memory_space<hbm>>
    tpu.wait_indirect_dma semaphore(%arg26 : memref<!tpu.dma_semaphore, #tpu.memory_space<semaphore_mem>>) src(%dma_wait3A_721 : memref<1000000x128xf32, #tpu.memory_space<hbm>>) dst(%dma_wait3A_715 : memref<16x128xf32, #tpu.memory_space<vmem>>)
    "tpu.trace_stop"() : () -> ()
    "tpu.trace_start"() <{level = 10 : i32, message = "add_loop"}> : () -> ()
    %scan3A_722 = arith.constant 0 : i32
    %scan3A_723 = arith.constant 0 : i32
    %scan3A_724 = arith.constant 16 : i32
    %scan3A_725 = arith.addi %scan3A_723, %scan3A_724 : i32
    %scan3A_726 = arith.constant 1 : i32
    scf.for %scan3A_1056 = %scan3A_723 to %scan3A_725 step %scan3A_726  : i32 {
      %add3A_1057 = arith.constant 48 : i32
      %add3A_1058 = arith.addi %add3A_1057, %scan3A_1056 : i32
      %get3A = arith.index_cast %add3A_1058 : i32 to index
      %get3A_1059 = arith.constant 0 : index
      %get3A_1060 = tpu.vector_load %arg8[%get3A, %get3A_1059] {strides = array<i32>} : memref<64x128xf32, #tpu.memory_space<vmem>>, vector<1x16xf32>,
      %get3A_1061 = vector.shape_cast %get3A_1060 : vector<1x16xf32> to vector<16xf32>
      %get3A_1062 = arith.constant 0 : i32
      %get3A_1063 = arith.index_cast %get3A_1062 : i32 to index
      %get3A_1064 = arith.index_cast %add3A_1058 : i32 to index
      %get3A_1065 = arith.constant 0 : index
      %get3A_1066 = tpu.vector_load %arg7[%get3A_1063, %get3A_1064, %get3A_1065] {strides = array<i32>} : memref<4x64x128xf32, #tpu.memory_space<vmem>>, vector<1x1x16xf32>,
      %get3A_1067 = vector.shape_cast %get3A_1066 : vector<1x1x16xf32> to vector<16xf32>
      %add3A_1068 = arith.addf %get3A_1067, %get3A_1061 : vector<16xf32>
      %swap3A = arith.constant 0 : i32
      %swap3A_1069 = arith.index_cast %swap3A : i32 to index
      %swap3A_1070 = arith.index_cast %add3A_1058 : i32 to index
      %swap3A_1071 = arith.constant 0 : index
      %swap3A_1072 = tpu.vector_load %arg7[%swap3A_1069, %swap3A_1070, %swap3A_1071] {strides = array<i32>} : memref<4x64x128xf32, #tpu.memory_space<vmem>>, vector<1x1x16xf32>,
      %swap3A_1073 = vector.shape_cast %swap3A_1072 : vector<1x1x16xf32> to vector<16xf32>
      %swap3A_1074 = vector.shape_cast %add3A_1068 : vector<16xf32> to vector<1x1x16xf32>
      tpu.vector_store %arg7[%swap3A_1069, %swap3A_1070, %swap3A_1071], %swap3A_1074 {strides = array<i32>} : memref<4x64x128xf32, #tpu.memory_space<vmem>>, vector<1x1x16xf32>,
      %get3A_1075 = arith.constant 1 : i32
      %get3A_1076 = arith.index_cast %get3A_1075 : i32 to index
      %get3A_1077 = arith.index_cast %add3A_1058 : i32 to index
      %get3A_1078 = arith.constant 0 : index
      %get3A_1079 = tpu.vector_load %arg7[%get3A_1076, %get3A_1077, %get3A_1078] {strides = array<i32>} : memref<4x64x128xf32, #tpu.memory_space<vmem>>, vector<1x1x16xf32>,
      %get3A_1080 = vector.shape_cast %get3A_1079 : vector<1x1x16xf32> to vector<16xf32>
      %add3A_1081 = arith.addf %get3A_1080, %get3A_1061 : vector<16xf32>
      %swap3A_1082 = arith.constant 1 : i32
      %swap3A_1083 = arith.index_cast %swap3A_1082 : i32 to index
      %swap3A_1084 = arith.index_cast %add3A_1058 : i32 to index
      %swap3A_1085 = arith.constant 0 : index
      %swap3A_1086 = tpu.vector_load %arg7[%swap3A_1083, %swap3A_1084, %swap3A_1085] {strides = array<i32>} : memref<4x64x128xf32, #tpu.memory_space<vmem>>, vector<1x1x16xf32>,
      %swap3A_1087 = vector.shape_cast %swap3A_1086 : vector<1x1x16xf32> to vector<16xf32>
      %swap3A_1088 = vector.shape_cast %add3A_1081 : vector<16xf32> to vector<1x1x16xf32>
      tpu.vector_store %arg7[%swap3A_1083, %swap3A_1084, %swap3A_1085], %swap3A_1088 {strides = array<i32>} : memref<4x64x128xf32, #tpu.memory_space<vmem>>, vector<1x1x16xf32>,
      %get3A_1089 = arith.constant 2 : i32
      %get3A_1090 = arith.index_cast %get3A_1089 : i32 to index
      %get3A_1091 = arith.index_cast %add3A_1058 : i32 to index
      %get3A_1092 = arith.constant 0 : index
      %get3A_1093 = tpu.vector_load %arg7[%get3A_1090, %get3A_1091, %get3A_1092] {strides = array<i32>} : memref<4x64x128xf32, #tpu.memory_space<vmem>>, vector<1x1x16xf32>,
      %get3A_1094 = vector.shape_cast %get3A_1093 : vector<1x1x16xf32> to vector<16xf32>
      %add3A_1095 = arith.addf %get3A_1094, %get3A_1061 : vector<16xf32>
      %swap3A_1096 = arith.constant 2 : i32
      %swap3A_1097 = arith.index_cast %swap3A_1096 : i32 to index
      %swap3A_1098 = arith.index_cast %add3A_1058 : i32 to index
      %swap3A_1099 = arith.constant 0 : index
      %swap3A_1100 = tpu.vector_load %arg7[%swap3A_1097, %swap3A_1098, %swap3A_1099] {strides = array<i32>} : memref<4x64x128xf32, #tpu.memory_space<vmem>>, vector<1x1x16xf32>,
      %swap3A_1101 = vector.shape_cast %swap3A_1100 : vector<1x1x16xf32> to vector<16xf32>
      %swap3A_1102 = vector.shape_cast %add3A_1095 : vector<16xf32> to vector<1x1x16xf32>
      tpu.vector_store %arg7[%swap3A_1097, %swap3A_1098, %swap3A_1099], %swap3A_1102 {strides = array<i32>} : memref<4x64x128xf32, #tpu.memory_space<vmem>>, vector<1x1x16xf32>,
      %get3A_1103 = arith.constant 3 : i32
      %get3A_1104 = arith.index_cast %get3A_1103 : i32 to index
      %get3A_1105 = arith.index_cast %add3A_1058 : i32 to index
      %get3A_1106 = arith.constant 0 : index
      %get3A_1107 = tpu.vector_load %arg7[%get3A_1104, %get3A_1105, %get3A_1106] {strides = array<i32>} : memref<4x64x128xf32, #tpu.memory_space<vmem>>, vector<1x1x16xf32>,
      %get3A_1108 = vector.shape_cast %get3A_1107 : vector<1x1x16xf32> to vector<16xf32>
      %add3A_1109 = arith.addf %get3A_1108, %get3A_1061 : vector<16xf32>
      %swap3A_1110 = arith.constant 3 : i32
      %swap3A_1111 = arith.index_cast %swap3A_1110 : i32 to index
      %swap3A_1112 = arith.index_cast %add3A_1058 : i32 to index
      %swap3A_1113 = arith.constant 0 : index
      %swap3A_1114 = tpu.vector_load %arg7[%swap3A_1111, %swap3A_1112, %swap3A_1113] {strides = array<i32>} : memref<4x64x128xf32, #tpu.memory_space<vmem>>, vector<1x1x16xf32>,
      %swap3A_1115 = vector.shape_cast %swap3A_1114 : vector<1x1x16xf32> to vector<16xf32>
      %swap3A_1116 = vector.shape_cast %add3A_1109 : vector<16xf32> to vector<1x1x16xf32>
      tpu.vector_store %arg7[%swap3A_1111, %swap3A_1112, %swap3A_1113], %swap3A_1116 {strides = array<i32>} : memref<4x64x128xf32, #tpu.memory_space<vmem>>, vector<1x1x16xf32>,
      %get3A_1117 = arith.index_cast %add3A_1058 : i32 to index
      %get3A_1118 = arith.constant 16 : index
      %get3A_1119 = tpu.vector_load %arg8[%get3A_1117, %get3A_1118] {strides = array<i32>} : memref<64x128xf32, #tpu.memory_space<vmem>>, vector<1x16xf32>,
      %get3A_1120 = vector.shape_cast %get3A_1119 : vector<1x16xf32> to vector<16xf32>
      %get3A_1121 = arith.constant 0 : i32
      %get3A_1122 = arith.index_cast %get3A_1121 : i32 to index
      %get3A_1123 = arith.index_cast %add3A_1058 : i32 to index
      %get3A_1124 = arith.constant 16 : index
      %get3A_1125 = tpu.vector_load %arg7[%get3A_1122, %get3A_1123, %get3A_1124] {strides = array<i32>} : memref<4x64x128xf32, #tpu.memory_space<vmem>>, vector<1x1x16xf32>,
      %get3A_1126 = vector.shape_cast %get3A_1125 : vector<1x1x16xf32> to vector<16xf32>
      %add3A_1127 = arith.addf %get3A_1126, %get3A_1120 : vector<16xf32>
      %swap3A_1128 = arith.constant 0 : i32
      %swap3A_1129 = arith.index_cast %swap3A_1128 : i32 to index
      %swap3A_1130 = arith.index_cast %add3A_1058 : i32 to index
      %swap3A_1131 = arith.constant 16 : index
      %swap3A_1132 = tpu.vector_load %arg7[%swap3A_1129, %swap3A_1130, %swap3A_1131] {strides = array<i32>} : memref<4x64x128xf32, #tpu.memory_space<vmem>>, vector<1x1x16xf32>,
      %swap3A_1133 = vector.shape_cast %swap3A_1132 : vector<1x1x16xf32> to vector<16xf32>
      %swap3A_1134 = vector.shape_cast %add3A_1127 : vector<16xf32> to vector<1x1x16xf32>
      tpu.vector_store %arg7[%swap3A_1129, %swap3A_1130, %swap3A_1131], %swap3A_1134 {strides = array<i32>} : memref<4x64x128xf32, #tpu.memory_space<vmem>>, vector<1x1x16xf32>,
      %get3A_1135 = arith.constant 1 : i32
      %get3A_1136 = arith.index_cast %get3A_1135 : i32 to index
      %get3A_1137 = arith.index_cast %add3A_1058 : i32 to index
      %get3A_1138 = arith.constant 16 : index
      %get3A_1139 = tpu.vector_load %arg7[%get3A_1136, %get3A_1137, %get3A_1138] {strides = array<i32>} : memref<4x64x128xf32, #tpu.memory_space<vmem>>, vector<1x1x16xf32>,
      %get3A_1140 = vector.shape_cast %get3A_1139 : vector<1x1x16xf32> to vector<16xf32>
      %add3A_1141 = arith.addf %get3A_1140, %get3A_1120 : vector<16xf32>
      %swap3A_1142 = arith.constant 1 : i32
      %swap3A_1143 = arith.index_cast %swap3A_1142 : i32 to index
      %swap3A_1144 = arith.index_cast %add3A_1058 : i32 to index
      %swap3A_1145 = arith.constant 16 : index
      %swap3A_1146 = tpu.vector_load %arg7[%swap3A_1143, %swap3A_1144, %swap3A_1145] {strides = array<i32>} : memref<4x64x128xf32, #tpu.memory_space<vmem>>, vector<1x1x16xf32>,
      %swap3A_1147 = vector.shape_cast %swap3A_1146 : vector<1x1x16xf32> to vector<16xf32>
      %swap3A_1148 = vector.shape_cast %add3A_1141 : vector<16xf32> to vector<1x1x16xf32>
      tpu.vector_store %arg7[%swap3A_1143, %swap3A_1144, %swap3A_1145], %swap3A_1148 {strides = array<i32>} : memref<4x64x128xf32, #tpu.memory_space<vmem>>, vector<1x1x16xf32>,
      %get3A_1149 = arith.constant 2 : i32
      %get3A_1150 = arith.index_cast %get3A_1149 : i32 to index
      %get3A_1151 = arith.index_cast %add3A_1058 : i32 to index
      %get3A_1152 = arith.constant 16 : index
      %get3A_1153 = tpu.vector_load %arg7[%get3A_1150, %get3A_1151, %get3A_1152] {strides = array<i32>} : memref<4x64x128xf32, #tpu.memory_space<vmem>>, vector<1x1x16xf32>,
      %get3A_1154 = vector.shape_cast %get3A_1153 : vector<1x1x16xf32> to vector<16xf32>
      %add3A_1155 = arith.addf %get3A_1154, %get3A_1120 : vector<16xf32>
      %swap3A_1156 = arith.constant 2 : i32
      %swap3A_1157 = arith.index_cast %swap3A_1156 : i32 to index
      %swap3A_1158 = arith.index_cast %add3A_1058 : i32 to index
      %swap3A_1159 = arith.constant 16 : index
      %swap3A_1160 = tpu.vector_load %arg7[%swap3A_1157, %swap3A_1158, %swap3A_1159] {strides = array<i32>} : memref<4x64x128xf32, #tpu.memory_space<vmem>>, vector<1x1x16xf32>,
      %swap3A_1161 = vector.shape_cast %swap3A_1160 : vector<1x1x16xf32> to vector<16xf32>
      %swap3A_1162 = vector.shape_cast %add3A_1155 : vector<16xf32> to vector<1x1x16xf32>
      tpu.vector_store %arg7[%swap3A_1157, %swap3A_1158, %swap3A_1159], %swap3A_1162 {strides = array<i32>} : memref<4x64x128xf32, #tpu.memory_space<vmem>>, vector<1x1x16xf32>,
      %get3A_1163 = arith.constant 3 : i32
      %get3A_1164 = arith.index_cast %get3A_1163 : i32 to index
      %get3A_1165 = arith.index_cast %add3A_1058 : i32 to index
      %get3A_1166 = arith.constant 16 : index
      %get3A_1167 = tpu.vector_load %arg7[%get3A_1164, %get3A_1165, %get3A_1166] {strides = array<i32>} : memref<4x64x128xf32, #tpu.memory_space<vmem>>, vector<1x1x16xf32>,
      %get3A_1168 = vector.shape_cast %get3A_1167 : vector<1x1x16xf32> to vector<16xf32>
      %add3A_1169 = arith.addf %get3A_1168, %get3A_1120 : vector<16xf32>
      %swap3A_1170 = arith.constant 3 : i32
      %swap3A_1171 = arith.index_cast %swap3A_1170 : i32 to index
      %swap3A_1172 = arith.index_cast %add3A_1058 : i32 to index
      %swap3A_1173 = arith.constant 16 : index
      %swap3A_1174 = tpu.vector_load %arg7[%swap3A_1171, %swap3A_1172, %swap3A_1173] {strides = array<i32>} : memref<4x64x128xf32, #tpu.memory_space<vmem>>, vector<1x1x16xf32>,
      %swap3A_1175 = vector.shape_cast %swap3A_1174 : vector<1x1x16xf32> to vector<16xf32>
      %swap3A_1176 = vector.shape_cast %add3A_1169 : vector<16xf32> to vector<1x1x16xf32>
      tpu.vector_store %arg7[%swap3A_1171, %swap3A_1172, %swap3A_1173], %swap3A_1176 {strides = array<i32>} : memref<4x64x128xf32, #tpu.memory_space<vmem>>, vector<1x1x16xf32>,
      %get3A_1177 = arith.index_cast %add3A_1058 : i32 to index
      %get3A_1178 = arith.constant 32 : index
      %get3A_1179 = tpu.vector_load %arg8[%get3A_1177, %get3A_1178] {strides = array<i32>} : memref<64x128xf32, #tpu.memory_space<vmem>>, vector<1x16xf32>,
      %get3A_1180 = vector.shape_cast %get3A_1179 : vector<1x16xf32> to vector<16xf32>
      %get3A_1181 = arith.constant 0 : i32
      %get3A_1182 = arith.index_cast %get3A_1181 : i32 to index
      %get3A_1183 = arith.index_cast %add3A_1058 : i32 to index
      %get3A_1184 = arith.constant 32 : index
      %get3A_1185 = tpu.vector_load %arg7[%get3A_1182, %get3A_1183, %get3A_1184] {strides = array<i32>} : memref<4x64x128xf32, #tpu.memory_space<vmem>>, vector<1x1x16xf32>,
      %get3A_1186 = vector.shape_cast %get3A_1185 : vector<1x1x16xf32> to vector<16xf32>
      %add3A_1187 = arith.addf %get3A_1186, %get3A_1180 : vector<16xf32>
      %swap3A_1188 = arith.constant 0 : i32
      %swap3A_1189 = arith.index_cast %swap3A_1188 : i32 to index
      %swap3A_1190 = arith.index_cast %add3A_1058 : i32 to index
      %swap3A_1191 = arith.constant 32 : index
      %swap3A_1192 = tpu.vector_load %arg7[%swap3A_1189, %swap3A_1190, %swap3A_1191] {strides = array<i32>} : memref<4x64x128xf32, #tpu.memory_space<vmem>>, vector<1x1x16xf32>,
      %swap3A_1193 = vector.shape_cast %swap3A_1192 : vector<1x1x16xf32> to vector<16xf32>
      %swap3A_1194 = vector.shape_cast %add3A_1187 : vector<16xf32> to vector<1x1x16xf32>
      tpu.vector_store %arg7[%swap3A_1189, %swap3A_1190, %swap3A_1191], %swap3A_1194 {strides = array<i32>} : memref<4x64x128xf32, #tpu.memory_space<vmem>>, vector<1x1x16xf32>,
      %get3A_1195 = arith.constant 1 : i32
      %get3A_1196 = arith.index_cast %get3A_1195 : i32 to index
      %get3A_1197 = arith.index_cast %add3A_1058 : i32 to index
      %get3A_1198 = arith.constant 32 : index
      %get3A_1199 = tpu.vector_load %arg7[%get3A_1196, %get3A_1197, %get3A_1198] {strides = array<i32>} : memref<4x64x128xf32, #tpu.memory_space<vmem>>, vector<1x1x16xf32>,
      %get3A_1200 = vector.shape_cast %get3A_1199 : vector<1x1x16xf32> to vector<16xf32>
      %add3A_1201 = arith.addf %get3A_1200, %get3A_1180 : vector<16xf32>
      %swap3A_1202 = arith.constant 1 : i32
      %swap3A_1203 = arith.index_cast %swap3A_1202 : i32 to index
      %swap3A_1204 = arith.index_cast %add3A_1058 : i32 to index
      %swap3A_1205 = arith.constant 32 : index
      %swap3A_1206 = tpu.vector_load %arg7[%swap3A_1203, %swap3A_1204, %swap3A_1205] {strides = array<i32>} : memref<4x64x128xf32, #tpu.memory_space<vmem>>, vector<1x1x16xf32>,
      %swap3A_1207 = vector.shape_cast %swap3A_1206 : vector<1x1x16xf32> to vector<16xf32>
      %swap3A_1208 = vector.shape_cast %add3A_1201 : vector<16xf32> to vector<1x1x16xf32>
      tpu.vector_store %arg7[%swap3A_1203, %swap3A_1204, %swap3A_1205], %swap3A_1208 {strides = array<i32>} : memref<4x64x128xf32, #tpu.memory_space<vmem>>, vector<1x1x16xf32>,
      %get3A_1209 = arith.constant 2 : i32
      %get3A_1210 = arith.index_cast %get3A_1209 : i32 to index
      %get3A_1211 = arith.index_cast %add3A_1058 : i32 to index
      %get3A_1212 = arith.constant 32 : index
      %get3A_1213 = tpu.vector_load %arg7[%get3A_1210, %get3A_1211, %get3A_1212] {strides = array<i32>} : memref<4x64x128xf32, #tpu.memory_space<vmem>>, vector<1x1x16xf32>,
      %get3A_1214 = vector.shape_cast %get3A_1213 : vector<1x1x16xf32> to vector<16xf32>
      %add3A_1215 = arith.addf %get3A_1214, %get3A_1180 : vector<16xf32>
      %swap3A_1216 = arith.constant 2 : i32
      %swap3A_1217 = arith.index_cast %swap3A_1216 : i32 to index
      %swap3A_1218 = arith.index_cast %add3A_1058 : i32 to index
      %swap3A_1219 = arith.constant 32 : index
      %swap3A_1220 = tpu.vector_load %arg7[%swap3A_1217, %swap3A_1218, %swap3A_1219] {strides = array<i32>} : memref<4x64x128xf32, #tpu.memory_space<vmem>>, vector<1x1x16xf32>,
      %swap3A_1221 = vector.shape_cast %swap3A_1220 : vector<1x1x16xf32> to vector<16xf32>
      %swap3A_1222 = vector.shape_cast %add3A_1215 : vector<16xf32> to vector<1x1x16xf32>
      tpu.vector_store %arg7[%swap3A_1217, %swap3A_1218, %swap3A_1219], %swap3A_1222 {strides = array<i32>} : memref<4x64x128xf32, #tpu.memory_space<vmem>>, vector<1x1x16xf32>,
      %get3A_1223 = arith.constant 3 : i32
      %get3A_1224 = arith.index_cast %get3A_1223 : i32 to index
      %get3A_1225 = arith.index_cast %add3A_1058 : i32 to index
      %get3A_1226 = arith.constant 32 : index
      %get3A_1227 = tpu.vector_load %arg7[%get3A_1224, %get3A_1225, %get3A_1226] {strides = array<i32>} : memref<4x64x128xf32, #tpu.memory_space<vmem>>, vector<1x1x16xf32>,
      %get3A_1228 = vector.shape_cast %get3A_1227 : vector<1x1x16xf32> to vector<16xf32>
      %add3A_1229 = arith.addf %get3A_1228, %get3A_1180 : vector<16xf32>
      %swap3A_1230 = arith.constant 3 : i32
      %swap3A_1231 = arith.index_cast %swap3A_1230 : i32 to index
      %swap3A_1232 = arith.index_cast %add3A_1058 : i32 to index
      %swap3A_1233 = arith.constant 32 : index
      %swap3A_1234 = tpu.vector_load %arg7[%swap3A_1231, %swap3A_1232, %swap3A_1233] {strides = array<i32>} : memref<4x64x128xf32, #tpu.memory_space<vmem>>, vector<1x1x16xf32>,
      %swap3A_1235 = vector.shape_cast %swap3A_1234 : vector<1x1x16xf32> to vector<16xf32>
      %swap3A_1236 = vector.shape_cast %add3A_1229 : vector<16xf32> to vector<1x1x16xf32>
      tpu.vector_store %arg7[%swap3A_1231, %swap3A_1232, %swap3A_1233], %swap3A_1236 {strides = array<i32>} : memref<4x64x128xf32, #tpu.memory_space<vmem>>, vector<1x1x16xf32>,
      %get3A_1237 = arith.index_cast %add3A_1058 : i32 to index
      %get3A_1238 = arith.constant 48 : index
      %get3A_1239 = tpu.vector_load %arg8[%get3A_1237, %get3A_1238] {strides = array<i32>} : memref<64x128xf32, #tpu.memory_space<vmem>>, vector<1x16xf32>,
      %get3A_1240 = vector.shape_cast %get3A_1239 : vector<1x16xf32> to vector<16xf32>
      %get3A_1241 = arith.constant 0 : i32
      %get3A_1242 = arith.index_cast %get3A_1241 : i32 to index
      %get3A_1243 = arith.index_cast %add3A_1058 : i32 to index
      %get3A_1244 = arith.constant 48 : index
      %get3A_1245 = tpu.vector_load %arg7[%get3A_1242, %get3A_1243, %get3A_1244] {strides = array<i32>} : memref<4x64x128xf32, #tpu.memory_space<vmem>>, vector<1x1x16xf32>,
      %get3A_1246 = vector.shape_cast %get3A_1245 : vector<1x1x16xf32> to vector<16xf32>
      %add3A_1247 = arith.addf %get3A_1246, %get3A_1240 : vector<16xf32>
      %swap3A_1248 = arith.constant 0 : i32
      %swap3A_1249 = arith.index_cast %swap3A_1248 : i32 to index
      %swap3A_1250 = arith.index_cast %add3A_1058 : i32 to index
      %swap3A_1251 = arith.constant 48 : index
      %swap3A_1252 = tpu.vector_load %arg7[%swap3A_1249, %swap3A_1250, %swap3A_1251] {strides = array<i32>} : memref<4x64x128xf32, #tpu.memory_space<vmem>>, vector<1x1x16xf32>,
      %swap3A_1253 = vector.shape_cast %swap3A_1252 : vector<1x1x16xf32> to vector<16xf32>
      %swap3A_1254 = vector.shape_cast %add3A_1247 : vector<16xf32> to vector<1x1x16xf32>
      tpu.vector_store %arg7[%swap3A_1249, %swap3A_1250, %swap3A_1251], %swap3A_1254 {strides = array<i32>} : memref<4x64x128xf32, #tpu.memory_space<vmem>>, vector<1x1x16xf32>,
      %get3A_1255 = arith.constant 1 : i32
      %get3A_1256 = arith.index_cast %get3A_1255 : i32 to index
      %get3A_1257 = arith.index_cast %add3A_1058 : i32 to index
      %get3A_1258 = arith.constant 48 : index
      %get3A_1259 = tpu.vector_load %arg7[%get3A_1256, %get3A_1257, %get3A_1258] {strides = array<i32>} : memref<4x64x128xf32, #tpu.memory_space<vmem>>, vector<1x1x16xf32>,
      %get3A_1260 = vector.shape_cast %get3A_1259 : vector<1x1x16xf32> to vector<16xf32>
      %add3A_1261 = arith.addf %get3A_1260, %get3A_1240 : vector<16xf32>
      %swap3A_1262 = arith.constant 1 : i32
      %swap3A_1263 = arith.index_cast %swap3A_1262 : i32 to index
      %swap3A_1264 = arith.index_cast %add3A_1058 : i32 to index
      %swap3A_1265 = arith.constant 48 : index
      %swap3A_1266 = tpu.vector_load %arg7[%swap3A_1263, %swap3A_1264, %swap3A_1265] {strides = array<i32>} : memref<4x64x128xf32, #tpu.memory_space<vmem>>, vector<1x1x16xf32>,
      %swap3A_1267 = vector.shape_cast %swap3A_1266 : vector<1x1x16xf32> to vector<16xf32>
      %swap3A_1268 = vector.shape_cast %add3A_1261 : vector<16xf32> to vector<1x1x16xf32>
      tpu.vector_store %arg7[%swap3A_1263, %swap3A_1264, %swap3A_1265], %swap3A_1268 {strides = array<i32>} : memref<4x64x128xf32, #tpu.memory_space<vmem>>, vector<1x1x16xf32>,
      %get3A_1269 = arith.constant 2 : i32
      %get3A_1270 = arith.index_cast %get3A_1269 : i32 to index
      %get3A_1271 = arith.index_cast %add3A_1058 : i32 to index
      %get3A_1272 = arith.constant 48 : index
      %get3A_1273 = tpu.vector_load %arg7[%get3A_1270, %get3A_1271, %get3A_1272] {strides = array<i32>} : memref<4x64x128xf32, #tpu.memory_space<vmem>>, vector<1x1x16xf32>,
      %get3A_1274 = vector.shape_cast %get3A_1273 : vector<1x1x16xf32> to vector<16xf32>
      %add3A_1275 = arith.addf %get3A_1274, %get3A_1240 : vector<16xf32>
      %swap3A_1276 = arith.constant 2 : i32
      %swap3A_1277 = arith.index_cast %swap3A_1276 : i32 to index
      %swap3A_1278 = arith.index_cast %add3A_1058 : i32 to index
      %swap3A_1279 = arith.constant 48 : index
      %swap3A_1280 = tpu.vector_load %arg7[%swap3A_1277, %swap3A_1278, %swap3A_1279] {strides = array<i32>} : memref<4x64x128xf32, #tpu.memory_space<vmem>>, vector<1x1x16xf32>,
      %swap3A_1281 = vector.shape_cast %swap3A_1280 : vector<1x1x16xf32> to vector<16xf32>
      %swap3A_1282 = vector.shape_cast %add3A_1275 : vector<16xf32> to vector<1x1x16xf32>
      tpu.vector_store %arg7[%swap3A_1277, %swap3A_1278, %swap3A_1279], %swap3A_1282 {strides = array<i32>} : memref<4x64x128xf32, #tpu.memory_space<vmem>>, vector<1x1x16xf32>,
      %get3A_1283 = arith.constant 3 : i32
      %get3A_1284 = arith.index_cast %get3A_1283 : i32 to index
      %get3A_1285 = arith.index_cast %add3A_1058 : i32 to index
      %get3A_1286 = arith.constant 48 : index
      %get3A_1287 = tpu.vector_load %arg7[%get3A_1284, %get3A_1285, %get3A_1286] {strides = array<i32>} : memref<4x64x128xf32, #tpu.memory_space<vmem>>, vector<1x1x16xf32>,
      %get3A_1288 = vector.shape_cast %get3A_1287 : vector<1x1x16xf32> to vector<16xf32>
      %add3A_1289 = arith.addf %get3A_1288, %get3A_1240 : vector<16xf32>
      %swap3A_1290 = arith.constant 3 : i32
      %swap3A_1291 = arith.index_cast %swap3A_1290 : i32 to index
      %swap3A_1292 = arith.index_cast %add3A_1058 : i32 to index
      %swap3A_1293 = arith.constant 48 : index
      %swap3A_1294 = tpu.vector_load %arg7[%swap3A_1291, %swap3A_1292, %swap3A_1293] {strides = array<i32>} : memref<4x64x128xf32, #tpu.memory_space<vmem>>, vector<1x1x16xf32>,
      %swap3A_1295 = vector.shape_cast %swap3A_1294 : vector<1x1x16xf32> to vector<16xf32>
      %swap3A_1296 = vector.shape_cast %add3A_1289 : vector<16xf32> to vector<1x1x16xf32>
      tpu.vector_store %arg7[%swap3A_1291, %swap3A_1292, %swap3A_1293], %swap3A_1296 {strides = array<i32>} : memref<4x64x128xf32, #tpu.memory_space<vmem>>, vector<1x1x16xf32>,
      %get3A_1297 = arith.index_cast %add3A_1058 : i32 to index
      %get3A_1298 = arith.constant 64 : index
      %get3A_1299 = tpu.vector_load %arg8[%get3A_1297, %get3A_1298] {strides = array<i32>} : memref<64x128xf32, #tpu.memory_space<vmem>>, vector<1x16xf32>,
      %get3A_1300 = vector.shape_cast %get3A_1299 : vector<1x16xf32> to vector<16xf32>
      %get3A_1301 = arith.constant 0 : i32
      %get3A_1302 = arith.index_cast %get3A_1301 : i32 to index
      %get3A_1303 = arith.index_cast %add3A_1058 : i32 to index
      %get3A_1304 = arith.constant 64 : index
      %get3A_1305 = tpu.vector_load %arg7[%get3A_1302, %get3A_1303, %get3A_1304] {strides = array<i32>} : memref<4x64x128xf32, #tpu.memory_space<vmem>>, vector<1x1x16xf32>,
      %get3A_1306 = vector.shape_cast %get3A_1305 : vector<1x1x16xf32> to vector<16xf32>
      %add3A_1307 = arith.addf %get3A_1306, %get3A_1300 : vector<16xf32>
      %swap3A_1308 = arith.constant 0 : i32
      %swap3A_1309 = arith.index_cast %swap3A_1308 : i32 to index
      %swap3A_1310 = arith.index_cast %add3A_1058 : i32 to index
      %swap3A_1311 = arith.constant 64 : index
      %swap3A_1312 = tpu.vector_load %arg7[%swap3A_1309, %swap3A_1310, %swap3A_1311] {strides = array<i32>} : memref<4x64x128xf32, #tpu.memory_space<vmem>>, vector<1x1x16xf32>,
      %swap3A_1313 = vector.shape_cast %swap3A_1312 : vector<1x1x16xf32> to vector<16xf32>
      %swap3A_1314 = vector.shape_cast %add3A_1307 : vector<16xf32> to vector<1x1x16xf32>
      tpu.vector_store %arg7[%swap3A_1309, %swap3A_1310, %swap3A_1311], %swap3A_1314 {strides = array<i32>} : memref<4x64x128xf32, #tpu.memory_space<vmem>>, vector<1x1x16xf32>,
      %get3A_1315 = arith.constant 1 : i32
      %get3A_1316 = arith.index_cast %get3A_1315 : i32 to index
      %get3A_1317 = arith.index_cast %add3A_1058 : i32 to index
      %get3A_1318 = arith.constant 64 : index
      %get3A_1319 = tpu.vector_load %arg7[%get3A_1316, %get3A_1317, %get3A_1318] {strides = array<i32>} : memref<4x64x128xf32, #tpu.memory_space<vmem>>, vector<1x1x16xf32>,
      %get3A_1320 = vector.shape_cast %get3A_1319 : vector<1x1x16xf32> to vector<16xf32>
      %add3A_1321 = arith.addf %get3A_1320, %get3A_1300 : vector<16xf32>
      %swap3A_1322 = arith.constant 1 : i32
      %swap3A_1323 = arith.index_cast %swap3A_1322 : i32 to index
      %swap3A_1324 = arith.index_cast %add3A_1058 : i32 to index
      %swap3A_1325 = arith.constant 64 : index
      %swap3A_1326 = tpu.vector_load %arg7[%swap3A_1323, %swap3A_1324, %swap3A_1325] {strides = array<i32>} : memref<4x64x128xf32, #tpu.memory_space<vmem>>, vector<1x1x16xf32>,
      %swap3A_1327 = vector.shape_cast %swap3A_1326 : vector<1x1x16xf32> to vector<16xf32>
      %swap3A_1328 = vector.shape_cast %add3A_1321 : vector<16xf32> to vector<1x1x16xf32>
      tpu.vector_store %arg7[%swap3A_1323, %swap3A_1324, %swap3A_1325], %swap3A_1328 {strides = array<i32>} : memref<4x64x128xf32, #tpu.memory_space<vmem>>, vector<1x1x16xf32>,
      %get3A_1329 = arith.constant 2 : i32
      %get3A_1330 = arith.index_cast %get3A_1329 : i32 to index
      %get3A_1331 = arith.index_cast %add3A_1058 : i32 to index
      %get3A_1332 = arith.constant 64 : index
      %get3A_1333 = tpu.vector_load %arg7[%get3A_1330, %get3A_1331, %get3A_1332] {strides = array<i32>} : memref<4x64x128xf32, #tpu.memory_space<vmem>>, vector<1x1x16xf32>,
      %get3A_1334 = vector.shape_cast %get3A_1333 : vector<1x1x16xf32> to vector<16xf32>
      %add3A_1335 = arith.addf %get3A_1334, %get3A_1300 : vector<16xf32>
      %swap3A_1336 = arith.constant 2 : i32
      %swap3A_1337 = arith.index_cast %swap3A_1336 : i32 to index
      %swap3A_1338 = arith.index_cast %add3A_1058 : i32 to index
      %swap3A_1339 = arith.constant 64 : index
      %swap3A_1340 = tpu.vector_load %arg7[%swap3A_1337, %swap3A_1338, %swap3A_1339] {strides = array<i32>} : memref<4x64x128xf32, #tpu.memory_space<vmem>>, vector<1x1x16xf32>,
      %swap3A_1341 = vector.shape_cast %swap3A_1340 : vector<1x1x16xf32> to vector<16xf32>
      %swap3A_1342 = vector.shape_cast %add3A_1335 : vector<16xf32> to vector<1x1x16xf32>
      tpu.vector_store %arg7[%swap3A_1337, %swap3A_1338, %swap3A_1339], %swap3A_1342 {strides = array<i32>} : memref<4x64x128xf32, #tpu.memory_space<vmem>>, vector<1x1x16xf32>,
      %get3A_1343 = arith.constant 3 : i32
      %get3A_1344 = arith.index_cast %get3A_1343 : i32 to index
      %get3A_1345 = arith.index_cast %add3A_1058 : i32 to index
      %get3A_1346 = arith.constant 64 : index
      %get3A_1347 = tpu.vector_load %arg7[%get3A_1344, %get3A_1345, %get3A_1346] {strides = array<i32>} : memref<4x64x128xf32, #tpu.memory_space<vmem>>, vector<1x1x16xf32>,
      %get3A_1348 = vector.shape_cast %get3A_1347 : vector<1x1x16xf32> to vector<16xf32>
      %add3A_1349 = arith.addf %get3A_1348, %get3A_1300 : vector<16xf32>
      %swap3A_1350 = arith.constant 3 : i32
      %swap3A_1351 = arith.index_cast %swap3A_1350 : i32 to index
      %swap3A_1352 = arith.index_cast %add3A_1058 : i32 to index
      %swap3A_1353 = arith.constant 64 : index
      %swap3A_1354 = tpu.vector_load %arg7[%swap3A_1351, %swap3A_1352, %swap3A_1353] {strides = array<i32>} : memref<4x64x128xf32, #tpu.memory_space<vmem>>, vector<1x1x16xf32>,
      %swap3A_1355 = vector.shape_cast %swap3A_1354 : vector<1x1x16xf32> to vector<16xf32>
      %swap3A_1356 = vector.shape_cast %add3A_1349 : vector<16xf32> to vector<1x1x16xf32>
      tpu.vector_store %arg7[%swap3A_1351, %swap3A_1352, %swap3A_1353], %swap3A_1356 {strides = array<i32>} : memref<4x64x128xf32, #tpu.memory_space<vmem>>, vector<1x1x16xf32>,
      %get3A_1357 = arith.index_cast %add3A_1058 : i32 to index
      %get3A_1358 = arith.constant 80 : index
      %get3A_1359 = tpu.vector_load %arg8[%get3A_1357, %get3A_1358] {strides = array<i32>} : memref<64x128xf32, #tpu.memory_space<vmem>>, vector<1x16xf32>,
      %get3A_1360 = vector.shape_cast %get3A_1359 : vector<1x16xf32> to vector<16xf32>
      %get3A_1361 = arith.constant 0 : i32
      %get3A_1362 = arith.index_cast %get3A_1361 : i32 to index
      %get3A_1363 = arith.index_cast %add3A_1058 : i32 to index
      %get3A_1364 = arith.constant 80 : index
      %get3A_1365 = tpu.vector_load %arg7[%get3A_1362, %get3A_1363, %get3A_1364] {strides = array<i32>} : memref<4x64x128xf32, #tpu.memory_space<vmem>>, vector<1x1x16xf32>,
      %get3A_1366 = vector.shape_cast %get3A_1365 : vector<1x1x16xf32> to vector<16xf32>
      %add3A_1367 = arith.addf %get3A_1366, %get3A_1360 : vector<16xf32>
      %swap3A_1368 = arith.constant 0 : i32
      %swap3A_1369 = arith.index_cast %swap3A_1368 : i32 to index
      %swap3A_1370 = arith.index_cast %add3A_1058 : i32 to index
      %swap3A_1371 = arith.constant 80 : index
      %swap3A_1372 = tpu.vector_load %arg7[%swap3A_1369, %swap3A_1370, %swap3A_1371] {strides = array<i32>} : memref<4x64x128xf32, #tpu.memory_space<vmem>>, vector<1x1x16xf32>,
      %swap3A_1373 = vector.shape_cast %swap3A_1372 : vector<1x1x16xf32> to vector<16xf32>
      %swap3A_1374 = vector.shape_cast %add3A_1367 : vector<16xf32> to vector<1x1x16xf32>
      tpu.vector_store %arg7[%swap3A_1369, %swap3A_1370, %swap3A_1371], %swap3A_1374 {strides = array<i32>} : memref<4x64x128xf32, #tpu.memory_space<vmem>>, vector<1x1x16xf32>,
      %get3A_1375 = arith.constant 1 : i32
      %get3A_1376 = arith.index_cast %get3A_1375 : i32 to index
      %get3A_1377 = arith.index_cast %add3A_1058 : i32 to index
      %get3A_1378 = arith.constant 80 : index
      %get3A_1379 = tpu.vector_load %arg7[%get3A_1376, %get3A_1377, %get3A_1378] {strides = array<i32>} : memref<4x64x128xf32, #tpu.memory_space<vmem>>, vector<1x1x16xf32>,
      %get3A_1380 = vector.shape_cast %get3A_1379 : vector<1x1x16xf32> to vector<16xf32>
      %add3A_1381 = arith.addf %get3A_1380, %get3A_1360 : vector<16xf32>
      %swap3A_1382 = arith.constant 1 : i32
      %swap3A_1383 = arith.index_cast %swap3A_1382 : i32 to index
      %swap3A_1384 = arith.index_cast %add3A_1058 : i32 to index
      %swap3A_1385 = arith.constant 80 : index
      %swap3A_1386 = tpu.vector_load %arg7[%swap3A_1383, %swap3A_1384, %swap3A_1385] {strides = array<i32>} : memref<4x64x128xf32, #tpu.memory_space<vmem>>, vector<1x1x16xf32>,
      %swap3A_1387 = vector.shape_cast %swap3A_1386 : vector<1x1x16xf32> to vector<16xf32>
      %swap3A_1388 = vector.shape_cast %add3A_1381 : vector<16xf32> to vector<1x1x16xf32>
      tpu.vector_store %arg7[%swap3A_1383, %swap3A_1384, %swap3A_1385], %swap3A_1388 {strides = array<i32>} : memref<4x64x128xf32, #tpu.memory_space<vmem>>, vector<1x1x16xf32>,
      %get3A_1389 = arith.constant 2 : i32
      %get3A_1390 = arith.index_cast %get3A_1389 : i32 to index
      %get3A_1391 = arith.index_cast %add3A_1058 : i32 to index
      %get3A_1392 = arith.constant 80 : index
      %get3A_1393 = tpu.vector_load %arg7[%get3A_1390, %get3A_1391, %get3A_1392] {strides = array<i32>} : memref<4x64x128xf32, #tpu.memory_space<vmem>>, vector<1x1x16xf32>,
      %get3A_1394 = vector.shape_cast %get3A_1393 : vector<1x1x16xf32> to vector<16xf32>
      %add3A_1395 = arith.addf %get3A_1394, %get3A_1360 : vector<16xf32>
      %swap3A_1396 = arith.constant 2 : i32
      %swap3A_1397 = arith.index_cast %swap3A_1396 : i32 to index
      %swap3A_1398 = arith.index_cast %add3A_1058 : i32 to index
      %swap3A_1399 = arith.constant 80 : index
      %swap3A_1400 = tpu.vector_load %arg7[%swap3A_1397, %swap3A_1398, %swap3A_1399] {strides = array<i32>} : memref<4x64x128xf32, #tpu.memory_space<vmem>>, vector<1x1x16xf32>,
      %swap3A_1401 = vector.shape_cast %swap3A_1400 : vector<1x1x16xf32> to vector<16xf32>
      %swap3A_1402 = vector.shape_cast %add3A_1395 : vector<16xf32> to vector<1x1x16xf32>
      tpu.vector_store %arg7[%swap3A_1397, %swap3A_1398, %swap3A_1399], %swap3A_1402 {strides = array<i32>} : memref<4x64x128xf32, #tpu.memory_space<vmem>>, vector<1x1x16xf32>,
      %get3A_1403 = arith.constant 3 : i32
      %get3A_1404 = arith.index_cast %get3A_1403 : i32 to index
      %get3A_1405 = arith.index_cast %add3A_1058 : i32 to index
      %get3A_1406 = arith.constant 80 : index
      %get3A_1407 = tpu.vector_load %arg7[%get3A_1404, %get3A_1405, %get3A_1406] {strides = array<i32>} : memref<4x64x128xf32, #tpu.memory_space<vmem>>, vector<1x1x16xf32>,
      %get3A_1408 = vector.shape_cast %get3A_1407 : vector<1x1x16xf32> to vector<16xf32>
      %add3A_1409 = arith.addf %get3A_1408, %get3A_1360 : vector<16xf32>
      %swap3A_1410 = arith.constant 3 : i32
      %swap3A_1411 = arith.index_cast %swap3A_1410 : i32 to index
      %swap3A_1412 = arith.index_cast %add3A_1058 : i32 to index
      %swap3A_1413 = arith.constant 80 : index
      %swap3A_1414 = tpu.vector_load %arg7[%swap3A_1411, %swap3A_1412, %swap3A_1413] {strides = array<i32>} : memref<4x64x128xf32, #tpu.memory_space<vmem>>, vector<1x1x16xf32>,
      %swap3A_1415 = vector.shape_cast %swap3A_1414 : vector<1x1x16xf32> to vector<16xf32>
      %swap3A_1416 = vector.shape_cast %add3A_1409 : vector<16xf32> to vector<1x1x16xf32>
      tpu.vector_store %arg7[%swap3A_1411, %swap3A_1412, %swap3A_1413], %swap3A_1416 {strides = array<i32>} : memref<4x64x128xf32, #tpu.memory_space<vmem>>, vector<1x1x16xf32>,
      %get3A_1417 = arith.index_cast %add3A_1058 : i32 to index
      %get3A_1418 = arith.constant 96 : index
      %get3A_1419 = tpu.vector_load %arg8[%get3A_1417, %get3A_1418] {strides = array<i32>} : memref<64x128xf32, #tpu.memory_space<vmem>>, vector<1x16xf32>,
      %get3A_1420 = vector.shape_cast %get3A_1419 : vector<1x16xf32> to vector<16xf32>
      %get3A_1421 = arith.constant 0 : i32
      %get3A_1422 = arith.index_cast %get3A_1421 : i32 to index
      %get3A_1423 = arith.index_cast %add3A_1058 : i32 to index
      %get3A_1424 = arith.constant 96 : index
      %get3A_1425 = tpu.vector_load %arg7[%get3A_1422, %get3A_1423, %get3A_1424] {strides = array<i32>} : memref<4x64x128xf32, #tpu.memory_space<vmem>>, vector<1x1x16xf32>,
      %get3A_1426 = vector.shape_cast %get3A_1425 : vector<1x1x16xf32> to vector<16xf32>
      %add3A_1427 = arith.addf %get3A_1426, %get3A_1420 : vector<16xf32>
      %swap3A_1428 = arith.constant 0 : i32
      %swap3A_1429 = arith.index_cast %swap3A_1428 : i32 to index
      %swap3A_1430 = arith.index_cast %add3A_1058 : i32 to index
      %swap3A_1431 = arith.constant 96 : index
      %swap3A_1432 = tpu.vector_load %arg7[%swap3A_1429, %swap3A_1430, %swap3A_1431] {strides = array<i32>} : memref<4x64x128xf32, #tpu.memory_space<vmem>>, vector<1x1x16xf32>,
      %swap3A_1433 = vector.shape_cast %swap3A_1432 : vector<1x1x16xf32> to vector<16xf32>
      %swap3A_1434 = vector.shape_cast %add3A_1427 : vector<16xf32> to vector<1x1x16xf32>
      tpu.vector_store %arg7[%swap3A_1429, %swap3A_1430, %swap3A_1431], %swap3A_1434 {strides = array<i32>} : memref<4x64x128xf32, #tpu.memory_space<vmem>>, vector<1x1x16xf32>,
      %get3A_1435 = arith.constant 1 : i32
      %get3A_1436 = arith.index_cast %get3A_1435 : i32 to index
      %get3A_1437 = arith.index_cast %add3A_1058 : i32 to index
      %get3A_1438 = arith.constant 96 : index
      %get3A_1439 = tpu.vector_load %arg7[%get3A_1436, %get3A_1437, %get3A_1438] {strides = array<i32>} : memref<4x64x128xf32, #tpu.memory_space<vmem>>, vector<1x1x16xf32>,
      %get3A_1440 = vector.shape_cast %get3A_1439 : vector<1x1x16xf32> to vector<16xf32>
      %add3A_1441 = arith.addf %get3A_1440, %get3A_1420 : vector<16xf32>
      %swap3A_1442 = arith.constant 1 : i32
      %swap3A_1443 = arith.index_cast %swap3A_1442 : i32 to index
      %swap3A_1444 = arith.index_cast %add3A_1058 : i32 to index
      %swap3A_1445 = arith.constant 96 : index
      %swap3A_1446 = tpu.vector_load %arg7[%swap3A_1443, %swap3A_1444, %swap3A_1445] {strides = array<i32>} : memref<4x64x128xf32, #tpu.memory_space<vmem>>, vector<1x1x16xf32>,
      %swap3A_1447 = vector.shape_cast %swap3A_1446 : vector<1x1x16xf32> to vector<16xf32>
      %swap3A_1448 = vector.shape_cast %add3A_1441 : vector<16xf32> to vector<1x1x16xf32>
      tpu.vector_store %arg7[%swap3A_1443, %swap3A_1444, %swap3A_1445], %swap3A_1448 {strides = array<i32>} : memref<4x64x128xf32, #tpu.memory_space<vmem>>, vector<1x1x16xf32>,
      %get3A_1449 = arith.constant 2 : i32
      %get3A_1450 = arith.index_cast %get3A_1449 : i32 to index
      %get3A_1451 = arith.index_cast %add3A_1058 : i32 to index
      %get3A_1452 = arith.constant 96 : index
      %get3A_1453 = tpu.vector_load %arg7[%get3A_1450, %get3A_1451, %get3A_1452] {strides = array<i32>} : memref<4x64x128xf32, #tpu.memory_space<vmem>>, vector<1x1x16xf32>,
      %get3A_1454 = vector.shape_cast %get3A_1453 : vector<1x1x16xf32> to vector<16xf32>
      %add3A_1455 = arith.addf %get3A_1454, %get3A_1420 : vector<16xf32>
      %swap3A_1456 = arith.constant 2 : i32
      %swap3A_1457 = arith.index_cast %swap3A_1456 : i32 to index
      %swap3A_1458 = arith.index_cast %add3A_1058 : i32 to index
      %swap3A_1459 = arith.constant 96 : index
      %swap3A_1460 = tpu.vector_load %arg7[%swap3A_1457, %swap3A_1458, %swap3A_1459] {strides = array<i32>} : memref<4x64x128xf32, #tpu.memory_space<vmem>>, vector<1x1x16xf32>,
      %swap3A_1461 = vector.shape_cast %swap3A_1460 : vector<1x1x16xf32> to vector<16xf32>
      %swap3A_1462 = vector.shape_cast %add3A_1455 : vector<16xf32> to vector<1x1x16xf32>
      tpu.vector_store %arg7[%swap3A_1457, %swap3A_1458, %swap3A_1459], %swap3A_1462 {strides = array<i32>} : memref<4x64x128xf32, #tpu.memory_space<vmem>>, vector<1x1x16xf32>,
      %get3A_1463 = arith.constant 3 : i32
      %get3A_1464 = arith.index_cast %get3A_1463 : i32 to index
      %get3A_1465 = arith.index_cast %add3A_1058 : i32 to index
      %get3A_1466 = arith.constant 96 : index
      %get3A_1467 = tpu.vector_load %arg7[%get3A_1464, %get3A_1465, %get3A_1466] {strides = array<i32>} : memref<4x64x128xf32, #tpu.memory_space<vmem>>, vector<1x1x16xf32>,
      %get3A_1468 = vector.shape_cast %get3A_1467 : vector<1x1x16xf32> to vector<16xf32>
      %add3A_1469 = arith.addf %get3A_1468, %get3A_1420 : vector<16xf32>
      %swap3A_1470 = arith.constant 3 : i32
      %swap3A_1471 = arith.index_cast %swap3A_1470 : i32 to index
      %swap3A_1472 = arith.index_cast %add3A_1058 : i32 to index
      %swap3A_1473 = arith.constant 96 : index
      %swap3A_1474 = tpu.vector_load %arg7[%swap3A_1471, %swap3A_1472, %swap3A_1473] {strides = array<i32>} : memref<4x64x128xf32, #tpu.memory_space<vmem>>, vector<1x1x16xf32>,
      %swap3A_1475 = vector.shape_cast %swap3A_1474 : vector<1x1x16xf32> to vector<16xf32>
      %swap3A_1476 = vector.shape_cast %add3A_1469 : vector<16xf32> to vector<1x1x16xf32>
      tpu.vector_store %arg7[%swap3A_1471, %swap3A_1472, %swap3A_1473], %swap3A_1476 {strides = array<i32>} : memref<4x64x128xf32, #tpu.memory_space<vmem>>, vector<1x1x16xf32>,
      %get3A_1477 = arith.index_cast %add3A_1058 : i32 to index
      %get3A_1478 = arith.constant 112 : index
      %get3A_1479 = tpu.vector_load %arg8[%get3A_1477, %get3A_1478] {strides = array<i32>} : memref<64x128xf32, #tpu.memory_space<vmem>>, vector<1x16xf32>,
      %get3A_1480 = vector.shape_cast %get3A_1479 : vector<1x16xf32> to vector<16xf32>
      %get3A_1481 = arith.constant 0 : i32
      %get3A_1482 = arith.index_cast %get3A_1481 : i32 to index
      %get3A_1483 = arith.index_cast %add3A_1058 : i32 to index
      %get3A_1484 = arith.constant 112 : index
      %get3A_1485 = tpu.vector_load %arg7[%get3A_1482, %get3A_1483, %get3A_1484] {strides = array<i32>} : memref<4x64x128xf32, #tpu.memory_space<vmem>>, vector<1x1x16xf32>,
      %get3A_1486 = vector.shape_cast %get3A_1485 : vector<1x1x16xf32> to vector<16xf32>
      %add3A_1487 = arith.addf %get3A_1486, %get3A_1480 : vector<16xf32>
      %swap3A_1488 = arith.constant 0 : i32
      %swap3A_1489 = arith.index_cast %swap3A_1488 : i32 to index
      %swap3A_1490 = arith.index_cast %add3A_1058 : i32 to index
      %swap3A_1491 = arith.constant 112 : index
      %swap3A_1492 = tpu.vector_load %arg7[%swap3A_1489, %swap3A_1490, %swap3A_1491] {strides = array<i32>} : memref<4x64x128xf32, #tpu.memory_space<vmem>>, vector<1x1x16xf32>,
      %swap3A_1493 = vector.shape_cast %swap3A_1492 : vector<1x1x16xf32> to vector<16xf32>
      %swap3A_1494 = vector.shape_cast %add3A_1487 : vector<16xf32> to vector<1x1x16xf32>
      tpu.vector_store %arg7[%swap3A_1489, %swap3A_1490, %swap3A_1491], %swap3A_1494 {strides = array<i32>} : memref<4x64x128xf32, #tpu.memory_space<vmem>>, vector<1x1x16xf32>,
      %get3A_1495 = arith.constant 1 : i32
      %get3A_1496 = arith.index_cast %get3A_1495 : i32 to index
      %get3A_1497 = arith.index_cast %add3A_1058 : i32 to index
      %get3A_1498 = arith.constant 112 : index
      %get3A_1499 = tpu.vector_load %arg7[%get3A_1496, %get3A_1497, %get3A_1498] {strides = array<i32>} : memref<4x64x128xf32, #tpu.memory_space<vmem>>, vector<1x1x16xf32>,
      %get3A_1500 = vector.shape_cast %get3A_1499 : vector<1x1x16xf32> to vector<16xf32>
      %add3A_1501 = arith.addf %get3A_1500, %get3A_1480 : vector<16xf32>
      %swap3A_1502 = arith.constant 1 : i32
      %swap3A_1503 = arith.index_cast %swap3A_1502 : i32 to index
      %swap3A_1504 = arith.index_cast %add3A_1058 : i32 to index
      %swap3A_1505 = arith.constant 112 : index
      %swap3A_1506 = tpu.vector_load %arg7[%swap3A_1503, %swap3A_1504, %swap3A_1505] {strides = array<i32>} : memref<4x64x128xf32, #tpu.memory_space<vmem>>, vector<1x1x16xf32>,
      %swap3A_1507 = vector.shape_cast %swap3A_1506 : vector<1x1x16xf32> to vector<16xf32>
      %swap3A_1508 = vector.shape_cast %add3A_1501 : vector<16xf32> to vector<1x1x16xf32>
      tpu.vector_store %arg7[%swap3A_1503, %swap3A_1504, %swap3A_1505], %swap3A_1508 {strides = array<i32>} : memref<4x64x128xf32, #tpu.memory_space<vmem>>, vector<1x1x16xf32>,
      %get3A_1509 = arith.constant 2 : i32
      %get3A_1510 = arith.index_cast %get3A_1509 : i32 to index
      %get3A_1511 = arith.index_cast %add3A_1058 : i32 to index
      %get3A_1512 = arith.constant 112 : index
      %get3A_1513 = tpu.vector_load %arg7[%get3A_1510, %get3A_1511, %get3A_1512] {strides = array<i32>} : memref<4x64x128xf32, #tpu.memory_space<vmem>>, vector<1x1x16xf32>,
      %get3A_1514 = vector.shape_cast %get3A_1513 : vector<1x1x16xf32> to vector<16xf32>
      %add3A_1515 = arith.addf %get3A_1514, %get3A_1480 : vector<16xf32>
      %swap3A_1516 = arith.constant 2 : i32
      %swap3A_1517 = arith.index_cast %swap3A_1516 : i32 to index
      %swap3A_1518 = arith.index_cast %add3A_1058 : i32 to index
      %swap3A_1519 = arith.constant 112 : index
      %swap3A_1520 = tpu.vector_load %arg7[%swap3A_1517, %swap3A_1518, %swap3A_1519] {strides = array<i32>} : memref<4x64x128xf32, #tpu.memory_space<vmem>>, vector<1x1x16xf32>,
      %swap3A_1521 = vector.shape_cast %swap3A_1520 : vector<1x1x16xf32> to vector<16xf32>
      %swap3A_1522 = vector.shape_cast %add3A_1515 : vector<16xf32> to vector<1x1x16xf32>
      tpu.vector_store %arg7[%swap3A_1517, %swap3A_1518, %swap3A_1519], %swap3A_1522 {strides = array<i32>} : memref<4x64x128xf32, #tpu.memory_space<vmem>>, vector<1x1x16xf32>,
      %get3A_1523 = arith.constant 3 : i32
      %get3A_1524 = arith.index_cast %get3A_1523 : i32 to index
      %get3A_1525 = arith.index_cast %add3A_1058 : i32 to index
      %get3A_1526 = arith.constant 112 : index
      %get3A_1527 = tpu.vector_load %arg7[%get3A_1524, %get3A_1525, %get3A_1526] {strides = array<i32>} : memref<4x64x128xf32, #tpu.memory_space<vmem>>, vector<1x1x16xf32>,
      %get3A_1528 = vector.shape_cast %get3A_1527 : vector<1x1x16xf32> to vector<16xf32>
      %add3A_1529 = arith.addf %get3A_1528, %get3A_1480 : vector<16xf32>
      %swap3A_1530 = arith.constant 3 : i32
      %swap3A_1531 = arith.index_cast %swap3A_1530 : i32 to index
      %swap3A_1532 = arith.index_cast %add3A_1058 : i32 to index
      %swap3A_1533 = arith.constant 112 : index
      %swap3A_1534 = tpu.vector_load %arg7[%swap3A_1531, %swap3A_1532, %swap3A_1533] {strides = array<i32>} : memref<4x64x128xf32, #tpu.memory_space<vmem>>, vector<1x1x16xf32>,
      %swap3A_1535 = vector.shape_cast %swap3A_1534 : vector<1x1x16xf32> to vector<16xf32>
      %swap3A_1536 = vector.shape_cast %add3A_1529 : vector<16xf32> to vector<1x1x16xf32>
      tpu.vector_store %arg7[%swap3A_1531, %swap3A_1532, %swap3A_1533], %swap3A_1536 {strides = array<i32>} : memref<4x64x128xf32, #tpu.memory_space<vmem>>, vector<1x1x16xf32>,
    }
    %scan3A_727 = arith.constant 16 : i32
    "tpu.trace_stop"() : () -> ()
    "tpu.trace_start"() <{level = 10 : i32, message = "store_fire"}> : () -> ()
    %add3A_728 = arith.constant 48 : i32
    %add3A_729 = arith.addi %mul3A_2, %add3A_728 : i32
    %dma_start3A_730 = arith.constant 0 : i32
    %dma_start3A_731 = arith.constant 0 : i32
    %dma_start3A_732 = arith.constant 48 : i32
    %dma_start3A_733 = arith.constant 0 : i32
    %dma_start3A_734 = tpu.memref_slice %arg7[%dma_start3A_730, %dma_start3A_732, %dma_start3A_733] : memref<4x64x128xf32, #tpu.memory_space<vmem>> -> memref<1x16x128xf32, #tpu.memory_space<vmem>>
    %dma_start3A_735 = tpu.memref_squeeze %dma_start3A_734 : memref<1x16x128xf32, #tpu.memory_space<vmem>> -> memref<16x128xf32, #tpu.memory_space<vmem>>
    %dma_start3A_736 = arith.constant 0 : i32
    %dma_start3A_737 = tpu.memref_slice %arg5[%dma_start3A_731, %add3A_729, %dma_start3A_736] : memref<4x2048x128xf32, #tpu.memory_space<hbm>> -> memref<1x16x128xf32, #tpu.memory_space<hbm>>
    %dma_start3A_738 = tpu.memref_squeeze %dma_start3A_737 : memref<1x16x128xf32, #tpu.memory_space<hbm>> -> memref<16x128xf32, #tpu.memory_space<hbm>>
    %dma_start3A_739 = arith.constant 0 : i32
    %dma_start3A_740 = tpu.memref_slice %arg5[%dma_start3A_731, %add3A_729, %dma_start3A_739] : memref<4x2048x128xf32, #tpu.memory_space<hbm>> -> memref<1x16x128xf32, #tpu.memory_space<hbm>>
    %dma_start3A_741 = tpu.memref_squeeze %dma_start3A_740 : memref<1x16x128xf32, #tpu.memory_space<hbm>> -> memref<16x128xf32, #tpu.memory_space<hbm>>
    %dma_start3A_742 = arith.constant 48 : i32
    %dma_start3A_743 = arith.constant 0 : i32
    %dma_start3A_744 = tpu.memref_slice %arg7[%dma_start3A_730, %dma_start3A_742, %dma_start3A_743] : memref<4x64x128xf32, #tpu.memory_space<vmem>> -> memref<1x16x128xf32, #tpu.memory_space<vmem>>
    %dma_start3A_745 = tpu.memref_squeeze %dma_start3A_744 : memref<1x16x128xf32, #tpu.memory_space<vmem>> -> memref<16x128xf32, #tpu.memory_space<vmem>>
    tpu.enqueue_dma source(%dma_start3A_745 : memref<16x128xf32, #tpu.memory_space<vmem>>) target(%dma_start3A_741 : memref<16x128xf32, #tpu.memory_space<hbm>>) target_semaphore(%arg27 : memref<!tpu.dma_semaphore, #tpu.memory_space<semaphore_mem>>)
    %add3A_746 = arith.constant 48 : i32
    %add3A_747 = arith.addi %mul3A_2, %add3A_746 : i32
    %dma_start3A_748 = arith.constant 1 : i32
    %dma_start3A_749 = arith.constant 1 : i32
    %dma_start3A_750 = arith.constant 48 : i32
    %dma_start3A_751 = arith.constant 0 : i32
    %dma_start3A_752 = tpu.memref_slice %arg7[%dma_start3A_748, %dma_start3A_750, %dma_start3A_751] : memref<4x64x128xf32, #tpu.memory_space<vmem>> -> memref<1x16x128xf32, #tpu.memory_space<vmem>>
    %dma_start3A_753 = tpu.memref_squeeze %dma_start3A_752 : memref<1x16x128xf32, #tpu.memory_space<vmem>> -> memref<16x128xf32, #tpu.memory_space<vmem>>
    %dma_start3A_754 = arith.constant 0 : i32
    %dma_start3A_755 = tpu.memref_slice %arg5[%dma_start3A_749, %add3A_747, %dma_start3A_754] : memref<4x2048x128xf32, #tpu.memory_space<hbm>> -> memref<1x16x128xf32, #tpu.memory_space<hbm>>
    %dma_start3A_756 = tpu.memref_squeeze %dma_start3A_755 : memref<1x16x128xf32, #tpu.memory_space<hbm>> -> memref<16x128xf32, #tpu.memory_space<hbm>>
    %dma_start3A_757 = arith.constant 0 : i32
    %dma_start3A_758 = tpu.memref_slice %arg5[%dma_start3A_749, %add3A_747, %dma_start3A_757] : memref<4x2048x128xf32, #tpu.memory_space<hbm>> -> memref<1x16x128xf32, #tpu.memory_space<hbm>>
    %dma_start3A_759 = tpu.memref_squeeze %dma_start3A_758 : memref<1x16x128xf32, #tpu.memory_space<hbm>> -> memref<16x128xf32, #tpu.memory_space<hbm>>
    %dma_start3A_760 = arith.constant 48 : i32
    %dma_start3A_761 = arith.constant 0 : i32
    %dma_start3A_762 = tpu.memref_slice %arg7[%dma_start3A_748, %dma_start3A_760, %dma_start3A_761] : memref<4x64x128xf32, #tpu.memory_space<vmem>> -> memref<1x16x128xf32, #tpu.memory_space<vmem>>
    %dma_start3A_763 = tpu.memref_squeeze %dma_start3A_762 : memref<1x16x128xf32, #tpu.memory_space<vmem>> -> memref<16x128xf32, #tpu.memory_space<vmem>>
    tpu.enqueue_dma source(%dma_start3A_763 : memref<16x128xf32, #tpu.memory_space<vmem>>) target(%dma_start3A_759 : memref<16x128xf32, #tpu.memory_space<hbm>>) target_semaphore(%arg27 : memref<!tpu.dma_semaphore, #tpu.memory_space<semaphore_mem>>)
    %add3A_764 = arith.constant 48 : i32
    %add3A_765 = arith.addi %mul3A_2, %add3A_764 : i32
    %dma_start3A_766 = arith.constant 2 : i32
    %dma_start3A_767 = arith.constant 2 : i32
    %dma_start3A_768 = arith.constant 48 : i32
    %dma_start3A_769 = arith.constant 0 : i32
    %dma_start3A_770 = tpu.memref_slice %arg7[%dma_start3A_766, %dma_start3A_768, %dma_start3A_769] : memref<4x64x128xf32, #tpu.memory_space<vmem>> -> memref<1x16x128xf32, #tpu.memory_space<vmem>>
    %dma_start3A_771 = tpu.memref_squeeze %dma_start3A_770 : memref<1x16x128xf32, #tpu.memory_space<vmem>> -> memref<16x128xf32, #tpu.memory_space<vmem>>
    %dma_start3A_772 = arith.constant 0 : i32
    %dma_start3A_773 = tpu.memref_slice %arg5[%dma_start3A_767, %add3A_765, %dma_start3A_772] : memref<4x2048x128xf32, #tpu.memory_space<hbm>> -> memref<1x16x128xf32, #tpu.memory_space<hbm>>
    %dma_start3A_774 = tpu.memref_squeeze %dma_start3A_773 : memref<1x16x128xf32, #tpu.memory_space<hbm>> -> memref<16x128xf32, #tpu.memory_space<hbm>>
    %dma_start3A_775 = arith.constant 0 : i32
    %dma_start3A_776 = tpu.memref_slice %arg5[%dma_start3A_767, %add3A_765, %dma_start3A_775] : memref<4x2048x128xf32, #tpu.memory_space<hbm>> -> memref<1x16x128xf32, #tpu.memory_space<hbm>>
    %dma_start3A_777 = tpu.memref_squeeze %dma_start3A_776 : memref<1x16x128xf32, #tpu.memory_space<hbm>> -> memref<16x128xf32, #tpu.memory_space<hbm>>
    %dma_start3A_778 = arith.constant 48 : i32
    %dma_start3A_779 = arith.constant 0 : i32
    %dma_start3A_780 = tpu.memref_slice %arg7[%dma_start3A_766, %dma_start3A_778, %dma_start3A_779] : memref<4x64x128xf32, #tpu.memory_space<vmem>> -> memref<1x16x128xf32, #tpu.memory_space<vmem>>
    %dma_start3A_781 = tpu.memref_squeeze %dma_start3A_780 : memref<1x16x128xf32, #tpu.memory_space<vmem>> -> memref<16x128xf32, #tpu.memory_space<vmem>>
    tpu.enqueue_dma source(%dma_start3A_781 : memref<16x128xf32, #tpu.memory_space<vmem>>) target(%dma_start3A_777 : memref<16x128xf32, #tpu.memory_space<hbm>>) target_semaphore(%arg27 : memref<!tpu.dma_semaphore, #tpu.memory_space<semaphore_mem>>)
    %add3A_782 = arith.constant 48 : i32
    %add3A_783 = arith.addi %mul3A_2, %add3A_782 : i32
    %dma_start3A_784 = arith.constant 3 : i32
    %dma_start3A_785 = arith.constant 3 : i32
    %dma_start3A_786 = arith.constant 48 : i32
    %dma_start3A_787 = arith.constant 0 : i32
    %dma_start3A_788 = tpu.memref_slice %arg7[%dma_start3A_784, %dma_start3A_786, %dma_start3A_787] : memref<4x64x128xf32, #tpu.memory_space<vmem>> -> memref<1x16x128xf32, #tpu.memory_space<vmem>>
    %dma_start3A_789 = tpu.memref_squeeze %dma_start3A_788 : memref<1x16x128xf32, #tpu.memory_space<vmem>> -> memref<16x128xf32, #tpu.memory_space<vmem>>
    %dma_start3A_790 = arith.constant 0 : i32
    %dma_start3A_791 = tpu.memref_slice %arg5[%dma_start3A_785, %add3A_783, %dma_start3A_790] : memref<4x2048x128xf32, #tpu.memory_space<hbm>> -> memref<1x16x128xf32, #tpu.memory_space<hbm>>
    %dma_start3A_792 = tpu.memref_squeeze %dma_start3A_791 : memref<1x16x128xf32, #tpu.memory_space<hbm>> -> memref<16x128xf32, #tpu.memory_space<hbm>>
    %dma_start3A_793 = arith.constant 0 : i32
    %dma_start3A_794 = tpu.memref_slice %arg5[%dma_start3A_785, %add3A_783, %dma_start3A_793] : memref<4x2048x128xf32, #tpu.memory_space<hbm>> -> memref<1x16x128xf32, #tpu.memory_space<hbm>>
    %dma_start3A_795 = tpu.memref_squeeze %dma_start3A_794 : memref<1x16x128xf32, #tpu.memory_space<hbm>> -> memref<16x128xf32, #tpu.memory_space<hbm>>
    %dma_start3A_796 = arith.constant 48 : i32
    %dma_start3A_797 = arith.constant 0 : i32
    %dma_start3A_798 = tpu.memref_slice %arg7[%dma_start3A_784, %dma_start3A_796, %dma_start3A_797] : memref<4x64x128xf32, #tpu.memory_space<vmem>> -> memref<1x16x128xf32, #tpu.memory_space<vmem>>
    %dma_start3A_799 = tpu.memref_squeeze %dma_start3A_798 : memref<1x16x128xf32, #tpu.memory_space<vmem>> -> memref<16x128xf32, #tpu.memory_space<vmem>>
    tpu.enqueue_dma source(%dma_start3A_799 : memref<16x128xf32, #tpu.memory_space<vmem>>) target(%dma_start3A_795 : memref<16x128xf32, #tpu.memory_space<hbm>>) target_semaphore(%arg27 : memref<!tpu.dma_semaphore, #tpu.memory_space<semaphore_mem>>)
    %dma_wait3A_800 = arith.constant 0 : i32
    %dma_wait3A_801 = arith.constant 0 : i32
    "tpu.trace_stop"() : () -> ()
    "tpu.trace_start"() <{level = 10 : i32, message = "store_drain"}> : () -> ()
    %dma_wait3A_802 = arith.constant 0 : i32
    %dma_wait3A_803 = arith.constant 0 : i32
    %dma_wait3A_804 = tpu.memref_slice %arg7[%dma_wait3A_800, %dma_wait3A_802, %dma_wait3A_803] : memref<4x64x128xf32, #tpu.memory_space<vmem>> -> memref<1x16x128xf32, #tpu.memory_space<vmem>>
    %dma_wait3A_805 = tpu.memref_squeeze %dma_wait3A_804 : memref<1x16x128xf32, #tpu.memory_space<vmem>> -> memref<16x128xf32, #tpu.memory_space<vmem>>
    %dma_wait3A_806 = arith.constant 0 : i32
    %dma_wait3A_807 = tpu.memref_slice %arg5[%dma_wait3A_801, %add3A_351, %dma_wait3A_806] : memref<4x2048x128xf32, #tpu.memory_space<hbm>> -> memref<1x16x128xf32, #tpu.memory_space<hbm>>
    %dma_wait3A_808 = tpu.memref_squeeze %dma_wait3A_807 : memref<1x16x128xf32, #tpu.memory_space<hbm>> -> memref<16x128xf32, #tpu.memory_space<hbm>>
    %dma_wait3A_809 = arith.constant 0 : i32
    %dma_wait3A_810 = tpu.memref_slice %arg5[%dma_wait3A_801, %add3A_351, %dma_wait3A_809] : memref<4x2048x128xf32, #tpu.memory_space<hbm>> -> memref<1x16x128xf32, #tpu.memory_space<hbm>>
    %dma_wait3A_811 = tpu.memref_squeeze %dma_wait3A_810 : memref<1x16x128xf32, #tpu.memory_space<hbm>> -> memref<16x128xf32, #tpu.memory_space<hbm>>
    %dma_wait3A_812 = arith.constant 0 : i32
    %dma_wait3A_813 = arith.constant 0 : i32
    %dma_wait3A_814 = tpu.memref_slice %arg7[%dma_wait3A_800, %dma_wait3A_812, %dma_wait3A_813] : memref<4x64x128xf32, #tpu.memory_space<vmem>> -> memref<1x16x128xf32, #tpu.memory_space<vmem>>
    %dma_wait3A_815 = tpu.memref_squeeze %dma_wait3A_814 : memref<1x16x128xf32, #tpu.memory_space<vmem>> -> memref<16x128xf32, #tpu.memory_space<vmem>>
    tpu.wait_dma2 semaphore(%arg27 : memref<!tpu.dma_semaphore, #tpu.memory_space<semaphore_mem>>) src(%dma_wait3A_815 : memref<16x128xf32, #tpu.memory_space<vmem>>) dst(%dma_wait3A_811 : memref<16x128xf32, #tpu.memory_space<hbm>>)
    %dma_wait3A_816 = arith.constant 1 : i32
    %dma_wait3A_817 = arith.constant 1 : i32
    %dma_wait3A_818 = arith.constant 0 : i32
    %dma_wait3A_819 = arith.constant 0 : i32
    %dma_wait3A_820 = tpu.memref_slice %arg7[%dma_wait3A_816, %dma_wait3A_818, %dma_wait3A_819] : memref<4x64x128xf32, #tpu.memory_space<vmem>> -> memref<1x16x128xf32, #tpu.memory_space<vmem>>
    %dma_wait3A_821 = tpu.memref_squeeze %dma_wait3A_820 : memref<1x16x128xf32, #tpu.memory_space<vmem>> -> memref<16x128xf32, #tpu.memory_space<vmem>>
    %dma_wait3A_822 = arith.constant 0 : i32
    %dma_wait3A_823 = tpu.memref_slice %arg5[%dma_wait3A_817, %add3A_369, %dma_wait3A_822] : memref<4x2048x128xf32, #tpu.memory_space<hbm>> -> memref<1x16x128xf32, #tpu.memory_space<hbm>>
    %dma_wait3A_824 = tpu.memref_squeeze %dma_wait3A_823 : memref<1x16x128xf32, #tpu.memory_space<hbm>> -> memref<16x128xf32, #tpu.memory_space<hbm>>
    %dma_wait3A_825 = arith.constant 0 : i32
    %dma_wait3A_826 = tpu.memref_slice %arg5[%dma_wait3A_817, %add3A_369, %dma_wait3A_825] : memref<4x2048x128xf32, #tpu.memory_space<hbm>> -> memref<1x16x128xf32, #tpu.memory_space<hbm>>
    %dma_wait3A_827 = tpu.memref_squeeze %dma_wait3A_826 : memref<1x16x128xf32, #tpu.memory_space<hbm>> -> memref<16x128xf32, #tpu.memory_space<hbm>>
    %dma_wait3A_828 = arith.constant 0 : i32
    %dma_wait3A_829 = arith.constant 0 : i32
    %dma_wait3A_830 = tpu.memref_slice %arg7[%dma_wait3A_816, %dma_wait3A_828, %dma_wait3A_829] : memref<4x64x128xf32, #tpu.memory_space<vmem>> -> memref<1x16x128xf32, #tpu.memory_space<vmem>>
    %dma_wait3A_831 = tpu.memref_squeeze %dma_wait3A_830 : memref<1x16x128xf32, #tpu.memory_space<vmem>> -> memref<16x128xf32, #tpu.memory_space<vmem>>
    tpu.wait_dma2 semaphore(%arg27 : memref<!tpu.dma_semaphore, #tpu.memory_space<semaphore_mem>>) src(%dma_wait3A_831 : memref<16x128xf32, #tpu.memory_space<vmem>>) dst(%dma_wait3A_827 : memref<16x128xf32, #tpu.memory_space<hbm>>)
    %dma_wait3A_832 = arith.constant 2 : i32
    %dma_wait3A_833 = arith.constant 2 : i32
    %dma_wait3A_834 = arith.constant 0 : i32
    %dma_wait3A_835 = arith.constant 0 : i32
    %dma_wait3A_836 = tpu.memref_slice %arg7[%dma_wait3A_832, %dma_wait3A_834, %dma_wait3A_835] : memref<4x64x128xf32, #tpu.memory_space<vmem>> -> memref<1x16x128xf32, #tpu.memory_space<vmem>>
    %dma_wait3A_837 = tpu.memref_squeeze %dma_wait3A_836 : memref<1x16x128xf32, #tpu.memory_space<vmem>> -> memref<16x128xf32, #tpu.memory_space<vmem>>
    %dma_wait3A_838 = arith.constant 0 : i32
    %dma_wait3A_839 = tpu.memref_slice %arg5[%dma_wait3A_833, %add3A_387, %dma_wait3A_838] : memref<4x2048x128xf32, #tpu.memory_space<hbm>> -> memref<1x16x128xf32, #tpu.memory_space<hbm>>
    %dma_wait3A_840 = tpu.memref_squeeze %dma_wait3A_839 : memref<1x16x128xf32, #tpu.memory_space<hbm>> -> memref<16x128xf32, #tpu.memory_space<hbm>>
    %dma_wait3A_841 = arith.constant 0 : i32
    %dma_wait3A_842 = tpu.memref_slice %arg5[%dma_wait3A_833, %add3A_387, %dma_wait3A_841] : memref<4x2048x128xf32, #tpu.memory_space<hbm>> -> memref<1x16x128xf32, #tpu.memory_space<hbm>>
    %dma_wait3A_843 = tpu.memref_squeeze %dma_wait3A_842 : memref<1x16x128xf32, #tpu.memory_space<hbm>> -> memref<16x128xf32, #tpu.memory_space<hbm>>
    %dma_wait3A_844 = arith.constant 0 : i32
    %dma_wait3A_845 = arith.constant 0 : i32
    %dma_wait3A_846 = tpu.memref_slice %arg7[%dma_wait3A_832, %dma_wait3A_844, %dma_wait3A_845] : memref<4x64x128xf32, #tpu.memory_space<vmem>> -> memref<1x16x128xf32, #tpu.memory_space<vmem>>
    %dma_wait3A_847 = tpu.memref_squeeze %dma_wait3A_846 : memref<1x16x128xf32, #tpu.memory_space<vmem>> -> memref<16x128xf32, #tpu.memory_space<vmem>>
    tpu.wait_dma2 semaphore(%arg27 : memref<!tpu.dma_semaphore, #tpu.memory_space<semaphore_mem>>) src(%dma_wait3A_847 : memref<16x128xf32, #tpu.memory_space<vmem>>) dst(%dma_wait3A_843 : memref<16x128xf32, #tpu.memory_space<hbm>>)
    %dma_wait3A_848 = arith.constant 3 : i32
    %dma_wait3A_849 = arith.constant 3 : i32
    %dma_wait3A_850 = arith.constant 0 : i32
    %dma_wait3A_851 = arith.constant 0 : i32
    %dma_wait3A_852 = tpu.memref_slice %arg7[%dma_wait3A_848, %dma_wait3A_850, %dma_wait3A_851] : memref<4x64x128xf32, #tpu.memory_space<vmem>> -> memref<1x16x128xf32, #tpu.memory_space<vmem>>
    %dma_wait3A_853 = tpu.memref_squeeze %dma_wait3A_852 : memref<1x16x128xf32, #tpu.memory_space<vmem>> -> memref<16x128xf32, #tpu.memory_space<vmem>>
    %dma_wait3A_854 = arith.constant 0 : i32
    %dma_wait3A_855 = tpu.memref_slice %arg5[%dma_wait3A_849, %add3A_405, %dma_wait3A_854] : memref<4x2048x128xf32, #tpu.memory_space<hbm>> -> memref<1x16x128xf32, #tpu.memory_space<hbm>>
    %dma_wait3A_856 = tpu.memref_squeeze %dma_wait3A_855 : memref<1x16x128xf32, #tpu.memory_space<hbm>> -> memref<16x128xf32, #tpu.memory_space<hbm>>
    %dma_wait3A_857 = arith.constant 0 : i32
    %dma_wait3A_858 = tpu.memref_slice %arg5[%dma_wait3A_849, %add3A_405, %dma_wait3A_857] : memref<4x2048x128xf32, #tpu.memory_space<hbm>> -> memref<1x16x128xf32, #tpu.memory_space<hbm>>
    %dma_wait3A_859 = tpu.memref_squeeze %dma_wait3A_858 : memref<1x16x128xf32, #tpu.memory_space<hbm>> -> memref<16x128xf32, #tpu.memory_space<hbm>>
    %dma_wait3A_860 = arith.constant 0 : i32
    %dma_wait3A_861 = arith.constant 0 : i32
    %dma_wait3A_862 = tpu.memref_slice %arg7[%dma_wait3A_848, %dma_wait3A_860, %dma_wait3A_861] : memref<4x64x128xf32, #tpu.memory_space<vmem>> -> memref<1x16x128xf32, #tpu.memory_space<vmem>>
    %dma_wait3A_863 = tpu.memref_squeeze %dma_wait3A_862 : memref<1x16x128xf32, #tpu.memory_space<vmem>> -> memref<16x128xf32, #tpu.memory_space<vmem>>
    tpu.wait_dma2 semaphore(%arg27 : memref<!tpu.dma_semaphore, #tpu.memory_space<semaphore_mem>>) src(%dma_wait3A_863 : memref<16x128xf32, #tpu.memory_space<vmem>>) dst(%dma_wait3A_859 : memref<16x128xf32, #tpu.memory_space<hbm>>)
    %dma_wait3A_864 = arith.constant 0 : i32
    %dma_wait3A_865 = arith.constant 0 : i32
    %dma_wait3A_866 = arith.constant 16 : i32
    %dma_wait3A_867 = arith.constant 0 : i32
    %dma_wait3A_868 = tpu.memref_slice %arg7[%dma_wait3A_864, %dma_wait3A_866, %dma_wait3A_867] : memref<4x64x128xf32, #tpu.memory_space<vmem>> -> memref<1x16x128xf32, #tpu.memory_space<vmem>>
    %dma_wait3A_869 = tpu.memref_squeeze %dma_wait3A_868 : memref<1x16x128xf32, #tpu.memory_space<vmem>> -> memref<16x128xf32, #tpu.memory_space<vmem>>
    %dma_wait3A_870 = arith.constant 0 : i32
    %dma_wait3A_871 = tpu.memref_slice %arg5[%dma_wait3A_865, %add3A_477, %dma_wait3A_870] : memref<4x2048x128xf32, #tpu.memory_space<hbm>> -> memref<1x16x128xf32, #tpu.memory_space<hbm>>
    %dma_wait3A_872 = tpu.memref_squeeze %dma_wait3A_871 : memref<1x16x128xf32, #tpu.memory_space<hbm>> -> memref<16x128xf32, #tpu.memory_space<hbm>>
    %dma_wait3A_873 = arith.constant 0 : i32
    %dma_wait3A_874 = tpu.memref_slice %arg5[%dma_wait3A_865, %add3A_477, %dma_wait3A_873] : memref<4x2048x128xf32, #tpu.memory_space<hbm>> -> memref<1x16x128xf32, #tpu.memory_space<hbm>>
    %dma_wait3A_875 = tpu.memref_squeeze %dma_wait3A_874 : memref<1x16x128xf32, #tpu.memory_space<hbm>> -> memref<16x128xf32, #tpu.memory_space<hbm>>
    %dma_wait3A_876 = arith.constant 16 : i32
    %dma_wait3A_877 = arith.constant 0 : i32
    %dma_wait3A_878 = tpu.memref_slice %arg7[%dma_wait3A_864, %dma_wait3A_876, %dma_wait3A_877] : memref<4x64x128xf32, #tpu.memory_space<vmem>> -> memref<1x16x128xf32, #tpu.memory_space<vmem>>
    %dma_wait3A_879 = tpu.memref_squeeze %dma_wait3A_878 : memref<1x16x128xf32, #tpu.memory_space<vmem>> -> memref<16x128xf32, #tpu.memory_space<vmem>>
    tpu.wait_dma2 semaphore(%arg27 : memref<!tpu.dma_semaphore, #tpu.memory_space<semaphore_mem>>) src(%dma_wait3A_879 : memref<16x128xf32, #tpu.memory_space<vmem>>) dst(%dma_wait3A_875 : memref<16x128xf32, #tpu.memory_space<hbm>>)
    %dma_wait3A_880 = arith.constant 1 : i32
    %dma_wait3A_881 = arith.constant 1 : i32
    %dma_wait3A_882 = arith.constant 16 : i32
    %dma_wait3A_883 = arith.constant 0 : i32
    %dma_wait3A_884 = tpu.memref_slice %arg7[%dma_wait3A_880, %dma_wait3A_882, %dma_wait3A_883] : memref<4x64x128xf32, #tpu.memory_space<vmem>> -> memref<1x16x128xf32, #tpu.memory_space<vmem>>
    %dma_wait3A_885 = tpu.memref_squeeze %dma_wait3A_884 : memref<1x16x128xf32, #tpu.memory_space<vmem>> -> memref<16x128xf32, #tpu.memory_space<vmem>>
    %dma_wait3A_886 = arith.constant 0 : i32
    %dma_wait3A_887 = tpu.memref_slice %arg5[%dma_wait3A_881, %add3A_495, %dma_wait3A_886] : memref<4x2048x128xf32, #tpu.memory_space<hbm>> -> memref<1x16x128xf32, #tpu.memory_space<hbm>>
    %dma_wait3A_888 = tpu.memref_squeeze %dma_wait3A_887 : memref<1x16x128xf32, #tpu.memory_space<hbm>> -> memref<16x128xf32, #tpu.memory_space<hbm>>
    %dma_wait3A_889 = arith.constant 0 : i32
    %dma_wait3A_890 = tpu.memref_slice %arg5[%dma_wait3A_881, %add3A_495, %dma_wait3A_889] : memref<4x2048x128xf32, #tpu.memory_space<hbm>> -> memref<1x16x128xf32, #tpu.memory_space<hbm>>
    %dma_wait3A_891 = tpu.memref_squeeze %dma_wait3A_890 : memref<1x16x128xf32, #tpu.memory_space<hbm>> -> memref<16x128xf32, #tpu.memory_space<hbm>>
    %dma_wait3A_892 = arith.constant 16 : i32
    %dma_wait3A_893 = arith.constant 0 : i32
    %dma_wait3A_894 = tpu.memref_slice %arg7[%dma_wait3A_880, %dma_wait3A_892, %dma_wait3A_893] : memref<4x64x128xf32, #tpu.memory_space<vmem>> -> memref<1x16x128xf32, #tpu.memory_space<vmem>>
    %dma_wait3A_895 = tpu.memref_squeeze %dma_wait3A_894 : memref<1x16x128xf32, #tpu.memory_space<vmem>> -> memref<16x128xf32, #tpu.memory_space<vmem>>
    tpu.wait_dma2 semaphore(%arg27 : memref<!tpu.dma_semaphore, #tpu.memory_space<semaphore_mem>>) src(%dma_wait3A_895 : memref<16x128xf32, #tpu.memory_space<vmem>>) dst(%dma_wait3A_891 : memref<16x128xf32, #tpu.memory_space<hbm>>)
    %dma_wait3A_896 = arith.constant 2 : i32
    %dma_wait3A_897 = arith.constant 2 : i32
    %dma_wait3A_898 = arith.constant 16 : i32
    %dma_wait3A_899 = arith.constant 0 : i32
    %dma_wait3A_900 = tpu.memref_slice %arg7[%dma_wait3A_896, %dma_wait3A_898, %dma_wait3A_899] : memref<4x64x128xf32, #tpu.memory_space<vmem>> -> memref<1x16x128xf32, #tpu.memory_space<vmem>>
    %dma_wait3A_901 = tpu.memref_squeeze %dma_wait3A_900 : memref<1x16x128xf32, #tpu.memory_space<vmem>> -> memref<16x128xf32, #tpu.memory_space<vmem>>
    %dma_wait3A_902 = arith.constant 0 : i32
    %dma_wait3A_903 = tpu.memref_slice %arg5[%dma_wait3A_897, %add3A_513, %dma_wait3A_902] : memref<4x2048x128xf32, #tpu.memory_space<hbm>> -> memref<1x16x128xf32, #tpu.memory_space<hbm>>
    %dma_wait3A_904 = tpu.memref_squeeze %dma_wait3A_903 : memref<1x16x128xf32, #tpu.memory_space<hbm>> -> memref<16x128xf32, #tpu.memory_space<hbm>>
    %dma_wait3A_905 = arith.constant 0 : i32
    %dma_wait3A_906 = tpu.memref_slice %arg5[%dma_wait3A_897, %add3A_513, %dma_wait3A_905] : memref<4x2048x128xf32, #tpu.memory_space<hbm>> -> memref<1x16x128xf32, #tpu.memory_space<hbm>>
    %dma_wait3A_907 = tpu.memref_squeeze %dma_wait3A_906 : memref<1x16x128xf32, #tpu.memory_space<hbm>> -> memref<16x128xf32, #tpu.memory_space<hbm>>
    %dma_wait3A_908 = arith.constant 16 : i32
    %dma_wait3A_909 = arith.constant 0 : i32
    %dma_wait3A_910 = tpu.memref_slice %arg7[%dma_wait3A_896, %dma_wait3A_908, %dma_wait3A_909] : memref<4x64x128xf32, #tpu.memory_space<vmem>> -> memref<1x16x128xf32, #tpu.memory_space<vmem>>
    %dma_wait3A_911 = tpu.memref_squeeze %dma_wait3A_910 : memref<1x16x128xf32, #tpu.memory_space<vmem>> -> memref<16x128xf32, #tpu.memory_space<vmem>>
    tpu.wait_dma2 semaphore(%arg27 : memref<!tpu.dma_semaphore, #tpu.memory_space<semaphore_mem>>) src(%dma_wait3A_911 : memref<16x128xf32, #tpu.memory_space<vmem>>) dst(%dma_wait3A_907 : memref<16x128xf32, #tpu.memory_space<hbm>>)
    %dma_wait3A_912 = arith.constant 3 : i32
    %dma_wait3A_913 = arith.constant 3 : i32
    %dma_wait3A_914 = arith.constant 16 : i32
    %dma_wait3A_915 = arith.constant 0 : i32
    %dma_wait3A_916 = tpu.memref_slice %arg7[%dma_wait3A_912, %dma_wait3A_914, %dma_wait3A_915] : memref<4x64x128xf32, #tpu.memory_space<vmem>> -> memref<1x16x128xf32, #tpu.memory_space<vmem>>
    %dma_wait3A_917 = tpu.memref_squeeze %dma_wait3A_916 : memref<1x16x128xf32, #tpu.memory_space<vmem>> -> memref<16x128xf32, #tpu.memory_space<vmem>>
    %dma_wait3A_918 = arith.constant 0 : i32
    %dma_wait3A_919 = tpu.memref_slice %arg5[%dma_wait3A_913, %add3A_531, %dma_wait3A_918] : memref<4x2048x128xf32, #tpu.memory_space<hbm>> -> memref<1x16x128xf32, #tpu.memory_space<hbm>>
    %dma_wait3A_920 = tpu.memref_squeeze %dma_wait3A_919 : memref<1x16x128xf32, #tpu.memory_space<hbm>> -> memref<16x128xf32, #tpu.memory_space<hbm>>
    %dma_wait3A_921 = arith.constant 0 : i32
    %dma_wait3A_922 = tpu.memref_slice %arg5[%dma_wait3A_913, %add3A_531, %dma_wait3A_921] : memref<4x2048x128xf32, #tpu.memory_space<hbm>> -> memref<1x16x128xf32, #tpu.memory_space<hbm>>
    %dma_wait3A_923 = tpu.memref_squeeze %dma_wait3A_922 : memref<1x16x128xf32, #tpu.memory_space<hbm>> -> memref<16x128xf32, #tpu.memory_space<hbm>>
    %dma_wait3A_924 = arith.constant 16 : i32
    %dma_wait3A_925 = arith.constant 0 : i32
    %dma_wait3A_926 = tpu.memref_slice %arg7[%dma_wait3A_912, %dma_wait3A_924, %dma_wait3A_925] : memref<4x64x128xf32, #tpu.memory_space<vmem>> -> memref<1x16x128xf32, #tpu.memory_space<vmem>>
    %dma_wait3A_927 = tpu.memref_squeeze %dma_wait3A_926 : memref<1x16x128xf32, #tpu.memory_space<vmem>> -> memref<16x128xf32, #tpu.memory_space<vmem>>
    tpu.wait_dma2 semaphore(%arg27 : memref<!tpu.dma_semaphore, #tpu.memory_space<semaphore_mem>>) src(%dma_wait3A_927 : memref<16x128xf32, #tpu.memory_space<vmem>>) dst(%dma_wait3A_923 : memref<16x128xf32, #tpu.memory_space<hbm>>)
    %dma_wait3A_928 = arith.constant 0 : i32
    %dma_wait3A_929 = arith.constant 0 : i32
    %dma_wait3A_930 = arith.constant 32 : i32
    %dma_wait3A_931 = arith.constant 0 : i32
    %dma_wait3A_932 = tpu.memref_slice %arg7[%dma_wait3A_928, %dma_wait3A_930, %dma_wait3A_931] : memref<4x64x128xf32, #tpu.memory_space<vmem>> -> memref<1x16x128xf32, #tpu.memory_space<vmem>>
    %dma_wait3A_933 = tpu.memref_squeeze %dma_wait3A_932 : memref<1x16x128xf32, #tpu.memory_space<vmem>> -> memref<16x128xf32, #tpu.memory_space<vmem>>
    %dma_wait3A_934 = arith.constant 0 : i32
    %dma_wait3A_935 = tpu.memref_slice %arg5[%dma_wait3A_929, %add3A_603, %dma_wait3A_934] : memref<4x2048x128xf32, #tpu.memory_space<hbm>> -> memref<1x16x128xf32, #tpu.memory_space<hbm>>
    %dma_wait3A_936 = tpu.memref_squeeze %dma_wait3A_935 : memref<1x16x128xf32, #tpu.memory_space<hbm>> -> memref<16x128xf32, #tpu.memory_space<hbm>>
    %dma_wait3A_937 = arith.constant 0 : i32
    %dma_wait3A_938 = tpu.memref_slice %arg5[%dma_wait3A_929, %add3A_603, %dma_wait3A_937] : memref<4x2048x128xf32, #tpu.memory_space<hbm>> -> memref<1x16x128xf32, #tpu.memory_space<hbm>>
    %dma_wait3A_939 = tpu.memref_squeeze %dma_wait3A_938 : memref<1x16x128xf32, #tpu.memory_space<hbm>> -> memref<16x128xf32, #tpu.memory_space<hbm>>
    %dma_wait3A_940 = arith.constant 32 : i32
    %dma_wait3A_941 = arith.constant 0 : i32
    %dma_wait3A_942 = tpu.memref_slice %arg7[%dma_wait3A_928, %dma_wait3A_940, %dma_wait3A_941] : memref<4x64x128xf32, #tpu.memory_space<vmem>> -> memref<1x16x128xf32, #tpu.memory_space<vmem>>
    %dma_wait3A_943 = tpu.memref_squeeze %dma_wait3A_942 : memref<1x16x128xf32, #tpu.memory_space<vmem>> -> memref<16x128xf32, #tpu.memory_space<vmem>>
    tpu.wait_dma2 semaphore(%arg27 : memref<!tpu.dma_semaphore, #tpu.memory_space<semaphore_mem>>) src(%dma_wait3A_943 : memref<16x128xf32, #tpu.memory_space<vmem>>) dst(%dma_wait3A_939 : memref<16x128xf32, #tpu.memory_space<hbm>>)
    %dma_wait3A_944 = arith.constant 1 : i32
    %dma_wait3A_945 = arith.constant 1 : i32
    %dma_wait3A_946 = arith.constant 32 : i32
    %dma_wait3A_947 = arith.constant 0 : i32
    %dma_wait3A_948 = tpu.memref_slice %arg7[%dma_wait3A_944, %dma_wait3A_946, %dma_wait3A_947] : memref<4x64x128xf32, #tpu.memory_space<vmem>> -> memref<1x16x128xf32, #tpu.memory_space<vmem>>
    %dma_wait3A_949 = tpu.memref_squeeze %dma_wait3A_948 : memref<1x16x128xf32, #tpu.memory_space<vmem>> -> memref<16x128xf32, #tpu.memory_space<vmem>>
    %dma_wait3A_950 = arith.constant 0 : i32
    %dma_wait3A_951 = tpu.memref_slice %arg5[%dma_wait3A_945, %add3A_621, %dma_wait3A_950] : memref<4x2048x128xf32, #tpu.memory_space<hbm>> -> memref<1x16x128xf32, #tpu.memory_space<hbm>>
    %dma_wait3A_952 = tpu.memref_squeeze %dma_wait3A_951 : memref<1x16x128xf32, #tpu.memory_space<hbm>> -> memref<16x128xf32, #tpu.memory_space<hbm>>
    %dma_wait3A_953 = arith.constant 0 : i32
    %dma_wait3A_954 = tpu.memref_slice %arg5[%dma_wait3A_945, %add3A_621, %dma_wait3A_953] : memref<4x2048x128xf32, #tpu.memory_space<hbm>> -> memref<1x16x128xf32, #tpu.memory_space<hbm>>
    %dma_wait3A_955 = tpu.memref_squeeze %dma_wait3A_954 : memref<1x16x128xf32, #tpu.memory_space<hbm>> -> memref<16x128xf32, #tpu.memory_space<hbm>>
    %dma_wait3A_956 = arith.constant 32 : i32
    %dma_wait3A_957 = arith.constant 0 : i32
    %dma_wait3A_958 = tpu.memref_slice %arg7[%dma_wait3A_944, %dma_wait3A_956, %dma_wait3A_957] : memref<4x64x128xf32, #tpu.memory_space<vmem>> -> memref<1x16x128xf32, #tpu.memory_space<vmem>>
    %dma_wait3A_959 = tpu.memref_squeeze %dma_wait3A_958 : memref<1x16x128xf32, #tpu.memory_space<vmem>> -> memref<16x128xf32, #tpu.memory_space<vmem>>
    tpu.wait_dma2 semaphore(%arg27 : memref<!tpu.dma_semaphore, #tpu.memory_space<semaphore_mem>>) src(%dma_wait3A_959 : memref<16x128xf32, #tpu.memory_space<vmem>>) dst(%dma_wait3A_955 : memref<16x128xf32, #tpu.memory_space<hbm>>)
    %dma_wait3A_960 = arith.constant 2 : i32
    %dma_wait3A_961 = arith.constant 2 : i32
    %dma_wait3A_962 = arith.constant 32 : i32
    %dma_wait3A_963 = arith.constant 0 : i32
    %dma_wait3A_964 = tpu.memref_slice %arg7[%dma_wait3A_960, %dma_wait3A_962, %dma_wait3A_963] : memref<4x64x128xf32, #tpu.memory_space<vmem>> -> memref<1x16x128xf32, #tpu.memory_space<vmem>>
    %dma_wait3A_965 = tpu.memref_squeeze %dma_wait3A_964 : memref<1x16x128xf32, #tpu.memory_space<vmem>> -> memref<16x128xf32, #tpu.memory_space<vmem>>
    %dma_wait3A_966 = arith.constant 0 : i32
    %dma_wait3A_967 = tpu.memref_slice %arg5[%dma_wait3A_961, %add3A_639, %dma_wait3A_966] : memref<4x2048x128xf32, #tpu.memory_space<hbm>> -> memref<1x16x128xf32, #tpu.memory_space<hbm>>
    %dma_wait3A_968 = tpu.memref_squeeze %dma_wait3A_967 : memref<1x16x128xf32, #tpu.memory_space<hbm>> -> memref<16x128xf32, #tpu.memory_space<hbm>>
    %dma_wait3A_969 = arith.constant 0 : i32
    %dma_wait3A_970 = tpu.memref_slice %arg5[%dma_wait3A_961, %add3A_639, %dma_wait3A_969] : memref<4x2048x128xf32, #tpu.memory_space<hbm>> -> memref<1x16x128xf32, #tpu.memory_space<hbm>>
    %dma_wait3A_971 = tpu.memref_squeeze %dma_wait3A_970 : memref<1x16x128xf32, #tpu.memory_space<hbm>> -> memref<16x128xf32, #tpu.memory_space<hbm>>
    %dma_wait3A_972 = arith.constant 32 : i32
    %dma_wait3A_973 = arith.constant 0 : i32
    %dma_wait3A_974 = tpu.memref_slice %arg7[%dma_wait3A_960, %dma_wait3A_972, %dma_wait3A_973] : memref<4x64x128xf32, #tpu.memory_space<vmem>> -> memref<1x16x128xf32, #tpu.memory_space<vmem>>
    %dma_wait3A_975 = tpu.memref_squeeze %dma_wait3A_974 : memref<1x16x128xf32, #tpu.memory_space<vmem>> -> memref<16x128xf32, #tpu.memory_space<vmem>>
    tpu.wait_dma2 semaphore(%arg27 : memref<!tpu.dma_semaphore, #tpu.memory_space<semaphore_mem>>) src(%dma_wait3A_975 : memref<16x128xf32, #tpu.memory_space<vmem>>) dst(%dma_wait3A_971 : memref<16x128xf32, #tpu.memory_space<hbm>>)
    %dma_wait3A_976 = arith.constant 3 : i32
    %dma_wait3A_977 = arith.constant 3 : i32
    %dma_wait3A_978 = arith.constant 32 : i32
    %dma_wait3A_979 = arith.constant 0 : i32
    %dma_wait3A_980 = tpu.memref_slice %arg7[%dma_wait3A_976, %dma_wait3A_978, %dma_wait3A_979] : memref<4x64x128xf32, #tpu.memory_space<vmem>> -> memref<1x16x128xf32, #tpu.memory_space<vmem>>
    %dma_wait3A_981 = tpu.memref_squeeze %dma_wait3A_980 : memref<1x16x128xf32, #tpu.memory_space<vmem>> -> memref<16x128xf32, #tpu.memory_space<vmem>>
    %dma_wait3A_982 = arith.constant 0 : i32
    %dma_wait3A_983 = tpu.memref_slice %arg5[%dma_wait3A_977, %add3A_657, %dma_wait3A_982] : memref<4x2048x128xf32, #tpu.memory_space<hbm>> -> memref<1x16x128xf32, #tpu.memory_space<hbm>>
    %dma_wait3A_984 = tpu.memref_squeeze %dma_wait3A_983 : memref<1x16x128xf32, #tpu.memory_space<hbm>> -> memref<16x128xf32, #tpu.memory_space<hbm>>
    %dma_wait3A_985 = arith.constant 0 : i32
    %dma_wait3A_986 = tpu.memref_slice %arg5[%dma_wait3A_977, %add3A_657, %dma_wait3A_985] : memref<4x2048x128xf32, #tpu.memory_space<hbm>> -> memref<1x16x128xf32, #tpu.memory_space<hbm>>
    %dma_wait3A_987 = tpu.memref_squeeze %dma_wait3A_986 : memref<1x16x128xf32, #tpu.memory_space<hbm>> -> memref<16x128xf32, #tpu.memory_space<hbm>>
    %dma_wait3A_988 = arith.constant 32 : i32
    %dma_wait3A_989 = arith.constant 0 : i32
    %dma_wait3A_990 = tpu.memref_slice %arg7[%dma_wait3A_976, %dma_wait3A_988, %dma_wait3A_989] : memref<4x64x128xf32, #tpu.memory_space<vmem>> -> memref<1x16x128xf32, #tpu.memory_space<vmem>>
    %dma_wait3A_991 = tpu.memref_squeeze %dma_wait3A_990 : memref<1x16x128xf32, #tpu.memory_space<vmem>> -> memref<16x128xf32, #tpu.memory_space<vmem>>
    tpu.wait_dma2 semaphore(%arg27 : memref<!tpu.dma_semaphore, #tpu.memory_space<semaphore_mem>>) src(%dma_wait3A_991 : memref<16x128xf32, #tpu.memory_space<vmem>>) dst(%dma_wait3A_987 : memref<16x128xf32, #tpu.memory_space<hbm>>)
    %dma_wait3A_992 = arith.constant 0 : i32
    %dma_wait3A_993 = arith.constant 0 : i32
    %dma_wait3A_994 = arith.constant 48 : i32
    %dma_wait3A_995 = arith.constant 0 : i32
    %dma_wait3A_996 = tpu.memref_slice %arg7[%dma_wait3A_992, %dma_wait3A_994, %dma_wait3A_995] : memref<4x64x128xf32, #tpu.memory_space<vmem>> -> memref<1x16x128xf32, #tpu.memory_space<vmem>>
    %dma_wait3A_997 = tpu.memref_squeeze %dma_wait3A_996 : memref<1x16x128xf32, #tpu.memory_space<vmem>> -> memref<16x128xf32, #tpu.memory_space<vmem>>
    %dma_wait3A_998 = arith.constant 0 : i32
    %dma_wait3A_999 = tpu.memref_slice %arg5[%dma_wait3A_993, %add3A_729, %dma_wait3A_998] : memref<4x2048x128xf32, #tpu.memory_space<hbm>> -> memref<1x16x128xf32, #tpu.memory_space<hbm>>
    %dma_wait3A_1000 = tpu.memref_squeeze %dma_wait3A_999 : memref<1x16x128xf32, #tpu.memory_space<hbm>> -> memref<16x128xf32, #tpu.memory_space<hbm>>
    %dma_wait3A_1001 = arith.constant 0 : i32
    %dma_wait3A_1002 = tpu.memref_slice %arg5[%dma_wait3A_993, %add3A_729, %dma_wait3A_1001] : memref<4x2048x128xf32, #tpu.memory_space<hbm>> -> memref<1x16x128xf32, #tpu.memory_space<hbm>>
    %dma_wait3A_1003 = tpu.memref_squeeze %dma_wait3A_1002 : memref<1x16x128xf32, #tpu.memory_space<hbm>> -> memref<16x128xf32, #tpu.memory_space<hbm>>
    %dma_wait3A_1004 = arith.constant 48 : i32
    %dma_wait3A_1005 = arith.constant 0 : i32
    %dma_wait3A_1006 = tpu.memref_slice %arg7[%dma_wait3A_992, %dma_wait3A_1004, %dma_wait3A_1005] : memref<4x64x128xf32, #tpu.memory_space<vmem>> -> memref<1x16x128xf32, #tpu.memory_space<vmem>>
    %dma_wait3A_1007 = tpu.memref_squeeze %dma_wait3A_1006 : memref<1x16x128xf32, #tpu.memory_space<vmem>> -> memref<16x128xf32, #tpu.memory_space<vmem>>
    tpu.wait_dma2 semaphore(%arg27 : memref<!tpu.dma_semaphore, #tpu.memory_space<semaphore_mem>>) src(%dma_wait3A_1007 : memref<16x128xf32, #tpu.memory_space<vmem>>) dst(%dma_wait3A_1003 : memref<16x128xf32, #tpu.memory_space<hbm>>)
    %dma_wait3A_1008 = arith.constant 1 : i32
    %dma_wait3A_1009 = arith.constant 1 : i32
    %dma_wait3A_1010 = arith.constant 48 : i32
    %dma_wait3A_1011 = arith.constant 0 : i32
    %dma_wait3A_1012 = tpu.memref_slice %arg7[%dma_wait3A_1008, %dma_wait3A_1010, %dma_wait3A_1011] : memref<4x64x128xf32, #tpu.memory_space<vmem>> -> memref<1x16x128xf32, #tpu.memory_space<vmem>>
    %dma_wait3A_1013 = tpu.memref_squeeze %dma_wait3A_1012 : memref<1x16x128xf32, #tpu.memory_space<vmem>> -> memref<16x128xf32, #tpu.memory_space<vmem>>
    %dma_wait3A_1014 = arith.constant 0 : i32
    %dma_wait3A_1015 = tpu.memref_slice %arg5[%dma_wait3A_1009, %add3A_747, %dma_wait3A_1014] : memref<4x2048x128xf32, #tpu.memory_space<hbm>> -> memref<1x16x128xf32, #tpu.memory_space<hbm>>
    %dma_wait3A_1016 = tpu.memref_squeeze %dma_wait3A_1015 : memref<1x16x128xf32, #tpu.memory_space<hbm>> -> memref<16x128xf32, #tpu.memory_space<hbm>>
    %dma_wait3A_1017 = arith.constant 0 : i32
    %dma_wait3A_1018 = tpu.memref_slice %arg5[%dma_wait3A_1009, %add3A_747, %dma_wait3A_1017] : memref<4x2048x128xf32, #tpu.memory_space<hbm>> -> memref<1x16x128xf32, #tpu.memory_space<hbm>>
    %dma_wait3A_1019 = tpu.memref_squeeze %dma_wait3A_1018 : memref<1x16x128xf32, #tpu.memory_space<hbm>> -> memref<16x128xf32, #tpu.memory_space<hbm>>
    %dma_wait3A_1020 = arith.constant 48 : i32
    %dma_wait3A_1021 = arith.constant 0 : i32
    %dma_wait3A_1022 = tpu.memref_slice %arg7[%dma_wait3A_1008, %dma_wait3A_1020, %dma_wait3A_1021] : memref<4x64x128xf32, #tpu.memory_space<vmem>> -> memref<1x16x128xf32, #tpu.memory_space<vmem>>
    %dma_wait3A_1023 = tpu.memref_squeeze %dma_wait3A_1022 : memref<1x16x128xf32, #tpu.memory_space<vmem>> -> memref<16x128xf32, #tpu.memory_space<vmem>>
    tpu.wait_dma2 semaphore(%arg27 : memref<!tpu.dma_semaphore, #tpu.memory_space<semaphore_mem>>) src(%dma_wait3A_1023 : memref<16x128xf32, #tpu.memory_space<vmem>>) dst(%dma_wait3A_1019 : memref<16x128xf32, #tpu.memory_space<hbm>>)
    %dma_wait3A_1024 = arith.constant 2 : i32
    %dma_wait3A_1025 = arith.constant 2 : i32
    %dma_wait3A_1026 = arith.constant 48 : i32
    %dma_wait3A_1027 = arith.constant 0 : i32
    %dma_wait3A_1028 = tpu.memref_slice %arg7[%dma_wait3A_1024, %dma_wait3A_1026, %dma_wait3A_1027] : memref<4x64x128xf32, #tpu.memory_space<vmem>> -> memref<1x16x128xf32, #tpu.memory_space<vmem>>
    %dma_wait3A_1029 = tpu.memref_squeeze %dma_wait3A_1028 : memref<1x16x128xf32, #tpu.memory_space<vmem>> -> memref<16x128xf32, #tpu.memory_space<vmem>>
    %dma_wait3A_1030 = arith.constant 0 : i32
    %dma_wait3A_1031 = tpu.memref_slice %arg5[%dma_wait3A_1025, %add3A_765, %dma_wait3A_1030] : memref<4x2048x128xf32, #tpu.memory_space<hbm>> -> memref<1x16x128xf32, #tpu.memory_space<hbm>>
    %dma_wait3A_1032 = tpu.memref_squeeze %dma_wait3A_1031 : memref<1x16x128xf32, #tpu.memory_space<hbm>> -> memref<16x128xf32, #tpu.memory_space<hbm>>
    %dma_wait3A_1033 = arith.constant 0 : i32
    %dma_wait3A_1034 = tpu.memref_slice %arg5[%dma_wait3A_1025, %add3A_765, %dma_wait3A_1033] : memref<4x2048x128xf32, #tpu.memory_space<hbm>> -> memref<1x16x128xf32, #tpu.memory_space<hbm>>
    %dma_wait3A_1035 = tpu.memref_squeeze %dma_wait3A_1034 : memref<1x16x128xf32, #tpu.memory_space<hbm>> -> memref<16x128xf32, #tpu.memory_space<hbm>>
    %dma_wait3A_1036 = arith.constant 48 : i32
    %dma_wait3A_1037 = arith.constant 0 : i32
    %dma_wait3A_1038 = tpu.memref_slice %arg7[%dma_wait3A_1024, %dma_wait3A_1036, %dma_wait3A_1037] : memref<4x64x128xf32, #tpu.memory_space<vmem>> -> memref<1x16x128xf32, #tpu.memory_space<vmem>>
    %dma_wait3A_1039 = tpu.memref_squeeze %dma_wait3A_1038 : memref<1x16x128xf32, #tpu.memory_space<vmem>> -> memref<16x128xf32, #tpu.memory_space<vmem>>
    tpu.wait_dma2 semaphore(%arg27 : memref<!tpu.dma_semaphore, #tpu.memory_space<semaphore_mem>>) src(%dma_wait3A_1039 : memref<16x128xf32, #tpu.memory_space<vmem>>) dst(%dma_wait3A_1035 : memref<16x128xf32, #tpu.memory_space<hbm>>)
    %dma_wait3A_1040 = arith.constant 3 : i32
    %dma_wait3A_1041 = arith.constant 3 : i32
    %dma_wait3A_1042 = arith.constant 48 : i32
    %dma_wait3A_1043 = arith.constant 0 : i32
    %dma_wait3A_1044 = tpu.memref_slice %arg7[%dma_wait3A_1040, %dma_wait3A_1042, %dma_wait3A_1043] : memref<4x64x128xf32, #tpu.memory_space<vmem>> -> memref<1x16x128xf32, #tpu.memory_space<vmem>>
    %dma_wait3A_1045 = tpu.memref_squeeze %dma_wait3A_1044 : memref<1x16x128xf32, #tpu.memory_space<vmem>> -> memref<16x128xf32, #tpu.memory_space<vmem>>
    %dma_wait3A_1046 = arith.constant 0 : i32
    %dma_wait3A_1047 = tpu.memref_slice %arg5[%dma_wait3A_1041, %add3A_783, %dma_wait3A_1046] : memref<4x2048x128xf32, #tpu.memory_space<hbm>> -> memref<1x16x128xf32, #tpu.memory_space<hbm>>
    %dma_wait3A_1048 = tpu.memref_squeeze %dma_wait3A_1047 : memref<1x16x128xf32, #tpu.memory_space<hbm>> -> memref<16x128xf32, #tpu.memory_space<hbm>>
    %dma_wait3A_1049 = arith.constant 0 : i32
    %dma_wait3A_1050 = tpu.memref_slice %arg5[%dma_wait3A_1041, %add3A_783, %dma_wait3A_1049] : memref<4x2048x128xf32, #tpu.memory_space<hbm>> -> memref<1x16x128xf32, #tpu.memory_space<hbm>>
    %dma_wait3A_1051 = tpu.memref_squeeze %dma_wait3A_1050 : memref<1x16x128xf32, #tpu.memory_space<hbm>> -> memref<16x128xf32, #tpu.memory_space<hbm>>
    %dma_wait3A_1052 = arith.constant 48 : i32
    %dma_wait3A_1053 = arith.constant 0 : i32
    %dma_wait3A_1054 = tpu.memref_slice %arg7[%dma_wait3A_1040, %dma_wait3A_1052, %dma_wait3A_1053] : memref<4x64x128xf32, #tpu.memory_space<vmem>> -> memref<1x16x128xf32, #tpu.memory_space<vmem>>
    %dma_wait3A_1055 = tpu.memref_squeeze %dma_wait3A_1054 : memref<1x16x128xf32, #tpu.memory_space<vmem>> -> memref<16x128xf32, #tpu.memory_space<vmem>>
    tpu.wait_dma2 semaphore(%arg27 : memref<!tpu.dma_semaphore, #tpu.memory_space<semaphore_mem>>) src(%dma_wait3A_1055 : memref<16x128xf32, #tpu.memory_space<vmem>>) dst(%dma_wait3A_1051 : memref<16x128xf32, #tpu.memory_space<hbm>>)
    "tpu.trace_stop"() : () -> ()
    return
  }
}

</mosaic_0001>

<sc_bundles>
// kernel: kernel.3.cloned.1.call-start
scs
__scs_entry_jumppad:
0x0: {  	(pc) =	sbr.rel $0x88, $3  }
0x1: {  	(tag) =	ssettag $0x0;
	lr =	simm.s32 $0x1  }
0x2: {  	[smem:$0x3F9E] =	sst lr;
	_ =	strace $0xD0000000  }
0x3: {  	_ = 	snop  }
0x4: {  	_ = 	snop  }
0x5: {  	_ = 	snop  }
0x6: {  	_ = 	snop  }
0x7: {  	_ = 	snop  }
__scs_overlays_trampoline_lowered:
0x8: {  	[smem:$0x3FAD] =	sst s0  }
0x9: {  	[smem:$0x3FAE] =	sst s1  }
0xa: {  	[smem:$0x3FAF] =	sst s2  }
0xb: {  	[smem:$0x3FB0] =	sst s3  }
0xc: {  	[smem:$0x3FB1] =	sst s4  }
0xd: {  	[smem:$0x3FB2] =	sst s5  }
0xe: {  	[smem:$0x3FB3] =	sst s6  }
0xf: {  	[smem:$0x3FB4] =	sst s7  }
0x10: {  	[smem:$0x3FB5] =	sst s8  }
0x11: {  	[smem:$0x3FB6] =	sst s9;
	s0 =	simm.s32 @!p0 $0x0  }
0x12: {  	s1 =	sld [smem:$0x3F9C];
	s0 =	simm.s32 @p0 $0x1  }
0x13: {  	[smem:$0x3FB7] =	sst s0;
	s0 =	simm.s32 @!p1 $0x0  }
0x14: {  	s2 =	sld [smem:$0x3F9B];
	s0 =	simm.s32 @p1 $0x1  }
0x15: {  	[smem:$0x3FB8] =	sst s0;
	s0 =	simm.s32 @!p2 $0x0  }
0x16: {  	s3 =	sld [smem:$0x3FDB];
	s0 =	simm.s32 @p2 $0x1  }
0x17: {  	s4 =	simm.s32 $0x1BF5;
	[smem:$0x3FBA] =	sst s0  }
0x18: {  	s0 =	sld [smem:$0x3F9D];
	_ =	swait.ge [sflag:s4], $0x0  }
0x19: {  	s7 =	sld [smem:$0x3F9E]  }
0x1a: {  	s8 =	sadd.s32 $0xFFFFE003, lr  }
0x1b: {  	s9 =	sadd.s32 $0xFFFFFEF7, lr;
	s5 =	simm.s32 $0xFFFFFFFF;
	p2 =	slt.u32 s8, $0xFFFFF086  }
0x1c: {  	p1 =	slt.u32 s9, $0xF7A;
	s5 =	simm.s32 @!p2 $0x0  }
0x1d: {  	s5 =	simm.s32 @p1 $0x1;
	p0 =	seq.s32 s7, s2  }
0x1e: {  	s7 =	smul.u32 @!p0 $0xF7A, s2;
	p2 =	seq.s32 @!p0 s5, $0x0  }
0x1f: {  	s9 =	smul.u32 $0xF7A, s1;
	s8 =	simm.s32 @!p0 $0x1BF5;
	p2 =	por !p2, p0  }
0x20: {  	[sflag:s8] =	ssyncset.s32 @!p0 $0xFFFFF086;
	s6 =	sadd.s32 @!p0 s3, s7;
	s7 =	simm.s32 @!p0 $0x108  }
0x21: {  	s3 =	sadd.s32 s3, s9;
	s6 =	sadd.s32 @!p0 $0x88, s6;
	s7 =	simm.s32 @p2 $0x1082  }
0x22: {  	[simem:s7], [sflag:s8] =	dma.local @!p0 [hbm:s6], $0xF7A  }
0x23: {  	s9 =	sor.u32 $0xD0000000, s2;
	s6 =	simm.s32 $0x108;
	_ =	swait.ge @!p0 [sflag:s8], $0x0  }
0x24: {  	s3 =	sadd.s32 $0x88, s3;
	s6 =	simm.s32 @!p1 $0x1082;
	[sflag:s4] =	ssyncset.s32 $0xFFFFF086  }
0x25: {  	[simem:s6], [sflag:s4] =	dma.local [hbm:s3], $0xF7A  }
0x26: {  	[smem:$0x3F9E] =	sst s1;
	(tag) =	ssettag s2;
	_ =	strace s9  }
0x27: {  	s1 =	sld [smem:$0x3FAE]  }
0x28: {  	s2 =	sld [smem:$0x3FAF]  }
0x29: {  	s4 =	sld [smem:$0x3FB1]  }
0x2a: {  	p0 =	seq.s32 s5, $0x0;
	s5 =	sld [smem:$0x3FB2]  }
0x2b: {  	s6 =	sld [smem:$0x3FB3]  }
0x2c: {  	s7 =	sld [smem:$0x3FB4]  }
0x2d: {  	s3 =	simm.s32 $0x108;
	s8 =	sld [smem:$0x3FB5]  }
0x2e: {  	s3 =	simm.s32 @!p0 $0x1082;
	s9 =	sld [smem:$0x3FB6]  }
0x2f: {  	lr =	sadd.s32 s0, s3;
	s0 =	sld [smem:$0x3FAD]  }
0x30: {  	s3 =	sld [smem:$0x3FB0]  }
0x31: {  	[smem:$0x3FB9] =	sst s10  }
0x32: {  	s10 =	sld [smem:$0x3FB7];
	_ =	sdelay $0x3  }
0x33: {  	p0 =	seq.s32 s10, $0x1;
	s10 =	sld [smem:$0x3FB9];
	_ =	sdelay $0x3  }
0x34: {  	[smem:$0x3FB9] =	sst s10  }
0x35: {  	s10 =	sld [smem:$0x3FB8];
	_ =	sdelay $0x3  }
0x36: {  	p1 =	seq.s32 s10, $0x1;
	s10 =	sld [smem:$0x3FB9];
	_ =	sdelay $0x3  }
0x37: {  	[smem:$0x3FB9] =	sst s10  }
0x38: {  	s10 =	sld [smem:$0x3FBA]  }
0x39: {  	_ = 	snop;
	(pc) =	sbr.ind lr, $3  }
0x3a: {  	_ = 	snop  }
0x3b: {  	_ = 	snop  }
0x3c: {  	p2 =	seq.s32 s10, $0x1;
	s10 =	sld [smem:$0x3FB9]  }
0x3d: {  	_ =	shalt  }
0x3e: {  	_ =	shalt  }
0x3f: {  	_ =	shalt  }
0x40: {  	_ =	shalt  }
0x41: {  	_ =	shalt  }
0x42: {  	_ =	shalt  }
0x43: {  	_ =	shalt  }
0x44: {  	_ =	shalt  }
0x45: {  	_ =	shalt  }
0x46: {  	_ =	shalt  }
0x47: {  	_ =	shalt  }
0x48: {  	_ =	shalt  }
0x49: {  	_ =	shalt  }
0x4a: {  	_ =	shalt  }
0x4b: {  	_ =	shalt  }
0x4c: {  	_ =	shalt  }
0x4d: {  	_ =	shalt  }
0x4e: {  	_ =	shalt  }
0x4f: {  	_ =	shalt  }
0x50: {  	_ =	shalt  }
0x51: {  	_ =	shalt  }
0x52: {  	_ =	shalt  }
0x53: {  	_ =	shalt  }
0x54: {  	_ =	shalt  }
0x55: {  	_ =	shalt  }
0x56: {  	_ =	shalt  }
0x57: {  	_ =	shalt  }
0x58: {  	_ =	shalt  }
0x59: {  	_ =	shalt  }
0x5a: {  	_ =	shalt  }
0x5b: {  	_ =	shalt  }
0x5c: {  	_ =	shalt  }
0x5d: {  	_ =	shalt  }
0x5e: {  	_ =	shalt  }
0x5f: {  	_ =	shalt  }
0x60: {  	_ =	shalt  }
0x61: {  	_ =	shalt  }
0x62: {  	_ =	shalt  }
0x63: {  	_ =	shalt  }
0x64: {  	_ =	shalt  }
0x65: {  	_ =	shalt  }
0x66: {  	_ =	shalt  }
0x67: {  	_ =	shalt  }
0x68: {  	_ =	shalt  }
0x69: {  	_ =	shalt  }
0x6a: {  	_ =	shalt  }
0x6b: {  	_ =	shalt  }
0x6c: {  	_ =	shalt  }
0x6d: {  	_ =	shalt  }
0x6e: {  	_ =	shalt  }
0x6f: {  	_ =	shalt  }
0x70: {  	_ =	shalt  }
0x71: {  	_ =	shalt  }
0x72: {  	_ =	shalt  }
0x73: {  	_ =	shalt  }
0x74: {  	_ =	shalt  }
0x75: {  	_ =	shalt  }
0x76: {  	_ =	shalt  }
0x77: {  	_ =	shalt  }
0x78: {  	_ =	shalt  }
0x79: {  	_ =	shalt  }
0x7a: {  	_ =	shalt  }
0x7b: {  	_ =	shalt  }
0x7c: {  	_ =	shalt  }
0x7d: {  	_ =	shalt  }
0x7e: {  	_ =	shalt  }
0x7f: {  	_ =	shalt  }
0x80: {  	_ =	shalt  }
0x81: {  	_ =	shalt  }
0x82: {  	_ =	shalt  }
0x83: {  	_ =	shalt  }
0x84: {  	_ =	shalt  }
0x85: {  	_ =	shalt  }
0x86: {  	_ =	shalt  }
0x87: {  	_ =	shalt  }
.Lfunc_end0:
.L_simem_size_0:
called_computation_lowered:
.L_overlay_start_0:
0x88: {  	s2 =	sld [smem:$0x3FD9]  }
0x89: {  	s3 =	sld [smem:$0x3FFE];
	_ =	sdelay $0x1  }
0x8a: {  	s1 =	srdreg.scid  }
0x8b: {  	s0 =	sand.u32 $0x1, s1  }
0x8c: {  	s18 =	sshll.u32 s0, $0xA;
	s2 =	sadd.s32 s3, s2  }
0x8d: {  	s2 =	sadd.s32 s2, s18  }
0x8e: {  	[smem:$0x3FC5] =	sst s2  }
0x8f: {  	_ = 	snop  }
0x90: {  	s2 =	sld [smem:$0x3FC9]  }
0x91: {  	s19 =	sld [smem:$0x3FC8]  }
0x92: {  	s4 =	sld [smem:$0x3FC7]  }
0x93: {  	s5 =	sld [smem:$0x3FD0];
	(tm) =	ssettm $0x1  }
0x94: {  	s6 =	sld [smem:$0x3FFB];
	_ =	sdelay $0x3  }
0x95: {  	_ =	strace s6  }
0x96: {  	s6 =	sld [smem:$0x3FFC];
	_ =	sdelay $0x3  }
0x97: {  	_ =	strace s6  }
0x98: {  	s6 =	sld [smem:$0x3FFD];
	_ =	sdelay $0x3  }
0x99: {  	_ =	strace s6  }
0x9a: {  	_ =	strace $0x8FFFFFFF  }
0x9b: {  	s20 =	sld [smem:$0x3FDB];
	_ =	sdelay $0x1  }
0x9c: {  	s7 =	simm.s32 $_scs_section_size  }
0x9d: {  	s8 =	simm.s32 $_size__tile_overlayer_lowered;
	s9 =	simm.s32 $_tile_overlayer_lowered  }
0x9e: {  	s23 =	simm.s32 $0x1BFF;
	s22 =	sshll.u32 s9, $0x1;
	s6 =	sadd.s32 s7, s20  }
0x9f: {  	s10 =	simm.s32 $0x0;
	s21 =	sshll.u32 s8, $0x1;
	s8 =	sadd.s32 s22, s6  }
0xa0: {  	[timem:s10], [sflag:s23] =	dma.local [hbm:s8], s21  }
0xa1: {  	_ =	swait.ge [sflag:s23], s21  }
0xa2: {  	s7 =	ssub.s32 $0x0, s21;
	[sflag:s23] =	ssyncset.done $0x0  }
0xa3: {  	[sflag:s23] =	ssyncadd.s32 s7;
	_ =	sdelay $0x1  }
0xa4: {  	s24 =	simm.s32 $0x1B8B  }
0xa5: {  	_ =	swait.ge [sflag:s24], $0x1  }
0xa6: {  	[sflag:s24] =	ssyncset.done $0x0  }
0xa7: {  	s25 =	simm.s32 $0x1B8E;
	[sflag:s24] =	ssyncadd.s32 $0xFFFFFFFF  }
0xa8: {  	s26 =	simm.s32 $execute0_lowered;
	[smem:$0x3FD2] =	sst s25  }
0xa9: {  	s7 =	sshll.u32 s26, $0x1;
	_ =	strace $0x80000046;
	[dreg:$0x1] =	wrdreg $0xFFFFFFFF  }
0xaa: {  	s28 =	simm.s32 $_size_execute0_lowered;
	s6 =	sadd.s32 s6, s7;
	[dreg:$0x0] =	wrdreg $0x0  }
0xab: {  	s7 =	sshll.u32 s28, $0x1;
	[dreg:$0x2] =	wrdreg s6  }
0xac: {  	[dreg:$0x3] =	wrdreg s7  }
0xad: {  	[dreg:$0x4] =	wrdreg $0xC0  }
0xae: {  	_ =	task [dreg:s10], $0x5FFFF  }
0xaf: {  	[dreg:$0x1] =	wrdreg $0xFFFFFFFF  }
0xb0: {  	[dreg:$0x0] =	wrdreg $0x60  }
0xb1: {  	[dreg:$0x2] =	wrdreg s19  }
0xb2: {  	[dreg:$0x3] =	wrdreg s2  }
0xb3: {  	[dreg:$0x4] =	wrdreg s4  }
0xb4: {  	[dreg:$0x5] =	wrdreg s5  }
0xb5: {  	[dreg:$0x6] =	wrdreg $0x9  }
0xb6: {  	_ =	task.clear_ibuf [dreg:s10], $0x7FFFF;
	_ =	strace $0x90000046  }
0xb7: {  	s29 =	simm.s32 $0x9;
	_ =	strace $0x80000059  }
0xb8: {  	_ =	swait.ge [sflag:s29], $0x1  }
0xb9: {  	[sflag:s29] =	ssyncadd.s32 $0xFFFFFFFF  }
0xba: {  	_ =	strace $0x90000059  }
0xbb: {  	_ =	sfence  }
0xbc: {  	s30 =	sld [smem:$0x0];
	_ =	sdelay $0x2  }
0xbd: {  	s31 =	sshll.u32 s1, $0xD;
	s1 =	sshrl.u32 s1, $0x2  }
0xbe: {  	s3 =	sand.u32 $0x4000, s31;
	s1 =	sadd.s32 s1, s30  }
0xbf: {  	s0 =	sor.u32 s3, s0;
	s1 =	sshll.u32 s1, $0x11  }
0xc0: {  	s0 =	sor.u32 s1, s0  }
0xc1: {  	s0 =	sadd.s32 $0x8F2B, s0  }
0xc2: {  	[sflag:s0] =	ssyncadd.remote.s32 $0x1  }
0xc3: {  	_ =	sfence.sel $0xFFFF  }
0xc4: {  	[dreg:$0x0] =	wrdreg $0xFFFFFFFF;
	(pc) =	sbr.abs _section_cstart, $3  }
0xc5: {  	[dreg:$0x1] =	wrdreg $0xFFFFFFFF  }
0xc6: {  	_ =	task.clear_ibuf [dreg:s10], $0x2FFFF;
	_ =	strace $0x9FFFFFFF  }
0xc7: {  	(tm) =	ssettm $0x7FFFFFFF  }
tec
execute0_lowered:
.L_overlay_start_1:
0x0: {  	(tag) =	ssettag $0x1  }
0x1: {  	s1 =	rddreg [dreg:$0x0]  }
0x2: {  	s0 =	srdreg.scid;
	s2 =	rddreg [dreg:$0x1]  }
0x3: {  	s3 =	stileid.u32;
	s5 =	rddreg [dreg:$0x2];
	s0 =	sand.u32 $0x1, s0  }
0x4: {  	s7 =	rddreg [dreg:$0x3];
	s3 =	sshll.u32 s3, $0x7;
	s6 =	sshll.u32 s0, $0x6  }
0x5: {  	s0 =	ssub.s32 $0x2, s0;
	s4 =	sor.u32 s6, s3;
	s3 =	simm.s32 $0x0  }
0x6: {  	s10 =	sshrl.u32 s0, $0x1;
	[smem:$0x7FF] =	sst s3;
	s25 =	sshll.u32 s4, $0x4  }
0x7: {  	s0 =	ssub.s32 s0, s10;
	_ =	strace $0x80000047;
	s5 =	sadd.s32 s5, s25  }
0x8: {  	s7 =	sadd.s32 s7, s25;
	s0 =	smax.u32 s0, $0x1;
	[dreg:$0x5] =	wrdreg s5  }
0x9: {  	s12 =	sadd.s32 $0x8000, s7;
	[dreg:$0x18] =	wrdreg s0  }
0xa: {  	s13 =	sadd.s32 $0x10000, s7;
	[dreg:$0x9] =	wrdreg s12  }
0xb: {  	s14 =	sadd.s32 $0x18000, s7;
	[dreg:$0xa] =	wrdreg s13  }
0xc: {  	s15 =	sadd.s32 $0x100, s7;
	[dreg:$0xb] =	wrdreg s14  }
0xd: {  	s31 =	simm.s32 $0x2;
	s16 =	sadd.s32 $0x8100, s7;
	[dreg:$0xc] =	wrdreg s15  }
0xe: {  	s28 =	simm.s32 $0x7A00;
	s17 =	sadd.s32 $0x10100, s7;
	[dreg:$0xd] =	wrdreg s16  }
0xf: {  	s29 =	simm.s32 $0xD;
	s18 =	sadd.s32 $0x18100, s7;
	[dreg:$0xe] =	wrdreg s17  }
0x10: {  	s30 =	simm.s32 $0x13;
	s19 =	sadd.s32 $0x200, s7;
	[dreg:$0xf] =	wrdreg s18  }
0x11: {  	s8 =	sshll.u32 s4, $0x2;
	s20 =	sadd.s32 $0x8200, s7;
	[dreg:$0x10] =	wrdreg s19  }
0x12: {  	s9 =	sand.u32 $0x1E00, s8;
	s21 =	sadd.s32 $0x10200, s7;
	[dreg:$0x11] =	wrdreg s20  }
0x13: {  	s9 =	sor.u32 s6, s9;
	s22 =	sadd.s32 $0x18200, s7;
	[dreg:$0x12] =	wrdreg s21  }
0x14: {  	s6 =	sor.u32 s6, s8;
	s23 =	sadd.s32 $0x300, s7;
	[dreg:$0x13] =	wrdreg s22  }
0x15: {  	s24 =	sadd.s32 $0x8300, s7;
	s25 =	sadd.s32 $0x10300, s7;
	[dreg:$0x14] =	wrdreg s23  }
0x16: {  	s0 =	simm.s32 $0x1;
	s8 =	simm.s32 $0xC;
	[dreg:$0x15] =	wrdreg s24  }
0x17: {  	s9 =	sshrl.u32 s9, $0x3;
	s11 =	sshrl.u32 s6, $0x3;
	[dreg:$0x16] =	wrdreg s25  }
0x18: {  	s13 =	simm.s32 $0x3;
	s14 =	simm.s32 $0xB;
	s17 =	simm.s32 $0x4  }
0x19: {  	s18 =	simm.s32 $0x8;
	s19 =	simm.s32 $0x5;
	s20 =	simm.s32 $0x9  }
0x1a: {  	s21 =	simm.s32 $0x11;
	s22 =	simm.s32 $0x6;
	s26 =	sadd.s32 s2, s9  }
0x1b: {  	s6 =	sor.u32 $0x20, s11;
	[dreg:$0x19] =	wrdreg s26;
	s9 =	sadd.s32 $0x10, s26  }
0x1c: {  	s5 =	sor.u32 $0x30, s11;
	s6 =	sadd.s32 s2, s6;
	[dreg:$0x6] =	wrdreg s9  }
0x1d: {  	s23 =	simm.s32 $0xE;
	s2 =	sadd.s32 s2, s5;
	[dreg:$0x7] =	wrdreg s6  }
0x1e: {  	s24 =	simm.s32 $0x12;
	s26 =	sadd.s32 $0x18300, s7;
	[dreg:$0x8] =	wrdreg s2  }
0x1f: {  	s25 =	simm.s32 $0x0;
	s5 =	simm.s32 $0xF;
	[dreg:$0x17] =	wrdreg s26  }
0x20: {  	s2 =	simm.s32 $0x10;
	s26 =	simm.s32 $0x7;
	s9 =	simm.s32 $0xA  }
.LBB2_1:
0x21: {  	_ =	strace $0x80000048  }
0x22: {  	s11 =	simm.s32 $0x8200;
	s10 =	rddreg [dreg:$0x5]  }
0x23: {  	[tilespmem:s11], [sflag:$0x1] =	stream.linear.gather [hbm4b:s10+s3], $0x2000, $0x200038;
	[tilespmem:$0xA200] =	vst v63  }
0x24: {  	s4 =	rddreg [dreg:$0x19]  }
0x25: {  	[tilespmem:s3], [sflag:$0x2] =	stream.linear.gather [hbm4b:s4+s3], $0x40, $0x200038;
	[tilespmem:$0xA200] =	vst v63  }
0x26: {  	s15 =	rddreg [dreg:$0x6];
	s11 =	simm.s32 $0x80  }
0x27: {  	[tilespmem:s11], [sflag:$0x2] =	stream.linear.gather [hbm4b:s15+s3], $0x40, $0x200038;
	[tilespmem:$0xA200] =	vst v63  }
0x28: {  	s12 =	simm.s32 $0x100;
	s4 =	rddreg [dreg:$0x7]  }
0x29: {  	[tilespmem:s12], [sflag:$0x2] =	stream.linear.gather [hbm4b:s4+s3], $0x40, $0x200038;
	[tilespmem:$0xA200] =	vst v63  }
0x2a: {  	s10 =	rddreg [dreg:$0x8];
	s15 =	simm.s32 $0x180  }
0x2b: {  	[tilespmem:s15], [sflag:$0x2] =	stream.linear.gather [hbm4b:s10+s3], $0x40, $0x200038;
	[tilespmem:$0xA200] =	vst v63  }
0x2c: {  	_ =	swait.ge [sflag:s31], $0x40  }
0x2d: {  	[sflag:s31] =	ssyncset.done $0x0  }
0x2e: {  	[sflag:s31] =	ssyncadd.s32 $0xFFFFFFC0  }
0x2f: {  	_ =	swait.ge [sflag:s31], $0x40  }
0x30: {  	[sflag:s31] =	ssyncset.done $0x0  }
0x31: {  	[sflag:s31] =	ssyncadd.s32 $0xFFFFFFC0  }
0x32: {  	_ =	swait.ge [sflag:s31], $0x40  }
0x33: {  	[sflag:s31] =	ssyncset.done $0x0  }
0x34: {  	[sflag:s31] =	ssyncadd.s32 $0xFFFFFFC0  }
0x35: {  	_ =	swait.ge [sflag:s31], $0x40  }
0x36: {  	[sflag:s31] =	ssyncset.done $0x0  }
0x37: {  	[sflag:s31] =	ssyncadd.s32 $0xFFFFFFC0  }
0x38: {  	_ =	strace $0x90000048  }
0x39: {  	s10 =	simm.s32 $0x200;
	_ =	strace $0x80000049  }
0x3a: {  	[tilespmem:s10], [sflag:$0x3] =	stream.indirect.gather [hbm4b:s1+s2], $0x80, s3, s2, $0x2000b8;
	[tilespmem:$0xA200] =	vst v63  }
0x3b: {  	s10 =	simm.s32 $0x2200  }
0x3c: {  	[tilespmem:s10], [sflag:$0x7] =	stream.indirect.gather [hbm4b:s1+s2], $0x80, s11, s2, $0x2000b8;
	[tilespmem:$0xA200] =	vst v63  }
0x3d: {  	s11 =	simm.s32 $0x4200  }
0x3e: {  	[tilespmem:s11], [sflag:$0xB] =	stream.indirect.gather [hbm4b:s1+s2], $0x80, s12, s2, $0x2000b8;
	[tilespmem:$0xA200] =	vst v63  }
0x3f: {  	s4 =	simm.s32 $0x6200  }
0x40: {  	[tilespmem:s4], [sflag:$0xF] =	stream.indirect.gather [hbm4b:s1+s2], $0x80, s15, s2, $0x2000b8;
	[tilespmem:$0xA200] =	vst v63  }
0x41: {  	s4 =	simm.s32 $0xA00  }
0x42: {  	[tilespmem:s4], [sflag:$0x4] =	stream.indirect.gather [hbm4b:s1+s2], $0x80, s2, s2, $0x2000b8;
	[tilespmem:$0xA200] =	vst v63  }
0x43: {  	s11 =	simm.s32 $0x90;
	s12 =	simm.s32 $0x2A00  }
0x44: {  	[tilespmem:s12], [sflag:$0x8] =	stream.indirect.gather [hbm4b:s1+s2], $0x80, s11, s2, $0x2000b8;
	[tilespmem:$0xA200] =	vst v63  }
0x45: {  	s11 =	simm.s32 $0x110;
	s12 =	simm.s32 $0x4A00  }
0x46: {  	[tilespmem:s12], [sflag:$0xC] =	stream.indirect.gather [hbm4b:s1+s2], $0x80, s11, s2, $0x2000b8;
	[tilespmem:$0xA200] =	vst v63  }
0x47: {  	s11 =	simm.s32 $0x190;
	s12 =	simm.s32 $0x6A00  }
0x48: {  	[tilespmem:s12], [sflag:$0x10] =	stream.indirect.gather [hbm4b:s1+s2], $0x80, s11, s2, $0x2000b8;
	[tilespmem:$0xA200] =	vst v63  }
0x49: {  	s11 =	simm.s32 $0x20;
	s12 =	simm.s32 $0x1200  }
0x4a: {  	[tilespmem:s12], [sflag:$0x5] =	stream.indirect.gather [hbm4b:s1+s2], $0x80, s11, s2, $0x2000b8;
	[tilespmem:$0xA200] =	vst v63  }
0x4b: {  	s11 =	simm.s32 $0xA0;
	s12 =	simm.s32 $0x3200  }
0x4c: {  	[tilespmem:s12], [sflag:$0x9] =	stream.indirect.gather [hbm4b:s1+s2], $0x80, s11, s2, $0x2000b8;
	[tilespmem:$0xA200] =	vst v63  }
0x4d: {  	s11 =	simm.s32 $0x120;
	s12 =	simm.s32 $0x5200  }
0x4e: {  	[tilespmem:s12], [sflag:$0xD] =	stream.indirect.gather [hbm4b:s1+s2], $0x80, s11, s2, $0x2000b8;
	[tilespmem:$0xA200] =	vst v63  }
0x4f: {  	s11 =	simm.s32 $0x1A0;
	s12 =	simm.s32 $0x7200  }
0x50: {  	[tilespmem:s12], [sflag:$0x11] =	stream.indirect.gather [hbm4b:s1+s2], $0x80, s11, s2, $0x2000b8;
	[tilespmem:$0xA200] =	vst v63  }
0x51: {  	_ =	strace $0x90000049  }
0x52: {  	_ =	strace $0x8000004A  }
0x53: {  	_ =	swait.ge [sflag:s0], $0x2000  }
0x54: {  	[sflag:s0] =	ssyncset.done $0x0  }
0x55: {  	[sflag:s0] =	ssyncadd.s32 $0xFFFFE000  }
0x56: {  	_ =	strace $0x9000004A  }
0x57: {  	_ =	strace $0x8000004B  }
0x58: {  	_ =	swait.ge [sflag:s13], $0x800  }
0x59: {  	[sflag:s13] =	ssyncset.done $0x0  }
0x5a: {  	[sflag:s13] =	ssyncadd.s32 $0xFFFFF800  }
0x5b: {  	_ =	swait.ge [sflag:s26], $0x800  }
0x5c: {  	[sflag:s26] =	ssyncset.done $0x0  }
0x5d: {  	[sflag:s26] =	ssyncadd.s32 $0xFFFFF800  }
0x5e: {  	_ =	swait.ge [sflag:s14], $0x800  }
0x5f: {  	[sflag:s14] =	ssyncset.done $0x0  }
0x60: {  	[sflag:s14] =	ssyncadd.s32 $0xFFFFF800  }
0x61: {  	_ =	swait.ge [sflag:s5], $0x800  }
0x62: {  	[sflag:s5] =	ssyncset.done $0x0  }
0x63: {  	[sflag:s5] =	ssyncadd.s32 $0xFFFFF800  }
0x64: {  	_ =	strace $0x9000004B  }
0x65: {  	s6 =	simm.s32 $0x1A00;
	s12 =	simm.s32 $0x30;
	_ =	strace $0x8000004C  }
0x66: {  	[tilespmem:s6], [sflag:$0x6] =	stream.indirect.gather [hbm4b:s1+s2], $0x80, s12, s2, $0x2000b8;
	[tilespmem:$0xA200] =	vst v63  }
0x67: {  	s16 =	simm.s32 $0x3A00;
	s10 =	simm.s32 $0xB0  }
0x68: {  	[tilespmem:s16], [sflag:$0xA] =	stream.indirect.gather [hbm4b:s1+s2], $0x80, s10, s2, $0x2000b8;
	[tilespmem:$0xA200] =	vst v63  }
0x69: {  	s11 =	simm.s32 $0x130;
	s16 =	simm.s32 $0x5A00  }
0x6a: {  	[tilespmem:s16], [sflag:$0xE] =	stream.indirect.gather [hbm4b:s1+s2], $0x80, s11, s2, $0x2000b8;
	[tilespmem:$0xA200] =	vst v63  }
0x6b: {  	s12 =	simm.s32 $0x1B0  }
0x6c: {  	[tilespmem:s28], [sflag:$0x12] =	stream.indirect.gather [hbm4b:s1+s2], $0x80, s12, s2, $0x2000b8;
	[tilespmem:$0xA200] =	vst v63  }
0x6d: {  	_ =	strace $0x9000004C  }
0x6e: {  	s10 =	simm.s32 $0x0;
	_ =	strace $0x8000004D  }
0x6f: {  	v2 =	vld [tilespmem:s10+$0x8200]  }
0x70: {  	v3 =	vld [tilespmem:s10+$0x8210]  }
0x71: {  	v4 =	vld [tilespmem:s10+$0x8220]  }
0x72: {  	v5 =	vld [tilespmem:s10+$0x8230]  }
0x73: {  	v6 =	vld [tilespmem:s10+$0x8240]  }
0x74: {  	v7 =	vld [tilespmem:s10+$0x8250]  }
0x75: {  	v1 =	vld [tilespmem:s10+$0x8260]  }
0x76: {  	v8 =	vld [tilespmem:s10+$0x200]  }
0x77: {  	v9 =	vld [tilespmem:s10+$0x2200]  }
0x78: {  	v10 =	vld [tilespmem:s10+$0x4200]  }
0x79: {  	v11 =	vld [tilespmem:s10+$0x6200]  }
0x7a: {  	v12 =	vld [tilespmem:s10+$0x210]  }
0x7b: {  	v13 =	vld [tilespmem:s10+$0x2210]  }
0x7c: {  	v14 =	vld [tilespmem:s10+$0x4210];
	v8 =	vadd.f32 v8, v2  }
0x7d: {  	v62 =	vld [tilespmem:s10+$0x230];
	v9 =	vadd.f32 v9, v2  }
0x7e: {  	v10 =	vadd.f32 v10, v2;
	v2 =	vadd.f32 v11, v2;
	[tilespmem:s10+$0x200] =	vst v8;
	v8 =	vld [tilespmem:s10+$0x6210]  }
0x7f: {  	[tilespmem:s10+$0x2200] =	vst v9;
	v9 =	vld [tilespmem:s10+$0x220]  }
0x80: {  	v11 =	vadd.f32 v12, v3;
	[tilespmem:s10+$0x6200] =	vst v2;
	v2 =	vld [tilespmem:s10+$0x4220]  }
0x81: {  	v60 =	vadd.f32 v13, v3;
	[tilespmem:s10+$0x4200] =	vst v10;
	v10 =	vld [tilespmem:s10+$0x2220]  }
0x82: {  	v61 =	vadd.f32 v14, v3;
	[tilespmem:s10+$0x210] =	vst v11;
	v11 =	vld [tilespmem:s10+$0x6220]  }
0x83: {  	v0 =	vld [tilespmem:s10+$0x8270];
	[tilespmem:s10+$0x2210] =	vst v60;
	v3 =	vadd.f32 v8, v3  }
0x84: {  	[tilespmem:s10+$0x4210] =	vst v61;
	v8 =	vld [tilespmem:s10+$0x2230];
	v9 =	vadd.f32 v9, v4  }
0x85: {  	v2 =	vadd.f32 v2, v4;
	[tilespmem:s10+$0x6210] =	vst v3;
	v3 =	vld [tilespmem:s10+$0x4230]  }
0x86: {  	v10 =	vadd.f32 v10, v4;
	[tilespmem:s10+$0x220] =	vst v9;
	v9 =	vld [tilespmem:s10+$0x6230]  }
0x87: {  	v4 =	vadd.f32 v11, v4;
	v11 =	vadd.f32 v62, v5;
	[tilespmem:s10+$0x4220] =	vst v2;
	v2 =	vld [tilespmem:s10+$0x2240]  }
0x88: {  	[tilespmem:s10+$0x2220] =	vst v10;
	v10 =	vld [tilespmem:s10+$0x240]  }
0x89: {  	[tilespmem:s10+$0x230] =	vst v11;
	v11 =	vld [tilespmem:s10+$0x6240];
	v8 =	vadd.f32 v8, v5  }
0x8a: {  	[tilespmem:s10+$0x6220] =	vst v4;
	v4 =	vld [tilespmem:s10+$0x4240];
	v3 =	vadd.f32 v3, v5  }
0x8b: {  	[tilespmem:s10+$0x2230] =	vst v8;
	v8 =	vld [tilespmem:s10+$0x250];
	v5 =	vadd.f32 v9, v5  }
0x8c: {  	v9 =	vld [tilespmem:s10+$0x2250];
	v2 =	vadd.f32 v2, v6;
	[tilespmem:s10+$0x4230] =	vst v3  }
0x8d: {  	v3 =	vadd.f32 v10, v6;
	[tilespmem:s10+$0x6230] =	vst v5;
	v5 =	vld [tilespmem:s10+$0x4250]  }
0x8e: {  	v10 =	vld [tilespmem:s10+$0x6250];
	[tilespmem:s10+$0x2240] =	vst v2;
	v2 =	vadd.f32 v11, v6  }
0x8f: {  	v63 =	vld [tilespmem:s10+$0x260];
	[tilespmem:s10+$0x240] =	vst v3;
	v3 =	vadd.f32 v4, v6  }
0x90: {  	v6 =	vld [tilespmem:s10+$0x2260];
	[tilespmem:s10+$0x6240] =	vst v2;
	v4 =	vadd.f32 v8, v7  }
0x91: {  	v8 =	vadd.f32 v9, v7;
	[tilespmem:s10+$0x4240] =	vst v3;
	v3 =	vld [tilespmem:s10+$0x4260]  }
0x92: {  	v2 =	vld [tilespmem:s10+$0x6260];
	[tilespmem:s10+$0x250] =	vst v4;
	v5 =	vadd.f32 v5, v7  }
0x93: {  	[tilespmem:s10+$0x2250] =	vst v8;
	v4 =	vld [tilespmem:s10+$0x270];
	v7 =	vadd.f32 v10, v7  }
0x94: {  	v8 =	vadd.f32 v63, v1;
	[tilespmem:s10+$0x4250] =	vst v5;
	v5 =	vld [tilespmem:s10+$0x2270]  }
0x95: {  	s15 =	simm.s32 $0x6200;
	s6 =	simm.s32 $0x3A00;
	s11 =	simm.s32 $0x200;
	[tilespmem:s10+$0x6250] =	vst v7;
	v7 =	vadd.f32 v6, v1;
	v6 =	vld [tilespmem:s10+$0x4270]  }
.LBB2_2:
0x96: {  	s12 =	sshra.s32 s11, $0x2;
	p0 =	sne.s32 s11, $0x1E00;
	[tilespmem:s10+$0x260] =	vst v8;
	v3 =	vadd.f32 v3, v1;
	v8 =	vld [tilespmem:s10+$0x6270]  }
0x97: {  	v9 =	vld [tilespmem:s12+$0x8200];
	[tilespmem:s10+$0x2260] =	vst v7;
	v1 =	vadd.f32 v2, v1  }
0x98: {  	v2 =	vld [tilespmem:s12+$0x8210];
	[tilespmem:s10+$0x4260] =	vst v3;
	v3 =	vadd.f32 v4, v0  }
0x99: {  	v4 =	vld [tilespmem:s12+$0x8220];
	[tilespmem:s10+$0x6260] =	vst v1;
	v1 =	vadd.f32 v5, v0  }
0x9a: {  	v5 =	vld [tilespmem:s12+$0x8230];
	[tilespmem:s10+$0x270] =	vst v3;
	v3 =	vadd.f32 v6, v0  }
0x9b: {  	v6 =	vld [tilespmem:s12+$0x8240];
	[tilespmem:s10+$0x2270] =	vst v1;
	v0 =	vadd.f32 v8, v0  }
0x9c: {  	v7 =	vld [tilespmem:s12+$0x8250];
	[tilespmem:s10+$0x4270] =	vst v3  }
0x9d: {  	v1 =	vld [tilespmem:s12+$0x8260];
	[tilespmem:s10+$0x6270] =	vst v0;
	s10 =	smov.u32 s12  }
0x9e: {  	v0 =	vld [tilespmem:s10+$0x8270]  }
0x9f: {  	v3 =	vld [tilespmem:s10+$0x200]  }
0xa0: {  	v8 =	vld [tilespmem:s10+$0x2200]  }
0xa1: {  	v10 =	vld [tilespmem:s10+$0x4200]  }
0xa2: {  	v11 =	vld [tilespmem:s10+$0x6200]  }
0xa3: {  	v12 =	vld [tilespmem:s10+$0x210]  }
0xa4: {  	v3 =	vadd.f32 v3, v9;
	v13 =	vld [tilespmem:s10+$0x2210]  }
0xa5: {  	v8 =	vadd.f32 v8, v9;
	v14 =	vld [tilespmem:s10+$0x4210]  }
0xa6: {  	[tilespmem:s10+$0x200] =	vst v3;
	v3 =	vadd.f32 v10, v9;
	v10 =	vld [tilespmem:s10+$0x6210]  }
0xa7: {  	[tilespmem:s10+$0x2200] =	vst v8;
	v8 =	vadd.f32 v11, v9;
	v9 =	vld [tilespmem:s10+$0x220]  }
0xa8: {  	[tilespmem:s10+$0x4200] =	vst v3;
	v3 =	vadd.f32 v12, v2;
	v11 =	vld [tilespmem:s10+$0x2220]  }
0xa9: {  	[tilespmem:s10+$0x6200] =	vst v8;
	v8 =	vadd.f32 v13, v2;
	v12 =	vld [tilespmem:s10+$0x4220]  }
0xaa: {  	[tilespmem:s10+$0x210] =	vst v3;
	v3 =	vadd.f32 v14, v2;
	v13 =	vld [tilespmem:s10+$0x6220]  }
0xab: {  	[tilespmem:s10+$0x2210] =	vst v8;
	v2 =	vadd.f32 v10, v2;
	v8 =	vld [tilespmem:s10+$0x230]  }
0xac: {  	[tilespmem:s10+$0x4210] =	vst v3;
	v3 =	vadd.f32 v9, v4;
	v9 =	vld [tilespmem:s10+$0x2230]  }
0xad: {  	[tilespmem:s10+$0x6210] =	vst v2;
	v2 =	vadd.f32 v11, v4;
	v10 =	vld [tilespmem:s10+$0x4230]  }
0xae: {  	[tilespmem:s10+$0x220] =	vst v3;
	v3 =	vadd.f32 v12, v4;
	v11 =	vld [tilespmem:s10+$0x6230]  }
0xaf: {  	[tilespmem:s10+$0x2220] =	vst v2;
	v2 =	vadd.f32 v13, v4;
	v4 =	vld [tilespmem:s10+$0x240]  }
0xb0: {  	[tilespmem:s10+$0x4220] =	vst v3;
	v3 =	vadd.f32 v8, v5;
	v8 =	vld [tilespmem:s10+$0x2240]  }
0xb1: {  	[tilespmem:s10+$0x6220] =	vst v2;
	v2 =	vadd.f32 v9, v5;
	v9 =	vld [tilespmem:s10+$0x4240]  }
0xb2: {  	[tilespmem:s10+$0x230] =	vst v3;
	v3 =	vadd.f32 v10, v5;
	v10 =	vld [tilespmem:s10+$0x6240]  }
0xb3: {  	[tilespmem:s10+$0x2230] =	vst v2;
	v2 =	vadd.f32 v11, v5;
	v5 =	vld [tilespmem:s10+$0x250]  }
0xb4: {  	[tilespmem:s10+$0x4230] =	vst v3;
	v3 =	vadd.f32 v4, v6;
	v4 =	vld [tilespmem:s10+$0x2250]  }
0xb5: {  	[tilespmem:s10+$0x6230] =	vst v2;
	v2 =	vadd.f32 v8, v6;
	v8 =	vld [tilespmem:s10+$0x4250]  }
0xb6: {  	[tilespmem:s10+$0x240] =	vst v3;
	v3 =	vadd.f32 v9, v6;
	v9 =	vld [tilespmem:s10+$0x6250]  }
0xb7: {  	[tilespmem:s10+$0x2240] =	vst v2;
	v2 =	vadd.f32 v10, v6;
	v6 =	vld [tilespmem:s10+$0x260]  }
0xb8: {  	[tilespmem:s10+$0x4240] =	vst v3;
	v5 =	vadd.f32 v5, v7;
	v10 =	vld [tilespmem:s10+$0x2260]  }
.Ltmp0:
0xb9: {  	[tilespmem:s10+$0x6240] =	vst v2;
	v4 =	vadd.f32 v4, v7;
	v3 =	vld [tilespmem:s10+$0x4260];
	(pc) =	sbr.rel @p0 .LBB2_2-.Ltmp0, $4  }
0xba: {  	[tilespmem:s10+$0x250] =	vst v5;
	v5 =	vadd.f32 v8, v7;
	v2 =	vld [tilespmem:s10+$0x6260]  }
0xbb: {  	[tilespmem:s10+$0x2250] =	vst v4;
	v7 =	vadd.f32 v9, v7;
	v4 =	vld [tilespmem:s10+$0x270]  }
0xbc: {  	[tilespmem:s10+$0x4250] =	vst v5;
	v8 =	vadd.f32 v6, v1;
	v5 =	vld [tilespmem:s10+$0x2270]  }
0xbd: {  	s11 =	sadd.s32 $0x200, s11;
	[tilespmem:s10+$0x6250] =	vst v7;
	v7 =	vadd.f32 v10, v1;
	v6 =	vld [tilespmem:s10+$0x4270]  }
0xbe: {  	[tilespmem:s10+$0x260] =	vst v8;
	v3 =	vadd.f32 v3, v1;
	v8 =	vld [tilespmem:s10+$0x6270]  }
0xbf: {  	[tilespmem:s10+$0x2260] =	vst v7;
	v1 =	vadd.f32 v2, v1  }
0xc0: {  	[tilespmem:s10+$0x4260] =	vst v3;
	v2 =	vadd.f32 v4, v0  }
0xc1: {  	[tilespmem:s10+$0x6260] =	vst v1;
	v1 =	vadd.f32 v5, v0  }
0xc2: {  	[tilespmem:s10+$0x270] =	vst v2;
	v2 =	vadd.f32 v6, v0  }
0xc3: {  	[tilespmem:s10+$0x2270] =	vst v1;
	v0 =	vadd.f32 v8, v0  }
0xc4: {  	[tilespmem:s10+$0x4270] =	vst v2  }
0xc5: {  	[tilespmem:s10+$0x6270] =	vst v0  }
0xc6: {  	_ =	strace $0x9000004D  }
0xc7: {  	s11 =	simm.s32 $0x200;
	s10 =	simm.s32 $0x0;
	_ =	strace $0x8000004E  }
0xc8: {  	[hbm4b:s7+s10] =	stream.linear.scatter [tilespmem:s11], [sflag:$0x13], $0x800, $0x200038;
	[tilespmem:$0xA200] =	vst v63  }
0xc9: {  	s12 =	simm.s32 $0x2200;
	s11 =	rddreg [dreg:$0x9]  }
0xca: {  	[hbm4b:s11+s10] =	stream.linear.scatter [tilespmem:s12], [sflag:$0x13], $0x800, $0x200038;
	[tilespmem:$0xA200] =	vst v63  }
0xcb: {  	s11 =	rddreg [dreg:$0xa];
	s12 =	simm.s32 $0x4200  }
0xcc: {  	[hbm4b:s11+s10] =	stream.linear.scatter [tilespmem:s12], [sflag:$0x13], $0x800, $0x200038;
	[tilespmem:$0xA200] =	vst v63  }
0xcd: {  	s12 =	rddreg [dreg:$0xb]  }
0xce: {  	[hbm4b:s12+s10] =	stream.linear.scatter [tilespmem:s15], [sflag:$0x13], $0x800, $0x200038;
	[tilespmem:$0xA200] =	vst v63  }
0xcf: {  	_ =	strace $0x9000004E  }
0xd0: {  	_ =	strace $0x8000004F  }
0xd1: {  	_ =	swait.ge [sflag:s17], $0x800  }
0xd2: {  	[sflag:s17] =	ssyncset.done $0x0  }
0xd3: {  	[sflag:s17] =	ssyncadd.s32 $0xFFFFF800  }
0xd4: {  	_ =	swait.ge [sflag:s18], $0x800  }
0xd5: {  	[sflag:s18] =	ssyncset.done $0x0  }
0xd6: {  	[sflag:s18] =	ssyncadd.s32 $0xFFFFF800  }
0xd7: {  	_ =	swait.ge [sflag:s8], $0x800  }
0xd8: {  	[sflag:s8] =	ssyncset.done $0x0  }
0xd9: {  	[sflag:s8] =	ssyncadd.s32 $0xFFFFF800  }
0xda: {  	_ =	swait.ge [sflag:s2], $0x800  }
0xdb: {  	[sflag:s2] =	ssyncset.done $0x0  }
0xdc: {  	[sflag:s2] =	ssyncadd.s32 $0xFFFFF800  }
0xdd: {  	_ =	strace $0x9000004F  }
0xde: {  	s10 =	simm.s32 $0x0;
	_ =	strace $0x80000050  }
0xdf: {  	v2 =	vld [tilespmem:s10+$0x8A00]  }
0xe0: {  	v3 =	vld [tilespmem:s10+$0x8A10]  }
0xe1: {  	v4 =	vld [tilespmem:s10+$0x8A20]  }
0xe2: {  	v5 =	vld [tilespmem:s10+$0x8A30]  }
0xe3: {  	v6 =	vld [tilespmem:s10+$0x8A40]  }
0xe4: {  	v7 =	vld [tilespmem:s10+$0x8A50]  }
0xe5: {  	v1 =	vld [tilespmem:s10+$0x8A60]  }
0xe6: {  	v8 =	vld [tilespmem:s10+$0xA00]  }
0xe7: {  	v9 =	vld [tilespmem:s10+$0x2A00]  }
0xe8: {  	v10 =	vld [tilespmem:s10+$0x4A00]  }
0xe9: {  	v11 =	vld [tilespmem:s10+$0x6A00]  }
0xea: {  	v12 =	vld [tilespmem:s10+$0xA10]  }
0xeb: {  	v13 =	vld [tilespmem:s10+$0x2A10]  }
0xec: {  	v14 =	vld [tilespmem:s10+$0x4A10];
	v8 =	vadd.f32 v8, v2  }
0xed: {  	v62 =	vld [tilespmem:s10+$0xA30];
	v9 =	vadd.f32 v9, v2  }
0xee: {  	v10 =	vadd.f32 v10, v2;
	v2 =	vadd.f32 v11, v2;
	[tilespmem:s10+$0xA00] =	vst v8;
	v8 =	vld [tilespmem:s10+$0x6A10]  }
0xef: {  	[tilespmem:s10+$0x2A00] =	vst v9;
	v9 =	vld [tilespmem:s10+$0xA20]  }
0xf0: {  	v11 =	vadd.f32 v12, v3;
	[tilespmem:s10+$0x6A00] =	vst v2;
	v2 =	vld [tilespmem:s10+$0x4A20]  }
0xf1: {  	v60 =	vadd.f32 v13, v3;
	[tilespmem:s10+$0x4A00] =	vst v10;
	v10 =	vld [tilespmem:s10+$0x2A20]  }
0xf2: {  	v61 =	vadd.f32 v14, v3;
	[tilespmem:s10+$0xA10] =	vst v11;
	v11 =	vld [tilespmem:s10+$0x6A20]  }
0xf3: {  	v0 =	vld [tilespmem:s10+$0x8A70];
	[tilespmem:s10+$0x2A10] =	vst v60;
	v3 =	vadd.f32 v8, v3  }
0xf4: {  	[tilespmem:s10+$0x4A10] =	vst v61;
	v8 =	vld [tilespmem:s10+$0x2A30];
	v9 =	vadd.f32 v9, v4  }
0xf5: {  	v2 =	vadd.f32 v2, v4;
	[tilespmem:s10+$0x6A10] =	vst v3;
	v3 =	vld [tilespmem:s10+$0x4A30]  }
0xf6: {  	v10 =	vadd.f32 v10, v4;
	[tilespmem:s10+$0xA20] =	vst v9;
	v9 =	vld [tilespmem:s10+$0x6A30]  }
0xf7: {  	v4 =	vadd.f32 v11, v4;
	v11 =	vadd.f32 v62, v5;
	[tilespmem:s10+$0x4A20] =	vst v2;
	v2 =	vld [tilespmem:s10+$0x2A40]  }
0xf8: {  	[tilespmem:s10+$0x2A20] =	vst v10;
	v10 =	vld [tilespmem:s10+$0xA40]  }
0xf9: {  	[tilespmem:s10+$0xA30] =	vst v11;
	v11 =	vld [tilespmem:s10+$0x6A40];
	v8 =	vadd.f32 v8, v5  }
0xfa: {  	[tilespmem:s10+$0x6A20] =	vst v4;
	v4 =	vld [tilespmem:s10+$0x4A40];
	v3 =	vadd.f32 v3, v5  }
0xfb: {  	[tilespmem:s10+$0x2A30] =	vst v8;
	v8 =	vld [tilespmem:s10+$0xA50];
	v5 =	vadd.f32 v9, v5  }
0xfc: {  	v9 =	vld [tilespmem:s10+$0x2A50];
	v2 =	vadd.f32 v2, v6;
	[tilespmem:s10+$0x4A30] =	vst v3  }
0xfd: {  	v3 =	vadd.f32 v10, v6;
	[tilespmem:s10+$0x6A30] =	vst v5;
	v5 =	vld [tilespmem:s10+$0x4A50]  }
0xfe: {  	v10 =	vld [tilespmem:s10+$0x6A50];
	[tilespmem:s10+$0x2A40] =	vst v2;
	v2 =	vadd.f32 v11, v6  }
0xff: {  	v63 =	vld [tilespmem:s10+$0xA60];
	[tilespmem:s10+$0xA40] =	vst v3;
	v3 =	vadd.f32 v4, v6  }
0x100: {  	v6 =	vld [tilespmem:s10+$0x2A60];
	[tilespmem:s10+$0x6A40] =	vst v2;
	v4 =	vadd.f32 v8, v7  }
0x101: {  	v8 =	vadd.f32 v9, v7;
	[tilespmem:s10+$0x4A40] =	vst v3;
	v3 =	vld [tilespmem:s10+$0x4A60]  }
0x102: {  	v2 =	vld [tilespmem:s10+$0x6A60];
	[tilespmem:s10+$0xA50] =	vst v4;
	v5 =	vadd.f32 v5, v7  }
0x103: {  	[tilespmem:s10+$0x2A50] =	vst v8;
	v4 =	vld [tilespmem:s10+$0xA70];
	v7 =	vadd.f32 v10, v7  }
0x104: {  	v8 =	vadd.f32 v63, v1;
	[tilespmem:s10+$0x4A50] =	vst v5;
	v5 =	vld [tilespmem:s10+$0x2A70]  }
0x105: {  	s11 =	simm.s32 $0x200;
	[tilespmem:s10+$0x6A50] =	vst v7;
	v7 =	vadd.f32 v6, v1;
	v6 =	vld [tilespmem:s10+$0x4A70]  }
.LBB2_4:
0x106: {  	s12 =	sshra.s32 s11, $0x2;
	p0 =	sne.s32 s11, $0x1E00;
	[tilespmem:s10+$0xA60] =	vst v8;
	v3 =	vadd.f32 v3, v1;
	v8 =	vld [tilespmem:s10+$0x6A70]  }
0x107: {  	v9 =	vld [tilespmem:s12+$0x8A00];
	[tilespmem:s10+$0x2A60] =	vst v7;
	v1 =	vadd.f32 v2, v1  }
0x108: {  	v2 =	vld [tilespmem:s12+$0x8A10];
	[tilespmem:s10+$0x4A60] =	vst v3;
	v3 =	vadd.f32 v4, v0  }
0x109: {  	v4 =	vld [tilespmem:s12+$0x8A20];
	[tilespmem:s10+$0x6A60] =	vst v1;
	v1 =	vadd.f32 v5, v0  }
0x10a: {  	v5 =	vld [tilespmem:s12+$0x8A30];
	[tilespmem:s10+$0xA70] =	vst v3;
	v3 =	vadd.f32 v6, v0  }
0x10b: {  	v6 =	vld [tilespmem:s12+$0x8A40];
	[tilespmem:s10+$0x2A70] =	vst v1;
	v0 =	vadd.f32 v8, v0  }
0x10c: {  	v7 =	vld [tilespmem:s12+$0x8A50];
	[tilespmem:s10+$0x4A70] =	vst v3  }
0x10d: {  	v1 =	vld [tilespmem:s12+$0x8A60];
	[tilespmem:s10+$0x6A70] =	vst v0;
	s10 =	smov.u32 s12  }
0x10e: {  	v0 =	vld [tilespmem:s10+$0x8A70]  }
0x10f: {  	v3 =	vld [tilespmem:s10+$0xA00]  }
0x110: {  	v8 =	vld [tilespmem:s10+$0x2A00]  }
0x111: {  	v10 =	vld [tilespmem:s10+$0x4A00]  }
0x112: {  	v11 =	vld [tilespmem:s10+$0x6A00]  }
0x113: {  	v12 =	vld [tilespmem:s10+$0xA10]  }
0x114: {  	v3 =	vadd.f32 v3, v9;
	v13 =	vld [tilespmem:s10+$0x2A10]  }
0x115: {  	v8 =	vadd.f32 v8, v9;
	v14 =	vld [tilespmem:s10+$0x4A10]  }
0x116: {  	[tilespmem:s10+$0xA00] =	vst v3;
	v3 =	vadd.f32 v10, v9;
	v10 =	vld [tilespmem:s10+$0x6A10]  }
0x117: {  	[tilespmem:s10+$0x2A00] =	vst v8;
	v8 =	vadd.f32 v11, v9;
	v9 =	vld [tilespmem:s10+$0xA20]  }
0x118: {  	[tilespmem:s10+$0x4A00] =	vst v3;
	v3 =	vadd.f32 v12, v2;
	v11 =	vld [tilespmem:s10+$0x2A20]  }
0x119: {  	[tilespmem:s10+$0x6A00] =	vst v8;
	v8 =	vadd.f32 v13, v2;
	v12 =	vld [tilespmem:s10+$0x4A20]  }
0x11a: {  	[tilespmem:s10+$0xA10] =	vst v3;
	v3 =	vadd.f32 v14, v2;
	v13 =	vld [tilespmem:s10+$0x6A20]  }
0x11b: {  	[tilespmem:s10+$0x2A10] =	vst v8;
	v2 =	vadd.f32 v10, v2;
	v8 =	vld [tilespmem:s10+$0xA30]  }
0x11c: {  	[tilespmem:s10+$0x4A10] =	vst v3;
	v3 =	vadd.f32 v9, v4;
	v9 =	vld [tilespmem:s10+$0x2A30]  }
0x11d: {  	[tilespmem:s10+$0x6A10] =	vst v2;
	v2 =	vadd.f32 v11, v4;
	v10 =	vld [tilespmem:s10+$0x4A30]  }
0x11e: {  	[tilespmem:s10+$0xA20] =	vst v3;
	v3 =	vadd.f32 v12, v4;
	v11 =	vld [tilespmem:s10+$0x6A30]  }
0x11f: {  	[tilespmem:s10+$0x2A20] =	vst v2;
	v2 =	vadd.f32 v13, v4;
	v4 =	vld [tilespmem:s10+$0xA40]  }
0x120: {  	[tilespmem:s10+$0x4A20] =	vst v3;
	v3 =	vadd.f32 v8, v5;
	v8 =	vld [tilespmem:s10+$0x2A40]  }
0x121: {  	[tilespmem:s10+$0x6A20] =	vst v2;
	v2 =	vadd.f32 v9, v5;
	v9 =	vld [tilespmem:s10+$0x4A40]  }
0x122: {  	[tilespmem:s10+$0xA30] =	vst v3;
	v3 =	vadd.f32 v10, v5;
	v10 =	vld [tilespmem:s10+$0x6A40]  }
0x123: {  	[tilespmem:s10+$0x2A30] =	vst v2;
	v2 =	vadd.f32 v11, v5;
	v5 =	vld [tilespmem:s10+$0xA50]  }
0x124: {  	[tilespmem:s10+$0x4A30] =	vst v3;
	v3 =	vadd.f32 v4, v6;
	v4 =	vld [tilespmem:s10+$0x2A50]  }
0x125: {  	[tilespmem:s10+$0x6A30] =	vst v2;
	v2 =	vadd.f32 v8, v6;
	v8 =	vld [tilespmem:s10+$0x4A50]  }
0x126: {  	[tilespmem:s10+$0xA40] =	vst v3;
	v3 =	vadd.f32 v9, v6;
	v9 =	vld [tilespmem:s10+$0x6A50]  }
0x127: {  	[tilespmem:s10+$0x2A40] =	vst v2;
	v2 =	vadd.f32 v10, v6;
	v6 =	vld [tilespmem:s10+$0xA60]  }
0x128: {  	[tilespmem:s10+$0x4A40] =	vst v3;
	v5 =	vadd.f32 v5, v7;
	v10 =	vld [tilespmem:s10+$0x2A60]  }
.Ltmp1:
0x129: {  	[tilespmem:s10+$0x6A40] =	vst v2;
	v4 =	vadd.f32 v4, v7;
	v3 =	vld [tilespmem:s10+$0x4A60];
	(pc) =	sbr.rel @p0 .LBB2_4-.Ltmp1, $4  }
0x12a: {  	[tilespmem:s10+$0xA50] =	vst v5;
	v5 =	vadd.f32 v8, v7;
	v2 =	vld [tilespmem:s10+$0x6A60]  }
0x12b: {  	[tilespmem:s10+$0x2A50] =	vst v4;
	v7 =	vadd.f32 v9, v7;
	v4 =	vld [tilespmem:s10+$0xA70]  }
0x12c: {  	[tilespmem:s10+$0x4A50] =	vst v5;
	v8 =	vadd.f32 v6, v1;
	v5 =	vld [tilespmem:s10+$0x2A70]  }
0x12d: {  	s11 =	sadd.s32 $0x200, s11;
	[tilespmem:s10+$0x6A50] =	vst v7;
	v7 =	vadd.f32 v10, v1;
	v6 =	vld [tilespmem:s10+$0x4A70]  }
0x12e: {  	[tilespmem:s10+$0xA60] =	vst v8;
	v3 =	vadd.f32 v3, v1;
	v8 =	vld [tilespmem:s10+$0x6A70]  }
0x12f: {  	[tilespmem:s10+$0x2A60] =	vst v7;
	v1 =	vadd.f32 v2, v1  }
0x130: {  	[tilespmem:s10+$0x4A60] =	vst v3;
	v2 =	vadd.f32 v4, v0  }
0x131: {  	[tilespmem:s10+$0x6A60] =	vst v1;
	v1 =	vadd.f32 v5, v0  }
0x132: {  	[tilespmem:s10+$0xA70] =	vst v2;
	v2 =	vadd.f32 v6, v0  }
0x133: {  	[tilespmem:s10+$0x2A70] =	vst v1;
	v0 =	vadd.f32 v8, v0  }
0x134: {  	[tilespmem:s10+$0x4A70] =	vst v2  }
0x135: {  	[tilespmem:s10+$0x6A70] =	vst v0  }
0x136: {  	_ =	strace $0x90000050  }
0x137: {  	_ =	strace $0x80000051  }
0x138: {  	s10 =	simm.s32 $0x0;
	s11 =	rddreg [dreg:$0xc]  }
0x139: {  	[hbm4b:s11+s10] =	stream.linear.scatter [tilespmem:s4], [sflag:$0x13], $0x800, $0x200038;
	[tilespmem:$0xA200] =	vst v63  }
0x13a: {  	s15 =	simm.s32 $0x2A00;
	s12 =	rddreg [dreg:$0xd]  }
0x13b: {  	[hbm4b:s12+s10] =	stream.linear.scatter [tilespmem:s15], [sflag:$0x13], $0x800, $0x200038;
	[tilespmem:$0xA200] =	vst v63  }
0x13c: {  	s12 =	rddreg [dreg:$0xe];
	s15 =	simm.s32 $0x4A00  }
0x13d: {  	[hbm4b:s12+s10] =	stream.linear.scatter [tilespmem:s15], [sflag:$0x13], $0x800, $0x200038;
	[tilespmem:$0xA200] =	vst v63  }
0x13e: {  	s12 =	rddreg [dreg:$0xf];
	s15 =	simm.s32 $0x6A00  }
0x13f: {  	[hbm4b:s12+s10] =	stream.linear.scatter [tilespmem:s15], [sflag:$0x13], $0x800, $0x200038;
	[tilespmem:$0xA200] =	vst v63  }
0x140: {  	_ =	strace $0x90000051  }
0x141: {  	_ =	strace $0x80000052  }
0x142: {  	_ =	swait.ge [sflag:s19], $0x800  }
0x143: {  	[sflag:s19] =	ssyncset.done $0x0  }
0x144: {  	[sflag:s19] =	ssyncadd.s32 $0xFFFFF800  }
0x145: {  	_ =	swait.ge [sflag:s20], $0x800  }
0x146: {  	[sflag:s20] =	ssyncset.done $0x0  }
0x147: {  	[sflag:s20] =	ssyncadd.s32 $0xFFFFF800  }
0x148: {  	_ =	swait.ge [sflag:s29], $0x800  }
0x149: {  	[sflag:s29] =	ssyncset.done $0x0  }
0x14a: {  	[sflag:s29] =	ssyncadd.s32 $0xFFFFF800  }
0x14b: {  	_ =	swait.ge [sflag:s21], $0x800  }
0x14c: {  	[sflag:s21] =	ssyncset.done $0x0  }
0x14d: {  	[sflag:s21] =	ssyncadd.s32 $0xFFFFF800  }
0x14e: {  	_ =	strace $0x90000052  }
0x14f: {  	s10 =	simm.s32 $0x0;
	_ =	strace $0x80000053  }
0x150: {  	v2 =	vld [tilespmem:s10+$0x9200]  }
0x151: {  	v3 =	vld [tilespmem:s10+$0x9210]  }
0x152: {  	v4 =	vld [tilespmem:s10+$0x9220]  }
0x153: {  	v5 =	vld [tilespmem:s10+$0x9230]  }
0x154: {  	v6 =	vld [tilespmem:s10+$0x9240]  }
0x155: {  	v7 =	vld [tilespmem:s10+$0x9250]  }
0x156: {  	v1 =	vld [tilespmem:s10+$0x9260]  }
0x157: {  	v8 =	vld [tilespmem:s10+$0x1200]  }
0x158: {  	v9 =	vld [tilespmem:s10+$0x3200]  }
0x159: {  	v10 =	vld [tilespmem:s10+$0x5200]  }
0x15a: {  	v11 =	vld [tilespmem:s10+$0x7200]  }
0x15b: {  	v12 =	vld [tilespmem:s10+$0x1210]  }
0x15c: {  	v13 =	vld [tilespmem:s10+$0x3210]  }
0x15d: {  	v14 =	vld [tilespmem:s10+$0x5210];
	v8 =	vadd.f32 v8, v2  }
0x15e: {  	v62 =	vld [tilespmem:s10+$0x1230];
	v9 =	vadd.f32 v9, v2  }
0x15f: {  	v10 =	vadd.f32 v10, v2;
	v2 =	vadd.f32 v11, v2;
	[tilespmem:s10+$0x1200] =	vst v8;
	v8 =	vld [tilespmem:s10+$0x7210]  }
0x160: {  	[tilespmem:s10+$0x3200] =	vst v9;
	v9 =	vld [tilespmem:s10+$0x1220]  }
0x161: {  	v11 =	vadd.f32 v12, v3;
	[tilespmem:s10+$0x7200] =	vst v2;
	v2 =	vld [tilespmem:s10+$0x5220]  }
0x162: {  	v60 =	vadd.f32 v13, v3;
	[tilespmem:s10+$0x5200] =	vst v10;
	v10 =	vld [tilespmem:s10+$0x3220]  }
0x163: {  	v61 =	vadd.f32 v14, v3;
	[tilespmem:s10+$0x1210] =	vst v11;
	v11 =	vld [tilespmem:s10+$0x7220]  }
0x164: {  	v0 =	vld [tilespmem:s10+$0x9270];
	[tilespmem:s10+$0x3210] =	vst v60;
	v3 =	vadd.f32 v8, v3  }
0x165: {  	[tilespmem:s10+$0x5210] =	vst v61;
	v8 =	vld [tilespmem:s10+$0x3230];
	v9 =	vadd.f32 v9, v4  }
0x166: {  	v2 =	vadd.f32 v2, v4;
	[tilespmem:s10+$0x7210] =	vst v3;
	v3 =	vld [tilespmem:s10+$0x5230]  }
0x167: {  	v10 =	vadd.f32 v10, v4;
	[tilespmem:s10+$0x1220] =	vst v9;
	v9 =	vld [tilespmem:s10+$0x7230]  }
0x168: {  	v4 =	vadd.f32 v11, v4;
	v11 =	vadd.f32 v62, v5;
	[tilespmem:s10+$0x5220] =	vst v2;
	v2 =	vld [tilespmem:s10+$0x3240]  }
0x169: {  	[tilespmem:s10+$0x3220] =	vst v10;
	v10 =	vld [tilespmem:s10+$0x1240]  }
0x16a: {  	[tilespmem:s10+$0x1230] =	vst v11;
	v11 =	vld [tilespmem:s10+$0x7240];
	v8 =	vadd.f32 v8, v5  }
0x16b: {  	[tilespmem:s10+$0x7220] =	vst v4;
	v4 =	vld [tilespmem:s10+$0x5240];
	v3 =	vadd.f32 v3, v5  }
0x16c: {  	[tilespmem:s10+$0x3230] =	vst v8;
	v8 =	vld [tilespmem:s10+$0x1250];
	v5 =	vadd.f32 v9, v5  }
0x16d: {  	v9 =	vld [tilespmem:s10+$0x3250];
	v2 =	vadd.f32 v2, v6;
	[tilespmem:s10+$0x5230] =	vst v3  }
0x16e: {  	v3 =	vadd.f32 v10, v6;
	[tilespmem:s10+$0x7230] =	vst v5;
	v5 =	vld [tilespmem:s10+$0x5250]  }
0x16f: {  	v10 =	vld [tilespmem:s10+$0x7250];
	[tilespmem:s10+$0x3240] =	vst v2;
	v2 =	vadd.f32 v11, v6  }
0x170: {  	v63 =	vld [tilespmem:s10+$0x1260];
	[tilespmem:s10+$0x1240] =	vst v3;
	v3 =	vadd.f32 v4, v6  }
0x171: {  	v6 =	vld [tilespmem:s10+$0x3260];
	[tilespmem:s10+$0x7240] =	vst v2;
	v4 =	vadd.f32 v8, v7  }
0x172: {  	v8 =	vadd.f32 v9, v7;
	[tilespmem:s10+$0x5240] =	vst v3;
	v3 =	vld [tilespmem:s10+$0x5260]  }
0x173: {  	v2 =	vld [tilespmem:s10+$0x7260];
	[tilespmem:s10+$0x1250] =	vst v4;
	v5 =	vadd.f32 v5, v7  }
0x174: {  	[tilespmem:s10+$0x3250] =	vst v8;
	v4 =	vld [tilespmem:s10+$0x1270];
	v7 =	vadd.f32 v10, v7  }
0x175: {  	v8 =	vadd.f32 v63, v1;
	[tilespmem:s10+$0x5250] =	vst v5;
	v5 =	vld [tilespmem:s10+$0x3270]  }
0x176: {  	s11 =	simm.s32 $0x200;
	[tilespmem:s10+$0x7250] =	vst v7;
	v7 =	vadd.f32 v6, v1;
	v6 =	vld [tilespmem:s10+$0x5270]  }
.LBB2_6:
0x177: {  	s12 =	sshra.s32 s11, $0x2;
	p0 =	sne.s32 s11, $0x1E00;
	[tilespmem:s10+$0x1260] =	vst v8;
	v3 =	vadd.f32 v3, v1;
	v8 =	vld [tilespmem:s10+$0x7270]  }
0x178: {  	v9 =	vld [tilespmem:s12+$0x9200];
	[tilespmem:s10+$0x3260] =	vst v7;
	v1 =	vadd.f32 v2, v1  }
0x179: {  	v2 =	vld [tilespmem:s12+$0x9210];
	[tilespmem:s10+$0x5260] =	vst v3;
	v3 =	vadd.f32 v4, v0  }
0x17a: {  	v4 =	vld [tilespmem:s12+$0x9220];
	[tilespmem:s10+$0x7260] =	vst v1;
	v1 =	vadd.f32 v5, v0  }
0x17b: {  	v5 =	vld [tilespmem:s12+$0x9230];
	[tilespmem:s10+$0x1270] =	vst v3;
	v3 =	vadd.f32 v6, v0  }
0x17c: {  	v6 =	vld [tilespmem:s12+$0x9240];
	[tilespmem:s10+$0x3270] =	vst v1;
	v0 =	vadd.f32 v8, v0  }
0x17d: {  	v7 =	vld [tilespmem:s12+$0x9250];
	[tilespmem:s10+$0x5270] =	vst v3  }
0x17e: {  	v1 =	vld [tilespmem:s12+$0x9260];
	[tilespmem:s10+$0x7270] =	vst v0;
	s10 =	smov.u32 s12  }
0x17f: {  	v0 =	vld [tilespmem:s10+$0x9270]  }
0x180: {  	v3 =	vld [tilespmem:s10+$0x1200]  }
0x181: {  	v8 =	vld [tilespmem:s10+$0x3200]  }
0x182: {  	v10 =	vld [tilespmem:s10+$0x5200]  }
0x183: {  	v11 =	vld [tilespmem:s10+$0x7200]  }
0x184: {  	v12 =	vld [tilespmem:s10+$0x1210]  }
0x185: {  	v3 =	vadd.f32 v3, v9;
	v13 =	vld [tilespmem:s10+$0x3210]  }
0x186: {  	v8 =	vadd.f32 v8, v9;
	v14 =	vld [tilespmem:s10+$0x5210]  }
0x187: {  	[tilespmem:s10+$0x1200] =	vst v3;
	v3 =	vadd.f32 v10, v9;
	v10 =	vld [tilespmem:s10+$0x7210]  }
0x188: {  	[tilespmem:s10+$0x3200] =	vst v8;
	v8 =	vadd.f32 v11, v9;
	v9 =	vld [tilespmem:s10+$0x1220]  }
0x189: {  	[tilespmem:s10+$0x5200] =	vst v3;
	v3 =	vadd.f32 v12, v2;
	v11 =	vld [tilespmem:s10+$0x3220]  }
0x18a: {  	[tilespmem:s10+$0x7200] =	vst v8;
	v8 =	vadd.f32 v13, v2;
	v12 =	vld [tilespmem:s10+$0x5220]  }
0x18b: {  	[tilespmem:s10+$0x1210] =	vst v3;
	v3 =	vadd.f32 v14, v2;
	v13 =	vld [tilespmem:s10+$0x7220]  }
0x18c: {  	[tilespmem:s10+$0x3210] =	vst v8;
	v2 =	vadd.f32 v10, v2;
	v8 =	vld [tilespmem:s10+$0x1230]  }
0x18d: {  	[tilespmem:s10+$0x5210] =	vst v3;
	v3 =	vadd.f32 v9, v4;
	v9 =	vld [tilespmem:s10+$0x3230]  }
0x18e: {  	[tilespmem:s10+$0x7210] =	vst v2;
	v2 =	vadd.f32 v11, v4;
	v10 =	vld [tilespmem:s10+$0x5230]  }
0x18f: {  	[tilespmem:s10+$0x1220] =	vst v3;
	v3 =	vadd.f32 v12, v4;
	v11 =	vld [tilespmem:s10+$0x7230]  }
0x190: {  	[tilespmem:s10+$0x3220] =	vst v2;
	v2 =	vadd.f32 v13, v4;
	v4 =	vld [tilespmem:s10+$0x1240]  }
0x191: {  	[tilespmem:s10+$0x5220] =	vst v3;
	v3 =	vadd.f32 v8, v5;
	v8 =	vld [tilespmem:s10+$0x3240]  }
0x192: {  	[tilespmem:s10+$0x7220] =	vst v2;
	v2 =	vadd.f32 v9, v5;
	v9 =	vld [tilespmem:s10+$0x5240]  }
0x193: {  	[tilespmem:s10+$0x1230] =	vst v3;
	v3 =	vadd.f32 v10, v5;
	v10 =	vld [tilespmem:s10+$0x7240]  }
0x194: {  	[tilespmem:s10+$0x3230] =	vst v2;
	v2 =	vadd.f32 v11, v5;
	v5 =	vld [tilespmem:s10+$0x1250]  }
0x195: {  	[tilespmem:s10+$0x5230] =	vst v3;
	v3 =	vadd.f32 v4, v6;
	v4 =	vld [tilespmem:s10+$0x3250]  }
0x196: {  	[tilespmem:s10+$0x7230] =	vst v2;
	v2 =	vadd.f32 v8, v6;
	v8 =	vld [tilespmem:s10+$0x5250]  }
0x197: {  	[tilespmem:s10+$0x1240] =	vst v3;
	v3 =	vadd.f32 v9, v6;
	v9 =	vld [tilespmem:s10+$0x7250]  }
0x198: {  	[tilespmem:s10+$0x3240] =	vst v2;
	v2 =	vadd.f32 v10, v6;
	v6 =	vld [tilespmem:s10+$0x1260]  }
0x199: {  	[tilespmem:s10+$0x5240] =	vst v3;
	v5 =	vadd.f32 v5, v7;
	v10 =	vld [tilespmem:s10+$0x3260]  }
.Ltmp2:
0x19a: {  	[tilespmem:s10+$0x7240] =	vst v2;
	v4 =	vadd.f32 v4, v7;
	v3 =	vld [tilespmem:s10+$0x5260];
	(pc) =	sbr.rel @p0 .LBB2_6-.Ltmp2, $4  }
0x19b: {  	[tilespmem:s10+$0x1250] =	vst v5;
	v5 =	vadd.f32 v8, v7;
	v2 =	vld [tilespmem:s10+$0x7260]  }
0x19c: {  	[tilespmem:s10+$0x3250] =	vst v4;
	v7 =	vadd.f32 v9, v7;
	v4 =	vld [tilespmem:s10+$0x1270]  }
0x19d: {  	[tilespmem:s10+$0x5250] =	vst v5;
	v8 =	vadd.f32 v6, v1;
	v5 =	vld [tilespmem:s10+$0x3270]  }
0x19e: {  	s11 =	sadd.s32 $0x200, s11;
	[tilespmem:s10+$0x7250] =	vst v7;
	v7 =	vadd.f32 v10, v1;
	v6 =	vld [tilespmem:s10+$0x5270]  }
0x19f: {  	[tilespmem:s10+$0x1260] =	vst v8;
	v3 =	vadd.f32 v3, v1;
	v8 =	vld [tilespmem:s10+$0x7270]  }
0x1a0: {  	[tilespmem:s10+$0x3260] =	vst v7;
	v1 =	vadd.f32 v2, v1  }
0x1a1: {  	[tilespmem:s10+$0x5260] =	vst v3;
	v2 =	vadd.f32 v4, v0  }
0x1a2: {  	[tilespmem:s10+$0x7260] =	vst v1;
	v1 =	vadd.f32 v5, v0  }
0x1a3: {  	[tilespmem:s10+$0x1270] =	vst v2;
	v2 =	vadd.f32 v6, v0  }
0x1a4: {  	[tilespmem:s10+$0x3270] =	vst v1;
	v0 =	vadd.f32 v8, v0  }
0x1a5: {  	[tilespmem:s10+$0x5270] =	vst v2  }
0x1a6: {  	[tilespmem:s10+$0x7270] =	vst v0  }
0x1a7: {  	_ =	strace $0x90000053  }
0x1a8: {  	_ =	strace $0x80000054  }
0x1a9: {  	s4 =	simm.s32 $0x1200;
	s10 =	simm.s32 $0x0;
	s11 =	rddreg [dreg:$0x10]  }
0x1aa: {  	[hbm4b:s11+s10] =	stream.linear.scatter [tilespmem:s4], [sflag:$0x13], $0x800, $0x200038;
	[tilespmem:$0xA200] =	vst v63  }
0x1ab: {  	s15 =	simm.s32 $0x3200;
	s12 =	rddreg [dreg:$0x11]  }
0x1ac: {  	[hbm4b:s12+s10] =	stream.linear.scatter [tilespmem:s15], [sflag:$0x13], $0x800, $0x200038;
	[tilespmem:$0xA200] =	vst v63  }
0x1ad: {  	s12 =	rddreg [dreg:$0x12];
	s15 =	simm.s32 $0x5200  }
0x1ae: {  	[hbm4b:s12+s10] =	stream.linear.scatter [tilespmem:s15], [sflag:$0x13], $0x800, $0x200038;
	[tilespmem:$0xA200] =	vst v63  }
0x1af: {  	s12 =	rddreg [dreg:$0x13];
	s15 =	simm.s32 $0x7200  }
0x1b0: {  	[hbm4b:s12+s10] =	stream.linear.scatter [tilespmem:s15], [sflag:$0x13], $0x800, $0x200038;
	[tilespmem:$0xA200] =	vst v63  }
0x1b1: {  	_ =	strace $0x90000054  }
0x1b2: {  	_ =	strace $0x80000055  }
0x1b3: {  	_ =	swait.ge [sflag:s22], $0x800  }
0x1b4: {  	[sflag:s22] =	ssyncset.done $0x0  }
0x1b5: {  	[sflag:s22] =	ssyncadd.s32 $0xFFFFF800  }
0x1b6: {  	_ =	swait.ge [sflag:s9], $0x800  }
0x1b7: {  	[sflag:s9] =	ssyncset.done $0x0  }
0x1b8: {  	[sflag:s9] =	ssyncadd.s32 $0xFFFFF800  }
0x1b9: {  	_ =	swait.ge [sflag:s23], $0x800  }
0x1ba: {  	[sflag:s23] =	ssyncset.done $0x0  }
0x1bb: {  	[sflag:s23] =	ssyncadd.s32 $0xFFFFF800  }
0x1bc: {  	_ =	swait.ge [sflag:s24], $0x800  }
0x1bd: {  	[sflag:s24] =	ssyncset.done $0x0  }
0x1be: {  	[sflag:s24] =	ssyncadd.s32 $0xFFFFF800  }
0x1bf: {  	_ =	strace $0x90000055  }
0x1c0: {  	s10 =	simm.s32 $0x0;
	_ =	strace $0x80000056  }
0x1c1: {  	v2 =	vld [tilespmem:s10+$0x9A00]  }
0x1c2: {  	v3 =	vld [tilespmem:s10+$0x9A10]  }
0x1c3: {  	v4 =	vld [tilespmem:s10+$0x9A20]  }
0x1c4: {  	v5 =	vld [tilespmem:s10+$0x9A30]  }
0x1c5: {  	v6 =	vld [tilespmem:s10+$0x9A40]  }
0x1c6: {  	v7 =	vld [tilespmem:s10+$0x9A50]  }
0x1c7: {  	v1 =	vld [tilespmem:s10+$0x9A60]  }
0x1c8: {  	v8 =	vld [tilespmem:s10+$0x1A00]  }
0x1c9: {  	v9 =	vld [tilespmem:s10+$0x3A00]  }
0x1ca: {  	v10 =	vld [tilespmem:s10+$0x5A00]  }
0x1cb: {  	v11 =	vld [tilespmem:s10+$0x7A00]  }
0x1cc: {  	v12 =	vld [tilespmem:s10+$0x1A10]  }
0x1cd: {  	v13 =	vld [tilespmem:s10+$0x3A10]  }
0x1ce: {  	v14 =	vld [tilespmem:s10+$0x5A10];
	v8 =	vadd.f32 v8, v2  }
0x1cf: {  	v62 =	vld [tilespmem:s10+$0x1A30];
	v9 =	vadd.f32 v9, v2  }
0x1d0: {  	v10 =	vadd.f32 v10, v2;
	v2 =	vadd.f32 v11, v2;
	[tilespmem:s10+$0x1A00] =	vst v8;
	v8 =	vld [tilespmem:s10+$0x7A10]  }
0x1d1: {  	[tilespmem:s10+$0x3A00] =	vst v9;
	v9 =	vld [tilespmem:s10+$0x1A20]  }
0x1d2: {  	v11 =	vadd.f32 v12, v3;
	[tilespmem:s10+$0x7A00] =	vst v2;
	v2 =	vld [tilespmem:s10+$0x5A20]  }
0x1d3: {  	v60 =	vadd.f32 v13, v3;
	[tilespmem:s10+$0x5A00] =	vst v10;
	v10 =	vld [tilespmem:s10+$0x3A20]  }
0x1d4: {  	v61 =	vadd.f32 v14, v3;
	[tilespmem:s10+$0x1A10] =	vst v11;
	v11 =	vld [tilespmem:s10+$0x7A20]  }
0x1d5: {  	v0 =	vld [tilespmem:s10+$0x9A70];
	[tilespmem:s10+$0x3A10] =	vst v60;
	v3 =	vadd.f32 v8, v3  }
0x1d6: {  	[tilespmem:s10+$0x5A10] =	vst v61;
	v8 =	vld [tilespmem:s10+$0x3A30];
	v9 =	vadd.f32 v9, v4  }
0x1d7: {  	v2 =	vadd.f32 v2, v4;
	[tilespmem:s10+$0x7A10] =	vst v3;
	v3 =	vld [tilespmem:s10+$0x5A30]  }
0x1d8: {  	v10 =	vadd.f32 v10, v4;
	[tilespmem:s10+$0x1A20] =	vst v9;
	v9 =	vld [tilespmem:s10+$0x7A30]  }
0x1d9: {  	v4 =	vadd.f32 v11, v4;
	v11 =	vadd.f32 v62, v5;
	[tilespmem:s10+$0x5A20] =	vst v2;
	v2 =	vld [tilespmem:s10+$0x3A40]  }
0x1da: {  	[tilespmem:s10+$0x3A20] =	vst v10;
	v10 =	vld [tilespmem:s10+$0x1A40]  }
0x1db: {  	[tilespmem:s10+$0x1A30] =	vst v11;
	v11 =	vld [tilespmem:s10+$0x7A40];
	v8 =	vadd.f32 v8, v5  }
0x1dc: {  	[tilespmem:s10+$0x7A20] =	vst v4;
	v4 =	vld [tilespmem:s10+$0x5A40];
	v3 =	vadd.f32 v3, v5  }
0x1dd: {  	[tilespmem:s10+$0x3A30] =	vst v8;
	v8 =	vld [tilespmem:s10+$0x1A50];
	v5 =	vadd.f32 v9, v5  }
0x1de: {  	v9 =	vld [tilespmem:s10+$0x3A50];
	v2 =	vadd.f32 v2, v6;
	[tilespmem:s10+$0x5A30] =	vst v3  }
0x1df: {  	v3 =	vadd.f32 v10, v6;
	[tilespmem:s10+$0x7A30] =	vst v5;
	v5 =	vld [tilespmem:s10+$0x5A50]  }
0x1e0: {  	v10 =	vld [tilespmem:s10+$0x7A50];
	[tilespmem:s10+$0x3A40] =	vst v2;
	v2 =	vadd.f32 v11, v6  }
0x1e1: {  	v63 =	vld [tilespmem:s10+$0x1A60];
	[tilespmem:s10+$0x1A40] =	vst v3;
	v3 =	vadd.f32 v4, v6  }
0x1e2: {  	v6 =	vld [tilespmem:s10+$0x3A60];
	[tilespmem:s10+$0x7A40] =	vst v2;
	v4 =	vadd.f32 v8, v7  }
0x1e3: {  	v8 =	vadd.f32 v9, v7;
	[tilespmem:s10+$0x5A40] =	vst v3;
	v3 =	vld [tilespmem:s10+$0x5A60]  }
0x1e4: {  	v2 =	vld [tilespmem:s10+$0x7A60];
	[tilespmem:s10+$0x1A50] =	vst v4;
	v5 =	vadd.f32 v5, v7  }
0x1e5: {  	[tilespmem:s10+$0x3A50] =	vst v8;
	v4 =	vld [tilespmem:s10+$0x1A70];
	v7 =	vadd.f32 v10, v7  }
0x1e6: {  	v8 =	vadd.f32 v63, v1;
	[tilespmem:s10+$0x5A50] =	vst v5;
	v5 =	vld [tilespmem:s10+$0x3A70]  }
0x1e7: {  	s11 =	simm.s32 $0x200;
	[tilespmem:s10+$0x7A50] =	vst v7;
	v7 =	vadd.f32 v6, v1;
	v6 =	vld [tilespmem:s10+$0x5A70]  }
.LBB2_8:
0x1e8: {  	s12 =	sshra.s32 s11, $0x2;
	p0 =	sne.s32 s11, $0x1E00;
	[tilespmem:s10+$0x1A60] =	vst v8;
	v3 =	vadd.f32 v3, v1;
	v8 =	vld [tilespmem:s10+$0x7A70]  }
0x1e9: {  	v9 =	vld [tilespmem:s12+$0x9A00];
	[tilespmem:s10+$0x3A60] =	vst v7;
	v1 =	vadd.f32 v2, v1  }
0x1ea: {  	v2 =	vld [tilespmem:s12+$0x9A10];
	[tilespmem:s10+$0x5A60] =	vst v3;
	v3 =	vadd.f32 v4, v0  }
0x1eb: {  	v4 =	vld [tilespmem:s12+$0x9A20];
	[tilespmem:s10+$0x7A60] =	vst v1;
	v1 =	vadd.f32 v5, v0  }
0x1ec: {  	v5 =	vld [tilespmem:s12+$0x9A30];
	[tilespmem:s10+$0x1A70] =	vst v3;
	v3 =	vadd.f32 v6, v0  }
0x1ed: {  	v6 =	vld [tilespmem:s12+$0x9A40];
	[tilespmem:s10+$0x3A70] =	vst v1;
	v0 =	vadd.f32 v8, v0  }
0x1ee: {  	v7 =	vld [tilespmem:s12+$0x9A50];
	[tilespmem:s10+$0x5A70] =	vst v3  }
0x1ef: {  	v1 =	vld [tilespmem:s12+$0x9A60];
	[tilespmem:s10+$0x7A70] =	vst v0;
	s10 =	smov.u32 s12  }
0x1f0: {  	v0 =	vld [tilespmem:s10+$0x9A70]  }
0x1f1: {  	v3 =	vld [tilespmem:s10+$0x1A00]  }
0x1f2: {  	v8 =	vld [tilespmem:s10+$0x3A00]  }
0x1f3: {  	v10 =	vld [tilespmem:s10+$0x5A00]  }
0x1f4: {  	v11 =	vld [tilespmem:s10+$0x7A00]  }
0x1f5: {  	v12 =	vld [tilespmem:s10+$0x1A10]  }
0x1f6: {  	v3 =	vadd.f32 v3, v9;
	v13 =	vld [tilespmem:s10+$0x3A10]  }
0x1f7: {  	v8 =	vadd.f32 v8, v9;
	v14 =	vld [tilespmem:s10+$0x5A10]  }
0x1f8: {  	[tilespmem:s10+$0x1A00] =	vst v3;
	v3 =	vadd.f32 v10, v9;
	v10 =	vld [tilespmem:s10+$0x7A10]  }
0x1f9: {  	[tilespmem:s10+$0x3A00] =	vst v8;
	v8 =	vadd.f32 v11, v9;
	v9 =	vld [tilespmem:s10+$0x1A20]  }
0x1fa: {  	[tilespmem:s10+$0x5A00] =	vst v3;
	v3 =	vadd.f32 v12, v2;
	v11 =	vld [tilespmem:s10+$0x3A20]  }
0x1fb: {  	[tilespmem:s10+$0x7A00] =	vst v8;
	v8 =	vadd.f32 v13, v2;
	v12 =	vld [tilespmem:s10+$0x5A20]  }
0x1fc: {  	[tilespmem:s10+$0x1A10] =	vst v3;
	v3 =	vadd.f32 v14, v2;
	v13 =	vld [tilespmem:s10+$0x7A20]  }
0x1fd: {  	[tilespmem:s10+$0x3A10] =	vst v8;
	v2 =	vadd.f32 v10, v2;
	v8 =	vld [tilespmem:s10+$0x1A30]  }
0x1fe: {  	[tilespmem:s10+$0x5A10] =	vst v3;
	v3 =	vadd.f32 v9, v4;
	v9 =	vld [tilespmem:s10+$0x3A30]  }
0x1ff: {  	[tilespmem:s10+$0x7A10] =	vst v2;
	v2 =	vadd.f32 v11, v4;
	v10 =	vld [tilespmem:s10+$0x5A30]  }
0x200: {  	[tilespmem:s10+$0x1A20] =	vst v3;
	v3 =	vadd.f32 v12, v4;
	v11 =	vld [tilespmem:s10+$0x7A30]  }
0x201: {  	[tilespmem:s10+$0x3A20] =	vst v2;
	v2 =	vadd.f32 v13, v4;
	v4 =	vld [tilespmem:s10+$0x1A40]  }
0x202: {  	[tilespmem:s10+$0x5A20] =	vst v3;
	v3 =	vadd.f32 v8, v5;
	v8 =	vld [tilespmem:s10+$0x3A40]  }
0x203: {  	[tilespmem:s10+$0x7A20] =	vst v2;
	v2 =	vadd.f32 v9, v5;
	v9 =	vld [tilespmem:s10+$0x5A40]  }
0x204: {  	[tilespmem:s10+$0x1A30] =	vst v3;
	v3 =	vadd.f32 v10, v5;
	v10 =	vld [tilespmem:s10+$0x7A40]  }
0x205: {  	[tilespmem:s10+$0x3A30] =	vst v2;
	v2 =	vadd.f32 v11, v5;
	v5 =	vld [tilespmem:s10+$0x1A50]  }
0x206: {  	[tilespmem:s10+$0x5A30] =	vst v3;
	v3 =	vadd.f32 v4, v6;
	v4 =	vld [tilespmem:s10+$0x3A50]  }
0x207: {  	[tilespmem:s10+$0x7A30] =	vst v2;
	v2 =	vadd.f32 v8, v6;
	v8 =	vld [tilespmem:s10+$0x5A50]  }
0x208: {  	[tilespmem:s10+$0x1A40] =	vst v3;
	v3 =	vadd.f32 v9, v6;
	v9 =	vld [tilespmem:s10+$0x7A50]  }
0x209: {  	[tilespmem:s10+$0x3A40] =	vst v2;
	v2 =	vadd.f32 v10, v6;
	v6 =	vld [tilespmem:s10+$0x1A60]  }
0x20a: {  	[tilespmem:s10+$0x5A40] =	vst v3;
	v5 =	vadd.f32 v5, v7;
	v10 =	vld [tilespmem:s10+$0x3A60]  }
.Ltmp3:
0x20b: {  	[tilespmem:s10+$0x7A40] =	vst v2;
	v4 =	vadd.f32 v4, v7;
	v3 =	vld [tilespmem:s10+$0x5A60];
	(pc) =	sbr.rel @p0 .LBB2_8-.Ltmp3, $4  }
0x20c: {  	[tilespmem:s10+$0x1A50] =	vst v5;
	v5 =	vadd.f32 v8, v7;
	v2 =	vld [tilespmem:s10+$0x7A60]  }
0x20d: {  	[tilespmem:s10+$0x3A50] =	vst v4;
	v7 =	vadd.f32 v9, v7;
	v4 =	vld [tilespmem:s10+$0x1A70]  }
0x20e: {  	[tilespmem:s10+$0x5A50] =	vst v5;
	v8 =	vadd.f32 v6, v1;
	v5 =	vld [tilespmem:s10+$0x3A70]  }
0x20f: {  	s11 =	sadd.s32 $0x200, s11;
	[tilespmem:s10+$0x7A50] =	vst v7;
	v7 =	vadd.f32 v10, v1;
	v6 =	vld [tilespmem:s10+$0x5A70]  }
0x210: {  	[tilespmem:s10+$0x1A60] =	vst v8;
	v3 =	vadd.f32 v3, v1;
	v58 =	vld [tilespmem:s10+$0x7A70]  }
0x211: {  	[tilespmem:s10+$0x3A60] =	vst v7;
	v59 =	vadd.f32 v2, v1  }
0x212: {  	[tilespmem:s10+$0x5A60] =	vst v3;
	v60 =	vadd.f32 v4, v0  }
0x213: {  	[tilespmem:s10+$0x7A60] =	vst v59;
	v61 =	vadd.f32 v5, v0  }
0x214: {  	[tilespmem:s10+$0x1A70] =	vst v60;
	v62 =	vadd.f32 v6, v0  }
0x215: {  	[tilespmem:s10+$0x3A70] =	vst v61;
	v63 =	vadd.f32 v58, v0  }
0x216: {  	[tilespmem:s10+$0x5A70] =	vst v62  }
0x217: {  	[tilespmem:s10+$0x7A70] =	vst v63  }
0x218: {  	_ =	strace $0x90000056  }
0x219: {  	_ =	strace $0x80000057  }
0x21a: {  	s4 =	simm.s32 $0x1A00;
	s15 =	rddreg [dreg:$0x14]  }
0x21b: {  	[hbm4b:s15+s3] =	stream.linear.scatter [tilespmem:s4], [sflag:$0x13], $0x800, $0x200038;
	[tilespmem:$0xA200] =	vst v63  }
0x21c: {  	s11 =	rddreg [dreg:$0x15]  }
0x21d: {  	[hbm4b:s11+s3] =	stream.linear.scatter [tilespmem:s6], [sflag:$0x13], $0x800, $0x200038;
	[tilespmem:$0xA200] =	vst v63  }
0x21e: {  	s12 =	rddreg [dreg:$0x16]  }
0x21f: {  	[hbm4b:s12+s3] =	stream.linear.scatter [tilespmem:s16], [sflag:$0x13], $0x800, $0x200038;
	[tilespmem:$0xA200] =	vst v63  }
0x220: {  	s15 =	rddreg [dreg:$0x17]  }
0x221: {  	[hbm4b:s15+s3] =	stream.linear.scatter [tilespmem:s28], [sflag:$0x13], $0x800, $0x200038;
	[tilespmem:$0xA200] =	vst v63  }
0x222: {  	_ =	strace $0x90000057  }
0x223: {  	_ =	strace $0x80000058  }
0x224: {  	_ =	swait.ge [sflag:s30], $0x800  }
0x225: {  	[sflag:s30] =	ssyncset.done $0x0  }
0x226: {  	[sflag:s30] =	ssyncadd.s32 $0xFFFFF800  }
0x227: {  	_ =	swait.ge [sflag:s30], $0x800  }
0x228: {  	[sflag:s30] =	ssyncset.done $0x0  }
0x229: {  	[sflag:s30] =	ssyncadd.s32 $0xFFFFF800  }
0x22a: {  	_ =	swait.ge [sflag:s30], $0x800  }
0x22b: {  	[sflag:s30] =	ssyncset.done $0x0  }
0x22c: {  	[sflag:s30] =	ssyncadd.s32 $0xFFFFF800  }
0x22d: {  	_ =	swait.ge [sflag:s30], $0x800  }
0x22e: {  	[sflag:s30] =	ssyncset.done $0x0  }
0x22f: {  	[sflag:s30] =	ssyncadd.s32 $0xFFFFF800  }
0x230: {  	_ =	swait.ge [sflag:s30], $0x800  }
0x231: {  	[sflag:s30] =	ssyncset.done $0x0  }
0x232: {  	[sflag:s30] =	ssyncadd.s32 $0xFFFFF800  }
0x233: {  	_ =	swait.ge [sflag:s30], $0x800  }
0x234: {  	[sflag:s30] =	ssyncset.done $0x0  }
0x235: {  	[sflag:s30] =	ssyncadd.s32 $0xFFFFF800  }
0x236: {  	_ =	swait.ge [sflag:s30], $0x800  }
0x237: {  	[sflag:s30] =	ssyncset.done $0x0  }
0x238: {  	[sflag:s30] =	ssyncadd.s32 $0xFFFFF800  }
0x239: {  	_ =	swait.ge [sflag:s30], $0x800  }
0x23a: {  	[sflag:s30] =	ssyncset.done $0x0  }
0x23b: {  	[sflag:s30] =	ssyncadd.s32 $0xFFFFF800  }
0x23c: {  	_ =	swait.ge [sflag:s30], $0x800  }
0x23d: {  	[sflag:s30] =	ssyncset.done $0x0  }
0x23e: {  	[sflag:s30] =	ssyncadd.s32 $0xFFFFF800  }
0x23f: {  	_ =	swait.ge [sflag:s30], $0x800  }
0x240: {  	[sflag:s30] =	ssyncset.done $0x0  }
0x241: {  	[sflag:s30] =	ssyncadd.s32 $0xFFFFF800  }
0x242: {  	_ =	swait.ge [sflag:s30], $0x800  }
0x243: {  	[sflag:s30] =	ssyncset.done $0x0  }
0x244: {  	[sflag:s30] =	ssyncadd.s32 $0xFFFFF800  }
0x245: {  	_ =	swait.ge [sflag:s30], $0x800  }
0x246: {  	[sflag:s30] =	ssyncset.done $0x0  }
0x247: {  	[sflag:s30] =	ssyncadd.s32 $0xFFFFF800  }
0x248: {  	_ =	swait.ge [sflag:s30], $0x800  }
0x249: {  	[sflag:s30] =	ssyncset.done $0x0  }
0x24a: {  	[sflag:s30] =	ssyncadd.s32 $0xFFFFF800  }
0x24b: {  	_ =	swait.ge [sflag:s30], $0x800  }
0x24c: {  	[sflag:s30] =	ssyncset.done $0x0  }
0x24d: {  	[sflag:s30] =	ssyncadd.s32 $0xFFFFF800  }
0x24e: {  	_ =	swait.ge [sflag:s30], $0x800  }
0x24f: {  	[sflag:s30] =	ssyncset.done $0x0  }
0x250: {  	[sflag:s30] =	ssyncadd.s32 $0xFFFFF800  }
0x251: {  	_ =	swait.ge [sflag:s30], $0x800  }
0x252: {  	s25 =	sadd.s32 $0x1, s25;
	s16 =	rddreg [dreg:$0x18]  }
0x253: {  	p0 =	sne.s32 s25, s16  }
.Ltmp4:
0x254: {  	_ = 	snop;
	(pc) =	sbr.rel @p0 .LBB2_1-.Ltmp4, $4  }
0x255: {  	_ = 	snop  }
0x256: {  	[sflag:s30] =	ssyncset.done $0x0  }
0x257: {  	[sflag:s30] =	ssyncadd.s32 $0xFFFFF800  }
0x258: {  	_ =	strace $0x90000058  }
0x259: {  	_ =	sfence.sel $0x180000  }
0x25a: {  	[bflag:$0x0] =	sbarrier.arrive $0xFFFF  }
0x25b: {  	_ =	strace $0x90000047  }
0x25c: {  	s0 =	stileid.u32;
	[bflag:$0x2] =	sbarrier.arrive $0xFFFF  }
0x25d: {  	p0 =	sne.s32 s0, $0x0;
	s0 =	rddreg [dreg:$0x4]  }
0x25e: {  	s0 =	sadd.s32 @!p0 $0x100000, s0  }
0x25f: {  	[sflag:s0] =	ssyncadd.tile.s32 @!p0 $0x1;
	_ =	shalt  }
.Lfunc_end2:
_tile_overlayer_lowered:
.L_overlay_start_2:
0x260: {  	(tag) =	ssettag $0x2  }
0x261: {  	s0 =	rddreg [dreg:$0x0];
	s2 =	stileid.u32  }
0x262: {  	s1 =	rddreg [dreg:$0x1];
	p0 =	sne.s32 s2, $0x0  }
0x263: {  	s3 =	rddreg [dreg:$0x2];
	[bflag:$0x3] =	sbarrier.arrive $0xFFFF;
	s2 =	simm.s32 @!p0 $0x1C14  }
0x264: {  	[timem:s3], [sflag:s2] =	dma.local @!p0 [hbm:s0], s1  }
0x265: {  	s0 =	simm.s32 @!p0 $0x14  }
0x266: {  	_ =	swait.ge @!p0 [sflag:s0], s1  }
0x267: {  	s1 =	ssub.s32 @!p0 $0x0, s1;
	[sflag:s0] =	ssyncset.done @!p0 $0x0  }
0x268: {  	[sflag:s0] =	ssyncadd.s32 @!p0 s1  }
0x269: {  	[bflag:$0x3] =	sbarrier.arrive $0xFFFF  }
0x26a: {  	_ =	shalt  }

</sc_bundles>
